<compile_context>
chip_gen: v7x
topology: tpu7x:2x2x1
jax: 0.10.2.dev20260603
libtpu: 0.0.44.dev20260713+nightly
codegen_flags: <defaults>
</compile_context>

<pallas_src>
import functools

import jax
import jax.numpy as jnp
from jax import lax
from jax.experimental import pallas as pl
from jax.experimental.pallas import tpu as pltpu
from jax.experimental.pallas import tpu_sc as plsc

NC = 2
NS = 16
NW = NC * NS

D_MODEL = 768
N_TOK = 2048
N_EXP = 16
K = 2
H_DIM = 2 * D_MODEL
SCALE = 0.1
T_BLK = 320
C_PAIR = 128
N_PAIR = N_TOK * K
N_CHUNK = N_PAIR // C_PAIR
N_BLK = -(-N_PAIR // T_BLK) + N_EXP
S_ROWS = N_BLK * T_BLK


def _router_meta_kernel(x_ref, wg_ref, bg_ref,
                        dest_ref, gbc_ref, be_ref, valid_ref,
                        ent_ref, p_ref, c_ref):
    xx = x_ref[...]
    nrm2 = jnp.sum(xx * xx, axis=1, keepdims=True)
    nrm = jnp.sqrt(nrm2)
    mu = jnp.mean(nrm)
    sd = jnp.sqrt(jnp.sum((nrm - mu) ** 2) / (N_TOK - 1))
    logits = jax.lax.dot_general(
        xx, wg_ref[...], (((1,), (1,)), ((), ())),
        preferred_element_type=jnp.float32)
    logits = logits + bg_ref[...][None, :] + SCALE * (nrm - mu) / (sd + 1e-6)

    lane = jax.lax.broadcasted_iota(jnp.int32, (N_TOK, N_EXP), 1)
    m1 = jnp.max(logits, axis=1, keepdims=True)
    a1 = jnp.min(jnp.where(logits == m1, lane, N_EXP), axis=1, keepdims=True)
    masked = jnp.where(lane == a1, -jnp.inf, logits)
    m2 = jnp.max(masked, axis=1, keepdims=True)
    a2 = jnp.min(jnp.where(masked == m2, lane, N_EXP), axis=1, keepdims=True)

    e2 = jnp.exp(m2 - m1)
    g1 = 1.0 / (1.0 + e2)
    g2 = e2 / (1.0 + e2)
    ent = -(g1 * jnp.log(jnp.maximum(g1, 1e-8)) +
            g2 * jnp.log(jnp.maximum(g2, 1e-8)))
    ent_ref[...] = jnp.sum(ent, axis=0, keepdims=True) / N_TOK
    gbc_ref[...] = jnp.concatenate(
        [jnp.broadcast_to(g1, (N_TOK, 16)),
         jnp.broadcast_to(g2, (N_TOK, 16))], axis=0)

    e_pair = jnp.concatenate([a1, a2], axis=0)
    lane_p = jax.lax.broadcasted_iota(jnp.int32, (N_PAIR, N_EXP), 1)
    p_ref[...] = (lane_p == e_pair).astype(jnp.float32)

    CH = 1024
    tri = (jax.lax.broadcasted_iota(jnp.int32, (CH, CH), 0) >=
           jax.lax.broadcasted_iota(jnp.int32, (CH, CH), 1)
           ).astype(jnp.bfloat16)

    def body(b, carry):
        pb = p_ref[pl.ds(b * CH, CH), :]
        c_ref[pl.ds(b * CH, CH), :] = carry + jax.lax.dot_general(
            tri, pb.astype(jnp.bfloat16), (((1,), (0,)), ((), ())),
            preferred_element_type=jnp.float32)
        return carry + jnp.sum(pb, axis=0, keepdims=True)

    counts = jax.lax.fori_loop(0, N_PAIR // CH, body,
                               jnp.zeros((1, N_EXP), jnp.float32))
    nblk = jnp.floor((counts + (T_BLK - 1)) / T_BLK)
    tri16 = (jax.lax.broadcasted_iota(jnp.int32, (N_EXP, N_EXP), 0) <
             jax.lax.broadcasted_iota(jnp.int32, (N_EXP, N_EXP), 1)
             ).astype(jnp.float32)
    blk_start = jax.lax.dot_general(
        nblk, tri16, (((1,), (0,)), ((), ())),
        preferred_element_type=jnp.float32)
    slot_base = blk_start * T_BLK

    pp = p_ref[...]
    d_full = c_ref[...] * pp + pp * slot_base
    dest_ref[...] = (jnp.sum(
        d_full.reshape(N_CHUNK, C_PAIR, N_EXP), axis=2) - 1.0
        ).astype(jnp.int32)

    blk_end = blk_start + nblk
    bi = jax.lax.broadcasted_iota(jnp.int32, (N_BLK, N_EXP), 0
                                  ).astype(jnp.float32)
    be = jnp.sum((blk_end <= bi).astype(jnp.int32), axis=1, keepdims=True)
    be_ref[...] = jnp.minimum(be, N_EXP - 1)
    tot = jnp.sum(nblk, axis=1, keepdims=True)
    valid_ref[...] = (bi[:, 0:1] < tot).astype(jnp.int32)


def _router_meta(x_flat, wg, bg):
    return pl.pallas_call(
        _router_meta_kernel,
        out_shape=(
            jax.ShapeDtypeStruct((N_CHUNK, C_PAIR), jnp.int32),
            jax.ShapeDtypeStruct((N_PAIR, 16), jnp.float32),
            jax.ShapeDtypeStruct((N_BLK, 1), jnp.int32),
            jax.ShapeDtypeStruct((N_BLK, 1), jnp.int32),
            jax.ShapeDtypeStruct((1, 1), jnp.float32),
        ),
        scratch_shapes=[
            pltpu.VMEM((N_PAIR, N_EXP), jnp.float32),
            pltpu.VMEM((N_PAIR, N_EXP), jnp.float32),
        ],
    )(x_flat, wg, bg)


HS = 1
H_SUB = H_DIM // HS


def _ffn_kernel(be_ref, valid_ref, xd_ref, w1_ref, b1_ref, w2_ref, b2_ref,
                yd_ref):
    b = pl.program_id(0)
    hh = pl.program_id(1)

    @pl.when(valid_ref[b] != 0)
    def _():
        xb = xd_ref[0]
        h = jax.lax.dot_general(
            xb, w1_ref[0], (((1,), (1,)), ((), ())),
            preferred_element_type=jnp.float32)
        h = jnp.maximum(h + b1_ref[0], 0.0)
        y = jax.lax.dot_general(
            h, w2_ref[0], (((1,), (1,)), ((), ())),
            preferred_element_type=jnp.float32)

        @pl.when(hh == 0)
        def _():
            yd_ref[0] = y + b2_ref[0]

        @pl.when(hh != 0)
        def _():
            yd_ref[0] += y


def _ffn(xd3, w1, b1, w2, b2, block_expert, block_valid):
    grid_spec = pltpu.PrefetchScalarGridSpec(
        num_scalar_prefetch=2,
        grid=(N_BLK, HS),
        in_specs=[
            pl.BlockSpec((1, T_BLK, D_MODEL),
                         lambda b, h, be, v: (v[b] * b, 0, 0)),
            pl.BlockSpec((1, H_SUB, D_MODEL),
                         lambda b, h, be, v: (be[b] * HS + h, 0, 0)),
            pl.BlockSpec((1, 1, H_SUB), lambda b, h, be, v: (be[b], 0, h)),
            pl.BlockSpec((1, D_MODEL, H_SUB),
                         lambda b, h, be, v: (be[b], 0, h)),
            pl.BlockSpec((1, 1, D_MODEL), lambda b, h, be, v: (be[b], 0, 0)),
        ],
        out_specs=pl.BlockSpec((1, T_BLK, D_MODEL),
                               lambda b, h, be, v: (b, 0, 0)),
    )
    return pl.pallas_call(
        _ffn_kernel,
        grid_spec=grid_spec,
        out_shape=jax.ShapeDtypeStruct((N_BLK, T_BLK, D_MODEL), jnp.float32),
    )(block_expert, block_valid, xd3,
      w1.reshape(N_EXP * HS, H_SUB, D_MODEL), b1.reshape(N_EXP, 1, H_DIM),
      w2, b2.reshape(N_EXP, 1, D_MODEL))


_SC_MESH = plsc.VectorSubcoreMesh(core_axis_name="c", subcore_axis_name="s")


@functools.partial(
    pl.kernel,
    out_type=jax.ShapeDtypeStruct((S_ROWS, D_MODEL), jnp.float32),
    mesh=_SC_MESH,
    scratch_types=[
        pltpu.VMEM((C_PAIR,), jnp.int32),
        pltpu.VMEM((C_PAIR, D_MODEL), jnp.float32),
        pltpu.SemaphoreType.DMA,
    ],
)
def _dispatch(x_hbm, dest_hbm, xd_hbm, idx_v, rows_v, sem):
    wid = lax.axis_index("s") * NC + lax.axis_index("c")
    tbase = (wid % NS) * C_PAIR
    pltpu.sync_copy(dest_hbm.at[wid], idx_v)
    pltpu.sync_copy(x_hbm.at[pl.ds(tbase, C_PAIR)], rows_v)
    pltpu.async_copy(rows_v, xd_hbm.at[idx_v], sem).wait()


_TOK_W = N_TOK // NW


@functools.partial(
    pl.kernel,
    out_type=jax.ShapeDtypeStruct((N_TOK, D_MODEL), jnp.float32),
    mesh=_SC_MESH,
    scratch_types=[
        pltpu.VMEM((_TOK_W // 2,), jnp.int32),
        pltpu.VMEM((_TOK_W // 2,), jnp.int32),
        pltpu.VMEM((_TOK_W // 2,), jnp.int32),
        pltpu.VMEM((_TOK_W // 2,), jnp.int32),
        pltpu.VMEM((_TOK_W // 2, D_MODEL), jnp.float32),
        pltpu.VMEM((_TOK_W // 2, D_MODEL), jnp.float32),
        pltpu.VMEM((_TOK_W // 2, D_MODEL), jnp.float32),
        pltpu.VMEM((_TOK_W // 2, D_MODEL), jnp.float32),
        pltpu.VMEM((_TOK_W, 16), jnp.float32),
        pltpu.VMEM((_TOK_W, 16), jnp.float32),
        pltpu.SemaphoreType.DMA,
        pltpu.SemaphoreType.DMA,
        pltpu.SemaphoreType.DMA,
    ],
)
def _combine(yd_hbm, dest_hbm, gbc_hbm, out_hbm,
             i0a_v, i1a_v, i0b_v, i1b_v, r0a_v, r1a_v, r0b_v, r1b_v,
             g0_v, g1_v, sema, semb, semw):
    HW = _TOK_W // 2
    wid = lax.axis_index("s") * NC + lax.axis_index("c")
    t0 = wid * _TOK_W
    row0, col0 = wid // 2, (wid % 2) * _TOK_W
    pltpu.sync_copy(dest_hbm.at[row0, pl.ds(col0, HW)], i0a_v)
    pltpu.sync_copy(dest_hbm.at[NS + row0, pl.ds(col0, HW)], i1a_v)
    pltpu.sync_copy(dest_hbm.at[row0, pl.ds(col0 + HW, HW)], i0b_v)
    pltpu.sync_copy(dest_hbm.at[NS + row0, pl.ds(col0 + HW, HW)], i1b_v)
    ca0 = pltpu.async_copy(yd_hbm.at[i0a_v], r0a_v, sema)
    ca1 = pltpu.async_copy(yd_hbm.at[i1a_v], r1a_v, sema)
    cb0 = pltpu.async_copy(yd_hbm.at[i0b_v], r0b_v, semb)
    cb1 = pltpu.async_copy(yd_hbm.at[i1b_v], r1b_v, semb)
    pltpu.sync_copy(gbc_hbm.at[pl.ds(t0, _TOK_W)], g0_v)
    pltpu.sync_copy(gbc_hbm.at[pl.ds(N_TOK + t0, _TOK_W)], g1_v)

    def half_body(r0, r1, goff):
        def body(j, _):
            ga = g0_v[goff + j]
            gb = g1_v[goff + j]
            for c in range(D_MODEL // 16):
                sl = pl.ds(c * 16, 16)
                r0[j, sl] = r0[j, sl] * ga + r1[j, sl] * gb
            return 0
        lax.fori_loop(0, HW, body, 0)

    ca0.wait()
    ca1.wait()
    half_body(r0a_v, r1a_v, 0)
    wa = pltpu.async_copy(r0a_v, out_hbm.at[pl.ds(t0, HW)], semw)
    cb0.wait()
    cb1.wait()
    half_body(r0b_v, r1b_v, HW)
    wa.wait()
    pltpu.sync_copy(r0b_v, out_hbm.at[pl.ds(t0 + HW, HW)])


def kernel(x, Wg, bg, W1, b1, W2, b2):
    B, N, D = x.shape
    x_flat = x.reshape(N, D)
    dest, gbc, block_expert, block_valid, ent = _router_meta(
        x_flat, Wg, bg)
    block_expert = block_expert.reshape(N_BLK)
    block_valid = block_valid.reshape(N_BLK)

    xd = _dispatch(x_flat, dest)
    yd3 = _ffn(xd.reshape(N_BLK, T_BLK, D), W1, b1, W2, b2,
               block_expert, block_valid)
    out_flat = _combine(yd3.reshape(S_ROWS, D), dest, gbc)
    return (out_flat.reshape(B, N, D), ent[0, 0])

# --- scband reference (transcript-rebuilt; emitter-appended) ---
"""Pipeline reference for scband-sparse-mo-elayer-43748536877558 (READ-ONLY COPY).

The authoritative reference and input builder live on the scoring server;
editing this copy changes nothing except your own understanding.
"""

import jax, jax.numpy as jnp
import numpy as np

D_MODEL = 768
NUM_EXPERTS = 16
TOP_K = 2
SCATTER_SCALE = 0.1


def setup_inputs(seed: int = 0) -> dict:
    key = jax.random.key(seed)
    ks = jax.random.split(key, 8)
    B, N, D = 1, 2048, D_MODEL
    E, H = NUM_EXPERTS, 2 * D_MODEL
    x = jax.random.normal(ks[0], (B, N, D), dtype=jnp.float32)
    Wg = jax.random.normal(ks[1], (E, D), dtype=jnp.float32) * 0.02
    bg = jnp.zeros((E,), dtype=jnp.float32)
    W1 = jax.random.normal(ks[2], (E, H, D), dtype=jnp.float32) * 0.02
    b1 = jnp.zeros((E, H), dtype=jnp.float32)
    W2 = jax.random.normal(ks[3], (E, D, H), dtype=jnp.float32) * 0.02
    b2 = jnp.zeros((E, D), dtype=jnp.float32)
    return {"x": x, "Wg": Wg, "bg": bg, "W1": W1, "b1": b1, "W2": W2, "b2": b2}


def reference(x, Wg, bg, W1, b1, W2, b2):
    B, N, D = x.shape
    E = W1.shape[0]
    x_flat = x.reshape(B * N, D)
    # gating network (nn.Linear)
    router_logits = x_flat @ Wg.T + bg
    # scattering_scale > 0: norm-based logit modulation
    token_norm = jnp.linalg.norm(x_flat, axis=-1, keepdims=True)
    norm_centered = token_norm - token_norm.mean()
    norm_scaled = norm_centered / (jnp.std(token_norm, ddof=1) + 1e-06)
    router_logits = router_logits + SCATTER_SCALE * norm_scaled
    # top-k routing (top_k < num_experts path)
    topk_logits, topk_indices = jax.lax.top_k(router_logits, TOP_K)
    topk_gates = jax.nn.softmax(topk_logits, axis=-1)
    routing_entropy = -(topk_gates * jnp.log(jnp.clip(topk_gates, 1e-08, None))).sum(axis=-1).mean()
    out_flat = jnp.zeros_like(x_flat)
    for e in range(E):
        mask = topk_indices == e
        w = jnp.where(mask, topk_gates, 0.0).sum(axis=-1, keepdims=True)
        h = jax.nn.relu(x_flat @ W1[e].T + b1[e])
        y = h @ W2[e].T + b2[e]
        out_flat = out_flat + y * w
    out = out_flat.reshape(B, N, D)
    return (out, routing_entropy)

if __name__ == "__main__":
    import jax
    _d = setup_inputs()
    print(jax.jit(kernel)(*tuple(_d.values())))

</pallas_src>

<mosaic_0001>
#map = affine_map<(d0, d1) -> (0, 0)>
module attributes {stable_mosaic.version = 14 : i64} {
  func.func @_dispatch(%arg0: i32, %arg1: i32, %arg2: memref<2048x768xf32, #tpu.memory_space<hbm>>, %arg3: memref<32x128xi32, #tpu.memory_space<hbm>>, %arg4: memref<9280x768xf32, #tpu.memory_space<hbm>>, %arg5: memref<128xi32, #tpu.memory_space<vmem>>, %arg6: memref<128x768xf32, #tpu.memory_space<vmem>>, %arg7: memref<!tpu.dma_semaphore, #tpu.memory_space<semaphore_mem>>) attributes {dimension_semantics = [#tpu.dimension_semantics<core_parallel>, #tpu.dimension_semantics<subcore_parallel>], iteration_bounds = array<i64: 2, 16>, scalar_prefetch = 0 : i64, scratch_operands = 3 : i64, tpu.core_type = #tpu.core_type<sc_vector_subcore>, window_params = [{transform_indices = #map}, {transform_indices = #map}, {transform_indices = #map}]} {
    %mul3A = arith.constant 2 : i32
    %mul3A_0 = arith.muli %arg1, %mul3A : i32
    %add3A = arith.addi %mul3A_0, %arg0 : i32
    %jit3A = arith.constant 16 : i32
    %eq3A = arith.constant 0 : i32
    %eq3A_1 = arith.cmpi eq, %jit3A, %eq3A : i32
    %jit3A_2 = arith.constant 1 : i32
    %select_n3A = arith.select %eq3A_1, %jit3A_2, %jit3A : i32
    %rem3A = arith.remsi %add3A, %select_n3A : i32
    %ne3A = arith.constant 0 : i32
    %ne3A_3 = arith.cmpi ne, %rem3A, %ne3A : i32
    %lt3A = arith.constant 0 : i32
    %lt3A_4 = arith.cmpi slt, %rem3A, %lt3A : i32
    %lt3A_5 = arith.constant 0 : i32
    %lt3A_6 = arith.cmpi slt, %select_n3A, %lt3A_5 : i32
    %ne3A_7 = arith.xori %lt3A_4, %lt3A_6 : i1
    %and3A = arith.andi %ne3A_7, %ne3A_3 : i1
    %add3A_8 = arith.addi %rem3A, %select_n3A : i32
    %select_n3A_9 = arith.select %and3A, %add3A_8, %rem3A : i32
    %mul3A_10 = arith.constant 128 : i32
    %mul3A_11 = arith.muli %select_n3A_9, %mul3A_10 : i32
    "tpu.region"() ({
      %run_scoped3A = tpu.sem_alloc : memref<!tpu.dma_semaphore, #tpu.memory_space<semaphore_mem>>
      %dma_start3A_16 = arith.constant 0 : i32
      %dma_start3A_17 = tpu.memref_slice %arg3[%add3A, %dma_start3A_16] : memref<32x128xi32, #tpu.memory_space<hbm>> -> memref<1x128xi32, #tpu.memory_space<hbm>>
      %dma_start3A_18 = tpu.memref_squeeze %dma_start3A_17 : memref<1x128xi32, #tpu.memory_space<hbm>> -> memref<128xi32, #tpu.memory_space<hbm>>
      %dma_start3A_19 = arith.constant 0 : i32
      %dma_start3A_20 = tpu.memref_slice %arg3[%add3A, %dma_start3A_19] : memref<32x128xi32, #tpu.memory_space<hbm>> -> memref<1x128xi32, #tpu.memory_space<hbm>>
      %dma_start3A_21 = tpu.memref_squeeze %dma_start3A_20 : memref<1x128xi32, #tpu.memory_space<hbm>> -> memref<128xi32, #tpu.memory_space<hbm>>
      tpu.enqueue_dma source(%dma_start3A_21 : memref<128xi32, #tpu.memory_space<hbm>>) target(%arg5 : memref<128xi32, #tpu.memory_space<vmem>>) target_semaphore(%run_scoped3A : memref<!tpu.dma_semaphore, #tpu.memory_space<semaphore_mem>>)
      %dma_wait3A_22 = arith.constant 0 : i32
      %dma_wait3A_23 = tpu.memref_slice %arg3[%add3A, %dma_wait3A_22] : memref<32x128xi32, #tpu.memory_space<hbm>> -> memref<1x128xi32, #tpu.memory_space<hbm>>
      %dma_wait3A_24 = tpu.memref_squeeze %dma_wait3A_23 : memref<1x128xi32, #tpu.memory_space<hbm>> -> memref<128xi32, #tpu.memory_space<hbm>>
      %dma_wait3A_25 = arith.constant 0 : i32
      %dma_wait3A_26 = tpu.memref_slice %arg3[%add3A, %dma_wait3A_25] : memref<32x128xi32, #tpu.memory_space<hbm>> -> memref<1x128xi32, #tpu.memory_space<hbm>>
      %dma_wait3A_27 = tpu.memref_squeeze %dma_wait3A_26 : memref<1x128xi32, #tpu.memory_space<hbm>> -> memref<128xi32, #tpu.memory_space<hbm>>
      tpu.wait_dma2 semaphore(%run_scoped3A : memref<!tpu.dma_semaphore, #tpu.memory_space<semaphore_mem>>) src(%dma_wait3A_27 : memref<128xi32, #tpu.memory_space<hbm>>) dst(%arg5 : memref<128xi32, #tpu.memory_space<vmem>>)
      tpu.yield
    }) : () -> ()
    "tpu.region"() ({
      %run_scoped3A = tpu.sem_alloc : memref<!tpu.dma_semaphore, #tpu.memory_space<semaphore_mem>>
      %dma_start3A_16 = arith.constant 0 : i32
      %dma_start3A_17 = tpu.memref_slice %arg2[%mul3A_11, %dma_start3A_16] : memref<2048x768xf32, #tpu.memory_space<hbm>> -> memref<128x768xf32, #tpu.memory_space<hbm>>
      %dma_start3A_18 = arith.constant 0 : i32
      %dma_start3A_19 = tpu.memref_slice %arg2[%mul3A_11, %dma_start3A_18] : memref<2048x768xf32, #tpu.memory_space<hbm>> -> memref<128x768xf32, #tpu.memory_space<hbm>>
      tpu.enqueue_dma source(%dma_start3A_19 : memref<128x768xf32, #tpu.memory_space<hbm>>) target(%arg6 : memref<128x768xf32, #tpu.memory_space<vmem>>) target_semaphore(%run_scoped3A : memref<!tpu.dma_semaphore, #tpu.memory_space<semaphore_mem>>)
      %dma_wait3A_20 = arith.constant 0 : i32
      %dma_wait3A_21 = tpu.memref_slice %arg2[%mul3A_11, %dma_wait3A_20] : memref<2048x768xf32, #tpu.memory_space<hbm>> -> memref<128x768xf32, #tpu.memory_space<hbm>>
      %dma_wait3A_22 = arith.constant 0 : i32
      %dma_wait3A_23 = tpu.memref_slice %arg2[%mul3A_11, %dma_wait3A_22] : memref<2048x768xf32, #tpu.memory_space<hbm>> -> memref<128x768xf32, #tpu.memory_space<hbm>>
      tpu.wait_dma2 semaphore(%run_scoped3A : memref<!tpu.dma_semaphore, #tpu.memory_space<semaphore_mem>>) src(%dma_wait3A_23 : memref<128x768xf32, #tpu.memory_space<hbm>>) dst(%arg6 : memref<128x768xf32, #tpu.memory_space<vmem>>)
      tpu.yield
    }) : () -> ()
    %dma_start3A = arith.constant 0 : i32
    %dma_start3A_12 = arith.constant 0 : i32
    %dma_start3A_13 = tpu.memref_slice %arg4[%dma_start3A, %dma_start3A_12] : memref<9280x768xf32, #tpu.memory_space<hbm>> -> memref<9280x768xf32, #tpu.memory_space<hbm>>
    tpu.enqueue_indirect_dma source(%arg6 : memref<128x768xf32, #tpu.memory_space<vmem>>) target(%dma_start3A_13 : memref<9280x768xf32, #tpu.memory_space<hbm>>) offsets(%arg5 : memref<128xi32, #tpu.memory_space<vmem>>) semaphore(%arg7 : memref<!tpu.dma_semaphore, #tpu.memory_space<semaphore_mem>>)
    %dma_wait3A = arith.constant 0 : i32
    %dma_wait3A_14 = arith.constant 0 : i32
    %dma_wait3A_15 = tpu.memref_slice %arg4[%dma_wait3A, %dma_wait3A_14] : memref<9280x768xf32, #tpu.memory_space<hbm>> -> memref<9280x768xf32, #tpu.memory_space<hbm>>
    tpu.wait_indirect_dma semaphore(%arg7 : memref<!tpu.dma_semaphore, #tpu.memory_space<semaphore_mem>>) src(%arg6 : memref<128x768xf32, #tpu.memory_space<vmem>>) dst(%dma_wait3A_15 : memref<9280x768xf32, #tpu.memory_space<hbm>>)
    return
  }
}

#map = affine_map<(d0, d1) -> (0, 0)>
module attributes {stable_mosaic.version = 14 : i64} {
  func.func @_combine(%arg0: i32, %arg1: i32, %arg2: memref<9280x768xf32, #tpu.memory_space<hbm>>, %arg3: memref<32x128xi32, #tpu.memory_space<hbm>>, %arg4: memref<4096x16xf32, #tpu.memory_space<hbm>>, %arg5: memref<2048x768xf32, #tpu.memory_space<hbm>>, %arg6: memref<32xi32, #tpu.memory_space<vmem>>, %arg7: memref<32xi32, #tpu.memory_space<vmem>>, %arg8: memref<32xi32, #tpu.memory_space<vmem>>, %arg9: memref<32xi32, #tpu.memory_space<vmem>>, %arg10: memref<32x768xf32, #tpu.memory_space<vmem>>, %arg11: memref<32x768xf32, #tpu.memory_space<vmem>>, %arg12: memref<32x768xf32, #tpu.memory_space<vmem>>, %arg13: memref<32x768xf32, #tpu.memory_space<vmem>>, %arg14: memref<64x16xf32, #tpu.memory_space<vmem>>, %arg15: memref<64x16xf32, #tpu.memory_space<vmem>>, %arg16: memref<!tpu.dma_semaphore, #tpu.memory_space<semaphore_mem>>, %arg17: memref<!tpu.dma_semaphore, #tpu.memory_space<semaphore_mem>>, %arg18: memref<!tpu.dma_semaphore, #tpu.memory_space<semaphore_mem>>) attributes {dimension_semantics = [#tpu.dimension_semantics<core_parallel>, #tpu.dimension_semantics<subcore_parallel>], iteration_bounds = array<i64: 2, 16>, scalar_prefetch = 0 : i64, scratch_operands = 13 : i64, tpu.core_type = #tpu.core_type<sc_vector_subcore>, window_params = [{transform_indices = #map}, {transform_indices = #map}, {transform_indices = #map}, {transform_indices = #map}]} {
    %mul3A = arith.constant 2 : i32
    %mul3A_0 = arith.muli %arg1, %mul3A : i32
    %add3A = arith.addi %mul3A_0, %arg0 : i32
    %mul3A_1 = arith.constant 64 : i32
    %mul3A_2 = arith.muli %add3A, %mul3A_1 : i32
    %jit3A = arith.constant 2 : i32
    %div3A = arith.divsi %add3A, %jit3A : i32
    %sign3A = arith.constant 0 : i32
    %sign3A_3 = arith.cmpi sgt, %add3A, %sign3A : i32
    %sign3A_4 = arith.extui %sign3A_3 : i1 to i32
    %sign3A_5 = arith.constant 0 : i32
    %sign3A_6 = arith.cmpi slt, %add3A, %sign3A_5 : i32
    %sign3A_7 = arith.extui %sign3A_6 : i1 to i32
    %sign3A_8 = arith.subi %sign3A_4, %sign3A_7 : i32
    %sign3A_9 = arith.constant 0 : i32
    %sign3A_10 = arith.cmpi sgt, %jit3A, %sign3A_9 : i32
    %sign3A_11 = arith.extui %sign3A_10 : i1 to i32
    %sign3A_12 = arith.constant 0 : i32
    %sign3A_13 = arith.cmpi slt, %jit3A, %sign3A_12 : i32
    %sign3A_14 = arith.extui %sign3A_13 : i1 to i32
    %sign3A_15 = arith.subi %sign3A_11, %sign3A_14 : i32
    %ne3A = arith.cmpi ne, %sign3A_8, %sign3A_15 : i32
    %rem3A = arith.remsi %add3A, %jit3A : i32
    %ne3A_16 = arith.constant 0 : i32
    %ne3A_17 = arith.cmpi ne, %rem3A, %ne3A_16 : i32
    %and3A = arith.andi %ne3A, %ne3A_17 : i1
    %sub3A = arith.constant 1 : i32
    %sub3A_18 = arith.subi %div3A, %sub3A : i32
    %select_n3A = arith.select %and3A, %sub3A_18, %div3A : i32
    %jit3A_19 = arith.constant 2 : i32
    %eq3A = arith.constant 0 : i32
    %eq3A_20 = arith.cmpi eq, %jit3A_19, %eq3A : i32
    %jit3A_21 = arith.constant 1 : i32
    %select_n3A_22 = arith.select %eq3A_20, %jit3A_21, %jit3A_19 : i32
    %rem3A_23 = arith.remsi %add3A, %select_n3A_22 : i32
    %ne3A_24 = arith.constant 0 : i32
    %ne3A_25 = arith.cmpi ne, %rem3A_23, %ne3A_24 : i32
    %lt3A = arith.constant 0 : i32
    %lt3A_26 = arith.cmpi slt, %rem3A_23, %lt3A : i32
    %lt3A_27 = arith.constant 0 : i32
    %lt3A_28 = arith.cmpi slt, %select_n3A_22, %lt3A_27 : i32
    %ne3A_29 = arith.xori %lt3A_26, %lt3A_28 : i1
    %and3A_30 = arith.andi %ne3A_29, %ne3A_25 : i1
    %add3A_31 = arith.addi %rem3A_23, %select_n3A_22 : i32
    %select_n3A_32 = arith.select %and3A_30, %add3A_31, %rem3A_23 : i32
    %mul3A_33 = arith.constant 64 : i32
    %mul3A_34 = arith.muli %select_n3A_32, %mul3A_33 : i32
    "tpu.region"() ({
      %run_scoped3A = tpu.sem_alloc : memref<!tpu.dma_semaphore, #tpu.memory_space<semaphore_mem>>
      %dma_start3A_90 = tpu.memref_slice %arg3[%select_n3A, %mul3A_34] : memref<32x128xi32, #tpu.memory_space<hbm>> -> memref<1x32xi32, #tpu.memory_space<hbm>>
      %dma_start3A_91 = tpu.memref_squeeze %dma_start3A_90 : memref<1x32xi32, #tpu.memory_space<hbm>> -> memref<32xi32, #tpu.memory_space<hbm>>
      %dma_start3A_92 = tpu.memref_slice %arg3[%select_n3A, %mul3A_34] : memref<32x128xi32, #tpu.memory_space<hbm>> -> memref<1x32xi32, #tpu.memory_space<hbm>>
      %dma_start3A_93 = tpu.memref_squeeze %dma_start3A_92 : memref<1x32xi32, #tpu.memory_space<hbm>> -> memref<32xi32, #tpu.memory_space<hbm>>
      tpu.enqueue_dma source(%dma_start3A_93 : memref<32xi32, #tpu.memory_space<hbm>>) target(%arg6 : memref<32xi32, #tpu.memory_space<vmem>>) target_semaphore(%run_scoped3A : memref<!tpu.dma_semaphore, #tpu.memory_space<semaphore_mem>>)
      %dma_wait3A_94 = tpu.memref_slice %arg3[%select_n3A, %mul3A_34] : memref<32x128xi32, #tpu.memory_space<hbm>> -> memref<1x32xi32, #tpu.memory_space<hbm>>
      %dma_wait3A_95 = tpu.memref_squeeze %dma_wait3A_94 : memref<1x32xi32, #tpu.memory_space<hbm>> -> memref<32xi32, #tpu.memory_space<hbm>>
      %dma_wait3A_96 = tpu.memref_slice %arg3[%select_n3A, %mul3A_34] : memref<32x128xi32, #tpu.memory_space<hbm>> -> memref<1x32xi32, #tpu.memory_space<hbm>>
      %dma_wait3A_97 = tpu.memref_squeeze %dma_wait3A_96 : memref<1x32xi32, #tpu.memory_space<hbm>> -> memref<32xi32, #tpu.memory_space<hbm>>
      tpu.wait_dma2 semaphore(%run_scoped3A : memref<!tpu.dma_semaphore, #tpu.memory_space<semaphore_mem>>) src(%dma_wait3A_97 : memref<32xi32, #tpu.memory_space<hbm>>) dst(%arg6 : memref<32xi32, #tpu.memory_space<vmem>>)
      tpu.yield
    }) : () -> ()
    %add3A_35 = arith.constant 16 : i32
    %add3A_36 = arith.addi %add3A_35, %select_n3A : i32
    "tpu.region"() ({
      %run_scoped3A = tpu.sem_alloc : memref<!tpu.dma_semaphore, #tpu.memory_space<semaphore_mem>>
      %dma_start3A_90 = tpu.memref_slice %arg3[%add3A_36, %mul3A_34] : memref<32x128xi32, #tpu.memory_space<hbm>> -> memref<1x32xi32, #tpu.memory_space<hbm>>
      %dma_start3A_91 = tpu.memref_squeeze %dma_start3A_90 : memref<1x32xi32, #tpu.memory_space<hbm>> -> memref<32xi32, #tpu.memory_space<hbm>>
      %dma_start3A_92 = tpu.memref_slice %arg3[%add3A_36, %mul3A_34] : memref<32x128xi32, #tpu.memory_space<hbm>> -> memref<1x32xi32, #tpu.memory_space<hbm>>
      %dma_start3A_93 = tpu.memref_squeeze %dma_start3A_92 : memref<1x32xi32, #tpu.memory_space<hbm>> -> memref<32xi32, #tpu.memory_space<hbm>>
      tpu.enqueue_dma source(%dma_start3A_93 : memref<32xi32, #tpu.memory_space<hbm>>) target(%arg7 : memref<32xi32, #tpu.memory_space<vmem>>) target_semaphore(%run_scoped3A : memref<!tpu.dma_semaphore, #tpu.memory_space<semaphore_mem>>)
      %dma_wait3A_94 = tpu.memref_slice %arg3[%add3A_36, %mul3A_34] : memref<32x128xi32, #tpu.memory_space<hbm>> -> memref<1x32xi32, #tpu.memory_space<hbm>>
      %dma_wait3A_95 = tpu.memref_squeeze %dma_wait3A_94 : memref<1x32xi32, #tpu.memory_space<hbm>> -> memref<32xi32, #tpu.memory_space<hbm>>
      %dma_wait3A_96 = tpu.memref_slice %arg3[%add3A_36, %mul3A_34] : memref<32x128xi32, #tpu.memory_space<hbm>> -> memref<1x32xi32, #tpu.memory_space<hbm>>
      %dma_wait3A_97 = tpu.memref_squeeze %dma_wait3A_96 : memref<1x32xi32, #tpu.memory_space<hbm>> -> memref<32xi32, #tpu.memory_space<hbm>>
      tpu.wait_dma2 semaphore(%run_scoped3A : memref<!tpu.dma_semaphore, #tpu.memory_space<semaphore_mem>>) src(%dma_wait3A_97 : memref<32xi32, #tpu.memory_space<hbm>>) dst(%arg7 : memref<32xi32, #tpu.memory_space<vmem>>)
      tpu.yield
    }) : () -> ()
    %add3A_37 = arith.constant 32 : i32
    %add3A_38 = arith.addi %mul3A_34, %add3A_37 : i32
    "tpu.region"() ({
      %run_scoped3A = tpu.sem_alloc : memref<!tpu.dma_semaphore, #tpu.memory_space<semaphore_mem>>
      %dma_start3A_90 = tpu.memref_slice %arg3[%select_n3A, %add3A_38] : memref<32x128xi32, #tpu.memory_space<hbm>> -> memref<1x32xi32, #tpu.memory_space<hbm>>
      %dma_start3A_91 = tpu.memref_squeeze %dma_start3A_90 : memref<1x32xi32, #tpu.memory_space<hbm>> -> memref<32xi32, #tpu.memory_space<hbm>>
      %dma_start3A_92 = tpu.memref_slice %arg3[%select_n3A, %add3A_38] : memref<32x128xi32, #tpu.memory_space<hbm>> -> memref<1x32xi32, #tpu.memory_space<hbm>>
      %dma_start3A_93 = tpu.memref_squeeze %dma_start3A_92 : memref<1x32xi32, #tpu.memory_space<hbm>> -> memref<32xi32, #tpu.memory_space<hbm>>
      tpu.enqueue_dma source(%dma_start3A_93 : memref<32xi32, #tpu.memory_space<hbm>>) target(%arg8 : memref<32xi32, #tpu.memory_space<vmem>>) target_semaphore(%run_scoped3A : memref<!tpu.dma_semaphore, #tpu.memory_space<semaphore_mem>>)
      %dma_wait3A_94 = tpu.memref_slice %arg3[%select_n3A, %add3A_38] : memref<32x128xi32, #tpu.memory_space<hbm>> -> memref<1x32xi32, #tpu.memory_space<hbm>>
      %dma_wait3A_95 = tpu.memref_squeeze %dma_wait3A_94 : memref<1x32xi32, #tpu.memory_space<hbm>> -> memref<32xi32, #tpu.memory_space<hbm>>
      %dma_wait3A_96 = tpu.memref_slice %arg3[%select_n3A, %add3A_38] : memref<32x128xi32, #tpu.memory_space<hbm>> -> memref<1x32xi32, #tpu.memory_space<hbm>>
      %dma_wait3A_97 = tpu.memref_squeeze %dma_wait3A_96 : memref<1x32xi32, #tpu.memory_space<hbm>> -> memref<32xi32, #tpu.memory_space<hbm>>
      tpu.wait_dma2 semaphore(%run_scoped3A : memref<!tpu.dma_semaphore, #tpu.memory_space<semaphore_mem>>) src(%dma_wait3A_97 : memref<32xi32, #tpu.memory_space<hbm>>) dst(%arg8 : memref<32xi32, #tpu.memory_space<vmem>>)
      tpu.yield
    }) : () -> ()
    %add3A_39 = arith.constant 16 : i32
    %add3A_40 = arith.addi %add3A_39, %select_n3A : i32
    %add3A_41 = arith.constant 32 : i32
    %add3A_42 = arith.addi %mul3A_34, %add3A_41 : i32
    "tpu.region"() ({
      %run_scoped3A = tpu.sem_alloc : memref<!tpu.dma_semaphore, #tpu.memory_space<semaphore_mem>>
      %dma_start3A_90 = tpu.memref_slice %arg3[%add3A_40, %add3A_42] : memref<32x128xi32, #tpu.memory_space<hbm>> -> memref<1x32xi32, #tpu.memory_space<hbm>>
      %dma_start3A_91 = tpu.memref_squeeze %dma_start3A_90 : memref<1x32xi32, #tpu.memory_space<hbm>> -> memref<32xi32, #tpu.memory_space<hbm>>
      %dma_start3A_92 = tpu.memref_slice %arg3[%add3A_40, %add3A_42] : memref<32x128xi32, #tpu.memory_space<hbm>> -> memref<1x32xi32, #tpu.memory_space<hbm>>
      %dma_start3A_93 = tpu.memref_squeeze %dma_start3A_92 : memref<1x32xi32, #tpu.memory_space<hbm>> -> memref<32xi32, #tpu.memory_space<hbm>>
      tpu.enqueue_dma source(%dma_start3A_93 : memref<32xi32, #tpu.memory_space<hbm>>) target(%arg9 : memref<32xi32, #tpu.memory_space<vmem>>) target_semaphore(%run_scoped3A : memref<!tpu.dma_semaphore, #tpu.memory_space<semaphore_mem>>)
      %dma_wait3A_94 = tpu.memref_slice %arg3[%add3A_40, %add3A_42] : memref<32x128xi32, #tpu.memory_space<hbm>> -> memref<1x32xi32, #tpu.memory_space<hbm>>
      %dma_wait3A_95 = tpu.memref_squeeze %dma_wait3A_94 : memref<1x32xi32, #tpu.memory_space<hbm>> -> memref<32xi32, #tpu.memory_space<hbm>>
      %dma_wait3A_96 = tpu.memref_slice %arg3[%add3A_40, %add3A_42] : memref<32x128xi32, #tpu.memory_space<hbm>> -> memref<1x32xi32, #tpu.memory_space<hbm>>
      %dma_wait3A_97 = tpu.memref_squeeze %dma_wait3A_96 : memref<1x32xi32, #tpu.memory_space<hbm>> -> memref<32xi32, #tpu.memory_space<hbm>>
      tpu.wait_dma2 semaphore(%run_scoped3A : memref<!tpu.dma_semaphore, #tpu.memory_space<semaphore_mem>>) src(%dma_wait3A_97 : memref<32xi32, #tpu.memory_space<hbm>>) dst(%arg9 : memref<32xi32, #tpu.memory_space<vmem>>)
      tpu.yield
    }) : () -> ()
    %dma_start3A = arith.constant 0 : i32
    %dma_start3A_43 = arith.constant 0 : i32
    %dma_start3A_44 = tpu.memref_slice %arg2[%dma_start3A, %dma_start3A_43] : memref<9280x768xf32, #tpu.memory_space<hbm>> -> memref<9280x768xf32, #tpu.memory_space<hbm>>
    tpu.enqueue_indirect_dma source(%dma_start3A_44 : memref<9280x768xf32, #tpu.memory_space<hbm>>) target(%arg10 : memref<32x768xf32, #tpu.memory_space<vmem>>) offsets(%arg6 : memref<32xi32, #tpu.memory_space<vmem>>) semaphore(%arg16 : memref<!tpu.dma_semaphore, #tpu.memory_space<semaphore_mem>>)
    %dma_start3A_45 = arith.constant 0 : i32
    %dma_start3A_46 = arith.constant 0 : i32
    %dma_start3A_47 = tpu.memref_slice %arg2[%dma_start3A_45, %dma_start3A_46] : memref<9280x768xf32, #tpu.memory_space<hbm>> -> memref<9280x768xf32, #tpu.memory_space<hbm>>
    tpu.enqueue_indirect_dma source(%dma_start3A_47 : memref<9280x768xf32, #tpu.memory_space<hbm>>) target(%arg11 : memref<32x768xf32, #tpu.memory_space<vmem>>) offsets(%arg7 : memref<32xi32, #tpu.memory_space<vmem>>) semaphore(%arg16 : memref<!tpu.dma_semaphore, #tpu.memory_space<semaphore_mem>>)
    %dma_start3A_48 = arith.constant 0 : i32
    %dma_start3A_49 = arith.constant 0 : i32
    %dma_start3A_50 = tpu.memref_slice %arg2[%dma_start3A_48, %dma_start3A_49] : memref<9280x768xf32, #tpu.memory_space<hbm>> -> memref<9280x768xf32, #tpu.memory_space<hbm>>
    tpu.enqueue_indirect_dma source(%dma_start3A_50 : memref<9280x768xf32, #tpu.memory_space<hbm>>) target(%arg12 : memref<32x768xf32, #tpu.memory_space<vmem>>) offsets(%arg8 : memref<32xi32, #tpu.memory_space<vmem>>) semaphore(%arg17 : memref<!tpu.dma_semaphore, #tpu.memory_space<semaphore_mem>>)
    %dma_start3A_51 = arith.constant 0 : i32
    %dma_start3A_52 = arith.constant 0 : i32
    %dma_start3A_53 = tpu.memref_slice %arg2[%dma_start3A_51, %dma_start3A_52] : memref<9280x768xf32, #tpu.memory_space<hbm>> -> memref<9280x768xf32, #tpu.memory_space<hbm>>
    tpu.enqueue_indirect_dma source(%dma_start3A_53 : memref<9280x768xf32, #tpu.memory_space<hbm>>) target(%arg13 : memref<32x768xf32, #tpu.memory_space<vmem>>) offsets(%arg9 : memref<32xi32, #tpu.memory_space<vmem>>) semaphore(%arg17 : memref<!tpu.dma_semaphore, #tpu.memory_space<semaphore_mem>>)
    "tpu.region"() ({
      %run_scoped3A = tpu.sem_alloc : memref<!tpu.dma_semaphore, #tpu.memory_space<semaphore_mem>>
      %dma_start3A_90 = arith.constant 0 : i32
      %dma_start3A_91 = tpu.memref_slice %arg4[%mul3A_2, %dma_start3A_90] : memref<4096x16xf32, #tpu.memory_space<hbm>> -> memref<64x16xf32, #tpu.memory_space<hbm>>
      %dma_start3A_92 = arith.constant 0 : i32
      %dma_start3A_93 = tpu.memref_slice %arg4[%mul3A_2, %dma_start3A_92] : memref<4096x16xf32, #tpu.memory_space<hbm>> -> memref<64x16xf32, #tpu.memory_space<hbm>>
      tpu.enqueue_dma source(%dma_start3A_93 : memref<64x16xf32, #tpu.memory_space<hbm>>) target(%arg14 : memref<64x16xf32, #tpu.memory_space<vmem>>) target_semaphore(%run_scoped3A : memref<!tpu.dma_semaphore, #tpu.memory_space<semaphore_mem>>)
      %dma_wait3A_94 = arith.constant 0 : i32
      %dma_wait3A_95 = tpu.memref_slice %arg4[%mul3A_2, %dma_wait3A_94] : memref<4096x16xf32, #tpu.memory_space<hbm>> -> memref<64x16xf32, #tpu.memory_space<hbm>>
      %dma_wait3A_96 = arith.constant 0 : i32
      %dma_wait3A_97 = tpu.memref_slice %arg4[%mul3A_2, %dma_wait3A_96] : memref<4096x16xf32, #tpu.memory_space<hbm>> -> memref<64x16xf32, #tpu.memory_space<hbm>>
      tpu.wait_dma2 semaphore(%run_scoped3A : memref<!tpu.dma_semaphore, #tpu.memory_space<semaphore_mem>>) src(%dma_wait3A_97 : memref<64x16xf32, #tpu.memory_space<hbm>>) dst(%arg14 : memref<64x16xf32, #tpu.memory_space<vmem>>)
      tpu.yield
    }) : () -> ()
    %add3A_54 = arith.constant 2048 : i32
    %add3A_55 = arith.addi %add3A_54, %mul3A_2 : i32
    "tpu.region"() ({
      %run_scoped3A = tpu.sem_alloc : memref<!tpu.dma_semaphore, #tpu.memory_space<semaphore_mem>>
      %dma_start3A_90 = arith.constant 0 : i32
      %dma_start3A_91 = tpu.memref_slice %arg4[%add3A_55, %dma_start3A_90] : memref<4096x16xf32, #tpu.memory_space<hbm>> -> memref<64x16xf32, #tpu.memory_space<hbm>>
      %dma_start3A_92 = arith.constant 0 : i32
      %dma_start3A_93 = tpu.memref_slice %arg4[%add3A_55, %dma_start3A_92] : memref<4096x16xf32, #tpu.memory_space<hbm>> -> memref<64x16xf32, #tpu.memory_space<hbm>>
      tpu.enqueue_dma source(%dma_start3A_93 : memref<64x16xf32, #tpu.memory_space<hbm>>) target(%arg15 : memref<64x16xf32, #tpu.memory_space<vmem>>) target_semaphore(%run_scoped3A : memref<!tpu.dma_semaphore, #tpu.memory_space<semaphore_mem>>)
      %dma_wait3A_94 = arith.constant 0 : i32
      %dma_wait3A_95 = tpu.memref_slice %arg4[%add3A_55, %dma_wait3A_94] : memref<4096x16xf32, #tpu.memory_space<hbm>> -> memref<64x16xf32, #tpu.memory_space<hbm>>
      %dma_wait3A_96 = arith.constant 0 : i32
      %dma_wait3A_97 = tpu.memref_slice %arg4[%add3A_55, %dma_wait3A_96] : memref<4096x16xf32, #tpu.memory_space<hbm>> -> memref<64x16xf32, #tpu.memory_space<hbm>>
      tpu.wait_dma2 semaphore(%run_scoped3A : memref<!tpu.dma_semaphore, #tpu.memory_space<semaphore_mem>>) src(%dma_wait3A_97 : memref<64x16xf32, #tpu.memory_space<hbm>>) dst(%arg15 : memref<64x16xf32, #tpu.memory_space<vmem>>)
      tpu.yield
    }) : () -> ()
    %dma_wait3A = arith.constant 0 : i32
    %dma_wait3A_56 = arith.constant 0 : i32
    %dma_wait3A_57 = tpu.memref_slice %arg2[%dma_wait3A, %dma_wait3A_56] : memref<9280x768xf32, #tpu.memory_space<hbm>> -> memref<9280x768xf32, #tpu.memory_space<hbm>>
    tpu.wait_indirect_dma semaphore(%arg16 : memref<!tpu.dma_semaphore, #tpu.memory_space<semaphore_mem>>) src(%dma_wait3A_57 : memref<9280x768xf32, #tpu.memory_space<hbm>>) dst(%arg10 : memref<32x768xf32, #tpu.memory_space<vmem>>)
    %dma_wait3A_58 = arith.constant 0 : i32
    %dma_wait3A_59 = arith.constant 0 : i32
    %dma_wait3A_60 = tpu.memref_slice %arg2[%dma_wait3A_58, %dma_wait3A_59] : memref<9280x768xf32, #tpu.memory_space<hbm>> -> memref<9280x768xf32, #tpu.memory_space<hbm>>
    tpu.wait_indirect_dma semaphore(%arg16 : memref<!tpu.dma_semaphore, #tpu.memory_space<semaphore_mem>>) src(%dma_wait3A_60 : memref<9280x768xf32, #tpu.memory_space<hbm>>) dst(%arg11 : memref<32x768xf32, #tpu.memory_space<vmem>>)
    %scan3A = arith.constant 0 : i32
    %scan3A_61 = arith.constant 0 : i32
    %scan3A_62 = arith.constant 32 : i32
    %scan3A_63 = arith.addi %scan3A_61, %scan3A_62 : i32
    %scan3A_64 = arith.constant 1 : i32
    %scan3A_65 = scf.for %scan3A_90 = %scan3A_61 to %scan3A_63 step %scan3A_64 iter_args(%scan3A_91 = %scan3A) -> (i32)  : i32 {
      %add3A_92 = arith.constant 0 : i32
      %add3A_93 = arith.addi %add3A_92, %scan3A_90 : i32
      %get3A = arith.index_cast %add3A_93 : i32 to index
      %get3A_94 = arith.constant 0 : index
      %get3A_95 = tpu.vector_load %arg14[%get3A, %get3A_94] {strides = array<i32>} : memref<64x16xf32, #tpu.memory_space<vmem>>, vector<1x16xf32>,
      %get3A_96 = vector.shape_cast %get3A_95 : vector<1x16xf32> to vector<16xf32>
      %add3A_97 = arith.constant 0 : i32
      %add3A_98 = arith.addi %add3A_97, %scan3A_90 : i32
      %get3A_99 = arith.index_cast %add3A_98 : i32 to index
      %get3A_100 = arith.constant 0 : index
      %get3A_101 = tpu.vector_load %arg15[%get3A_99, %get3A_100] {strides = array<i32>} : memref<64x16xf32, #tpu.memory_space<vmem>>, vector<1x16xf32>,
      %get3A_102 = vector.shape_cast %get3A_101 : vector<1x16xf32> to vector<16xf32>
      %get3A_103 = arith.index_cast %scan3A_90 : i32 to index
      %get3A_104 = arith.constant 0 : index
      %get3A_105 = tpu.vector_load %arg10[%get3A_103, %get3A_104] {strides = array<i32>} : memref<32x768xf32, #tpu.memory_space<vmem>>, vector<1x16xf32>,
      %get3A_106 = vector.shape_cast %get3A_105 : vector<1x16xf32> to vector<16xf32>
      %mul3A_107 = arith.mulf %get3A_106, %get3A_96 : vector<16xf32>
      %get3A_108 = arith.index_cast %scan3A_90 : i32 to index
      %get3A_109 = arith.constant 0 : index
      %get3A_110 = tpu.vector_load %arg11[%get3A_108, %get3A_109] {strides = array<i32>} : memref<32x768xf32, #tpu.memory_space<vmem>>, vector<1x16xf32>,
      %get3A_111 = vector.shape_cast %get3A_110 : vector<1x16xf32> to vector<16xf32>
      %mul3A_112 = arith.mulf %get3A_111, %get3A_102 : vector<16xf32>
      %add3A_113 = arith.addf %mul3A_107, %mul3A_112 : vector<16xf32>
      %swap3A = arith.index_cast %scan3A_90 : i32 to index
      %swap3A_114 = arith.constant 0 : index
      %swap3A_115 = tpu.vector_load %arg10[%swap3A, %swap3A_114] {strides = array<i32>} : memref<32x768xf32, #tpu.memory_space<vmem>>, vector<1x16xf32>,
      %swap3A_116 = vector.shape_cast %swap3A_115 : vector<1x16xf32> to vector<16xf32>
      %swap3A_117 = vector.shape_cast %add3A_113 : vector<16xf32> to vector<1x16xf32>
      tpu.vector_store %arg10[%swap3A, %swap3A_114], %swap3A_117 {strides = array<i32>} : memref<32x768xf32, #tpu.memory_space<vmem>>, vector<1x16xf32>,
      %get3A_118 = arith.index_cast %scan3A_90 : i32 to index
      %get3A_119 = arith.constant 16 : index
      %get3A_120 = tpu.vector_load %arg10[%get3A_118, %get3A_119] {strides = array<i32>} : memref<32x768xf32, #tpu.memory_space<vmem>>, vector<1x16xf32>,
      %get3A_121 = vector.shape_cast %get3A_120 : vector<1x16xf32> to vector<16xf32>
      %mul3A_122 = arith.mulf %get3A_121, %get3A_96 : vector<16xf32>
      %get3A_123 = arith.index_cast %scan3A_90 : i32 to index
      %get3A_124 = arith.constant 16 : index
      %get3A_125 = tpu.vector_load %arg11[%get3A_123, %get3A_124] {strides = array<i32>} : memref<32x768xf32, #tpu.memory_space<vmem>>, vector<1x16xf32>,
      %get3A_126 = vector.shape_cast %get3A_125 : vector<1x16xf32> to vector<16xf32>
      %mul3A_127 = arith.mulf %get3A_126, %get3A_102 : vector<16xf32>
      %add3A_128 = arith.addf %mul3A_122, %mul3A_127 : vector<16xf32>
      %swap3A_129 = arith.index_cast %scan3A_90 : i32 to index
      %swap3A_130 = arith.constant 16 : index
      %swap3A_131 = tpu.vector_load %arg10[%swap3A_129, %swap3A_130] {strides = array<i32>} : memref<32x768xf32, #tpu.memory_space<vmem>>, vector<1x16xf32>,
      %swap3A_132 = vector.shape_cast %swap3A_131 : vector<1x16xf32> to vector<16xf32>
      %swap3A_133 = vector.shape_cast %add3A_128 : vector<16xf32> to vector<1x16xf32>
      tpu.vector_store %arg10[%swap3A_129, %swap3A_130], %swap3A_133 {strides = array<i32>} : memref<32x768xf32, #tpu.memory_space<vmem>>, vector<1x16xf32>,
      %get3A_134 = arith.index_cast %scan3A_90 : i32 to index
      %get3A_135 = arith.constant 32 : index
      %get3A_136 = tpu.vector_load %arg10[%get3A_134, %get3A_135] {strides = array<i32>} : memref<32x768xf32, #tpu.memory_space<vmem>>, vector<1x16xf32>,
      %get3A_137 = vector.shape_cast %get3A_136 : vector<1x16xf32> to vector<16xf32>
      %mul3A_138 = arith.mulf %get3A_137, %get3A_96 : vector<16xf32>
      %get3A_139 = arith.index_cast %scan3A_90 : i32 to index
      %get3A_140 = arith.constant 32 : index
      %get3A_141 = tpu.vector_load %arg11[%get3A_139, %get3A_140] {strides = array<i32>} : memref<32x768xf32, #tpu.memory_space<vmem>>, vector<1x16xf32>,
      %get3A_142 = vector.shape_cast %get3A_141 : vector<1x16xf32> to vector<16xf32>
      %mul3A_143 = arith.mulf %get3A_142, %get3A_102 : vector<16xf32>
      %add3A_144 = arith.addf %mul3A_138, %mul3A_143 : vector<16xf32>
      %swap3A_145 = arith.index_cast %scan3A_90 : i32 to index
      %swap3A_146 = arith.constant 32 : index
      %swap3A_147 = tpu.vector_load %arg10[%swap3A_145, %swap3A_146] {strides = array<i32>} : memref<32x768xf32, #tpu.memory_space<vmem>>, vector<1x16xf32>,
      %swap3A_148 = vector.shape_cast %swap3A_147 : vector<1x16xf32> to vector<16xf32>
      %swap3A_149 = vector.shape_cast %add3A_144 : vector<16xf32> to vector<1x16xf32>
      tpu.vector_store %arg10[%swap3A_145, %swap3A_146], %swap3A_149 {strides = array<i32>} : memref<32x768xf32, #tpu.memory_space<vmem>>, vector<1x16xf32>,
      %get3A_150 = arith.index_cast %scan3A_90 : i32 to index
      %get3A_151 = arith.constant 48 : index
      %get3A_152 = tpu.vector_load %arg10[%get3A_150, %get3A_151] {strides = array<i32>} : memref<32x768xf32, #tpu.memory_space<vmem>>, vector<1x16xf32>,
      %get3A_153 = vector.shape_cast %get3A_152 : vector<1x16xf32> to vector<16xf32>
      %mul3A_154 = arith.mulf %get3A_153, %get3A_96 : vector<16xf32>
      %get3A_155 = arith.index_cast %scan3A_90 : i32 to index
      %get3A_156 = arith.constant 48 : index
      %get3A_157 = tpu.vector_load %arg11[%get3A_155, %get3A_156] {strides = array<i32>} : memref<32x768xf32, #tpu.memory_space<vmem>>, vector<1x16xf32>,
      %get3A_158 = vector.shape_cast %get3A_157 : vector<1x16xf32> to vector<16xf32>
      %mul3A_159 = arith.mulf %get3A_158, %get3A_102 : vector<16xf32>
      %add3A_160 = arith.addf %mul3A_154, %mul3A_159 : vector<16xf32>
      %swap3A_161 = arith.index_cast %scan3A_90 : i32 to index
      %swap3A_162 = arith.constant 48 : index
      %swap3A_163 = tpu.vector_load %arg10[%swap3A_161, %swap3A_162] {strides = array<i32>} : memref<32x768xf32, #tpu.memory_space<vmem>>, vector<1x16xf32>,
      %swap3A_164 = vector.shape_cast %swap3A_163 : vector<1x16xf32> to vector<16xf32>
      %swap3A_165 = vector.shape_cast %add3A_160 : vector<16xf32> to vector<1x16xf32>
      tpu.vector_store %arg10[%swap3A_161, %swap3A_162], %swap3A_165 {strides = array<i32>} : memref<32x768xf32, #tpu.memory_space<vmem>>, vector<1x16xf32>,
      %get3A_166 = arith.index_cast %scan3A_90 : i32 to index
      %get3A_167 = arith.constant 64 : index
      %get3A_168 = tpu.vector_load %arg10[%get3A_166, %get3A_167] {strides = array<i32>} : memref<32x768xf32, #tpu.memory_space<vmem>>, vector<1x16xf32>,
      %get3A_169 = vector.shape_cast %get3A_168 : vector<1x16xf32> to vector<16xf32>
      %mul3A_170 = arith.mulf %get3A_169, %get3A_96 : vector<16xf32>
      %get3A_171 = arith.index_cast %scan3A_90 : i32 to index
      %get3A_172 = arith.constant 64 : index
      %get3A_173 = tpu.vector_load %arg11[%get3A_171, %get3A_172] {strides = array<i32>} : memref<32x768xf32, #tpu.memory_space<vmem>>, vector<1x16xf32>,
      %get3A_174 = vector.shape_cast %get3A_173 : vector<1x16xf32> to vector<16xf32>
      %mul3A_175 = arith.mulf %get3A_174, %get3A_102 : vector<16xf32>
      %add3A_176 = arith.addf %mul3A_170, %mul3A_175 : vector<16xf32>
      %swap3A_177 = arith.index_cast %scan3A_90 : i32 to index
      %swap3A_178 = arith.constant 64 : index
      %swap3A_179 = tpu.vector_load %arg10[%swap3A_177, %swap3A_178] {strides = array<i32>} : memref<32x768xf32, #tpu.memory_space<vmem>>, vector<1x16xf32>,
      %swap3A_180 = vector.shape_cast %swap3A_179 : vector<1x16xf32> to vector<16xf32>
      %swap3A_181 = vector.shape_cast %add3A_176 : vector<16xf32> to vector<1x16xf32>
      tpu.vector_store %arg10[%swap3A_177, %swap3A_178], %swap3A_181 {strides = array<i32>} : memref<32x768xf32, #tpu.memory_space<vmem>>, vector<1x16xf32>,
      %get3A_182 = arith.index_cast %scan3A_90 : i32 to index
      %get3A_183 = arith.constant 80 : index
      %get3A_184 = tpu.vector_load %arg10[%get3A_182, %get3A_183] {strides = array<i32>} : memref<32x768xf32, #tpu.memory_space<vmem>>, vector<1x16xf32>,
      %get3A_185 = vector.shape_cast %get3A_184 : vector<1x16xf32> to vector<16xf32>
      %mul3A_186 = arith.mulf %get3A_185, %get3A_96 : vector<16xf32>
      %get3A_187 = arith.index_cast %scan3A_90 : i32 to index
      %get3A_188 = arith.constant 80 : index
      %get3A_189 = tpu.vector_load %arg11[%get3A_187, %get3A_188] {strides = array<i32>} : memref<32x768xf32, #tpu.memory_space<vmem>>, vector<1x16xf32>,
      %get3A_190 = vector.shape_cast %get3A_189 : vector<1x16xf32> to vector<16xf32>
      %mul3A_191 = arith.mulf %get3A_190, %get3A_102 : vector<16xf32>
      %add3A_192 = arith.addf %mul3A_186, %mul3A_191 : vector<16xf32>
      %swap3A_193 = arith.index_cast %scan3A_90 : i32 to index
      %swap3A_194 = arith.constant 80 : index
      %swap3A_195 = tpu.vector_load %arg10[%swap3A_193, %swap3A_194] {strides = array<i32>} : memref<32x768xf32, #tpu.memory_space<vmem>>, vector<1x16xf32>,
      %swap3A_196 = vector.shape_cast %swap3A_195 : vector<1x16xf32> to vector<16xf32>
      %swap3A_197 = vector.shape_cast %add3A_192 : vector<16xf32> to vector<1x16xf32>
      tpu.vector_store %arg10[%swap3A_193, %swap3A_194], %swap3A_197 {strides = array<i32>} : memref<32x768xf32, #tpu.memory_space<vmem>>, vector<1x16xf32>,
      %get3A_198 = arith.index_cast %scan3A_90 : i32 to index
      %get3A_199 = arith.constant 96 : index
      %get3A_200 = tpu.vector_load %arg10[%get3A_198, %get3A_199] {strides = array<i32>} : memref<32x768xf32, #tpu.memory_space<vmem>>, vector<1x16xf32>,
      %get3A_201 = vector.shape_cast %get3A_200 : vector<1x16xf32> to vector<16xf32>
      %mul3A_202 = arith.mulf %get3A_201, %get3A_96 : vector<16xf32>
      %get3A_203 = arith.index_cast %scan3A_90 : i32 to index
      %get3A_204 = arith.constant 96 : index
      %get3A_205 = tpu.vector_load %arg11[%get3A_203, %get3A_204] {strides = array<i32>} : memref<32x768xf32, #tpu.memory_space<vmem>>, vector<1x16xf32>,
      %get3A_206 = vector.shape_cast %get3A_205 : vector<1x16xf32> to vector<16xf32>
      %mul3A_207 = arith.mulf %get3A_206, %get3A_102 : vector<16xf32>
      %add3A_208 = arith.addf %mul3A_202, %mul3A_207 : vector<16xf32>
      %swap3A_209 = arith.index_cast %scan3A_90 : i32 to index
      %swap3A_210 = arith.constant 96 : index
      %swap3A_211 = tpu.vector_load %arg10[%swap3A_209, %swap3A_210] {strides = array<i32>} : memref<32x768xf32, #tpu.memory_space<vmem>>, vector<1x16xf32>,
      %swap3A_212 = vector.shape_cast %swap3A_211 : vector<1x16xf32> to vector<16xf32>
      %swap3A_213 = vector.shape_cast %add3A_208 : vector<16xf32> to vector<1x16xf32>
      tpu.vector_store %arg10[%swap3A_209, %swap3A_210], %swap3A_213 {strides = array<i32>} : memref<32x768xf32, #tpu.memory_space<vmem>>, vector<1x16xf32>,
      %get3A_214 = arith.index_cast %scan3A_90 : i32 to index
      %get3A_215 = arith.constant 112 : index
      %get3A_216 = tpu.vector_load %arg10[%get3A_214, %get3A_215] {strides = array<i32>} : memref<32x768xf32, #tpu.memory_space<vmem>>, vector<1x16xf32>,
      %get3A_217 = vector.shape_cast %get3A_216 : vector<1x16xf32> to vector<16xf32>
      %mul3A_218 = arith.mulf %get3A_217, %get3A_96 : vector<16xf32>
      %get3A_219 = arith.index_cast %scan3A_90 : i32 to index
      %get3A_220 = arith.constant 112 : index
      %get3A_221 = tpu.vector_load %arg11[%get3A_219, %get3A_220] {strides = array<i32>} : memref<32x768xf32, #tpu.memory_space<vmem>>, vector<1x16xf32>,
      %get3A_222 = vector.shape_cast %get3A_221 : vector<1x16xf32> to vector<16xf32>
      %mul3A_223 = arith.mulf %get3A_222, %get3A_102 : vector<16xf32>
      %add3A_224 = arith.addf %mul3A_218, %mul3A_223 : vector<16xf32>
      %swap3A_225 = arith.index_cast %scan3A_90 : i32 to index
      %swap3A_226 = arith.constant 112 : index
      %swap3A_227 = tpu.vector_load %arg10[%swap3A_225, %swap3A_226] {strides = array<i32>} : memref<32x768xf32, #tpu.memory_space<vmem>>, vector<1x16xf32>,
      %swap3A_228 = vector.shape_cast %swap3A_227 : vector<1x16xf32> to vector<16xf32>
      %swap3A_229 = vector.shape_cast %add3A_224 : vector<16xf32> to vector<1x16xf32>
      tpu.vector_store %arg10[%swap3A_225, %swap3A_226], %swap3A_229 {strides = array<i32>} : memref<32x768xf32, #tpu.memory_space<vmem>>, vector<1x16xf32>,
      %get3A_230 = arith.index_cast %scan3A_90 : i32 to index
      %get3A_231 = arith.constant 128 : index
      %get3A_232 = tpu.vector_load %arg10[%get3A_230, %get3A_231] {strides = array<i32>} : memref<32x768xf32, #tpu.memory_space<vmem>>, vector<1x16xf32>,
      %get3A_233 = vector.shape_cast %get3A_232 : vector<1x16xf32> to vector<16xf32>
      %mul3A_234 = arith.mulf %get3A_233, %get3A_96 : vector<16xf32>
      %get3A_235 = arith.index_cast %scan3A_90 : i32 to index
      %get3A_236 = arith.constant 128 : index
      %get3A_237 = tpu.vector_load %arg11[%get3A_235, %get3A_236] {strides = array<i32>} : memref<32x768xf32, #tpu.memory_space<vmem>>, vector<1x16xf32>,
      %get3A_238 = vector.shape_cast %get3A_237 : vector<1x16xf32> to vector<16xf32>
      %mul3A_239 = arith.mulf %get3A_238, %get3A_102 : vector<16xf32>
      %add3A_240 = arith.addf %mul3A_234, %mul3A_239 : vector<16xf32>
      %swap3A_241 = arith.index_cast %scan3A_90 : i32 to index
      %swap3A_242 = arith.constant 128 : index
      %swap3A_243 = tpu.vector_load %arg10[%swap3A_241, %swap3A_242] {strides = array<i32>} : memref<32x768xf32, #tpu.memory_space<vmem>>, vector<1x16xf32>,
      %swap3A_244 = vector.shape_cast %swap3A_243 : vector<1x16xf32> to vector<16xf32>
      %swap3A_245 = vector.shape_cast %add3A_240 : vector<16xf32> to vector<1x16xf32>
      tpu.vector_store %arg10[%swap3A_241, %swap3A_242], %swap3A_245 {strides = array<i32>} : memref<32x768xf32, #tpu.memory_space<vmem>>, vector<1x16xf32>,
      %get3A_246 = arith.index_cast %scan3A_90 : i32 to index
      %get3A_247 = arith.constant 144 : index
      %get3A_248 = tpu.vector_load %arg10[%get3A_246, %get3A_247] {strides = array<i32>} : memref<32x768xf32, #tpu.memory_space<vmem>>, vector<1x16xf32>,
      %get3A_249 = vector.shape_cast %get3A_248 : vector<1x16xf32> to vector<16xf32>
      %mul3A_250 = arith.mulf %get3A_249, %get3A_96 : vector<16xf32>
      %get3A_251 = arith.index_cast %scan3A_90 : i32 to index
      %get3A_252 = arith.constant 144 : index
      %get3A_253 = tpu.vector_load %arg11[%get3A_251, %get3A_252] {strides = array<i32>} : memref<32x768xf32, #tpu.memory_space<vmem>>, vector<1x16xf32>,
      %get3A_254 = vector.shape_cast %get3A_253 : vector<1x16xf32> to vector<16xf32>
      %mul3A_255 = arith.mulf %get3A_254, %get3A_102 : vector<16xf32>
      %add3A_256 = arith.addf %mul3A_250, %mul3A_255 : vector<16xf32>
      %swap3A_257 = arith.index_cast %scan3A_90 : i32 to index
      %swap3A_258 = arith.constant 144 : index
      %swap3A_259 = tpu.vector_load %arg10[%swap3A_257, %swap3A_258] {strides = array<i32>} : memref<32x768xf32, #tpu.memory_space<vmem>>, vector<1x16xf32>,
      %swap3A_260 = vector.shape_cast %swap3A_259 : vector<1x16xf32> to vector<16xf32>
      %swap3A_261 = vector.shape_cast %add3A_256 : vector<16xf32> to vector<1x16xf32>
      tpu.vector_store %arg10[%swap3A_257, %swap3A_258], %swap3A_261 {strides = array<i32>} : memref<32x768xf32, #tpu.memory_space<vmem>>, vector<1x16xf32>,
      %get3A_262 = arith.index_cast %scan3A_90 : i32 to index
      %get3A_263 = arith.constant 160 : index
      %get3A_264 = tpu.vector_load %arg10[%get3A_262, %get3A_263] {strides = array<i32>} : memref<32x768xf32, #tpu.memory_space<vmem>>, vector<1x16xf32>,
      %get3A_265 = vector.shape_cast %get3A_264 : vector<1x16xf32> to vector<16xf32>
      %mul3A_266 = arith.mulf %get3A_265, %get3A_96 : vector<16xf32>
      %get3A_267 = arith.index_cast %scan3A_90 : i32 to index
      %get3A_268 = arith.constant 160 : index
      %get3A_269 = tpu.vector_load %arg11[%get3A_267, %get3A_268] {strides = array<i32>} : memref<32x768xf32, #tpu.memory_space<vmem>>, vector<1x16xf32>,
      %get3A_270 = vector.shape_cast %get3A_269 : vector<1x16xf32> to vector<16xf32>
      %mul3A_271 = arith.mulf %get3A_270, %get3A_102 : vector<16xf32>
      %add3A_272 = arith.addf %mul3A_266, %mul3A_271 : vector<16xf32>
      %swap3A_273 = arith.index_cast %scan3A_90 : i32 to index
      %swap3A_274 = arith.constant 160 : index
      %swap3A_275 = tpu.vector_load %arg10[%swap3A_273, %swap3A_274] {strides = array<i32>} : memref<32x768xf32, #tpu.memory_space<vmem>>, vector<1x16xf32>,
      %swap3A_276 = vector.shape_cast %swap3A_275 : vector<1x16xf32> to vector<16xf32>
      %swap3A_277 = vector.shape_cast %add3A_272 : vector<16xf32> to vector<1x16xf32>
      tpu.vector_store %arg10[%swap3A_273, %swap3A_274], %swap3A_277 {strides = array<i32>} : memref<32x768xf32, #tpu.memory_space<vmem>>, vector<1x16xf32>,
      %get3A_278 = arith.index_cast %scan3A_90 : i32 to index
      %get3A_279 = arith.constant 176 : index
      %get3A_280 = tpu.vector_load %arg10[%get3A_278, %get3A_279] {strides = array<i32>} : memref<32x768xf32, #tpu.memory_space<vmem>>, vector<1x16xf32>,
      %get3A_281 = vector.shape_cast %get3A_280 : vector<1x16xf32> to vector<16xf32>
      %mul3A_282 = arith.mulf %get3A_281, %get3A_96 : vector<16xf32>
      %get3A_283 = arith.index_cast %scan3A_90 : i32 to index
      %get3A_284 = arith.constant 176 : index
      %get3A_285 = tpu.vector_load %arg11[%get3A_283, %get3A_284] {strides = array<i32>} : memref<32x768xf32, #tpu.memory_space<vmem>>, vector<1x16xf32>,
      %get3A_286 = vector.shape_cast %get3A_285 : vector<1x16xf32> to vector<16xf32>
      %mul3A_287 = arith.mulf %get3A_286, %get3A_102 : vector<16xf32>
      %add3A_288 = arith.addf %mul3A_282, %mul3A_287 : vector<16xf32>
      %swap3A_289 = arith.index_cast %scan3A_90 : i32 to index
      %swap3A_290 = arith.constant 176 : index
      %swap3A_291 = tpu.vector_load %arg10[%swap3A_289, %swap3A_290] {strides = array<i32>} : memref<32x768xf32, #tpu.memory_space<vmem>>, vector<1x16xf32>,
      %swap3A_292 = vector.shape_cast %swap3A_291 : vector<1x16xf32> to vector<16xf32>
      %swap3A_293 = vector.shape_cast %add3A_288 : vector<16xf32> to vector<1x16xf32>
      tpu.vector_store %arg10[%swap3A_289, %swap3A_290], %swap3A_293 {strides = array<i32>} : memref<32x768xf32, #tpu.memory_space<vmem>>, vector<1x16xf32>,
      %get3A_294 = arith.index_cast %scan3A_90 : i32 to index
      %get3A_295 = arith.constant 192 : index
      %get3A_296 = tpu.vector_load %arg10[%get3A_294, %get3A_295] {strides = array<i32>} : memref<32x768xf32, #tpu.memory_space<vmem>>, vector<1x16xf32>,
      %get3A_297 = vector.shape_cast %get3A_296 : vector<1x16xf32> to vector<16xf32>
      %mul3A_298 = arith.mulf %get3A_297, %get3A_96 : vector<16xf32>
      %get3A_299 = arith.index_cast %scan3A_90 : i32 to index
      %get3A_300 = arith.constant 192 : index
      %get3A_301 = tpu.vector_load %arg11[%get3A_299, %get3A_300] {strides = array<i32>} : memref<32x768xf32, #tpu.memory_space<vmem>>, vector<1x16xf32>,
      %get3A_302 = vector.shape_cast %get3A_301 : vector<1x16xf32> to vector<16xf32>
      %mul3A_303 = arith.mulf %get3A_302, %get3A_102 : vector<16xf32>
      %add3A_304 = arith.addf %mul3A_298, %mul3A_303 : vector<16xf32>
      %swap3A_305 = arith.index_cast %scan3A_90 : i32 to index
      %swap3A_306 = arith.constant 192 : index
      %swap3A_307 = tpu.vector_load %arg10[%swap3A_305, %swap3A_306] {strides = array<i32>} : memref<32x768xf32, #tpu.memory_space<vmem>>, vector<1x16xf32>,
      %swap3A_308 = vector.shape_cast %swap3A_307 : vector<1x16xf32> to vector<16xf32>
      %swap3A_309 = vector.shape_cast %add3A_304 : vector<16xf32> to vector<1x16xf32>
      tpu.vector_store %arg10[%swap3A_305, %swap3A_306], %swap3A_309 {strides = array<i32>} : memref<32x768xf32, #tpu.memory_space<vmem>>, vector<1x16xf32>,
      %get3A_310 = arith.index_cast %scan3A_90 : i32 to index
      %get3A_311 = arith.constant 208 : index
      %get3A_312 = tpu.vector_load %arg10[%get3A_310, %get3A_311] {strides = array<i32>} : memref<32x768xf32, #tpu.memory_space<vmem>>, vector<1x16xf32>,
      %get3A_313 = vector.shape_cast %get3A_312 : vector<1x16xf32> to vector<16xf32>
      %mul3A_314 = arith.mulf %get3A_313, %get3A_96 : vector<16xf32>
      %get3A_315 = arith.index_cast %scan3A_90 : i32 to index
      %get3A_316 = arith.constant 208 : index
      %get3A_317 = tpu.vector_load %arg11[%get3A_315, %get3A_316] {strides = array<i32>} : memref<32x768xf32, #tpu.memory_space<vmem>>, vector<1x16xf32>,
      %get3A_318 = vector.shape_cast %get3A_317 : vector<1x16xf32> to vector<16xf32>
      %mul3A_319 = arith.mulf %get3A_318, %get3A_102 : vector<16xf32>
      %add3A_320 = arith.addf %mul3A_314, %mul3A_319 : vector<16xf32>
      %swap3A_321 = arith.index_cast %scan3A_90 : i32 to index
      %swap3A_322 = arith.constant 208 : index
      %swap3A_323 = tpu.vector_load %arg10[%swap3A_321, %swap3A_322] {strides = array<i32>} : memref<32x768xf32, #tpu.memory_space<vmem>>, vector<1x16xf32>,
      %swap3A_324 = vector.shape_cast %swap3A_323 : vector<1x16xf32> to vector<16xf32>
      %swap3A_325 = vector.shape_cast %add3A_320 : vector<16xf32> to vector<1x16xf32>
      tpu.vector_store %arg10[%swap3A_321, %swap3A_322], %swap3A_325 {strides = array<i32>} : memref<32x768xf32, #tpu.memory_space<vmem>>, vector<1x16xf32>,
      %get3A_326 = arith.index_cast %scan3A_90 : i32 to index
      %get3A_327 = arith.constant 224 : index
      %get3A_328 = tpu.vector_load %arg10[%get3A_326, %get3A_327] {strides = array<i32>} : memref<32x768xf32, #tpu.memory_space<vmem>>, vector<1x16xf32>,
      %get3A_329 = vector.shape_cast %get3A_328 : vector<1x16xf32> to vector<16xf32>
      %mul3A_330 = arith.mulf %get3A_329, %get3A_96 : vector<16xf32>
      %get3A_331 = arith.index_cast %scan3A_90 : i32 to index
      %get3A_332 = arith.constant 224 : index
      %get3A_333 = tpu.vector_load %arg11[%get3A_331, %get3A_332] {strides = array<i32>} : memref<32x768xf32, #tpu.memory_space<vmem>>, vector<1x16xf32>,
      %get3A_334 = vector.shape_cast %get3A_333 : vector<1x16xf32> to vector<16xf32>
      %mul3A_335 = arith.mulf %get3A_334, %get3A_102 : vector<16xf32>
      %add3A_336 = arith.addf %mul3A_330, %mul3A_335 : vector<16xf32>
      %swap3A_337 = arith.index_cast %scan3A_90 : i32 to index
      %swap3A_338 = arith.constant 224 : index
      %swap3A_339 = tpu.vector_load %arg10[%swap3A_337, %swap3A_338] {strides = array<i32>} : memref<32x768xf32, #tpu.memory_space<vmem>>, vector<1x16xf32>,
      %swap3A_340 = vector.shape_cast %swap3A_339 : vector<1x16xf32> to vector<16xf32>
      %swap3A_341 = vector.shape_cast %add3A_336 : vector<16xf32> to vector<1x16xf32>
      tpu.vector_store %arg10[%swap3A_337, %swap3A_338], %swap3A_341 {strides = array<i32>} : memref<32x768xf32, #tpu.memory_space<vmem>>, vector<1x16xf32>,
      %get3A_342 = arith.index_cast %scan3A_90 : i32 to index
      %get3A_343 = arith.constant 240 : index
      %get3A_344 = tpu.vector_load %arg10[%get3A_342, %get3A_343] {strides = array<i32>} : memref<32x768xf32, #tpu.memory_space<vmem>>, vector<1x16xf32>,
      %get3A_345 = vector.shape_cast %get3A_344 : vector<1x16xf32> to vector<16xf32>
      %mul3A_346 = arith.mulf %get3A_345, %get3A_96 : vector<16xf32>
      %get3A_347 = arith.index_cast %scan3A_90 : i32 to index
      %get3A_348 = arith.constant 240 : index
      %get3A_349 = tpu.vector_load %arg11[%get3A_347, %get3A_348] {strides = array<i32>} : memref<32x768xf32, #tpu.memory_space<vmem>>, vector<1x16xf32>,
      %get3A_350 = vector.shape_cast %get3A_349 : vector<1x16xf32> to vector<16xf32>
      %mul3A_351 = arith.mulf %get3A_350, %get3A_102 : vector<16xf32>
      %add3A_352 = arith.addf %mul3A_346, %mul3A_351 : vector<16xf32>
      %swap3A_353 = arith.index_cast %scan3A_90 : i32 to index
      %swap3A_354 = arith.constant 240 : index
      %swap3A_355 = tpu.vector_load %arg10[%swap3A_353, %swap3A_354] {strides = array<i32>} : memref<32x768xf32, #tpu.memory_space<vmem>>, vector<1x16xf32>,
      %swap3A_356 = vector.shape_cast %swap3A_355 : vector<1x16xf32> to vector<16xf32>
      %swap3A_357 = vector.shape_cast %add3A_352 : vector<16xf32> to vector<1x16xf32>
      tpu.vector_store %arg10[%swap3A_353, %swap3A_354], %swap3A_357 {strides = array<i32>} : memref<32x768xf32, #tpu.memory_space<vmem>>, vector<1x16xf32>,
      %get3A_358 = arith.index_cast %scan3A_90 : i32 to index
      %get3A_359 = arith.constant 256 : index
      %get3A_360 = tpu.vector_load %arg10[%get3A_358, %get3A_359] {strides = array<i32>} : memref<32x768xf32, #tpu.memory_space<vmem>>, vector<1x16xf32>,
      %get3A_361 = vector.shape_cast %get3A_360 : vector<1x16xf32> to vector<16xf32>
      %mul3A_362 = arith.mulf %get3A_361, %get3A_96 : vector<16xf32>
      %get3A_363 = arith.index_cast %scan3A_90 : i32 to index
      %get3A_364 = arith.constant 256 : index
      %get3A_365 = tpu.vector_load %arg11[%get3A_363, %get3A_364] {strides = array<i32>} : memref<32x768xf32, #tpu.memory_space<vmem>>, vector<1x16xf32>,
      %get3A_366 = vector.shape_cast %get3A_365 : vector<1x16xf32> to vector<16xf32>
      %mul3A_367 = arith.mulf %get3A_366, %get3A_102 : vector<16xf32>
      %add3A_368 = arith.addf %mul3A_362, %mul3A_367 : vector<16xf32>
      %swap3A_369 = arith.index_cast %scan3A_90 : i32 to index
      %swap3A_370 = arith.constant 256 : index
      %swap3A_371 = tpu.vector_load %arg10[%swap3A_369, %swap3A_370] {strides = array<i32>} : memref<32x768xf32, #tpu.memory_space<vmem>>, vector<1x16xf32>,
      %swap3A_372 = vector.shape_cast %swap3A_371 : vector<1x16xf32> to vector<16xf32>
      %swap3A_373 = vector.shape_cast %add3A_368 : vector<16xf32> to vector<1x16xf32>
      tpu.vector_store %arg10[%swap3A_369, %swap3A_370], %swap3A_373 {strides = array<i32>} : memref<32x768xf32, #tpu.memory_space<vmem>>, vector<1x16xf32>,
      %get3A_374 = arith.index_cast %scan3A_90 : i32 to index
      %get3A_375 = arith.constant 272 : index
      %get3A_376 = tpu.vector_load %arg10[%get3A_374, %get3A_375] {strides = array<i32>} : memref<32x768xf32, #tpu.memory_space<vmem>>, vector<1x16xf32>,
      %get3A_377 = vector.shape_cast %get3A_376 : vector<1x16xf32> to vector<16xf32>
      %mul3A_378 = arith.mulf %get3A_377, %get3A_96 : vector<16xf32>
      %get3A_379 = arith.index_cast %scan3A_90 : i32 to index
      %get3A_380 = arith.constant 272 : index
      %get3A_381 = tpu.vector_load %arg11[%get3A_379, %get3A_380] {strides = array<i32>} : memref<32x768xf32, #tpu.memory_space<vmem>>, vector<1x16xf32>,
      %get3A_382 = vector.shape_cast %get3A_381 : vector<1x16xf32> to vector<16xf32>
      %mul3A_383 = arith.mulf %get3A_382, %get3A_102 : vector<16xf32>
      %add3A_384 = arith.addf %mul3A_378, %mul3A_383 : vector<16xf32>
      %swap3A_385 = arith.index_cast %scan3A_90 : i32 to index
      %swap3A_386 = arith.constant 272 : index
      %swap3A_387 = tpu.vector_load %arg10[%swap3A_385, %swap3A_386] {strides = array<i32>} : memref<32x768xf32, #tpu.memory_space<vmem>>, vector<1x16xf32>,
      %swap3A_388 = vector.shape_cast %swap3A_387 : vector<1x16xf32> to vector<16xf32>
      %swap3A_389 = vector.shape_cast %add3A_384 : vector<16xf32> to vector<1x16xf32>
      tpu.vector_store %arg10[%swap3A_385, %swap3A_386], %swap3A_389 {strides = array<i32>} : memref<32x768xf32, #tpu.memory_space<vmem>>, vector<1x16xf32>,
      %get3A_390 = arith.index_cast %scan3A_90 : i32 to index
      %get3A_391 = arith.constant 288 : index
      %get3A_392 = tpu.vector_load %arg10[%get3A_390, %get3A_391] {strides = array<i32>} : memref<32x768xf32, #tpu.memory_space<vmem>>, vector<1x16xf32>,
      %get3A_393 = vector.shape_cast %get3A_392 : vector<1x16xf32> to vector<16xf32>
      %mul3A_394 = arith.mulf %get3A_393, %get3A_96 : vector<16xf32>
      %get3A_395 = arith.index_cast %scan3A_90 : i32 to index
      %get3A_396 = arith.constant 288 : index
      %get3A_397 = tpu.vector_load %arg11[%get3A_395, %get3A_396] {strides = array<i32>} : memref<32x768xf32, #tpu.memory_space<vmem>>, vector<1x16xf32>,
      %get3A_398 = vector.shape_cast %get3A_397 : vector<1x16xf32> to vector<16xf32>
      %mul3A_399 = arith.mulf %get3A_398, %get3A_102 : vector<16xf32>
      %add3A_400 = arith.addf %mul3A_394, %mul3A_399 : vector<16xf32>
      %swap3A_401 = arith.index_cast %scan3A_90 : i32 to index
      %swap3A_402 = arith.constant 288 : index
      %swap3A_403 = tpu.vector_load %arg10[%swap3A_401, %swap3A_402] {strides = array<i32>} : memref<32x768xf32, #tpu.memory_space<vmem>>, vector<1x16xf32>,
      %swap3A_404 = vector.shape_cast %swap3A_403 : vector<1x16xf32> to vector<16xf32>
      %swap3A_405 = vector.shape_cast %add3A_400 : vector<16xf32> to vector<1x16xf32>
      tpu.vector_store %arg10[%swap3A_401, %swap3A_402], %swap3A_405 {strides = array<i32>} : memref<32x768xf32, #tpu.memory_space<vmem>>, vector<1x16xf32>,
      %get3A_406 = arith.index_cast %scan3A_90 : i32 to index
      %get3A_407 = arith.constant 304 : index
      %get3A_408 = tpu.vector_load %arg10[%get3A_406, %get3A_407] {strides = array<i32>} : memref<32x768xf32, #tpu.memory_space<vmem>>, vector<1x16xf32>,
      %get3A_409 = vector.shape_cast %get3A_408 : vector<1x16xf32> to vector<16xf32>
      %mul3A_410 = arith.mulf %get3A_409, %get3A_96 : vector<16xf32>
      %get3A_411 = arith.index_cast %scan3A_90 : i32 to index
      %get3A_412 = arith.constant 304 : index
      %get3A_413 = tpu.vector_load %arg11[%get3A_411, %get3A_412] {strides = array<i32>} : memref<32x768xf32, #tpu.memory_space<vmem>>, vector<1x16xf32>,
      %get3A_414 = vector.shape_cast %get3A_413 : vector<1x16xf32> to vector<16xf32>
      %mul3A_415 = arith.mulf %get3A_414, %get3A_102 : vector<16xf32>
      %add3A_416 = arith.addf %mul3A_410, %mul3A_415 : vector<16xf32>
      %swap3A_417 = arith.index_cast %scan3A_90 : i32 to index
      %swap3A_418 = arith.constant 304 : index
      %swap3A_419 = tpu.vector_load %arg10[%swap3A_417, %swap3A_418] {strides = array<i32>} : memref<32x768xf32, #tpu.memory_space<vmem>>, vector<1x16xf32>,
      %swap3A_420 = vector.shape_cast %swap3A_419 : vector<1x16xf32> to vector<16xf32>
      %swap3A_421 = vector.shape_cast %add3A_416 : vector<16xf32> to vector<1x16xf32>
      tpu.vector_store %arg10[%swap3A_417, %swap3A_418], %swap3A_421 {strides = array<i32>} : memref<32x768xf32, #tpu.memory_space<vmem>>, vector<1x16xf32>,
      %get3A_422 = arith.index_cast %scan3A_90 : i32 to index
      %get3A_423 = arith.constant 320 : index
      %get3A_424 = tpu.vector_load %arg10[%get3A_422, %get3A_423] {strides = array<i32>} : memref<32x768xf32, #tpu.memory_space<vmem>>, vector<1x16xf32>,
      %get3A_425 = vector.shape_cast %get3A_424 : vector<1x16xf32> to vector<16xf32>
      %mul3A_426 = arith.mulf %get3A_425, %get3A_96 : vector<16xf32>
      %get3A_427 = arith.index_cast %scan3A_90 : i32 to index
      %get3A_428 = arith.constant 320 : index
      %get3A_429 = tpu.vector_load %arg11[%get3A_427, %get3A_428] {strides = array<i32>} : memref<32x768xf32, #tpu.memory_space<vmem>>, vector<1x16xf32>,
      %get3A_430 = vector.shape_cast %get3A_429 : vector<1x16xf32> to vector<16xf32>
      %mul3A_431 = arith.mulf %get3A_430, %get3A_102 : vector<16xf32>
      %add3A_432 = arith.addf %mul3A_426, %mul3A_431 : vector<16xf32>
      %swap3A_433 = arith.index_cast %scan3A_90 : i32 to index
      %swap3A_434 = arith.constant 320 : index
      %swap3A_435 = tpu.vector_load %arg10[%swap3A_433, %swap3A_434] {strides = array<i32>} : memref<32x768xf32, #tpu.memory_space<vmem>>, vector<1x16xf32>,
      %swap3A_436 = vector.shape_cast %swap3A_435 : vector<1x16xf32> to vector<16xf32>
      %swap3A_437 = vector.shape_cast %add3A_432 : vector<16xf32> to vector<1x16xf32>
      tpu.vector_store %arg10[%swap3A_433, %swap3A_434], %swap3A_437 {strides = array<i32>} : memref<32x768xf32, #tpu.memory_space<vmem>>, vector<1x16xf32>,
      %get3A_438 = arith.index_cast %scan3A_90 : i32 to index
      %get3A_439 = arith.constant 336 : index
      %get3A_440 = tpu.vector_load %arg10[%get3A_438, %get3A_439] {strides = array<i32>} : memref<32x768xf32, #tpu.memory_space<vmem>>, vector<1x16xf32>,
      %get3A_441 = vector.shape_cast %get3A_440 : vector<1x16xf32> to vector<16xf32>
      %mul3A_442 = arith.mulf %get3A_441, %get3A_96 : vector<16xf32>
      %get3A_443 = arith.index_cast %scan3A_90 : i32 to index
      %get3A_444 = arith.constant 336 : index
      %get3A_445 = tpu.vector_load %arg11[%get3A_443, %get3A_444] {strides = array<i32>} : memref<32x768xf32, #tpu.memory_space<vmem>>, vector<1x16xf32>,
      %get3A_446 = vector.shape_cast %get3A_445 : vector<1x16xf32> to vector<16xf32>
      %mul3A_447 = arith.mulf %get3A_446, %get3A_102 : vector<16xf32>
      %add3A_448 = arith.addf %mul3A_442, %mul3A_447 : vector<16xf32>
      %swap3A_449 = arith.index_cast %scan3A_90 : i32 to index
      %swap3A_450 = arith.constant 336 : index
      %swap3A_451 = tpu.vector_load %arg10[%swap3A_449, %swap3A_450] {strides = array<i32>} : memref<32x768xf32, #tpu.memory_space<vmem>>, vector<1x16xf32>,
      %swap3A_452 = vector.shape_cast %swap3A_451 : vector<1x16xf32> to vector<16xf32>
      %swap3A_453 = vector.shape_cast %add3A_448 : vector<16xf32> to vector<1x16xf32>
      tpu.vector_store %arg10[%swap3A_449, %swap3A_450], %swap3A_453 {strides = array<i32>} : memref<32x768xf32, #tpu.memory_space<vmem>>, vector<1x16xf32>,
      %get3A_454 = arith.index_cast %scan3A_90 : i32 to index
      %get3A_455 = arith.constant 352 : index
      %get3A_456 = tpu.vector_load %arg10[%get3A_454, %get3A_455] {strides = array<i32>} : memref<32x768xf32, #tpu.memory_space<vmem>>, vector<1x16xf32>,
      %get3A_457 = vector.shape_cast %get3A_456 : vector<1x16xf32> to vector<16xf32>
      %mul3A_458 = arith.mulf %get3A_457, %get3A_96 : vector<16xf32>
      %get3A_459 = arith.index_cast %scan3A_90 : i32 to index
      %get3A_460 = arith.constant 352 : index
      %get3A_461 = tpu.vector_load %arg11[%get3A_459, %get3A_460] {strides = array<i32>} : memref<32x768xf32, #tpu.memory_space<vmem>>, vector<1x16xf32>,
      %get3A_462 = vector.shape_cast %get3A_461 : vector<1x16xf32> to vector<16xf32>
      %mul3A_463 = arith.mulf %get3A_462, %get3A_102 : vector<16xf32>
      %add3A_464 = arith.addf %mul3A_458, %mul3A_463 : vector<16xf32>
      %swap3A_465 = arith.index_cast %scan3A_90 : i32 to index
      %swap3A_466 = arith.constant 352 : index
      %swap3A_467 = tpu.vector_load %arg10[%swap3A_465, %swap3A_466] {strides = array<i32>} : memref<32x768xf32, #tpu.memory_space<vmem>>, vector<1x16xf32>,
      %swap3A_468 = vector.shape_cast %swap3A_467 : vector<1x16xf32> to vector<16xf32>
      %swap3A_469 = vector.shape_cast %add3A_464 : vector<16xf32> to vector<1x16xf32>
      tpu.vector_store %arg10[%swap3A_465, %swap3A_466], %swap3A_469 {strides = array<i32>} : memref<32x768xf32, #tpu.memory_space<vmem>>, vector<1x16xf32>,
      %get3A_470 = arith.index_cast %scan3A_90 : i32 to index
      %get3A_471 = arith.constant 368 : index
      %get3A_472 = tpu.vector_load %arg10[%get3A_470, %get3A_471] {strides = array<i32>} : memref<32x768xf32, #tpu.memory_space<vmem>>, vector<1x16xf32>,
      %get3A_473 = vector.shape_cast %get3A_472 : vector<1x16xf32> to vector<16xf32>
      %mul3A_474 = arith.mulf %get3A_473, %get3A_96 : vector<16xf32>
      %get3A_475 = arith.index_cast %scan3A_90 : i32 to index
      %get3A_476 = arith.constant 368 : index
      %get3A_477 = tpu.vector_load %arg11[%get3A_475, %get3A_476] {strides = array<i32>} : memref<32x768xf32, #tpu.memory_space<vmem>>, vector<1x16xf32>,
      %get3A_478 = vector.shape_cast %get3A_477 : vector<1x16xf32> to vector<16xf32>
      %mul3A_479 = arith.mulf %get3A_478, %get3A_102 : vector<16xf32>
      %add3A_480 = arith.addf %mul3A_474, %mul3A_479 : vector<16xf32>
      %swap3A_481 = arith.index_cast %scan3A_90 : i32 to index
      %swap3A_482 = arith.constant 368 : index
      %swap3A_483 = tpu.vector_load %arg10[%swap3A_481, %swap3A_482] {strides = array<i32>} : memref<32x768xf32, #tpu.memory_space<vmem>>, vector<1x16xf32>,
      %swap3A_484 = vector.shape_cast %swap3A_483 : vector<1x16xf32> to vector<16xf32>
      %swap3A_485 = vector.shape_cast %add3A_480 : vector<16xf32> to vector<1x16xf32>
      tpu.vector_store %arg10[%swap3A_481, %swap3A_482], %swap3A_485 {strides = array<i32>} : memref<32x768xf32, #tpu.memory_space<vmem>>, vector<1x16xf32>,
      %get3A_486 = arith.index_cast %scan3A_90 : i32 to index
      %get3A_487 = arith.constant 384 : index
      %get3A_488 = tpu.vector_load %arg10[%get3A_486, %get3A_487] {strides = array<i32>} : memref<32x768xf32, #tpu.memory_space<vmem>>, vector<1x16xf32>,
      %get3A_489 = vector.shape_cast %get3A_488 : vector<1x16xf32> to vector<16xf32>
      %mul3A_490 = arith.mulf %get3A_489, %get3A_96 : vector<16xf32>
      %get3A_491 = arith.index_cast %scan3A_90 : i32 to index
      %get3A_492 = arith.constant 384 : index
      %get3A_493 = tpu.vector_load %arg11[%get3A_491, %get3A_492] {strides = array<i32>} : memref<32x768xf32, #tpu.memory_space<vmem>>, vector<1x16xf32>,
      %get3A_494 = vector.shape_cast %get3A_493 : vector<1x16xf32> to vector<16xf32>
      %mul3A_495 = arith.mulf %get3A_494, %get3A_102 : vector<16xf32>
      %add3A_496 = arith.addf %mul3A_490, %mul3A_495 : vector<16xf32>
      %swap3A_497 = arith.index_cast %scan3A_90 : i32 to index
      %swap3A_498 = arith.constant 384 : index
      %swap3A_499 = tpu.vector_load %arg10[%swap3A_497, %swap3A_498] {strides = array<i32>} : memref<32x768xf32, #tpu.memory_space<vmem>>, vector<1x16xf32>,
      %swap3A_500 = vector.shape_cast %swap3A_499 : vector<1x16xf32> to vector<16xf32>
      %swap3A_501 = vector.shape_cast %add3A_496 : vector<16xf32> to vector<1x16xf32>
      tpu.vector_store %arg10[%swap3A_497, %swap3A_498], %swap3A_501 {strides = array<i32>} : memref<32x768xf32, #tpu.memory_space<vmem>>, vector<1x16xf32>,
      %get3A_502 = arith.index_cast %scan3A_90 : i32 to index
      %get3A_503 = arith.constant 400 : index
      %get3A_504 = tpu.vector_load %arg10[%get3A_502, %get3A_503] {strides = array<i32>} : memref<32x768xf32, #tpu.memory_space<vmem>>, vector<1x16xf32>,
      %get3A_505 = vector.shape_cast %get3A_504 : vector<1x16xf32> to vector<16xf32>
      %mul3A_506 = arith.mulf %get3A_505, %get3A_96 : vector<16xf32>
      %get3A_507 = arith.index_cast %scan3A_90 : i32 to index
      %get3A_508 = arith.constant 400 : index
      %get3A_509 = tpu.vector_load %arg11[%get3A_507, %get3A_508] {strides = array<i32>} : memref<32x768xf32, #tpu.memory_space<vmem>>, vector<1x16xf32>,
      %get3A_510 = vector.shape_cast %get3A_509 : vector<1x16xf32> to vector<16xf32>
      %mul3A_511 = arith.mulf %get3A_510, %get3A_102 : vector<16xf32>
      %add3A_512 = arith.addf %mul3A_506, %mul3A_511 : vector<16xf32>
      %swap3A_513 = arith.index_cast %scan3A_90 : i32 to index
      %swap3A_514 = arith.constant 400 : index
      %swap3A_515 = tpu.vector_load %arg10[%swap3A_513, %swap3A_514] {strides = array<i32>} : memref<32x768xf32, #tpu.memory_space<vmem>>, vector<1x16xf32>,
      %swap3A_516 = vector.shape_cast %swap3A_515 : vector<1x16xf32> to vector<16xf32>
      %swap3A_517 = vector.shape_cast %add3A_512 : vector<16xf32> to vector<1x16xf32>
      tpu.vector_store %arg10[%swap3A_513, %swap3A_514], %swap3A_517 {strides = array<i32>} : memref<32x768xf32, #tpu.memory_space<vmem>>, vector<1x16xf32>,
      %get3A_518 = arith.index_cast %scan3A_90 : i32 to index
      %get3A_519 = arith.constant 416 : index
      %get3A_520 = tpu.vector_load %arg10[%get3A_518, %get3A_519] {strides = array<i32>} : memref<32x768xf32, #tpu.memory_space<vmem>>, vector<1x16xf32>,
      %get3A_521 = vector.shape_cast %get3A_520 : vector<1x16xf32> to vector<16xf32>
      %mul3A_522 = arith.mulf %get3A_521, %get3A_96 : vector<16xf32>
      %get3A_523 = arith.index_cast %scan3A_90 : i32 to index
      %get3A_524 = arith.constant 416 : index
      %get3A_525 = tpu.vector_load %arg11[%get3A_523, %get3A_524] {strides = array<i32>} : memref<32x768xf32, #tpu.memory_space<vmem>>, vector<1x16xf32>,
      %get3A_526 = vector.shape_cast %get3A_525 : vector<1x16xf32> to vector<16xf32>
      %mul3A_527 = arith.mulf %get3A_526, %get3A_102 : vector<16xf32>
      %add3A_528 = arith.addf %mul3A_522, %mul3A_527 : vector<16xf32>
      %swap3A_529 = arith.index_cast %scan3A_90 : i32 to index
      %swap3A_530 = arith.constant 416 : index
      %swap3A_531 = tpu.vector_load %arg10[%swap3A_529, %swap3A_530] {strides = array<i32>} : memref<32x768xf32, #tpu.memory_space<vmem>>, vector<1x16xf32>,
      %swap3A_532 = vector.shape_cast %swap3A_531 : vector<1x16xf32> to vector<16xf32>
      %swap3A_533 = vector.shape_cast %add3A_528 : vector<16xf32> to vector<1x16xf32>
      tpu.vector_store %arg10[%swap3A_529, %swap3A_530], %swap3A_533 {strides = array<i32>} : memref<32x768xf32, #tpu.memory_space<vmem>>, vector<1x16xf32>,
      %get3A_534 = arith.index_cast %scan3A_90 : i32 to index
      %get3A_535 = arith.constant 432 : index
      %get3A_536 = tpu.vector_load %arg10[%get3A_534, %get3A_535] {strides = array<i32>} : memref<32x768xf32, #tpu.memory_space<vmem>>, vector<1x16xf32>,
      %get3A_537 = vector.shape_cast %get3A_536 : vector<1x16xf32> to vector<16xf32>
      %mul3A_538 = arith.mulf %get3A_537, %get3A_96 : vector<16xf32>
      %get3A_539 = arith.index_cast %scan3A_90 : i32 to index
      %get3A_540 = arith.constant 432 : index
      %get3A_541 = tpu.vector_load %arg11[%get3A_539, %get3A_540] {strides = array<i32>} : memref<32x768xf32, #tpu.memory_space<vmem>>, vector<1x16xf32>,
      %get3A_542 = vector.shape_cast %get3A_541 : vector<1x16xf32> to vector<16xf32>
      %mul3A_543 = arith.mulf %get3A_542, %get3A_102 : vector<16xf32>
      %add3A_544 = arith.addf %mul3A_538, %mul3A_543 : vector<16xf32>
      %swap3A_545 = arith.index_cast %scan3A_90 : i32 to index
      %swap3A_546 = arith.constant 432 : index
      %swap3A_547 = tpu.vector_load %arg10[%swap3A_545, %swap3A_546] {strides = array<i32>} : memref<32x768xf32, #tpu.memory_space<vmem>>, vector<1x16xf32>,
      %swap3A_548 = vector.shape_cast %swap3A_547 : vector<1x16xf32> to vector<16xf32>
      %swap3A_549 = vector.shape_cast %add3A_544 : vector<16xf32> to vector<1x16xf32>
      tpu.vector_store %arg10[%swap3A_545, %swap3A_546], %swap3A_549 {strides = array<i32>} : memref<32x768xf32, #tpu.memory_space<vmem>>, vector<1x16xf32>,
      %get3A_550 = arith.index_cast %scan3A_90 : i32 to index
      %get3A_551 = arith.constant 448 : index
      %get3A_552 = tpu.vector_load %arg10[%get3A_550, %get3A_551] {strides = array<i32>} : memref<32x768xf32, #tpu.memory_space<vmem>>, vector<1x16xf32>,
      %get3A_553 = vector.shape_cast %get3A_552 : vector<1x16xf32> to vector<16xf32>
      %mul3A_554 = arith.mulf %get3A_553, %get3A_96 : vector<16xf32>
      %get3A_555 = arith.index_cast %scan3A_90 : i32 to index
      %get3A_556 = arith.constant 448 : index
      %get3A_557 = tpu.vector_load %arg11[%get3A_555, %get3A_556] {strides = array<i32>} : memref<32x768xf32, #tpu.memory_space<vmem>>, vector<1x16xf32>,
      %get3A_558 = vector.shape_cast %get3A_557 : vector<1x16xf32> to vector<16xf32>
      %mul3A_559 = arith.mulf %get3A_558, %get3A_102 : vector<16xf32>
      %add3A_560 = arith.addf %mul3A_554, %mul3A_559 : vector<16xf32>
      %swap3A_561 = arith.index_cast %scan3A_90 : i32 to index
      %swap3A_562 = arith.constant 448 : index
      %swap3A_563 = tpu.vector_load %arg10[%swap3A_561, %swap3A_562] {strides = array<i32>} : memref<32x768xf32, #tpu.memory_space<vmem>>, vector<1x16xf32>,
      %swap3A_564 = vector.shape_cast %swap3A_563 : vector<1x16xf32> to vector<16xf32>
      %swap3A_565 = vector.shape_cast %add3A_560 : vector<16xf32> to vector<1x16xf32>
      tpu.vector_store %arg10[%swap3A_561, %swap3A_562], %swap3A_565 {strides = array<i32>} : memref<32x768xf32, #tpu.memory_space<vmem>>, vector<1x16xf32>,
      %get3A_566 = arith.index_cast %scan3A_90 : i32 to index
      %get3A_567 = arith.constant 464 : index
      %get3A_568 = tpu.vector_load %arg10[%get3A_566, %get3A_567] {strides = array<i32>} : memref<32x768xf32, #tpu.memory_space<vmem>>, vector<1x16xf32>,
      %get3A_569 = vector.shape_cast %get3A_568 : vector<1x16xf32> to vector<16xf32>
      %mul3A_570 = arith.mulf %get3A_569, %get3A_96 : vector<16xf32>
      %get3A_571 = arith.index_cast %scan3A_90 : i32 to index
      %get3A_572 = arith.constant 464 : index
      %get3A_573 = tpu.vector_load %arg11[%get3A_571, %get3A_572] {strides = array<i32>} : memref<32x768xf32, #tpu.memory_space<vmem>>, vector<1x16xf32>,
      %get3A_574 = vector.shape_cast %get3A_573 : vector<1x16xf32> to vector<16xf32>
      %mul3A_575 = arith.mulf %get3A_574, %get3A_102 : vector<16xf32>
      %add3A_576 = arith.addf %mul3A_570, %mul3A_575 : vector<16xf32>
      %swap3A_577 = arith.index_cast %scan3A_90 : i32 to index
      %swap3A_578 = arith.constant 464 : index
      %swap3A_579 = tpu.vector_load %arg10[%swap3A_577, %swap3A_578] {strides = array<i32>} : memref<32x768xf32, #tpu.memory_space<vmem>>, vector<1x16xf32>,
      %swap3A_580 = vector.shape_cast %swap3A_579 : vector<1x16xf32> to vector<16xf32>
      %swap3A_581 = vector.shape_cast %add3A_576 : vector<16xf32> to vector<1x16xf32>
      tpu.vector_store %arg10[%swap3A_577, %swap3A_578], %swap3A_581 {strides = array<i32>} : memref<32x768xf32, #tpu.memory_space<vmem>>, vector<1x16xf32>,
      %get3A_582 = arith.index_cast %scan3A_90 : i32 to index
      %get3A_583 = arith.constant 480 : index
      %get3A_584 = tpu.vector_load %arg10[%get3A_582, %get3A_583] {strides = array<i32>} : memref<32x768xf32, #tpu.memory_space<vmem>>, vector<1x16xf32>,
      %get3A_585 = vector.shape_cast %get3A_584 : vector<1x16xf32> to vector<16xf32>
      %mul3A_586 = arith.mulf %get3A_585, %get3A_96 : vector<16xf32>
      %get3A_587 = arith.index_cast %scan3A_90 : i32 to index
      %get3A_588 = arith.constant 480 : index
      %get3A_589 = tpu.vector_load %arg11[%get3A_587, %get3A_588] {strides = array<i32>} : memref<32x768xf32, #tpu.memory_space<vmem>>, vector<1x16xf32>,
      %get3A_590 = vector.shape_cast %get3A_589 : vector<1x16xf32> to vector<16xf32>
      %mul3A_591 = arith.mulf %get3A_590, %get3A_102 : vector<16xf32>
      %add3A_592 = arith.addf %mul3A_586, %mul3A_591 : vector<16xf32>
      %swap3A_593 = arith.index_cast %scan3A_90 : i32 to index
      %swap3A_594 = arith.constant 480 : index
      %swap3A_595 = tpu.vector_load %arg10[%swap3A_593, %swap3A_594] {strides = array<i32>} : memref<32x768xf32, #tpu.memory_space<vmem>>, vector<1x16xf32>,
      %swap3A_596 = vector.shape_cast %swap3A_595 : vector<1x16xf32> to vector<16xf32>
      %swap3A_597 = vector.shape_cast %add3A_592 : vector<16xf32> to vector<1x16xf32>
      tpu.vector_store %arg10[%swap3A_593, %swap3A_594], %swap3A_597 {strides = array<i32>} : memref<32x768xf32, #tpu.memory_space<vmem>>, vector<1x16xf32>,
      %get3A_598 = arith.index_cast %scan3A_90 : i32 to index
      %get3A_599 = arith.constant 496 : index
      %get3A_600 = tpu.vector_load %arg10[%get3A_598, %get3A_599] {strides = array<i32>} : memref<32x768xf32, #tpu.memory_space<vmem>>, vector<1x16xf32>,
      %get3A_601 = vector.shape_cast %get3A_600 : vector<1x16xf32> to vector<16xf32>
      %mul3A_602 = arith.mulf %get3A_601, %get3A_96 : vector<16xf32>
      %get3A_603 = arith.index_cast %scan3A_90 : i32 to index
      %get3A_604 = arith.constant 496 : index
      %get3A_605 = tpu.vector_load %arg11[%get3A_603, %get3A_604] {strides = array<i32>} : memref<32x768xf32, #tpu.memory_space<vmem>>, vector<1x16xf32>,
      %get3A_606 = vector.shape_cast %get3A_605 : vector<1x16xf32> to vector<16xf32>
      %mul3A_607 = arith.mulf %get3A_606, %get3A_102 : vector<16xf32>
      %add3A_608 = arith.addf %mul3A_602, %mul3A_607 : vector<16xf32>
      %swap3A_609 = arith.index_cast %scan3A_90 : i32 to index
      %swap3A_610 = arith.constant 496 : index
      %swap3A_611 = tpu.vector_load %arg10[%swap3A_609, %swap3A_610] {strides = array<i32>} : memref<32x768xf32, #tpu.memory_space<vmem>>, vector<1x16xf32>,
      %swap3A_612 = vector.shape_cast %swap3A_611 : vector<1x16xf32> to vector<16xf32>
      %swap3A_613 = vector.shape_cast %add3A_608 : vector<16xf32> to vector<1x16xf32>
      tpu.vector_store %arg10[%swap3A_609, %swap3A_610], %swap3A_613 {strides = array<i32>} : memref<32x768xf32, #tpu.memory_space<vmem>>, vector<1x16xf32>,
      %get3A_614 = arith.index_cast %scan3A_90 : i32 to index
      %get3A_615 = arith.constant 512 : index
      %get3A_616 = tpu.vector_load %arg10[%get3A_614, %get3A_615] {strides = array<i32>} : memref<32x768xf32, #tpu.memory_space<vmem>>, vector<1x16xf32>,
      %get3A_617 = vector.shape_cast %get3A_616 : vector<1x16xf32> to vector<16xf32>
      %mul3A_618 = arith.mulf %get3A_617, %get3A_96 : vector<16xf32>
      %get3A_619 = arith.index_cast %scan3A_90 : i32 to index
      %get3A_620 = arith.constant 512 : index
      %get3A_621 = tpu.vector_load %arg11[%get3A_619, %get3A_620] {strides = array<i32>} : memref<32x768xf32, #tpu.memory_space<vmem>>, vector<1x16xf32>,
      %get3A_622 = vector.shape_cast %get3A_621 : vector<1x16xf32> to vector<16xf32>
      %mul3A_623 = arith.mulf %get3A_622, %get3A_102 : vector<16xf32>
      %add3A_624 = arith.addf %mul3A_618, %mul3A_623 : vector<16xf32>
      %swap3A_625 = arith.index_cast %scan3A_90 : i32 to index
      %swap3A_626 = arith.constant 512 : index
      %swap3A_627 = tpu.vector_load %arg10[%swap3A_625, %swap3A_626] {strides = array<i32>} : memref<32x768xf32, #tpu.memory_space<vmem>>, vector<1x16xf32>,
      %swap3A_628 = vector.shape_cast %swap3A_627 : vector<1x16xf32> to vector<16xf32>
      %swap3A_629 = vector.shape_cast %add3A_624 : vector<16xf32> to vector<1x16xf32>
      tpu.vector_store %arg10[%swap3A_625, %swap3A_626], %swap3A_629 {strides = array<i32>} : memref<32x768xf32, #tpu.memory_space<vmem>>, vector<1x16xf32>,
      %get3A_630 = arith.index_cast %scan3A_90 : i32 to index
      %get3A_631 = arith.constant 528 : index
      %get3A_632 = tpu.vector_load %arg10[%get3A_630, %get3A_631] {strides = array<i32>} : memref<32x768xf32, #tpu.memory_space<vmem>>, vector<1x16xf32>,
      %get3A_633 = vector.shape_cast %get3A_632 : vector<1x16xf32> to vector<16xf32>
      %mul3A_634 = arith.mulf %get3A_633, %get3A_96 : vector<16xf32>
      %get3A_635 = arith.index_cast %scan3A_90 : i32 to index
      %get3A_636 = arith.constant 528 : index
      %get3A_637 = tpu.vector_load %arg11[%get3A_635, %get3A_636] {strides = array<i32>} : memref<32x768xf32, #tpu.memory_space<vmem>>, vector<1x16xf32>,
      %get3A_638 = vector.shape_cast %get3A_637 : vector<1x16xf32> to vector<16xf32>
      %mul3A_639 = arith.mulf %get3A_638, %get3A_102 : vector<16xf32>
      %add3A_640 = arith.addf %mul3A_634, %mul3A_639 : vector<16xf32>
      %swap3A_641 = arith.index_cast %scan3A_90 : i32 to index
      %swap3A_642 = arith.constant 528 : index
      %swap3A_643 = tpu.vector_load %arg10[%swap3A_641, %swap3A_642] {strides = array<i32>} : memref<32x768xf32, #tpu.memory_space<vmem>>, vector<1x16xf32>,
      %swap3A_644 = vector.shape_cast %swap3A_643 : vector<1x16xf32> to vector<16xf32>
      %swap3A_645 = vector.shape_cast %add3A_640 : vector<16xf32> to vector<1x16xf32>
      tpu.vector_store %arg10[%swap3A_641, %swap3A_642], %swap3A_645 {strides = array<i32>} : memref<32x768xf32, #tpu.memory_space<vmem>>, vector<1x16xf32>,
      %get3A_646 = arith.index_cast %scan3A_90 : i32 to index
      %get3A_647 = arith.constant 544 : index
      %get3A_648 = tpu.vector_load %arg10[%get3A_646, %get3A_647] {strides = array<i32>} : memref<32x768xf32, #tpu.memory_space<vmem>>, vector<1x16xf32>,
      %get3A_649 = vector.shape_cast %get3A_648 : vector<1x16xf32> to vector<16xf32>
      %mul3A_650 = arith.mulf %get3A_649, %get3A_96 : vector<16xf32>
      %get3A_651 = arith.index_cast %scan3A_90 : i32 to index
      %get3A_652 = arith.constant 544 : index
      %get3A_653 = tpu.vector_load %arg11[%get3A_651, %get3A_652] {strides = array<i32>} : memref<32x768xf32, #tpu.memory_space<vmem>>, vector<1x16xf32>,
      %get3A_654 = vector.shape_cast %get3A_653 : vector<1x16xf32> to vector<16xf32>
      %mul3A_655 = arith.mulf %get3A_654, %get3A_102 : vector<16xf32>
      %add3A_656 = arith.addf %mul3A_650, %mul3A_655 : vector<16xf32>
      %swap3A_657 = arith.index_cast %scan3A_90 : i32 to index
      %swap3A_658 = arith.constant 544 : index
      %swap3A_659 = tpu.vector_load %arg10[%swap3A_657, %swap3A_658] {strides = array<i32>} : memref<32x768xf32, #tpu.memory_space<vmem>>, vector<1x16xf32>,
      %swap3A_660 = vector.shape_cast %swap3A_659 : vector<1x16xf32> to vector<16xf32>
      %swap3A_661 = vector.shape_cast %add3A_656 : vector<16xf32> to vector<1x16xf32>
      tpu.vector_store %arg10[%swap3A_657, %swap3A_658], %swap3A_661 {strides = array<i32>} : memref<32x768xf32, #tpu.memory_space<vmem>>, vector<1x16xf32>,
      %get3A_662 = arith.index_cast %scan3A_90 : i32 to index
      %get3A_663 = arith.constant 560 : index
      %get3A_664 = tpu.vector_load %arg10[%get3A_662, %get3A_663] {strides = array<i32>} : memref<32x768xf32, #tpu.memory_space<vmem>>, vector<1x16xf32>,
      %get3A_665 = vector.shape_cast %get3A_664 : vector<1x16xf32> to vector<16xf32>
      %mul3A_666 = arith.mulf %get3A_665, %get3A_96 : vector<16xf32>
      %get3A_667 = arith.index_cast %scan3A_90 : i32 to index
      %get3A_668 = arith.constant 560 : index
      %get3A_669 = tpu.vector_load %arg11[%get3A_667, %get3A_668] {strides = array<i32>} : memref<32x768xf32, #tpu.memory_space<vmem>>, vector<1x16xf32>,
      %get3A_670 = vector.shape_cast %get3A_669 : vector<1x16xf32> to vector<16xf32>
      %mul3A_671 = arith.mulf %get3A_670, %get3A_102 : vector<16xf32>
      %add3A_672 = arith.addf %mul3A_666, %mul3A_671 : vector<16xf32>
      %swap3A_673 = arith.index_cast %scan3A_90 : i32 to index
      %swap3A_674 = arith.constant 560 : index
      %swap3A_675 = tpu.vector_load %arg10[%swap3A_673, %swap3A_674] {strides = array<i32>} : memref<32x768xf32, #tpu.memory_space<vmem>>, vector<1x16xf32>,
      %swap3A_676 = vector.shape_cast %swap3A_675 : vector<1x16xf32> to vector<16xf32>
      %swap3A_677 = vector.shape_cast %add3A_672 : vector<16xf32> to vector<1x16xf32>
      tpu.vector_store %arg10[%swap3A_673, %swap3A_674], %swap3A_677 {strides = array<i32>} : memref<32x768xf32, #tpu.memory_space<vmem>>, vector<1x16xf32>,
      %get3A_678 = arith.index_cast %scan3A_90 : i32 to index
      %get3A_679 = arith.constant 576 : index
      %get3A_680 = tpu.vector_load %arg10[%get3A_678, %get3A_679] {strides = array<i32>} : memref<32x768xf32, #tpu.memory_space<vmem>>, vector<1x16xf32>,
      %get3A_681 = vector.shape_cast %get3A_680 : vector<1x16xf32> to vector<16xf32>
      %mul3A_682 = arith.mulf %get3A_681, %get3A_96 : vector<16xf32>
      %get3A_683 = arith.index_cast %scan3A_90 : i32 to index
      %get3A_684 = arith.constant 576 : index
      %get3A_685 = tpu.vector_load %arg11[%get3A_683, %get3A_684] {strides = array<i32>} : memref<32x768xf32, #tpu.memory_space<vmem>>, vector<1x16xf32>,
      %get3A_686 = vector.shape_cast %get3A_685 : vector<1x16xf32> to vector<16xf32>
      %mul3A_687 = arith.mulf %get3A_686, %get3A_102 : vector<16xf32>
      %add3A_688 = arith.addf %mul3A_682, %mul3A_687 : vector<16xf32>
      %swap3A_689 = arith.index_cast %scan3A_90 : i32 to index
      %swap3A_690 = arith.constant 576 : index
      %swap3A_691 = tpu.vector_load %arg10[%swap3A_689, %swap3A_690] {strides = array<i32>} : memref<32x768xf32, #tpu.memory_space<vmem>>, vector<1x16xf32>,
      %swap3A_692 = vector.shape_cast %swap3A_691 : vector<1x16xf32> to vector<16xf32>
      %swap3A_693 = vector.shape_cast %add3A_688 : vector<16xf32> to vector<1x16xf32>
      tpu.vector_store %arg10[%swap3A_689, %swap3A_690], %swap3A_693 {strides = array<i32>} : memref<32x768xf32, #tpu.memory_space<vmem>>, vector<1x16xf32>,
      %get3A_694 = arith.index_cast %scan3A_90 : i32 to index
      %get3A_695 = arith.constant 592 : index
      %get3A_696 = tpu.vector_load %arg10[%get3A_694, %get3A_695] {strides = array<i32>} : memref<32x768xf32, #tpu.memory_space<vmem>>, vector<1x16xf32>,
      %get3A_697 = vector.shape_cast %get3A_696 : vector<1x16xf32> to vector<16xf32>
      %mul3A_698 = arith.mulf %get3A_697, %get3A_96 : vector<16xf32>
      %get3A_699 = arith.index_cast %scan3A_90 : i32 to index
      %get3A_700 = arith.constant 592 : index
      %get3A_701 = tpu.vector_load %arg11[%get3A_699, %get3A_700] {strides = array<i32>} : memref<32x768xf32, #tpu.memory_space<vmem>>, vector<1x16xf32>,
      %get3A_702 = vector.shape_cast %get3A_701 : vector<1x16xf32> to vector<16xf32>
      %mul3A_703 = arith.mulf %get3A_702, %get3A_102 : vector<16xf32>
      %add3A_704 = arith.addf %mul3A_698, %mul3A_703 : vector<16xf32>
      %swap3A_705 = arith.index_cast %scan3A_90 : i32 to index
      %swap3A_706 = arith.constant 592 : index
      %swap3A_707 = tpu.vector_load %arg10[%swap3A_705, %swap3A_706] {strides = array<i32>} : memref<32x768xf32, #tpu.memory_space<vmem>>, vector<1x16xf32>,
      %swap3A_708 = vector.shape_cast %swap3A_707 : vector<1x16xf32> to vector<16xf32>
      %swap3A_709 = vector.shape_cast %add3A_704 : vector<16xf32> to vector<1x16xf32>
      tpu.vector_store %arg10[%swap3A_705, %swap3A_706], %swap3A_709 {strides = array<i32>} : memref<32x768xf32, #tpu.memory_space<vmem>>, vector<1x16xf32>,
      %get3A_710 = arith.index_cast %scan3A_90 : i32 to index
      %get3A_711 = arith.constant 608 : index
      %get3A_712 = tpu.vector_load %arg10[%get3A_710, %get3A_711] {strides = array<i32>} : memref<32x768xf32, #tpu.memory_space<vmem>>, vector<1x16xf32>,
      %get3A_713 = vector.shape_cast %get3A_712 : vector<1x16xf32> to vector<16xf32>
      %mul3A_714 = arith.mulf %get3A_713, %get3A_96 : vector<16xf32>
      %get3A_715 = arith.index_cast %scan3A_90 : i32 to index
      %get3A_716 = arith.constant 608 : index
      %get3A_717 = tpu.vector_load %arg11[%get3A_715, %get3A_716] {strides = array<i32>} : memref<32x768xf32, #tpu.memory_space<vmem>>, vector<1x16xf32>,
      %get3A_718 = vector.shape_cast %get3A_717 : vector<1x16xf32> to vector<16xf32>
      %mul3A_719 = arith.mulf %get3A_718, %get3A_102 : vector<16xf32>
      %add3A_720 = arith.addf %mul3A_714, %mul3A_719 : vector<16xf32>
      %swap3A_721 = arith.index_cast %scan3A_90 : i32 to index
      %swap3A_722 = arith.constant 608 : index
      %swap3A_723 = tpu.vector_load %arg10[%swap3A_721, %swap3A_722] {strides = array<i32>} : memref<32x768xf32, #tpu.memory_space<vmem>>, vector<1x16xf32>,
      %swap3A_724 = vector.shape_cast %swap3A_723 : vector<1x16xf32> to vector<16xf32>
      %swap3A_725 = vector.shape_cast %add3A_720 : vector<16xf32> to vector<1x16xf32>
      tpu.vector_store %arg10[%swap3A_721, %swap3A_722], %swap3A_725 {strides = array<i32>} : memref<32x768xf32, #tpu.memory_space<vmem>>, vector<1x16xf32>,
      %get3A_726 = arith.index_cast %scan3A_90 : i32 to index
      %get3A_727 = arith.constant 624 : index
      %get3A_728 = tpu.vector_load %arg10[%get3A_726, %get3A_727] {strides = array<i32>} : memref<32x768xf32, #tpu.memory_space<vmem>>, vector<1x16xf32>,
      %get3A_729 = vector.shape_cast %get3A_728 : vector<1x16xf32> to vector<16xf32>
      %mul3A_730 = arith.mulf %get3A_729, %get3A_96 : vector<16xf32>
      %get3A_731 = arith.index_cast %scan3A_90 : i32 to index
      %get3A_732 = arith.constant 624 : index
      %get3A_733 = tpu.vector_load %arg11[%get3A_731, %get3A_732] {strides = array<i32>} : memref<32x768xf32, #tpu.memory_space<vmem>>, vector<1x16xf32>,
      %get3A_734 = vector.shape_cast %get3A_733 : vector<1x16xf32> to vector<16xf32>
      %mul3A_735 = arith.mulf %get3A_734, %get3A_102 : vector<16xf32>
      %add3A_736 = arith.addf %mul3A_730, %mul3A_735 : vector<16xf32>
      %swap3A_737 = arith.index_cast %scan3A_90 : i32 to index
      %swap3A_738 = arith.constant 624 : index
      %swap3A_739 = tpu.vector_load %arg10[%swap3A_737, %swap3A_738] {strides = array<i32>} : memref<32x768xf32, #tpu.memory_space<vmem>>, vector<1x16xf32>,
      %swap3A_740 = vector.shape_cast %swap3A_739 : vector<1x16xf32> to vector<16xf32>
      %swap3A_741 = vector.shape_cast %add3A_736 : vector<16xf32> to vector<1x16xf32>
      tpu.vector_store %arg10[%swap3A_737, %swap3A_738], %swap3A_741 {strides = array<i32>} : memref<32x768xf32, #tpu.memory_space<vmem>>, vector<1x16xf32>,
      %get3A_742 = arith.index_cast %scan3A_90 : i32 to index
      %get3A_743 = arith.constant 640 : index
      %get3A_744 = tpu.vector_load %arg10[%get3A_742, %get3A_743] {strides = array<i32>} : memref<32x768xf32, #tpu.memory_space<vmem>>, vector<1x16xf32>,
      %get3A_745 = vector.shape_cast %get3A_744 : vector<1x16xf32> to vector<16xf32>
      %mul3A_746 = arith.mulf %get3A_745, %get3A_96 : vector<16xf32>
      %get3A_747 = arith.index_cast %scan3A_90 : i32 to index
      %get3A_748 = arith.constant 640 : index
      %get3A_749 = tpu.vector_load %arg11[%get3A_747, %get3A_748] {strides = array<i32>} : memref<32x768xf32, #tpu.memory_space<vmem>>, vector<1x16xf32>,
      %get3A_750 = vector.shape_cast %get3A_749 : vector<1x16xf32> to vector<16xf32>
      %mul3A_751 = arith.mulf %get3A_750, %get3A_102 : vector<16xf32>
      %add3A_752 = arith.addf %mul3A_746, %mul3A_751 : vector<16xf32>
      %swap3A_753 = arith.index_cast %scan3A_90 : i32 to index
      %swap3A_754 = arith.constant 640 : index
      %swap3A_755 = tpu.vector_load %arg10[%swap3A_753, %swap3A_754] {strides = array<i32>} : memref<32x768xf32, #tpu.memory_space<vmem>>, vector<1x16xf32>,
      %swap3A_756 = vector.shape_cast %swap3A_755 : vector<1x16xf32> to vector<16xf32>
      %swap3A_757 = vector.shape_cast %add3A_752 : vector<16xf32> to vector<1x16xf32>
      tpu.vector_store %arg10[%swap3A_753, %swap3A_754], %swap3A_757 {strides = array<i32>} : memref<32x768xf32, #tpu.memory_space<vmem>>, vector<1x16xf32>,
      %get3A_758 = arith.index_cast %scan3A_90 : i32 to index
      %get3A_759 = arith.constant 656 : index
      %get3A_760 = tpu.vector_load %arg10[%get3A_758, %get3A_759] {strides = array<i32>} : memref<32x768xf32, #tpu.memory_space<vmem>>, vector<1x16xf32>,
      %get3A_761 = vector.shape_cast %get3A_760 : vector<1x16xf32> to vector<16xf32>
      %mul3A_762 = arith.mulf %get3A_761, %get3A_96 : vector<16xf32>
      %get3A_763 = arith.index_cast %scan3A_90 : i32 to index
      %get3A_764 = arith.constant 656 : index
      %get3A_765 = tpu.vector_load %arg11[%get3A_763, %get3A_764] {strides = array<i32>} : memref<32x768xf32, #tpu.memory_space<vmem>>, vector<1x16xf32>,
      %get3A_766 = vector.shape_cast %get3A_765 : vector<1x16xf32> to vector<16xf32>
      %mul3A_767 = arith.mulf %get3A_766, %get3A_102 : vector<16xf32>
      %add3A_768 = arith.addf %mul3A_762, %mul3A_767 : vector<16xf32>
      %swap3A_769 = arith.index_cast %scan3A_90 : i32 to index
      %swap3A_770 = arith.constant 656 : index
      %swap3A_771 = tpu.vector_load %arg10[%swap3A_769, %swap3A_770] {strides = array<i32>} : memref<32x768xf32, #tpu.memory_space<vmem>>, vector<1x16xf32>,
      %swap3A_772 = vector.shape_cast %swap3A_771 : vector<1x16xf32> to vector<16xf32>
      %swap3A_773 = vector.shape_cast %add3A_768 : vector<16xf32> to vector<1x16xf32>
      tpu.vector_store %arg10[%swap3A_769, %swap3A_770], %swap3A_773 {strides = array<i32>} : memref<32x768xf32, #tpu.memory_space<vmem>>, vector<1x16xf32>,
      %get3A_774 = arith.index_cast %scan3A_90 : i32 to index
      %get3A_775 = arith.constant 672 : index
      %get3A_776 = tpu.vector_load %arg10[%get3A_774, %get3A_775] {strides = array<i32>} : memref<32x768xf32, #tpu.memory_space<vmem>>, vector<1x16xf32>,
      %get3A_777 = vector.shape_cast %get3A_776 : vector<1x16xf32> to vector<16xf32>
      %mul3A_778 = arith.mulf %get3A_777, %get3A_96 : vector<16xf32>
      %get3A_779 = arith.index_cast %scan3A_90 : i32 to index
      %get3A_780 = arith.constant 672 : index
      %get3A_781 = tpu.vector_load %arg11[%get3A_779, %get3A_780] {strides = array<i32>} : memref<32x768xf32, #tpu.memory_space<vmem>>, vector<1x16xf32>,
      %get3A_782 = vector.shape_cast %get3A_781 : vector<1x16xf32> to vector<16xf32>
      %mul3A_783 = arith.mulf %get3A_782, %get3A_102 : vector<16xf32>
      %add3A_784 = arith.addf %mul3A_778, %mul3A_783 : vector<16xf32>
      %swap3A_785 = arith.index_cast %scan3A_90 : i32 to index
      %swap3A_786 = arith.constant 672 : index
      %swap3A_787 = tpu.vector_load %arg10[%swap3A_785, %swap3A_786] {strides = array<i32>} : memref<32x768xf32, #tpu.memory_space<vmem>>, vector<1x16xf32>,
      %swap3A_788 = vector.shape_cast %swap3A_787 : vector<1x16xf32> to vector<16xf32>
      %swap3A_789 = vector.shape_cast %add3A_784 : vector<16xf32> to vector<1x16xf32>
      tpu.vector_store %arg10[%swap3A_785, %swap3A_786], %swap3A_789 {strides = array<i32>} : memref<32x768xf32, #tpu.memory_space<vmem>>, vector<1x16xf32>,
      %get3A_790 = arith.index_cast %scan3A_90 : i32 to index
      %get3A_791 = arith.constant 688 : index
      %get3A_792 = tpu.vector_load %arg10[%get3A_790, %get3A_791] {strides = array<i32>} : memref<32x768xf32, #tpu.memory_space<vmem>>, vector<1x16xf32>,
      %get3A_793 = vector.shape_cast %get3A_792 : vector<1x16xf32> to vector<16xf32>
      %mul3A_794 = arith.mulf %get3A_793, %get3A_96 : vector<16xf32>
      %get3A_795 = arith.index_cast %scan3A_90 : i32 to index
      %get3A_796 = arith.constant 688 : index
      %get3A_797 = tpu.vector_load %arg11[%get3A_795, %get3A_796] {strides = array<i32>} : memref<32x768xf32, #tpu.memory_space<vmem>>, vector<1x16xf32>,
      %get3A_798 = vector.shape_cast %get3A_797 : vector<1x16xf32> to vector<16xf32>
      %mul3A_799 = arith.mulf %get3A_798, %get3A_102 : vector<16xf32>
      %add3A_800 = arith.addf %mul3A_794, %mul3A_799 : vector<16xf32>
      %swap3A_801 = arith.index_cast %scan3A_90 : i32 to index
      %swap3A_802 = arith.constant 688 : index
      %swap3A_803 = tpu.vector_load %arg10[%swap3A_801, %swap3A_802] {strides = array<i32>} : memref<32x768xf32, #tpu.memory_space<vmem>>, vector<1x16xf32>,
      %swap3A_804 = vector.shape_cast %swap3A_803 : vector<1x16xf32> to vector<16xf32>
      %swap3A_805 = vector.shape_cast %add3A_800 : vector<16xf32> to vector<1x16xf32>
      tpu.vector_store %arg10[%swap3A_801, %swap3A_802], %swap3A_805 {strides = array<i32>} : memref<32x768xf32, #tpu.memory_space<vmem>>, vector<1x16xf32>,
      %get3A_806 = arith.index_cast %scan3A_90 : i32 to index
      %get3A_807 = arith.constant 704 : index
      %get3A_808 = tpu.vector_load %arg10[%get3A_806, %get3A_807] {strides = array<i32>} : memref<32x768xf32, #tpu.memory_space<vmem>>, vector<1x16xf32>,
      %get3A_809 = vector.shape_cast %get3A_808 : vector<1x16xf32> to vector<16xf32>
      %mul3A_810 = arith.mulf %get3A_809, %get3A_96 : vector<16xf32>
      %get3A_811 = arith.index_cast %scan3A_90 : i32 to index
      %get3A_812 = arith.constant 704 : index
      %get3A_813 = tpu.vector_load %arg11[%get3A_811, %get3A_812] {strides = array<i32>} : memref<32x768xf32, #tpu.memory_space<vmem>>, vector<1x16xf32>,
      %get3A_814 = vector.shape_cast %get3A_813 : vector<1x16xf32> to vector<16xf32>
      %mul3A_815 = arith.mulf %get3A_814, %get3A_102 : vector<16xf32>
      %add3A_816 = arith.addf %mul3A_810, %mul3A_815 : vector<16xf32>
      %swap3A_817 = arith.index_cast %scan3A_90 : i32 to index
      %swap3A_818 = arith.constant 704 : index
      %swap3A_819 = tpu.vector_load %arg10[%swap3A_817, %swap3A_818] {strides = array<i32>} : memref<32x768xf32, #tpu.memory_space<vmem>>, vector<1x16xf32>,
      %swap3A_820 = vector.shape_cast %swap3A_819 : vector<1x16xf32> to vector<16xf32>
      %swap3A_821 = vector.shape_cast %add3A_816 : vector<16xf32> to vector<1x16xf32>
      tpu.vector_store %arg10[%swap3A_817, %swap3A_818], %swap3A_821 {strides = array<i32>} : memref<32x768xf32, #tpu.memory_space<vmem>>, vector<1x16xf32>,
      %get3A_822 = arith.index_cast %scan3A_90 : i32 to index
      %get3A_823 = arith.constant 720 : index
      %get3A_824 = tpu.vector_load %arg10[%get3A_822, %get3A_823] {strides = array<i32>} : memref<32x768xf32, #tpu.memory_space<vmem>>, vector<1x16xf32>,
      %get3A_825 = vector.shape_cast %get3A_824 : vector<1x16xf32> to vector<16xf32>
      %mul3A_826 = arith.mulf %get3A_825, %get3A_96 : vector<16xf32>
      %get3A_827 = arith.index_cast %scan3A_90 : i32 to index
      %get3A_828 = arith.constant 720 : index
      %get3A_829 = tpu.vector_load %arg11[%get3A_827, %get3A_828] {strides = array<i32>} : memref<32x768xf32, #tpu.memory_space<vmem>>, vector<1x16xf32>,
      %get3A_830 = vector.shape_cast %get3A_829 : vector<1x16xf32> to vector<16xf32>
      %mul3A_831 = arith.mulf %get3A_830, %get3A_102 : vector<16xf32>
      %add3A_832 = arith.addf %mul3A_826, %mul3A_831 : vector<16xf32>
      %swap3A_833 = arith.index_cast %scan3A_90 : i32 to index
      %swap3A_834 = arith.constant 720 : index
      %swap3A_835 = tpu.vector_load %arg10[%swap3A_833, %swap3A_834] {strides = array<i32>} : memref<32x768xf32, #tpu.memory_space<vmem>>, vector<1x16xf32>,
      %swap3A_836 = vector.shape_cast %swap3A_835 : vector<1x16xf32> to vector<16xf32>
      %swap3A_837 = vector.shape_cast %add3A_832 : vector<16xf32> to vector<1x16xf32>
      tpu.vector_store %arg10[%swap3A_833, %swap3A_834], %swap3A_837 {strides = array<i32>} : memref<32x768xf32, #tpu.memory_space<vmem>>, vector<1x16xf32>,
      %get3A_838 = arith.index_cast %scan3A_90 : i32 to index
      %get3A_839 = arith.constant 736 : index
      %get3A_840 = tpu.vector_load %arg10[%get3A_838, %get3A_839] {strides = array<i32>} : memref<32x768xf32, #tpu.memory_space<vmem>>, vector<1x16xf32>,
      %get3A_841 = vector.shape_cast %get3A_840 : vector<1x16xf32> to vector<16xf32>
      %mul3A_842 = arith.mulf %get3A_841, %get3A_96 : vector<16xf32>
      %get3A_843 = arith.index_cast %scan3A_90 : i32 to index
      %get3A_844 = arith.constant 736 : index
      %get3A_845 = tpu.vector_load %arg11[%get3A_843, %get3A_844] {strides = array<i32>} : memref<32x768xf32, #tpu.memory_space<vmem>>, vector<1x16xf32>,
      %get3A_846 = vector.shape_cast %get3A_845 : vector<1x16xf32> to vector<16xf32>
      %mul3A_847 = arith.mulf %get3A_846, %get3A_102 : vector<16xf32>
      %add3A_848 = arith.addf %mul3A_842, %mul3A_847 : vector<16xf32>
      %swap3A_849 = arith.index_cast %scan3A_90 : i32 to index
      %swap3A_850 = arith.constant 736 : index
      %swap3A_851 = tpu.vector_load %arg10[%swap3A_849, %swap3A_850] {strides = array<i32>} : memref<32x768xf32, #tpu.memory_space<vmem>>, vector<1x16xf32>,
      %swap3A_852 = vector.shape_cast %swap3A_851 : vector<1x16xf32> to vector<16xf32>
      %swap3A_853 = vector.shape_cast %add3A_848 : vector<16xf32> to vector<1x16xf32>
      tpu.vector_store %arg10[%swap3A_849, %swap3A_850], %swap3A_853 {strides = array<i32>} : memref<32x768xf32, #tpu.memory_space<vmem>>, vector<1x16xf32>,
      %get3A_854 = arith.index_cast %scan3A_90 : i32 to index
      %get3A_855 = arith.constant 752 : index
      %get3A_856 = tpu.vector_load %arg10[%get3A_854, %get3A_855] {strides = array<i32>} : memref<32x768xf32, #tpu.memory_space<vmem>>, vector<1x16xf32>,
      %get3A_857 = vector.shape_cast %get3A_856 : vector<1x16xf32> to vector<16xf32>
      %mul3A_858 = arith.mulf %get3A_857, %get3A_96 : vector<16xf32>
      %get3A_859 = arith.index_cast %scan3A_90 : i32 to index
      %get3A_860 = arith.constant 752 : index
      %get3A_861 = tpu.vector_load %arg11[%get3A_859, %get3A_860] {strides = array<i32>} : memref<32x768xf32, #tpu.memory_space<vmem>>, vector<1x16xf32>,
      %get3A_862 = vector.shape_cast %get3A_861 : vector<1x16xf32> to vector<16xf32>
      %mul3A_863 = arith.mulf %get3A_862, %get3A_102 : vector<16xf32>
      %add3A_864 = arith.addf %mul3A_858, %mul3A_863 : vector<16xf32>
      %swap3A_865 = arith.index_cast %scan3A_90 : i32 to index
      %swap3A_866 = arith.constant 752 : index
      %swap3A_867 = tpu.vector_load %arg10[%swap3A_865, %swap3A_866] {strides = array<i32>} : memref<32x768xf32, #tpu.memory_space<vmem>>, vector<1x16xf32>,
      %swap3A_868 = vector.shape_cast %swap3A_867 : vector<1x16xf32> to vector<16xf32>
      %swap3A_869 = vector.shape_cast %add3A_864 : vector<16xf32> to vector<1x16xf32>
      tpu.vector_store %arg10[%swap3A_865, %swap3A_866], %swap3A_869 {strides = array<i32>} : memref<32x768xf32, #tpu.memory_space<vmem>>, vector<1x16xf32>,
      %scan3A_870 = arith.constant 0 : i32
      scf.yield %scan3A_870 : i32
    }
    %scan3A_66 = arith.constant 32 : i32
    %dma_start3A_67 = arith.constant 0 : i32
    %dma_start3A_68 = tpu.memref_slice %arg5[%mul3A_2, %dma_start3A_67] : memref<2048x768xf32, #tpu.memory_space<hbm>> -> memref<32x768xf32, #tpu.memory_space<hbm>>
    %dma_start3A_69 = arith.constant 0 : i32
    %dma_start3A_70 = tpu.memref_slice %arg5[%mul3A_2, %dma_start3A_69] : memref<2048x768xf32, #tpu.memory_space<hbm>> -> memref<32x768xf32, #tpu.memory_space<hbm>>
    tpu.enqueue_dma source(%arg10 : memref<32x768xf32, #tpu.memory_space<vmem>>) target(%dma_start3A_70 : memref<32x768xf32, #tpu.memory_space<hbm>>) target_semaphore(%arg18 : memref<!tpu.dma_semaphore, #tpu.memory_space<semaphore_mem>>)
    %dma_wait3A_71 = arith.constant 0 : i32
    %dma_wait3A_72 = arith.constant 0 : i32
    %dma_wait3A_73 = tpu.memref_slice %arg2[%dma_wait3A_71, %dma_wait3A_72] : memref<9280x768xf32, #tpu.memory_space<hbm>> -> memref<9280x768xf32, #tpu.memory_space<hbm>>
    tpu.wait_indirect_dma semaphore(%arg17 : memref<!tpu.dma_semaphore, #tpu.memory_space<semaphore_mem>>) src(%dma_wait3A_73 : memref<9280x768xf32, #tpu.memory_space<hbm>>) dst(%arg12 : memref<32x768xf32, #tpu.memory_space<vmem>>)
    %dma_wait3A_74 = arith.constant 0 : i32
    %dma_wait3A_75 = arith.constant 0 : i32
    %dma_wait3A_76 = tpu.memref_slice %arg2[%dma_wait3A_74, %dma_wait3A_75] : memref<9280x768xf32, #tpu.memory_space<hbm>> -> memref<9280x768xf32, #tpu.memory_space<hbm>>
    tpu.wait_indirect_dma semaphore(%arg17 : memref<!tpu.dma_semaphore, #tpu.memory_space<semaphore_mem>>) src(%dma_wait3A_76 : memref<9280x768xf32, #tpu.memory_space<hbm>>) dst(%arg13 : memref<32x768xf32, #tpu.memory_space<vmem>>)
    %scan3A_77 = arith.constant 0 : i32
    %scan3A_78 = arith.constant 0 : i32
    %scan3A_79 = arith.constant 32 : i32
    %scan3A_80 = arith.addi %scan3A_78, %scan3A_79 : i32
    %scan3A_81 = arith.constant 1 : i32
    %scan3A_82 = scf.for %scan3A_90 = %scan3A_78 to %scan3A_80 step %scan3A_81 iter_args(%scan3A_91 = %scan3A_77) -> (i32)  : i32 {
      %add3A_92 = arith.constant 32 : i32
      %add3A_93 = arith.addi %add3A_92, %scan3A_90 : i32
      %get3A = arith.index_cast %add3A_93 : i32 to index
      %get3A_94 = arith.constant 0 : index
      %get3A_95 = tpu.vector_load %arg14[%get3A, %get3A_94] {strides = array<i32>} : memref<64x16xf32, #tpu.memory_space<vmem>>, vector<1x16xf32>,
      %get3A_96 = vector.shape_cast %get3A_95 : vector<1x16xf32> to vector<16xf32>
      %add3A_97 = arith.constant 32 : i32
      %add3A_98 = arith.addi %add3A_97, %scan3A_90 : i32
      %get3A_99 = arith.index_cast %add3A_98 : i32 to index
      %get3A_100 = arith.constant 0 : index
      %get3A_101 = tpu.vector_load %arg15[%get3A_99, %get3A_100] {strides = array<i32>} : memref<64x16xf32, #tpu.memory_space<vmem>>, vector<1x16xf32>,
      %get3A_102 = vector.shape_cast %get3A_101 : vector<1x16xf32> to vector<16xf32>
      %get3A_103 = arith.index_cast %scan3A_90 : i32 to index
      %get3A_104 = arith.constant 0 : index
      %get3A_105 = tpu.vector_load %arg12[%get3A_103, %get3A_104] {strides = array<i32>} : memref<32x768xf32, #tpu.memory_space<vmem>>, vector<1x16xf32>,
      %get3A_106 = vector.shape_cast %get3A_105 : vector<1x16xf32> to vector<16xf32>
      %mul3A_107 = arith.mulf %get3A_106, %get3A_96 : vector<16xf32>
      %get3A_108 = arith.index_cast %scan3A_90 : i32 to index
      %get3A_109 = arith.constant 0 : index
      %get3A_110 = tpu.vector_load %arg13[%get3A_108, %get3A_109] {strides = array<i32>} : memref<32x768xf32, #tpu.memory_space<vmem>>, vector<1x16xf32>,
      %get3A_111 = vector.shape_cast %get3A_110 : vector<1x16xf32> to vector<16xf32>
      %mul3A_112 = arith.mulf %get3A_111, %get3A_102 : vector<16xf32>
      %add3A_113 = arith.addf %mul3A_107, %mul3A_112 : vector<16xf32>
      %swap3A = arith.index_cast %scan3A_90 : i32 to index
      %swap3A_114 = arith.constant 0 : index
      %swap3A_115 = tpu.vector_load %arg12[%swap3A, %swap3A_114] {strides = array<i32>} : memref<32x768xf32, #tpu.memory_space<vmem>>, vector<1x16xf32>,
      %swap3A_116 = vector.shape_cast %swap3A_115 : vector<1x16xf32> to vector<16xf32>
      %swap3A_117 = vector.shape_cast %add3A_113 : vector<16xf32> to vector<1x16xf32>
      tpu.vector_store %arg12[%swap3A, %swap3A_114], %swap3A_117 {strides = array<i32>} : memref<32x768xf32, #tpu.memory_space<vmem>>, vector<1x16xf32>,
      %get3A_118 = arith.index_cast %scan3A_90 : i32 to index
      %get3A_119 = arith.constant 16 : index
      %get3A_120 = tpu.vector_load %arg12[%get3A_118, %get3A_119] {strides = array<i32>} : memref<32x768xf32, #tpu.memory_space<vmem>>, vector<1x16xf32>,
      %get3A_121 = vector.shape_cast %get3A_120 : vector<1x16xf32> to vector<16xf32>
      %mul3A_122 = arith.mulf %get3A_121, %get3A_96 : vector<16xf32>
      %get3A_123 = arith.index_cast %scan3A_90 : i32 to index
      %get3A_124 = arith.constant 16 : index
      %get3A_125 = tpu.vector_load %arg13[%get3A_123, %get3A_124] {strides = array<i32>} : memref<32x768xf32, #tpu.memory_space<vmem>>, vector<1x16xf32>,
      %get3A_126 = vector.shape_cast %get3A_125 : vector<1x16xf32> to vector<16xf32>
      %mul3A_127 = arith.mulf %get3A_126, %get3A_102 : vector<16xf32>
      %add3A_128 = arith.addf %mul3A_122, %mul3A_127 : vector<16xf32>
      %swap3A_129 = arith.index_cast %scan3A_90 : i32 to index
      %swap3A_130 = arith.constant 16 : index
      %swap3A_131 = tpu.vector_load %arg12[%swap3A_129, %swap3A_130] {strides = array<i32>} : memref<32x768xf32, #tpu.memory_space<vmem>>, vector<1x16xf32>,
      %swap3A_132 = vector.shape_cast %swap3A_131 : vector<1x16xf32> to vector<16xf32>
      %swap3A_133 = vector.shape_cast %add3A_128 : vector<16xf32> to vector<1x16xf32>
      tpu.vector_store %arg12[%swap3A_129, %swap3A_130], %swap3A_133 {strides = array<i32>} : memref<32x768xf32, #tpu.memory_space<vmem>>, vector<1x16xf32>,
      %get3A_134 = arith.index_cast %scan3A_90 : i32 to index
      %get3A_135 = arith.constant 32 : index
      %get3A_136 = tpu.vector_load %arg12[%get3A_134, %get3A_135] {strides = array<i32>} : memref<32x768xf32, #tpu.memory_space<vmem>>, vector<1x16xf32>,
      %get3A_137 = vector.shape_cast %get3A_136 : vector<1x16xf32> to vector<16xf32>
      %mul3A_138 = arith.mulf %get3A_137, %get3A_96 : vector<16xf32>
      %get3A_139 = arith.index_cast %scan3A_90 : i32 to index
      %get3A_140 = arith.constant 32 : index
      %get3A_141 = tpu.vector_load %arg13[%get3A_139, %get3A_140] {strides = array<i32>} : memref<32x768xf32, #tpu.memory_space<vmem>>, vector<1x16xf32>,
      %get3A_142 = vector.shape_cast %get3A_141 : vector<1x16xf32> to vector<16xf32>
      %mul3A_143 = arith.mulf %get3A_142, %get3A_102 : vector<16xf32>
      %add3A_144 = arith.addf %mul3A_138, %mul3A_143 : vector<16xf32>
      %swap3A_145 = arith.index_cast %scan3A_90 : i32 to index
      %swap3A_146 = arith.constant 32 : index
      %swap3A_147 = tpu.vector_load %arg12[%swap3A_145, %swap3A_146] {strides = array<i32>} : memref<32x768xf32, #tpu.memory_space<vmem>>, vector<1x16xf32>,
      %swap3A_148 = vector.shape_cast %swap3A_147 : vector<1x16xf32> to vector<16xf32>
      %swap3A_149 = vector.shape_cast %add3A_144 : vector<16xf32> to vector<1x16xf32>
      tpu.vector_store %arg12[%swap3A_145, %swap3A_146], %swap3A_149 {strides = array<i32>} : memref<32x768xf32, #tpu.memory_space<vmem>>, vector<1x16xf32>,
      %get3A_150 = arith.index_cast %scan3A_90 : i32 to index
      %get3A_151 = arith.constant 48 : index
      %get3A_152 = tpu.vector_load %arg12[%get3A_150, %get3A_151] {strides = array<i32>} : memref<32x768xf32, #tpu.memory_space<vmem>>, vector<1x16xf32>,
      %get3A_153 = vector.shape_cast %get3A_152 : vector<1x16xf32> to vector<16xf32>
      %mul3A_154 = arith.mulf %get3A_153, %get3A_96 : vector<16xf32>
      %get3A_155 = arith.index_cast %scan3A_90 : i32 to index
      %get3A_156 = arith.constant 48 : index
      %get3A_157 = tpu.vector_load %arg13[%get3A_155, %get3A_156] {strides = array<i32>} : memref<32x768xf32, #tpu.memory_space<vmem>>, vector<1x16xf32>,
      %get3A_158 = vector.shape_cast %get3A_157 : vector<1x16xf32> to vector<16xf32>
      %mul3A_159 = arith.mulf %get3A_158, %get3A_102 : vector<16xf32>
      %add3A_160 = arith.addf %mul3A_154, %mul3A_159 : vector<16xf32>
      %swap3A_161 = arith.index_cast %scan3A_90 : i32 to index
      %swap3A_162 = arith.constant 48 : index
      %swap3A_163 = tpu.vector_load %arg12[%swap3A_161, %swap3A_162] {strides = array<i32>} : memref<32x768xf32, #tpu.memory_space<vmem>>, vector<1x16xf32>,
      %swap3A_164 = vector.shape_cast %swap3A_163 : vector<1x16xf32> to vector<16xf32>
      %swap3A_165 = vector.shape_cast %add3A_160 : vector<16xf32> to vector<1x16xf32>
      tpu.vector_store %arg12[%swap3A_161, %swap3A_162], %swap3A_165 {strides = array<i32>} : memref<32x768xf32, #tpu.memory_space<vmem>>, vector<1x16xf32>,
      %get3A_166 = arith.index_cast %scan3A_90 : i32 to index
      %get3A_167 = arith.constant 64 : index
      %get3A_168 = tpu.vector_load %arg12[%get3A_166, %get3A_167] {strides = array<i32>} : memref<32x768xf32, #tpu.memory_space<vmem>>, vector<1x16xf32>,
      %get3A_169 = vector.shape_cast %get3A_168 : vector<1x16xf32> to vector<16xf32>
      %mul3A_170 = arith.mulf %get3A_169, %get3A_96 : vector<16xf32>
      %get3A_171 = arith.index_cast %scan3A_90 : i32 to index
      %get3A_172 = arith.constant 64 : index
      %get3A_173 = tpu.vector_load %arg13[%get3A_171, %get3A_172] {strides = array<i32>} : memref<32x768xf32, #tpu.memory_space<vmem>>, vector<1x16xf32>,
      %get3A_174 = vector.shape_cast %get3A_173 : vector<1x16xf32> to vector<16xf32>
      %mul3A_175 = arith.mulf %get3A_174, %get3A_102 : vector<16xf32>
      %add3A_176 = arith.addf %mul3A_170, %mul3A_175 : vector<16xf32>
      %swap3A_177 = arith.index_cast %scan3A_90 : i32 to index
      %swap3A_178 = arith.constant 64 : index
      %swap3A_179 = tpu.vector_load %arg12[%swap3A_177, %swap3A_178] {strides = array<i32>} : memref<32x768xf32, #tpu.memory_space<vmem>>, vector<1x16xf32>,
      %swap3A_180 = vector.shape_cast %swap3A_179 : vector<1x16xf32> to vector<16xf32>
      %swap3A_181 = vector.shape_cast %add3A_176 : vector<16xf32> to vector<1x16xf32>
      tpu.vector_store %arg12[%swap3A_177, %swap3A_178], %swap3A_181 {strides = array<i32>} : memref<32x768xf32, #tpu.memory_space<vmem>>, vector<1x16xf32>,
      %get3A_182 = arith.index_cast %scan3A_90 : i32 to index
      %get3A_183 = arith.constant 80 : index
      %get3A_184 = tpu.vector_load %arg12[%get3A_182, %get3A_183] {strides = array<i32>} : memref<32x768xf32, #tpu.memory_space<vmem>>, vector<1x16xf32>,
      %get3A_185 = vector.shape_cast %get3A_184 : vector<1x16xf32> to vector<16xf32>
      %mul3A_186 = arith.mulf %get3A_185, %get3A_96 : vector<16xf32>
      %get3A_187 = arith.index_cast %scan3A_90 : i32 to index
      %get3A_188 = arith.constant 80 : index
      %get3A_189 = tpu.vector_load %arg13[%get3A_187, %get3A_188] {strides = array<i32>} : memref<32x768xf32, #tpu.memory_space<vmem>>, vector<1x16xf32>,
      %get3A_190 = vector.shape_cast %get3A_189 : vector<1x16xf32> to vector<16xf32>
      %mul3A_191 = arith.mulf %get3A_190, %get3A_102 : vector<16xf32>
      %add3A_192 = arith.addf %mul3A_186, %mul3A_191 : vector<16xf32>
      %swap3A_193 = arith.index_cast %scan3A_90 : i32 to index
      %swap3A_194 = arith.constant 80 : index
      %swap3A_195 = tpu.vector_load %arg12[%swap3A_193, %swap3A_194] {strides = array<i32>} : memref<32x768xf32, #tpu.memory_space<vmem>>, vector<1x16xf32>,
      %swap3A_196 = vector.shape_cast %swap3A_195 : vector<1x16xf32> to vector<16xf32>
      %swap3A_197 = vector.shape_cast %add3A_192 : vector<16xf32> to vector<1x16xf32>
      tpu.vector_store %arg12[%swap3A_193, %swap3A_194], %swap3A_197 {strides = array<i32>} : memref<32x768xf32, #tpu.memory_space<vmem>>, vector<1x16xf32>,
      %get3A_198 = arith.index_cast %scan3A_90 : i32 to index
      %get3A_199 = arith.constant 96 : index
      %get3A_200 = tpu.vector_load %arg12[%get3A_198, %get3A_199] {strides = array<i32>} : memref<32x768xf32, #tpu.memory_space<vmem>>, vector<1x16xf32>,
      %get3A_201 = vector.shape_cast %get3A_200 : vector<1x16xf32> to vector<16xf32>
      %mul3A_202 = arith.mulf %get3A_201, %get3A_96 : vector<16xf32>
      %get3A_203 = arith.index_cast %scan3A_90 : i32 to index
      %get3A_204 = arith.constant 96 : index
      %get3A_205 = tpu.vector_load %arg13[%get3A_203, %get3A_204] {strides = array<i32>} : memref<32x768xf32, #tpu.memory_space<vmem>>, vector<1x16xf32>,
      %get3A_206 = vector.shape_cast %get3A_205 : vector<1x16xf32> to vector<16xf32>
      %mul3A_207 = arith.mulf %get3A_206, %get3A_102 : vector<16xf32>
      %add3A_208 = arith.addf %mul3A_202, %mul3A_207 : vector<16xf32>
      %swap3A_209 = arith.index_cast %scan3A_90 : i32 to index
      %swap3A_210 = arith.constant 96 : index
      %swap3A_211 = tpu.vector_load %arg12[%swap3A_209, %swap3A_210] {strides = array<i32>} : memref<32x768xf32, #tpu.memory_space<vmem>>, vector<1x16xf32>,
      %swap3A_212 = vector.shape_cast %swap3A_211 : vector<1x16xf32> to vector<16xf32>
      %swap3A_213 = vector.shape_cast %add3A_208 : vector<16xf32> to vector<1x16xf32>
      tpu.vector_store %arg12[%swap3A_209, %swap3A_210], %swap3A_213 {strides = array<i32>} : memref<32x768xf32, #tpu.memory_space<vmem>>, vector<1x16xf32>,
      %get3A_214 = arith.index_cast %scan3A_90 : i32 to index
      %get3A_215 = arith.constant 112 : index
      %get3A_216 = tpu.vector_load %arg12[%get3A_214, %get3A_215] {strides = array<i32>} : memref<32x768xf32, #tpu.memory_space<vmem>>, vector<1x16xf32>,
      %get3A_217 = vector.shape_cast %get3A_216 : vector<1x16xf32> to vector<16xf32>
      %mul3A_218 = arith.mulf %get3A_217, %get3A_96 : vector<16xf32>
      %get3A_219 = arith.index_cast %scan3A_90 : i32 to index
      %get3A_220 = arith.constant 112 : index
      %get3A_221 = tpu.vector_load %arg13[%get3A_219, %get3A_220] {strides = array<i32>} : memref<32x768xf32, #tpu.memory_space<vmem>>, vector<1x16xf32>,
      %get3A_222 = vector.shape_cast %get3A_221 : vector<1x16xf32> to vector<16xf32>
      %mul3A_223 = arith.mulf %get3A_222, %get3A_102 : vector<16xf32>
      %add3A_224 = arith.addf %mul3A_218, %mul3A_223 : vector<16xf32>
      %swap3A_225 = arith.index_cast %scan3A_90 : i32 to index
      %swap3A_226 = arith.constant 112 : index
      %swap3A_227 = tpu.vector_load %arg12[%swap3A_225, %swap3A_226] {strides = array<i32>} : memref<32x768xf32, #tpu.memory_space<vmem>>, vector<1x16xf32>,
      %swap3A_228 = vector.shape_cast %swap3A_227 : vector<1x16xf32> to vector<16xf32>
      %swap3A_229 = vector.shape_cast %add3A_224 : vector<16xf32> to vector<1x16xf32>
      tpu.vector_store %arg12[%swap3A_225, %swap3A_226], %swap3A_229 {strides = array<i32>} : memref<32x768xf32, #tpu.memory_space<vmem>>, vector<1x16xf32>,
      %get3A_230 = arith.index_cast %scan3A_90 : i32 to index
      %get3A_231 = arith.constant 128 : index
      %get3A_232 = tpu.vector_load %arg12[%get3A_230, %get3A_231] {strides = array<i32>} : memref<32x768xf32, #tpu.memory_space<vmem>>, vector<1x16xf32>,
      %get3A_233 = vector.shape_cast %get3A_232 : vector<1x16xf32> to vector<16xf32>
      %mul3A_234 = arith.mulf %get3A_233, %get3A_96 : vector<16xf32>
      %get3A_235 = arith.index_cast %scan3A_90 : i32 to index
      %get3A_236 = arith.constant 128 : index
      %get3A_237 = tpu.vector_load %arg13[%get3A_235, %get3A_236] {strides = array<i32>} : memref<32x768xf32, #tpu.memory_space<vmem>>, vector<1x16xf32>,
      %get3A_238 = vector.shape_cast %get3A_237 : vector<1x16xf32> to vector<16xf32>
      %mul3A_239 = arith.mulf %get3A_238, %get3A_102 : vector<16xf32>
      %add3A_240 = arith.addf %mul3A_234, %mul3A_239 : vector<16xf32>
      %swap3A_241 = arith.index_cast %scan3A_90 : i32 to index
      %swap3A_242 = arith.constant 128 : index
      %swap3A_243 = tpu.vector_load %arg12[%swap3A_241, %swap3A_242] {strides = array<i32>} : memref<32x768xf32, #tpu.memory_space<vmem>>, vector<1x16xf32>,
      %swap3A_244 = vector.shape_cast %swap3A_243 : vector<1x16xf32> to vector<16xf32>
      %swap3A_245 = vector.shape_cast %add3A_240 : vector<16xf32> to vector<1x16xf32>
      tpu.vector_store %arg12[%swap3A_241, %swap3A_242], %swap3A_245 {strides = array<i32>} : memref<32x768xf32, #tpu.memory_space<vmem>>, vector<1x16xf32>,
      %get3A_246 = arith.index_cast %scan3A_90 : i32 to index
      %get3A_247 = arith.constant 144 : index
      %get3A_248 = tpu.vector_load %arg12[%get3A_246, %get3A_247] {strides = array<i32>} : memref<32x768xf32, #tpu.memory_space<vmem>>, vector<1x16xf32>,
      %get3A_249 = vector.shape_cast %get3A_248 : vector<1x16xf32> to vector<16xf32>
      %mul3A_250 = arith.mulf %get3A_249, %get3A_96 : vector<16xf32>
      %get3A_251 = arith.index_cast %scan3A_90 : i32 to index
      %get3A_252 = arith.constant 144 : index
      %get3A_253 = tpu.vector_load %arg13[%get3A_251, %get3A_252] {strides = array<i32>} : memref<32x768xf32, #tpu.memory_space<vmem>>, vector<1x16xf32>,
      %get3A_254 = vector.shape_cast %get3A_253 : vector<1x16xf32> to vector<16xf32>
      %mul3A_255 = arith.mulf %get3A_254, %get3A_102 : vector<16xf32>
      %add3A_256 = arith.addf %mul3A_250, %mul3A_255 : vector<16xf32>
      %swap3A_257 = arith.index_cast %scan3A_90 : i32 to index
      %swap3A_258 = arith.constant 144 : index
      %swap3A_259 = tpu.vector_load %arg12[%swap3A_257, %swap3A_258] {strides = array<i32>} : memref<32x768xf32, #tpu.memory_space<vmem>>, vector<1x16xf32>,
      %swap3A_260 = vector.shape_cast %swap3A_259 : vector<1x16xf32> to vector<16xf32>
      %swap3A_261 = vector.shape_cast %add3A_256 : vector<16xf32> to vector<1x16xf32>
      tpu.vector_store %arg12[%swap3A_257, %swap3A_258], %swap3A_261 {strides = array<i32>} : memref<32x768xf32, #tpu.memory_space<vmem>>, vector<1x16xf32>,
      %get3A_262 = arith.index_cast %scan3A_90 : i32 to index
      %get3A_263 = arith.constant 160 : index
      %get3A_264 = tpu.vector_load %arg12[%get3A_262, %get3A_263] {strides = array<i32>} : memref<32x768xf32, #tpu.memory_space<vmem>>, vector<1x16xf32>,
      %get3A_265 = vector.shape_cast %get3A_264 : vector<1x16xf32> to vector<16xf32>
      %mul3A_266 = arith.mulf %get3A_265, %get3A_96 : vector<16xf32>
      %get3A_267 = arith.index_cast %scan3A_90 : i32 to index
      %get3A_268 = arith.constant 160 : index
      %get3A_269 = tpu.vector_load %arg13[%get3A_267, %get3A_268] {strides = array<i32>} : memref<32x768xf32, #tpu.memory_space<vmem>>, vector<1x16xf32>,
      %get3A_270 = vector.shape_cast %get3A_269 : vector<1x16xf32> to vector<16xf32>
      %mul3A_271 = arith.mulf %get3A_270, %get3A_102 : vector<16xf32>
      %add3A_272 = arith.addf %mul3A_266, %mul3A_271 : vector<16xf32>
      %swap3A_273 = arith.index_cast %scan3A_90 : i32 to index
      %swap3A_274 = arith.constant 160 : index
      %swap3A_275 = tpu.vector_load %arg12[%swap3A_273, %swap3A_274] {strides = array<i32>} : memref<32x768xf32, #tpu.memory_space<vmem>>, vector<1x16xf32>,
      %swap3A_276 = vector.shape_cast %swap3A_275 : vector<1x16xf32> to vector<16xf32>
      %swap3A_277 = vector.shape_cast %add3A_272 : vector<16xf32> to vector<1x16xf32>
      tpu.vector_store %arg12[%swap3A_273, %swap3A_274], %swap3A_277 {strides = array<i32>} : memref<32x768xf32, #tpu.memory_space<vmem>>, vector<1x16xf32>,
      %get3A_278 = arith.index_cast %scan3A_90 : i32 to index
      %get3A_279 = arith.constant 176 : index
      %get3A_280 = tpu.vector_load %arg12[%get3A_278, %get3A_279] {strides = array<i32>} : memref<32x768xf32, #tpu.memory_space<vmem>>, vector<1x16xf32>,
      %get3A_281 = vector.shape_cast %get3A_280 : vector<1x16xf32> to vector<16xf32>
      %mul3A_282 = arith.mulf %get3A_281, %get3A_96 : vector<16xf32>
      %get3A_283 = arith.index_cast %scan3A_90 : i32 to index
      %get3A_284 = arith.constant 176 : index
      %get3A_285 = tpu.vector_load %arg13[%get3A_283, %get3A_284] {strides = array<i32>} : memref<32x768xf32, #tpu.memory_space<vmem>>, vector<1x16xf32>,
      %get3A_286 = vector.shape_cast %get3A_285 : vector<1x16xf32> to vector<16xf32>
      %mul3A_287 = arith.mulf %get3A_286, %get3A_102 : vector<16xf32>
      %add3A_288 = arith.addf %mul3A_282, %mul3A_287 : vector<16xf32>
      %swap3A_289 = arith.index_cast %scan3A_90 : i32 to index
      %swap3A_290 = arith.constant 176 : index
      %swap3A_291 = tpu.vector_load %arg12[%swap3A_289, %swap3A_290] {strides = array<i32>} : memref<32x768xf32, #tpu.memory_space<vmem>>, vector<1x16xf32>,
      %swap3A_292 = vector.shape_cast %swap3A_291 : vector<1x16xf32> to vector<16xf32>
      %swap3A_293 = vector.shape_cast %add3A_288 : vector<16xf32> to vector<1x16xf32>
      tpu.vector_store %arg12[%swap3A_289, %swap3A_290], %swap3A_293 {strides = array<i32>} : memref<32x768xf32, #tpu.memory_space<vmem>>, vector<1x16xf32>,
      %get3A_294 = arith.index_cast %scan3A_90 : i32 to index
      %get3A_295 = arith.constant 192 : index
      %get3A_296 = tpu.vector_load %arg12[%get3A_294, %get3A_295] {strides = array<i32>} : memref<32x768xf32, #tpu.memory_space<vmem>>, vector<1x16xf32>,
      %get3A_297 = vector.shape_cast %get3A_296 : vector<1x16xf32> to vector<16xf32>
      %mul3A_298 = arith.mulf %get3A_297, %get3A_96 : vector<16xf32>
      %get3A_299 = arith.index_cast %scan3A_90 : i32 to index
      %get3A_300 = arith.constant 192 : index
      %get3A_301 = tpu.vector_load %arg13[%get3A_299, %get3A_300] {strides = array<i32>} : memref<32x768xf32, #tpu.memory_space<vmem>>, vector<1x16xf32>,
      %get3A_302 = vector.shape_cast %get3A_301 : vector<1x16xf32> to vector<16xf32>
      %mul3A_303 = arith.mulf %get3A_302, %get3A_102 : vector<16xf32>
      %add3A_304 = arith.addf %mul3A_298, %mul3A_303 : vector<16xf32>
      %swap3A_305 = arith.index_cast %scan3A_90 : i32 to index
      %swap3A_306 = arith.constant 192 : index
      %swap3A_307 = tpu.vector_load %arg12[%swap3A_305, %swap3A_306] {strides = array<i32>} : memref<32x768xf32, #tpu.memory_space<vmem>>, vector<1x16xf32>,
      %swap3A_308 = vector.shape_cast %swap3A_307 : vector<1x16xf32> to vector<16xf32>
      %swap3A_309 = vector.shape_cast %add3A_304 : vector<16xf32> to vector<1x16xf32>
      tpu.vector_store %arg12[%swap3A_305, %swap3A_306], %swap3A_309 {strides = array<i32>} : memref<32x768xf32, #tpu.memory_space<vmem>>, vector<1x16xf32>,
      %get3A_310 = arith.index_cast %scan3A_90 : i32 to index
      %get3A_311 = arith.constant 208 : index
      %get3A_312 = tpu.vector_load %arg12[%get3A_310, %get3A_311] {strides = array<i32>} : memref<32x768xf32, #tpu.memory_space<vmem>>, vector<1x16xf32>,
      %get3A_313 = vector.shape_cast %get3A_312 : vector<1x16xf32> to vector<16xf32>
      %mul3A_314 = arith.mulf %get3A_313, %get3A_96 : vector<16xf32>
      %get3A_315 = arith.index_cast %scan3A_90 : i32 to index
      %get3A_316 = arith.constant 208 : index
      %get3A_317 = tpu.vector_load %arg13[%get3A_315, %get3A_316] {strides = array<i32>} : memref<32x768xf32, #tpu.memory_space<vmem>>, vector<1x16xf32>,
      %get3A_318 = vector.shape_cast %get3A_317 : vector<1x16xf32> to vector<16xf32>
      %mul3A_319 = arith.mulf %get3A_318, %get3A_102 : vector<16xf32>
      %add3A_320 = arith.addf %mul3A_314, %mul3A_319 : vector<16xf32>
      %swap3A_321 = arith.index_cast %scan3A_90 : i32 to index
      %swap3A_322 = arith.constant 208 : index
      %swap3A_323 = tpu.vector_load %arg12[%swap3A_321, %swap3A_322] {strides = array<i32>} : memref<32x768xf32, #tpu.memory_space<vmem>>, vector<1x16xf32>,
      %swap3A_324 = vector.shape_cast %swap3A_323 : vector<1x16xf32> to vector<16xf32>
      %swap3A_325 = vector.shape_cast %add3A_320 : vector<16xf32> to vector<1x16xf32>
      tpu.vector_store %arg12[%swap3A_321, %swap3A_322], %swap3A_325 {strides = array<i32>} : memref<32x768xf32, #tpu.memory_space<vmem>>, vector<1x16xf32>,
      %get3A_326 = arith.index_cast %scan3A_90 : i32 to index
      %get3A_327 = arith.constant 224 : index
      %get3A_328 = tpu.vector_load %arg12[%get3A_326, %get3A_327] {strides = array<i32>} : memref<32x768xf32, #tpu.memory_space<vmem>>, vector<1x16xf32>,
      %get3A_329 = vector.shape_cast %get3A_328 : vector<1x16xf32> to vector<16xf32>
      %mul3A_330 = arith.mulf %get3A_329, %get3A_96 : vector<16xf32>
      %get3A_331 = arith.index_cast %scan3A_90 : i32 to index
      %get3A_332 = arith.constant 224 : index
      %get3A_333 = tpu.vector_load %arg13[%get3A_331, %get3A_332] {strides = array<i32>} : memref<32x768xf32, #tpu.memory_space<vmem>>, vector<1x16xf32>,
      %get3A_334 = vector.shape_cast %get3A_333 : vector<1x16xf32> to vector<16xf32>
      %mul3A_335 = arith.mulf %get3A_334, %get3A_102 : vector<16xf32>
      %add3A_336 = arith.addf %mul3A_330, %mul3A_335 : vector<16xf32>
      %swap3A_337 = arith.index_cast %scan3A_90 : i32 to index
      %swap3A_338 = arith.constant 224 : index
      %swap3A_339 = tpu.vector_load %arg12[%swap3A_337, %swap3A_338] {strides = array<i32>} : memref<32x768xf32, #tpu.memory_space<vmem>>, vector<1x16xf32>,
      %swap3A_340 = vector.shape_cast %swap3A_339 : vector<1x16xf32> to vector<16xf32>
      %swap3A_341 = vector.shape_cast %add3A_336 : vector<16xf32> to vector<1x16xf32>
      tpu.vector_store %arg12[%swap3A_337, %swap3A_338], %swap3A_341 {strides = array<i32>} : memref<32x768xf32, #tpu.memory_space<vmem>>, vector<1x16xf32>,
      %get3A_342 = arith.index_cast %scan3A_90 : i32 to index
      %get3A_343 = arith.constant 240 : index
      %get3A_344 = tpu.vector_load %arg12[%get3A_342, %get3A_343] {strides = array<i32>} : memref<32x768xf32, #tpu.memory_space<vmem>>, vector<1x16xf32>,
      %get3A_345 = vector.shape_cast %get3A_344 : vector<1x16xf32> to vector<16xf32>
      %mul3A_346 = arith.mulf %get3A_345, %get3A_96 : vector<16xf32>
      %get3A_347 = arith.index_cast %scan3A_90 : i32 to index
      %get3A_348 = arith.constant 240 : index
      %get3A_349 = tpu.vector_load %arg13[%get3A_347, %get3A_348] {strides = array<i32>} : memref<32x768xf32, #tpu.memory_space<vmem>>, vector<1x16xf32>,
      %get3A_350 = vector.shape_cast %get3A_349 : vector<1x16xf32> to vector<16xf32>
      %mul3A_351 = arith.mulf %get3A_350, %get3A_102 : vector<16xf32>
      %add3A_352 = arith.addf %mul3A_346, %mul3A_351 : vector<16xf32>
      %swap3A_353 = arith.index_cast %scan3A_90 : i32 to index
      %swap3A_354 = arith.constant 240 : index
      %swap3A_355 = tpu.vector_load %arg12[%swap3A_353, %swap3A_354] {strides = array<i32>} : memref<32x768xf32, #tpu.memory_space<vmem>>, vector<1x16xf32>,
      %swap3A_356 = vector.shape_cast %swap3A_355 : vector<1x16xf32> to vector<16xf32>
      %swap3A_357 = vector.shape_cast %add3A_352 : vector<16xf32> to vector<1x16xf32>
      tpu.vector_store %arg12[%swap3A_353, %swap3A_354], %swap3A_357 {strides = array<i32>} : memref<32x768xf32, #tpu.memory_space<vmem>>, vector<1x16xf32>,
      %get3A_358 = arith.index_cast %scan3A_90 : i32 to index
      %get3A_359 = arith.constant 256 : index
      %get3A_360 = tpu.vector_load %arg12[%get3A_358, %get3A_359] {strides = array<i32>} : memref<32x768xf32, #tpu.memory_space<vmem>>, vector<1x16xf32>,
      %get3A_361 = vector.shape_cast %get3A_360 : vector<1x16xf32> to vector<16xf32>
      %mul3A_362 = arith.mulf %get3A_361, %get3A_96 : vector<16xf32>
      %get3A_363 = arith.index_cast %scan3A_90 : i32 to index
      %get3A_364 = arith.constant 256 : index
      %get3A_365 = tpu.vector_load %arg13[%get3A_363, %get3A_364] {strides = array<i32>} : memref<32x768xf32, #tpu.memory_space<vmem>>, vector<1x16xf32>,
      %get3A_366 = vector.shape_cast %get3A_365 : vector<1x16xf32> to vector<16xf32>
      %mul3A_367 = arith.mulf %get3A_366, %get3A_102 : vector<16xf32>
      %add3A_368 = arith.addf %mul3A_362, %mul3A_367 : vector<16xf32>
      %swap3A_369 = arith.index_cast %scan3A_90 : i32 to index
      %swap3A_370 = arith.constant 256 : index
      %swap3A_371 = tpu.vector_load %arg12[%swap3A_369, %swap3A_370] {strides = array<i32>} : memref<32x768xf32, #tpu.memory_space<vmem>>, vector<1x16xf32>,
      %swap3A_372 = vector.shape_cast %swap3A_371 : vector<1x16xf32> to vector<16xf32>
      %swap3A_373 = vector.shape_cast %add3A_368 : vector<16xf32> to vector<1x16xf32>
      tpu.vector_store %arg12[%swap3A_369, %swap3A_370], %swap3A_373 {strides = array<i32>} : memref<32x768xf32, #tpu.memory_space<vmem>>, vector<1x16xf32>,
      %get3A_374 = arith.index_cast %scan3A_90 : i32 to index
      %get3A_375 = arith.constant 272 : index
      %get3A_376 = tpu.vector_load %arg12[%get3A_374, %get3A_375] {strides = array<i32>} : memref<32x768xf32, #tpu.memory_space<vmem>>, vector<1x16xf32>,
      %get3A_377 = vector.shape_cast %get3A_376 : vector<1x16xf32> to vector<16xf32>
      %mul3A_378 = arith.mulf %get3A_377, %get3A_96 : vector<16xf32>
      %get3A_379 = arith.index_cast %scan3A_90 : i32 to index
      %get3A_380 = arith.constant 272 : index
      %get3A_381 = tpu.vector_load %arg13[%get3A_379, %get3A_380] {strides = array<i32>} : memref<32x768xf32, #tpu.memory_space<vmem>>, vector<1x16xf32>,
      %get3A_382 = vector.shape_cast %get3A_381 : vector<1x16xf32> to vector<16xf32>
      %mul3A_383 = arith.mulf %get3A_382, %get3A_102 : vector<16xf32>
      %add3A_384 = arith.addf %mul3A_378, %mul3A_383 : vector<16xf32>
      %swap3A_385 = arith.index_cast %scan3A_90 : i32 to index
      %swap3A_386 = arith.constant 272 : index
      %swap3A_387 = tpu.vector_load %arg12[%swap3A_385, %swap3A_386] {strides = array<i32>} : memref<32x768xf32, #tpu.memory_space<vmem>>, vector<1x16xf32>,
      %swap3A_388 = vector.shape_cast %swap3A_387 : vector<1x16xf32> to vector<16xf32>
      %swap3A_389 = vector.shape_cast %add3A_384 : vector<16xf32> to vector<1x16xf32>
      tpu.vector_store %arg12[%swap3A_385, %swap3A_386], %swap3A_389 {strides = array<i32>} : memref<32x768xf32, #tpu.memory_space<vmem>>, vector<1x16xf32>,
      %get3A_390 = arith.index_cast %scan3A_90 : i32 to index
      %get3A_391 = arith.constant 288 : index
      %get3A_392 = tpu.vector_load %arg12[%get3A_390, %get3A_391] {strides = array<i32>} : memref<32x768xf32, #tpu.memory_space<vmem>>, vector<1x16xf32>,
      %get3A_393 = vector.shape_cast %get3A_392 : vector<1x16xf32> to vector<16xf32>
      %mul3A_394 = arith.mulf %get3A_393, %get3A_96 : vector<16xf32>
      %get3A_395 = arith.index_cast %scan3A_90 : i32 to index
      %get3A_396 = arith.constant 288 : index
      %get3A_397 = tpu.vector_load %arg13[%get3A_395, %get3A_396] {strides = array<i32>} : memref<32x768xf32, #tpu.memory_space<vmem>>, vector<1x16xf32>,
      %get3A_398 = vector.shape_cast %get3A_397 : vector<1x16xf32> to vector<16xf32>
      %mul3A_399 = arith.mulf %get3A_398, %get3A_102 : vector<16xf32>
      %add3A_400 = arith.addf %mul3A_394, %mul3A_399 : vector<16xf32>
      %swap3A_401 = arith.index_cast %scan3A_90 : i32 to index
      %swap3A_402 = arith.constant 288 : index
      %swap3A_403 = tpu.vector_load %arg12[%swap3A_401, %swap3A_402] {strides = array<i32>} : memref<32x768xf32, #tpu.memory_space<vmem>>, vector<1x16xf32>,
      %swap3A_404 = vector.shape_cast %swap3A_403 : vector<1x16xf32> to vector<16xf32>
      %swap3A_405 = vector.shape_cast %add3A_400 : vector<16xf32> to vector<1x16xf32>
      tpu.vector_store %arg12[%swap3A_401, %swap3A_402], %swap3A_405 {strides = array<i32>} : memref<32x768xf32, #tpu.memory_space<vmem>>, vector<1x16xf32>,
      %get3A_406 = arith.index_cast %scan3A_90 : i32 to index
      %get3A_407 = arith.constant 304 : index
      %get3A_408 = tpu.vector_load %arg12[%get3A_406, %get3A_407] {strides = array<i32>} : memref<32x768xf32, #tpu.memory_space<vmem>>, vector<1x16xf32>,
      %get3A_409 = vector.shape_cast %get3A_408 : vector<1x16xf32> to vector<16xf32>
      %mul3A_410 = arith.mulf %get3A_409, %get3A_96 : vector<16xf32>
      %get3A_411 = arith.index_cast %scan3A_90 : i32 to index
      %get3A_412 = arith.constant 304 : index
      %get3A_413 = tpu.vector_load %arg13[%get3A_411, %get3A_412] {strides = array<i32>} : memref<32x768xf32, #tpu.memory_space<vmem>>, vector<1x16xf32>,
      %get3A_414 = vector.shape_cast %get3A_413 : vector<1x16xf32> to vector<16xf32>
      %mul3A_415 = arith.mulf %get3A_414, %get3A_102 : vector<16xf32>
      %add3A_416 = arith.addf %mul3A_410, %mul3A_415 : vector<16xf32>
      %swap3A_417 = arith.index_cast %scan3A_90 : i32 to index
      %swap3A_418 = arith.constant 304 : index
      %swap3A_419 = tpu.vector_load %arg12[%swap3A_417, %swap3A_418] {strides = array<i32>} : memref<32x768xf32, #tpu.memory_space<vmem>>, vector<1x16xf32>,
      %swap3A_420 = vector.shape_cast %swap3A_419 : vector<1x16xf32> to vector<16xf32>
      %swap3A_421 = vector.shape_cast %add3A_416 : vector<16xf32> to vector<1x16xf32>
      tpu.vector_store %arg12[%swap3A_417, %swap3A_418], %swap3A_421 {strides = array<i32>} : memref<32x768xf32, #tpu.memory_space<vmem>>, vector<1x16xf32>,
      %get3A_422 = arith.index_cast %scan3A_90 : i32 to index
      %get3A_423 = arith.constant 320 : index
      %get3A_424 = tpu.vector_load %arg12[%get3A_422, %get3A_423] {strides = array<i32>} : memref<32x768xf32, #tpu.memory_space<vmem>>, vector<1x16xf32>,
      %get3A_425 = vector.shape_cast %get3A_424 : vector<1x16xf32> to vector<16xf32>
      %mul3A_426 = arith.mulf %get3A_425, %get3A_96 : vector<16xf32>
      %get3A_427 = arith.index_cast %scan3A_90 : i32 to index
      %get3A_428 = arith.constant 320 : index
      %get3A_429 = tpu.vector_load %arg13[%get3A_427, %get3A_428] {strides = array<i32>} : memref<32x768xf32, #tpu.memory_space<vmem>>, vector<1x16xf32>,
      %get3A_430 = vector.shape_cast %get3A_429 : vector<1x16xf32> to vector<16xf32>
      %mul3A_431 = arith.mulf %get3A_430, %get3A_102 : vector<16xf32>
      %add3A_432 = arith.addf %mul3A_426, %mul3A_431 : vector<16xf32>
      %swap3A_433 = arith.index_cast %scan3A_90 : i32 to index
      %swap3A_434 = arith.constant 320 : index
      %swap3A_435 = tpu.vector_load %arg12[%swap3A_433, %swap3A_434] {strides = array<i32>} : memref<32x768xf32, #tpu.memory_space<vmem>>, vector<1x16xf32>,
      %swap3A_436 = vector.shape_cast %swap3A_435 : vector<1x16xf32> to vector<16xf32>
      %swap3A_437 = vector.shape_cast %add3A_432 : vector<16xf32> to vector<1x16xf32>
      tpu.vector_store %arg12[%swap3A_433, %swap3A_434], %swap3A_437 {strides = array<i32>} : memref<32x768xf32, #tpu.memory_space<vmem>>, vector<1x16xf32>,
      %get3A_438 = arith.index_cast %scan3A_90 : i32 to index
      %get3A_439 = arith.constant 336 : index
      %get3A_440 = tpu.vector_load %arg12[%get3A_438, %get3A_439] {strides = array<i32>} : memref<32x768xf32, #tpu.memory_space<vmem>>, vector<1x16xf32>,
      %get3A_441 = vector.shape_cast %get3A_440 : vector<1x16xf32> to vector<16xf32>
      %mul3A_442 = arith.mulf %get3A_441, %get3A_96 : vector<16xf32>
      %get3A_443 = arith.index_cast %scan3A_90 : i32 to index
      %get3A_444 = arith.constant 336 : index
      %get3A_445 = tpu.vector_load %arg13[%get3A_443, %get3A_444] {strides = array<i32>} : memref<32x768xf32, #tpu.memory_space<vmem>>, vector<1x16xf32>,
      %get3A_446 = vector.shape_cast %get3A_445 : vector<1x16xf32> to vector<16xf32>
      %mul3A_447 = arith.mulf %get3A_446, %get3A_102 : vector<16xf32>
      %add3A_448 = arith.addf %mul3A_442, %mul3A_447 : vector<16xf32>
      %swap3A_449 = arith.index_cast %scan3A_90 : i32 to index
      %swap3A_450 = arith.constant 336 : index
      %swap3A_451 = tpu.vector_load %arg12[%swap3A_449, %swap3A_450] {strides = array<i32>} : memref<32x768xf32, #tpu.memory_space<vmem>>, vector<1x16xf32>,
      %swap3A_452 = vector.shape_cast %swap3A_451 : vector<1x16xf32> to vector<16xf32>
      %swap3A_453 = vector.shape_cast %add3A_448 : vector<16xf32> to vector<1x16xf32>
      tpu.vector_store %arg12[%swap3A_449, %swap3A_450], %swap3A_453 {strides = array<i32>} : memref<32x768xf32, #tpu.memory_space<vmem>>, vector<1x16xf32>,
      %get3A_454 = arith.index_cast %scan3A_90 : i32 to index
      %get3A_455 = arith.constant 352 : index
      %get3A_456 = tpu.vector_load %arg12[%get3A_454, %get3A_455] {strides = array<i32>} : memref<32x768xf32, #tpu.memory_space<vmem>>, vector<1x16xf32>,
      %get3A_457 = vector.shape_cast %get3A_456 : vector<1x16xf32> to vector<16xf32>
      %mul3A_458 = arith.mulf %get3A_457, %get3A_96 : vector<16xf32>
      %get3A_459 = arith.index_cast %scan3A_90 : i32 to index
      %get3A_460 = arith.constant 352 : index
      %get3A_461 = tpu.vector_load %arg13[%get3A_459, %get3A_460] {strides = array<i32>} : memref<32x768xf32, #tpu.memory_space<vmem>>, vector<1x16xf32>,
      %get3A_462 = vector.shape_cast %get3A_461 : vector<1x16xf32> to vector<16xf32>
      %mul3A_463 = arith.mulf %get3A_462, %get3A_102 : vector<16xf32>
      %add3A_464 = arith.addf %mul3A_458, %mul3A_463 : vector<16xf32>
      %swap3A_465 = arith.index_cast %scan3A_90 : i32 to index
      %swap3A_466 = arith.constant 352 : index
      %swap3A_467 = tpu.vector_load %arg12[%swap3A_465, %swap3A_466] {strides = array<i32>} : memref<32x768xf32, #tpu.memory_space<vmem>>, vector<1x16xf32>,
      %swap3A_468 = vector.shape_cast %swap3A_467 : vector<1x16xf32> to vector<16xf32>
      %swap3A_469 = vector.shape_cast %add3A_464 : vector<16xf32> to vector<1x16xf32>
      tpu.vector_store %arg12[%swap3A_465, %swap3A_466], %swap3A_469 {strides = array<i32>} : memref<32x768xf32, #tpu.memory_space<vmem>>, vector<1x16xf32>,
      %get3A_470 = arith.index_cast %scan3A_90 : i32 to index
      %get3A_471 = arith.constant 368 : index
      %get3A_472 = tpu.vector_load %arg12[%get3A_470, %get3A_471] {strides = array<i32>} : memref<32x768xf32, #tpu.memory_space<vmem>>, vector<1x16xf32>,
      %get3A_473 = vector.shape_cast %get3A_472 : vector<1x16xf32> to vector<16xf32>
      %mul3A_474 = arith.mulf %get3A_473, %get3A_96 : vector<16xf32>
      %get3A_475 = arith.index_cast %scan3A_90 : i32 to index
      %get3A_476 = arith.constant 368 : index
      %get3A_477 = tpu.vector_load %arg13[%get3A_475, %get3A_476] {strides = array<i32>} : memref<32x768xf32, #tpu.memory_space<vmem>>, vector<1x16xf32>,
      %get3A_478 = vector.shape_cast %get3A_477 : vector<1x16xf32> to vector<16xf32>
      %mul3A_479 = arith.mulf %get3A_478, %get3A_102 : vector<16xf32>
      %add3A_480 = arith.addf %mul3A_474, %mul3A_479 : vector<16xf32>
      %swap3A_481 = arith.index_cast %scan3A_90 : i32 to index
      %swap3A_482 = arith.constant 368 : index
      %swap3A_483 = tpu.vector_load %arg12[%swap3A_481, %swap3A_482] {strides = array<i32>} : memref<32x768xf32, #tpu.memory_space<vmem>>, vector<1x16xf32>,
      %swap3A_484 = vector.shape_cast %swap3A_483 : vector<1x16xf32> to vector<16xf32>
      %swap3A_485 = vector.shape_cast %add3A_480 : vector<16xf32> to vector<1x16xf32>
      tpu.vector_store %arg12[%swap3A_481, %swap3A_482], %swap3A_485 {strides = array<i32>} : memref<32x768xf32, #tpu.memory_space<vmem>>, vector<1x16xf32>,
      %get3A_486 = arith.index_cast %scan3A_90 : i32 to index
      %get3A_487 = arith.constant 384 : index
      %get3A_488 = tpu.vector_load %arg12[%get3A_486, %get3A_487] {strides = array<i32>} : memref<32x768xf32, #tpu.memory_space<vmem>>, vector<1x16xf32>,
      %get3A_489 = vector.shape_cast %get3A_488 : vector<1x16xf32> to vector<16xf32>
      %mul3A_490 = arith.mulf %get3A_489, %get3A_96 : vector<16xf32>
      %get3A_491 = arith.index_cast %scan3A_90 : i32 to index
      %get3A_492 = arith.constant 384 : index
      %get3A_493 = tpu.vector_load %arg13[%get3A_491, %get3A_492] {strides = array<i32>} : memref<32x768xf32, #tpu.memory_space<vmem>>, vector<1x16xf32>,
      %get3A_494 = vector.shape_cast %get3A_493 : vector<1x16xf32> to vector<16xf32>
      %mul3A_495 = arith.mulf %get3A_494, %get3A_102 : vector<16xf32>
      %add3A_496 = arith.addf %mul3A_490, %mul3A_495 : vector<16xf32>
      %swap3A_497 = arith.index_cast %scan3A_90 : i32 to index
      %swap3A_498 = arith.constant 384 : index
      %swap3A_499 = tpu.vector_load %arg12[%swap3A_497, %swap3A_498] {strides = array<i32>} : memref<32x768xf32, #tpu.memory_space<vmem>>, vector<1x16xf32>,
      %swap3A_500 = vector.shape_cast %swap3A_499 : vector<1x16xf32> to vector<16xf32>
      %swap3A_501 = vector.shape_cast %add3A_496 : vector<16xf32> to vector<1x16xf32>
      tpu.vector_store %arg12[%swap3A_497, %swap3A_498], %swap3A_501 {strides = array<i32>} : memref<32x768xf32, #tpu.memory_space<vmem>>, vector<1x16xf32>,
      %get3A_502 = arith.index_cast %scan3A_90 : i32 to index
      %get3A_503 = arith.constant 400 : index
      %get3A_504 = tpu.vector_load %arg12[%get3A_502, %get3A_503] {strides = array<i32>} : memref<32x768xf32, #tpu.memory_space<vmem>>, vector<1x16xf32>,
      %get3A_505 = vector.shape_cast %get3A_504 : vector<1x16xf32> to vector<16xf32>
      %mul3A_506 = arith.mulf %get3A_505, %get3A_96 : vector<16xf32>
      %get3A_507 = arith.index_cast %scan3A_90 : i32 to index
      %get3A_508 = arith.constant 400 : index
      %get3A_509 = tpu.vector_load %arg13[%get3A_507, %get3A_508] {strides = array<i32>} : memref<32x768xf32, #tpu.memory_space<vmem>>, vector<1x16xf32>,
      %get3A_510 = vector.shape_cast %get3A_509 : vector<1x16xf32> to vector<16xf32>
      %mul3A_511 = arith.mulf %get3A_510, %get3A_102 : vector<16xf32>
      %add3A_512 = arith.addf %mul3A_506, %mul3A_511 : vector<16xf32>
      %swap3A_513 = arith.index_cast %scan3A_90 : i32 to index
      %swap3A_514 = arith.constant 400 : index
      %swap3A_515 = tpu.vector_load %arg12[%swap3A_513, %swap3A_514] {strides = array<i32>} : memref<32x768xf32, #tpu.memory_space<vmem>>, vector<1x16xf32>,
      %swap3A_516 = vector.shape_cast %swap3A_515 : vector<1x16xf32> to vector<16xf32>
      %swap3A_517 = vector.shape_cast %add3A_512 : vector<16xf32> to vector<1x16xf32>
      tpu.vector_store %arg12[%swap3A_513, %swap3A_514], %swap3A_517 {strides = array<i32>} : memref<32x768xf32, #tpu.memory_space<vmem>>, vector<1x16xf32>,
      %get3A_518 = arith.index_cast %scan3A_90 : i32 to index
      %get3A_519 = arith.constant 416 : index
      %get3A_520 = tpu.vector_load %arg12[%get3A_518, %get3A_519] {strides = array<i32>} : memref<32x768xf32, #tpu.memory_space<vmem>>, vector<1x16xf32>,
      %get3A_521 = vector.shape_cast %get3A_520 : vector<1x16xf32> to vector<16xf32>
      %mul3A_522 = arith.mulf %get3A_521, %get3A_96 : vector<16xf32>
      %get3A_523 = arith.index_cast %scan3A_90 : i32 to index
      %get3A_524 = arith.constant 416 : index
      %get3A_525 = tpu.vector_load %arg13[%get3A_523, %get3A_524] {strides = array<i32>} : memref<32x768xf32, #tpu.memory_space<vmem>>, vector<1x16xf32>,
      %get3A_526 = vector.shape_cast %get3A_525 : vector<1x16xf32> to vector<16xf32>
      %mul3A_527 = arith.mulf %get3A_526, %get3A_102 : vector<16xf32>
      %add3A_528 = arith.addf %mul3A_522, %mul3A_527 : vector<16xf32>
      %swap3A_529 = arith.index_cast %scan3A_90 : i32 to index
      %swap3A_530 = arith.constant 416 : index
      %swap3A_531 = tpu.vector_load %arg12[%swap3A_529, %swap3A_530] {strides = array<i32>} : memref<32x768xf32, #tpu.memory_space<vmem>>, vector<1x16xf32>,
      %swap3A_532 = vector.shape_cast %swap3A_531 : vector<1x16xf32> to vector<16xf32>
      %swap3A_533 = vector.shape_cast %add3A_528 : vector<16xf32> to vector<1x16xf32>
      tpu.vector_store %arg12[%swap3A_529, %swap3A_530], %swap3A_533 {strides = array<i32>} : memref<32x768xf32, #tpu.memory_space<vmem>>, vector<1x16xf32>,
      %get3A_534 = arith.index_cast %scan3A_90 : i32 to index
      %get3A_535 = arith.constant 432 : index
      %get3A_536 = tpu.vector_load %arg12[%get3A_534, %get3A_535] {strides = array<i32>} : memref<32x768xf32, #tpu.memory_space<vmem>>, vector<1x16xf32>,
      %get3A_537 = vector.shape_cast %get3A_536 : vector<1x16xf32> to vector<16xf32>
      %mul3A_538 = arith.mulf %get3A_537, %get3A_96 : vector<16xf32>
      %get3A_539 = arith.index_cast %scan3A_90 : i32 to index
      %get3A_540 = arith.constant 432 : index
      %get3A_541 = tpu.vector_load %arg13[%get3A_539, %get3A_540] {strides = array<i32>} : memref<32x768xf32, #tpu.memory_space<vmem>>, vector<1x16xf32>,
      %get3A_542 = vector.shape_cast %get3A_541 : vector<1x16xf32> to vector<16xf32>
      %mul3A_543 = arith.mulf %get3A_542, %get3A_102 : vector<16xf32>
      %add3A_544 = arith.addf %mul3A_538, %mul3A_543 : vector<16xf32>
      %swap3A_545 = arith.index_cast %scan3A_90 : i32 to index
      %swap3A_546 = arith.constant 432 : index
      %swap3A_547 = tpu.vector_load %arg12[%swap3A_545, %swap3A_546] {strides = array<i32>} : memref<32x768xf32, #tpu.memory_space<vmem>>, vector<1x16xf32>,
      %swap3A_548 = vector.shape_cast %swap3A_547 : vector<1x16xf32> to vector<16xf32>
      %swap3A_549 = vector.shape_cast %add3A_544 : vector<16xf32> to vector<1x16xf32>
      tpu.vector_store %arg12[%swap3A_545, %swap3A_546], %swap3A_549 {strides = array<i32>} : memref<32x768xf32, #tpu.memory_space<vmem>>, vector<1x16xf32>,
      %get3A_550 = arith.index_cast %scan3A_90 : i32 to index
      %get3A_551 = arith.constant 448 : index
      %get3A_552 = tpu.vector_load %arg12[%get3A_550, %get3A_551] {strides = array<i32>} : memref<32x768xf32, #tpu.memory_space<vmem>>, vector<1x16xf32>,
      %get3A_553 = vector.shape_cast %get3A_552 : vector<1x16xf32> to vector<16xf32>
      %mul3A_554 = arith.mulf %get3A_553, %get3A_96 : vector<16xf32>
      %get3A_555 = arith.index_cast %scan3A_90 : i32 to index
      %get3A_556 = arith.constant 448 : index
      %get3A_557 = tpu.vector_load %arg13[%get3A_555, %get3A_556] {strides = array<i32>} : memref<32x768xf32, #tpu.memory_space<vmem>>, vector<1x16xf32>,
      %get3A_558 = vector.shape_cast %get3A_557 : vector<1x16xf32> to vector<16xf32>
      %mul3A_559 = arith.mulf %get3A_558, %get3A_102 : vector<16xf32>
      %add3A_560 = arith.addf %mul3A_554, %mul3A_559 : vector<16xf32>
      %swap3A_561 = arith.index_cast %scan3A_90 : i32 to index
      %swap3A_562 = arith.constant 448 : index
      %swap3A_563 = tpu.vector_load %arg12[%swap3A_561, %swap3A_562] {strides = array<i32>} : memref<32x768xf32, #tpu.memory_space<vmem>>, vector<1x16xf32>,
      %swap3A_564 = vector.shape_cast %swap3A_563 : vector<1x16xf32> to vector<16xf32>
      %swap3A_565 = vector.shape_cast %add3A_560 : vector<16xf32> to vector<1x16xf32>
      tpu.vector_store %arg12[%swap3A_561, %swap3A_562], %swap3A_565 {strides = array<i32>} : memref<32x768xf32, #tpu.memory_space<vmem>>, vector<1x16xf32>,
      %get3A_566 = arith.index_cast %scan3A_90 : i32 to index
      %get3A_567 = arith.constant 464 : index
      %get3A_568 = tpu.vector_load %arg12[%get3A_566, %get3A_567] {strides = array<i32>} : memref<32x768xf32, #tpu.memory_space<vmem>>, vector<1x16xf32>,
      %get3A_569 = vector.shape_cast %get3A_568 : vector<1x16xf32> to vector<16xf32>
      %mul3A_570 = arith.mulf %get3A_569, %get3A_96 : vector<16xf32>
      %get3A_571 = arith.index_cast %scan3A_90 : i32 to index
      %get3A_572 = arith.constant 464 : index
      %get3A_573 = tpu.vector_load %arg13[%get3A_571, %get3A_572] {strides = array<i32>} : memref<32x768xf32, #tpu.memory_space<vmem>>, vector<1x16xf32>,
      %get3A_574 = vector.shape_cast %get3A_573 : vector<1x16xf32> to vector<16xf32>
      %mul3A_575 = arith.mulf %get3A_574, %get3A_102 : vector<16xf32>
      %add3A_576 = arith.addf %mul3A_570, %mul3A_575 : vector<16xf32>
      %swap3A_577 = arith.index_cast %scan3A_90 : i32 to index
      %swap3A_578 = arith.constant 464 : index
      %swap3A_579 = tpu.vector_load %arg12[%swap3A_577, %swap3A_578] {strides = array<i32>} : memref<32x768xf32, #tpu.memory_space<vmem>>, vector<1x16xf32>,
      %swap3A_580 = vector.shape_cast %swap3A_579 : vector<1x16xf32> to vector<16xf32>
      %swap3A_581 = vector.shape_cast %add3A_576 : vector<16xf32> to vector<1x16xf32>
      tpu.vector_store %arg12[%swap3A_577, %swap3A_578], %swap3A_581 {strides = array<i32>} : memref<32x768xf32, #tpu.memory_space<vmem>>, vector<1x16xf32>,
      %get3A_582 = arith.index_cast %scan3A_90 : i32 to index
      %get3A_583 = arith.constant 480 : index
      %get3A_584 = tpu.vector_load %arg12[%get3A_582, %get3A_583] {strides = array<i32>} : memref<32x768xf32, #tpu.memory_space<vmem>>, vector<1x16xf32>,
      %get3A_585 = vector.shape_cast %get3A_584 : vector<1x16xf32> to vector<16xf32>
      %mul3A_586 = arith.mulf %get3A_585, %get3A_96 : vector<16xf32>
      %get3A_587 = arith.index_cast %scan3A_90 : i32 to index
      %get3A_588 = arith.constant 480 : index
      %get3A_589 = tpu.vector_load %arg13[%get3A_587, %get3A_588] {strides = array<i32>} : memref<32x768xf32, #tpu.memory_space<vmem>>, vector<1x16xf32>,
      %get3A_590 = vector.shape_cast %get3A_589 : vector<1x16xf32> to vector<16xf32>
      %mul3A_591 = arith.mulf %get3A_590, %get3A_102 : vector<16xf32>
      %add3A_592 = arith.addf %mul3A_586, %mul3A_591 : vector<16xf32>
      %swap3A_593 = arith.index_cast %scan3A_90 : i32 to index
      %swap3A_594 = arith.constant 480 : index
      %swap3A_595 = tpu.vector_load %arg12[%swap3A_593, %swap3A_594] {strides = array<i32>} : memref<32x768xf32, #tpu.memory_space<vmem>>, vector<1x16xf32>,
      %swap3A_596 = vector.shape_cast %swap3A_595 : vector<1x16xf32> to vector<16xf32>
      %swap3A_597 = vector.shape_cast %add3A_592 : vector<16xf32> to vector<1x16xf32>
      tpu.vector_store %arg12[%swap3A_593, %swap3A_594], %swap3A_597 {strides = array<i32>} : memref<32x768xf32, #tpu.memory_space<vmem>>, vector<1x16xf32>,
      %get3A_598 = arith.index_cast %scan3A_90 : i32 to index
      %get3A_599 = arith.constant 496 : index
      %get3A_600 = tpu.vector_load %arg12[%get3A_598, %get3A_599] {strides = array<i32>} : memref<32x768xf32, #tpu.memory_space<vmem>>, vector<1x16xf32>,
      %get3A_601 = vector.shape_cast %get3A_600 : vector<1x16xf32> to vector<16xf32>
      %mul3A_602 = arith.mulf %get3A_601, %get3A_96 : vector<16xf32>
      %get3A_603 = arith.index_cast %scan3A_90 : i32 to index
      %get3A_604 = arith.constant 496 : index
      %get3A_605 = tpu.vector_load %arg13[%get3A_603, %get3A_604] {strides = array<i32>} : memref<32x768xf32, #tpu.memory_space<vmem>>, vector<1x16xf32>,
      %get3A_606 = vector.shape_cast %get3A_605 : vector<1x16xf32> to vector<16xf32>
      %mul3A_607 = arith.mulf %get3A_606, %get3A_102 : vector<16xf32>
      %add3A_608 = arith.addf %mul3A_602, %mul3A_607 : vector<16xf32>
      %swap3A_609 = arith.index_cast %scan3A_90 : i32 to index
      %swap3A_610 = arith.constant 496 : index
      %swap3A_611 = tpu.vector_load %arg12[%swap3A_609, %swap3A_610] {strides = array<i32>} : memref<32x768xf32, #tpu.memory_space<vmem>>, vector<1x16xf32>,
      %swap3A_612 = vector.shape_cast %swap3A_611 : vector<1x16xf32> to vector<16xf32>
      %swap3A_613 = vector.shape_cast %add3A_608 : vector<16xf32> to vector<1x16xf32>
      tpu.vector_store %arg12[%swap3A_609, %swap3A_610], %swap3A_613 {strides = array<i32>} : memref<32x768xf32, #tpu.memory_space<vmem>>, vector<1x16xf32>,
      %get3A_614 = arith.index_cast %scan3A_90 : i32 to index
      %get3A_615 = arith.constant 512 : index
      %get3A_616 = tpu.vector_load %arg12[%get3A_614, %get3A_615] {strides = array<i32>} : memref<32x768xf32, #tpu.memory_space<vmem>>, vector<1x16xf32>,
      %get3A_617 = vector.shape_cast %get3A_616 : vector<1x16xf32> to vector<16xf32>
      %mul3A_618 = arith.mulf %get3A_617, %get3A_96 : vector<16xf32>
      %get3A_619 = arith.index_cast %scan3A_90 : i32 to index
      %get3A_620 = arith.constant 512 : index
      %get3A_621 = tpu.vector_load %arg13[%get3A_619, %get3A_620] {strides = array<i32>} : memref<32x768xf32, #tpu.memory_space<vmem>>, vector<1x16xf32>,
      %get3A_622 = vector.shape_cast %get3A_621 : vector<1x16xf32> to vector<16xf32>
      %mul3A_623 = arith.mulf %get3A_622, %get3A_102 : vector<16xf32>
      %add3A_624 = arith.addf %mul3A_618, %mul3A_623 : vector<16xf32>
      %swap3A_625 = arith.index_cast %scan3A_90 : i32 to index
      %swap3A_626 = arith.constant 512 : index
      %swap3A_627 = tpu.vector_load %arg12[%swap3A_625, %swap3A_626] {strides = array<i32>} : memref<32x768xf32, #tpu.memory_space<vmem>>, vector<1x16xf32>,
      %swap3A_628 = vector.shape_cast %swap3A_627 : vector<1x16xf32> to vector<16xf32>
      %swap3A_629 = vector.shape_cast %add3A_624 : vector<16xf32> to vector<1x16xf32>
      tpu.vector_store %arg12[%swap3A_625, %swap3A_626], %swap3A_629 {strides = array<i32>} : memref<32x768xf32, #tpu.memory_space<vmem>>, vector<1x16xf32>,
      %get3A_630 = arith.index_cast %scan3A_90 : i32 to index
      %get3A_631 = arith.constant 528 : index
      %get3A_632 = tpu.vector_load %arg12[%get3A_630, %get3A_631] {strides = array<i32>} : memref<32x768xf32, #tpu.memory_space<vmem>>, vector<1x16xf32>,
      %get3A_633 = vector.shape_cast %get3A_632 : vector<1x16xf32> to vector<16xf32>
      %mul3A_634 = arith.mulf %get3A_633, %get3A_96 : vector<16xf32>
      %get3A_635 = arith.index_cast %scan3A_90 : i32 to index
      %get3A_636 = arith.constant 528 : index
      %get3A_637 = tpu.vector_load %arg13[%get3A_635, %get3A_636] {strides = array<i32>} : memref<32x768xf32, #tpu.memory_space<vmem>>, vector<1x16xf32>,
      %get3A_638 = vector.shape_cast %get3A_637 : vector<1x16xf32> to vector<16xf32>
      %mul3A_639 = arith.mulf %get3A_638, %get3A_102 : vector<16xf32>
      %add3A_640 = arith.addf %mul3A_634, %mul3A_639 : vector<16xf32>
      %swap3A_641 = arith.index_cast %scan3A_90 : i32 to index
      %swap3A_642 = arith.constant 528 : index
      %swap3A_643 = tpu.vector_load %arg12[%swap3A_641, %swap3A_642] {strides = array<i32>} : memref<32x768xf32, #tpu.memory_space<vmem>>, vector<1x16xf32>,
      %swap3A_644 = vector.shape_cast %swap3A_643 : vector<1x16xf32> to vector<16xf32>
      %swap3A_645 = vector.shape_cast %add3A_640 : vector<16xf32> to vector<1x16xf32>
      tpu.vector_store %arg12[%swap3A_641, %swap3A_642], %swap3A_645 {strides = array<i32>} : memref<32x768xf32, #tpu.memory_space<vmem>>, vector<1x16xf32>,
      %get3A_646 = arith.index_cast %scan3A_90 : i32 to index
      %get3A_647 = arith.constant 544 : index
      %get3A_648 = tpu.vector_load %arg12[%get3A_646, %get3A_647] {strides = array<i32>} : memref<32x768xf32, #tpu.memory_space<vmem>>, vector<1x16xf32>,
      %get3A_649 = vector.shape_cast %get3A_648 : vector<1x16xf32> to vector<16xf32>
      %mul3A_650 = arith.mulf %get3A_649, %get3A_96 : vector<16xf32>
      %get3A_651 = arith.index_cast %scan3A_90 : i32 to index
      %get3A_652 = arith.constant 544 : index
      %get3A_653 = tpu.vector_load %arg13[%get3A_651, %get3A_652] {strides = array<i32>} : memref<32x768xf32, #tpu.memory_space<vmem>>, vector<1x16xf32>,
      %get3A_654 = vector.shape_cast %get3A_653 : vector<1x16xf32> to vector<16xf32>
      %mul3A_655 = arith.mulf %get3A_654, %get3A_102 : vector<16xf32>
      %add3A_656 = arith.addf %mul3A_650, %mul3A_655 : vector<16xf32>
      %swap3A_657 = arith.index_cast %scan3A_90 : i32 to index
      %swap3A_658 = arith.constant 544 : index
      %swap3A_659 = tpu.vector_load %arg12[%swap3A_657, %swap3A_658] {strides = array<i32>} : memref<32x768xf32, #tpu.memory_space<vmem>>, vector<1x16xf32>,
      %swap3A_660 = vector.shape_cast %swap3A_659 : vector<1x16xf32> to vector<16xf32>
      %swap3A_661 = vector.shape_cast %add3A_656 : vector<16xf32> to vector<1x16xf32>
      tpu.vector_store %arg12[%swap3A_657, %swap3A_658], %swap3A_661 {strides = array<i32>} : memref<32x768xf32, #tpu.memory_space<vmem>>, vector<1x16xf32>,
      %get3A_662 = arith.index_cast %scan3A_90 : i32 to index
      %get3A_663 = arith.constant 560 : index
      %get3A_664 = tpu.vector_load %arg12[%get3A_662, %get3A_663] {strides = array<i32>} : memref<32x768xf32, #tpu.memory_space<vmem>>, vector<1x16xf32>,
      %get3A_665 = vector.shape_cast %get3A_664 : vector<1x16xf32> to vector<16xf32>
      %mul3A_666 = arith.mulf %get3A_665, %get3A_96 : vector<16xf32>
      %get3A_667 = arith.index_cast %scan3A_90 : i32 to index
      %get3A_668 = arith.constant 560 : index
      %get3A_669 = tpu.vector_load %arg13[%get3A_667, %get3A_668] {strides = array<i32>} : memref<32x768xf32, #tpu.memory_space<vmem>>, vector<1x16xf32>,
      %get3A_670 = vector.shape_cast %get3A_669 : vector<1x16xf32> to vector<16xf32>
      %mul3A_671 = arith.mulf %get3A_670, %get3A_102 : vector<16xf32>
      %add3A_672 = arith.addf %mul3A_666, %mul3A_671 : vector<16xf32>
      %swap3A_673 = arith.index_cast %scan3A_90 : i32 to index
      %swap3A_674 = arith.constant 560 : index
      %swap3A_675 = tpu.vector_load %arg12[%swap3A_673, %swap3A_674] {strides = array<i32>} : memref<32x768xf32, #tpu.memory_space<vmem>>, vector<1x16xf32>,
      %swap3A_676 = vector.shape_cast %swap3A_675 : vector<1x16xf32> to vector<16xf32>
      %swap3A_677 = vector.shape_cast %add3A_672 : vector<16xf32> to vector<1x16xf32>
      tpu.vector_store %arg12[%swap3A_673, %swap3A_674], %swap3A_677 {strides = array<i32>} : memref<32x768xf32, #tpu.memory_space<vmem>>, vector<1x16xf32>,
      %get3A_678 = arith.index_cast %scan3A_90 : i32 to index
      %get3A_679 = arith.constant 576 : index
      %get3A_680 = tpu.vector_load %arg12[%get3A_678, %get3A_679] {strides = array<i32>} : memref<32x768xf32, #tpu.memory_space<vmem>>, vector<1x16xf32>,
      %get3A_681 = vector.shape_cast %get3A_680 : vector<1x16xf32> to vector<16xf32>
      %mul3A_682 = arith.mulf %get3A_681, %get3A_96 : vector<16xf32>
      %get3A_683 = arith.index_cast %scan3A_90 : i32 to index
      %get3A_684 = arith.constant 576 : index
      %get3A_685 = tpu.vector_load %arg13[%get3A_683, %get3A_684] {strides = array<i32>} : memref<32x768xf32, #tpu.memory_space<vmem>>, vector<1x16xf32>,
      %get3A_686 = vector.shape_cast %get3A_685 : vector<1x16xf32> to vector<16xf32>
      %mul3A_687 = arith.mulf %get3A_686, %get3A_102 : vector<16xf32>
      %add3A_688 = arith.addf %mul3A_682, %mul3A_687 : vector<16xf32>
      %swap3A_689 = arith.index_cast %scan3A_90 : i32 to index
      %swap3A_690 = arith.constant 576 : index
      %swap3A_691 = tpu.vector_load %arg12[%swap3A_689, %swap3A_690] {strides = array<i32>} : memref<32x768xf32, #tpu.memory_space<vmem>>, vector<1x16xf32>,
      %swap3A_692 = vector.shape_cast %swap3A_691 : vector<1x16xf32> to vector<16xf32>
      %swap3A_693 = vector.shape_cast %add3A_688 : vector<16xf32> to vector<1x16xf32>
      tpu.vector_store %arg12[%swap3A_689, %swap3A_690], %swap3A_693 {strides = array<i32>} : memref<32x768xf32, #tpu.memory_space<vmem>>, vector<1x16xf32>,
      %get3A_694 = arith.index_cast %scan3A_90 : i32 to index
      %get3A_695 = arith.constant 592 : index
      %get3A_696 = tpu.vector_load %arg12[%get3A_694, %get3A_695] {strides = array<i32>} : memref<32x768xf32, #tpu.memory_space<vmem>>, vector<1x16xf32>,
      %get3A_697 = vector.shape_cast %get3A_696 : vector<1x16xf32> to vector<16xf32>
      %mul3A_698 = arith.mulf %get3A_697, %get3A_96 : vector<16xf32>
      %get3A_699 = arith.index_cast %scan3A_90 : i32 to index
      %get3A_700 = arith.constant 592 : index
      %get3A_701 = tpu.vector_load %arg13[%get3A_699, %get3A_700] {strides = array<i32>} : memref<32x768xf32, #tpu.memory_space<vmem>>, vector<1x16xf32>,
      %get3A_702 = vector.shape_cast %get3A_701 : vector<1x16xf32> to vector<16xf32>
      %mul3A_703 = arith.mulf %get3A_702, %get3A_102 : vector<16xf32>
      %add3A_704 = arith.addf %mul3A_698, %mul3A_703 : vector<16xf32>
      %swap3A_705 = arith.index_cast %scan3A_90 : i32 to index
      %swap3A_706 = arith.constant 592 : index
      %swap3A_707 = tpu.vector_load %arg12[%swap3A_705, %swap3A_706] {strides = array<i32>} : memref<32x768xf32, #tpu.memory_space<vmem>>, vector<1x16xf32>,
      %swap3A_708 = vector.shape_cast %swap3A_707 : vector<1x16xf32> to vector<16xf32>
      %swap3A_709 = vector.shape_cast %add3A_704 : vector<16xf32> to vector<1x16xf32>
      tpu.vector_store %arg12[%swap3A_705, %swap3A_706], %swap3A_709 {strides = array<i32>} : memref<32x768xf32, #tpu.memory_space<vmem>>, vector<1x16xf32>,
      %get3A_710 = arith.index_cast %scan3A_90 : i32 to index
      %get3A_711 = arith.constant 608 : index
      %get3A_712 = tpu.vector_load %arg12[%get3A_710, %get3A_711] {strides = array<i32>} : memref<32x768xf32, #tpu.memory_space<vmem>>, vector<1x16xf32>,
      %get3A_713 = vector.shape_cast %get3A_712 : vector<1x16xf32> to vector<16xf32>
      %mul3A_714 = arith.mulf %get3A_713, %get3A_96 : vector<16xf32>
      %get3A_715 = arith.index_cast %scan3A_90 : i32 to index
      %get3A_716 = arith.constant 608 : index
      %get3A_717 = tpu.vector_load %arg13[%get3A_715, %get3A_716] {strides = array<i32>} : memref<32x768xf32, #tpu.memory_space<vmem>>, vector<1x16xf32>,
      %get3A_718 = vector.shape_cast %get3A_717 : vector<1x16xf32> to vector<16xf32>
      %mul3A_719 = arith.mulf %get3A_718, %get3A_102 : vector<16xf32>
      %add3A_720 = arith.addf %mul3A_714, %mul3A_719 : vector<16xf32>
      %swap3A_721 = arith.index_cast %scan3A_90 : i32 to index
      %swap3A_722 = arith.constant 608 : index
      %swap3A_723 = tpu.vector_load %arg12[%swap3A_721, %swap3A_722] {strides = array<i32>} : memref<32x768xf32, #tpu.memory_space<vmem>>, vector<1x16xf32>,
      %swap3A_724 = vector.shape_cast %swap3A_723 : vector<1x16xf32> to vector<16xf32>
      %swap3A_725 = vector.shape_cast %add3A_720 : vector<16xf32> to vector<1x16xf32>
      tpu.vector_store %arg12[%swap3A_721, %swap3A_722], %swap3A_725 {strides = array<i32>} : memref<32x768xf32, #tpu.memory_space<vmem>>, vector<1x16xf32>,
      %get3A_726 = arith.index_cast %scan3A_90 : i32 to index
      %get3A_727 = arith.constant 624 : index
      %get3A_728 = tpu.vector_load %arg12[%get3A_726, %get3A_727] {strides = array<i32>} : memref<32x768xf32, #tpu.memory_space<vmem>>, vector<1x16xf32>,
      %get3A_729 = vector.shape_cast %get3A_728 : vector<1x16xf32> to vector<16xf32>
      %mul3A_730 = arith.mulf %get3A_729, %get3A_96 : vector<16xf32>
      %get3A_731 = arith.index_cast %scan3A_90 : i32 to index
      %get3A_732 = arith.constant 624 : index
      %get3A_733 = tpu.vector_load %arg13[%get3A_731, %get3A_732] {strides = array<i32>} : memref<32x768xf32, #tpu.memory_space<vmem>>, vector<1x16xf32>,
      %get3A_734 = vector.shape_cast %get3A_733 : vector<1x16xf32> to vector<16xf32>
      %mul3A_735 = arith.mulf %get3A_734, %get3A_102 : vector<16xf32>
      %add3A_736 = arith.addf %mul3A_730, %mul3A_735 : vector<16xf32>
      %swap3A_737 = arith.index_cast %scan3A_90 : i32 to index
      %swap3A_738 = arith.constant 624 : index
      %swap3A_739 = tpu.vector_load %arg12[%swap3A_737, %swap3A_738] {strides = array<i32>} : memref<32x768xf32, #tpu.memory_space<vmem>>, vector<1x16xf32>,
      %swap3A_740 = vector.shape_cast %swap3A_739 : vector<1x16xf32> to vector<16xf32>
      %swap3A_741 = vector.shape_cast %add3A_736 : vector<16xf32> to vector<1x16xf32>
      tpu.vector_store %arg12[%swap3A_737, %swap3A_738], %swap3A_741 {strides = array<i32>} : memref<32x768xf32, #tpu.memory_space<vmem>>, vector<1x16xf32>,
      %get3A_742 = arith.index_cast %scan3A_90 : i32 to index
      %get3A_743 = arith.constant 640 : index
      %get3A_744 = tpu.vector_load %arg12[%get3A_742, %get3A_743] {strides = array<i32>} : memref<32x768xf32, #tpu.memory_space<vmem>>, vector<1x16xf32>,
      %get3A_745 = vector.shape_cast %get3A_744 : vector<1x16xf32> to vector<16xf32>
      %mul3A_746 = arith.mulf %get3A_745, %get3A_96 : vector<16xf32>
      %get3A_747 = arith.index_cast %scan3A_90 : i32 to index
      %get3A_748 = arith.constant 640 : index
      %get3A_749 = tpu.vector_load %arg13[%get3A_747, %get3A_748] {strides = array<i32>} : memref<32x768xf32, #tpu.memory_space<vmem>>, vector<1x16xf32>,
      %get3A_750 = vector.shape_cast %get3A_749 : vector<1x16xf32> to vector<16xf32>
      %mul3A_751 = arith.mulf %get3A_750, %get3A_102 : vector<16xf32>
      %add3A_752 = arith.addf %mul3A_746, %mul3A_751 : vector<16xf32>
      %swap3A_753 = arith.index_cast %scan3A_90 : i32 to index
      %swap3A_754 = arith.constant 640 : index
      %swap3A_755 = tpu.vector_load %arg12[%swap3A_753, %swap3A_754] {strides = array<i32>} : memref<32x768xf32, #tpu.memory_space<vmem>>, vector<1x16xf32>,
      %swap3A_756 = vector.shape_cast %swap3A_755 : vector<1x16xf32> to vector<16xf32>
      %swap3A_757 = vector.shape_cast %add3A_752 : vector<16xf32> to vector<1x16xf32>
      tpu.vector_store %arg12[%swap3A_753, %swap3A_754], %swap3A_757 {strides = array<i32>} : memref<32x768xf32, #tpu.memory_space<vmem>>, vector<1x16xf32>,
      %get3A_758 = arith.index_cast %scan3A_90 : i32 to index
      %get3A_759 = arith.constant 656 : index
      %get3A_760 = tpu.vector_load %arg12[%get3A_758, %get3A_759] {strides = array<i32>} : memref<32x768xf32, #tpu.memory_space<vmem>>, vector<1x16xf32>,
      %get3A_761 = vector.shape_cast %get3A_760 : vector<1x16xf32> to vector<16xf32>
      %mul3A_762 = arith.mulf %get3A_761, %get3A_96 : vector<16xf32>
      %get3A_763 = arith.index_cast %scan3A_90 : i32 to index
      %get3A_764 = arith.constant 656 : index
      %get3A_765 = tpu.vector_load %arg13[%get3A_763, %get3A_764] {strides = array<i32>} : memref<32x768xf32, #tpu.memory_space<vmem>>, vector<1x16xf32>,
      %get3A_766 = vector.shape_cast %get3A_765 : vector<1x16xf32> to vector<16xf32>
      %mul3A_767 = arith.mulf %get3A_766, %get3A_102 : vector<16xf32>
      %add3A_768 = arith.addf %mul3A_762, %mul3A_767 : vector<16xf32>
      %swap3A_769 = arith.index_cast %scan3A_90 : i32 to index
      %swap3A_770 = arith.constant 656 : index
      %swap3A_771 = tpu.vector_load %arg12[%swap3A_769, %swap3A_770] {strides = array<i32>} : memref<32x768xf32, #tpu.memory_space<vmem>>, vector<1x16xf32>,
      %swap3A_772 = vector.shape_cast %swap3A_771 : vector<1x16xf32> to vector<16xf32>
      %swap3A_773 = vector.shape_cast %add3A_768 : vector<16xf32> to vector<1x16xf32>
      tpu.vector_store %arg12[%swap3A_769, %swap3A_770], %swap3A_773 {strides = array<i32>} : memref<32x768xf32, #tpu.memory_space<vmem>>, vector<1x16xf32>,
      %get3A_774 = arith.index_cast %scan3A_90 : i32 to index
      %get3A_775 = arith.constant 672 : index
      %get3A_776 = tpu.vector_load %arg12[%get3A_774, %get3A_775] {strides = array<i32>} : memref<32x768xf32, #tpu.memory_space<vmem>>, vector<1x16xf32>,
      %get3A_777 = vector.shape_cast %get3A_776 : vector<1x16xf32> to vector<16xf32>
      %mul3A_778 = arith.mulf %get3A_777, %get3A_96 : vector<16xf32>
      %get3A_779 = arith.index_cast %scan3A_90 : i32 to index
      %get3A_780 = arith.constant 672 : index
      %get3A_781 = tpu.vector_load %arg13[%get3A_779, %get3A_780] {strides = array<i32>} : memref<32x768xf32, #tpu.memory_space<vmem>>, vector<1x16xf32>,
      %get3A_782 = vector.shape_cast %get3A_781 : vector<1x16xf32> to vector<16xf32>
      %mul3A_783 = arith.mulf %get3A_782, %get3A_102 : vector<16xf32>
      %add3A_784 = arith.addf %mul3A_778, %mul3A_783 : vector<16xf32>
      %swap3A_785 = arith.index_cast %scan3A_90 : i32 to index
      %swap3A_786 = arith.constant 672 : index
      %swap3A_787 = tpu.vector_load %arg12[%swap3A_785, %swap3A_786] {strides = array<i32>} : memref<32x768xf32, #tpu.memory_space<vmem>>, vector<1x16xf32>,
      %swap3A_788 = vector.shape_cast %swap3A_787 : vector<1x16xf32> to vector<16xf32>
      %swap3A_789 = vector.shape_cast %add3A_784 : vector<16xf32> to vector<1x16xf32>
      tpu.vector_store %arg12[%swap3A_785, %swap3A_786], %swap3A_789 {strides = array<i32>} : memref<32x768xf32, #tpu.memory_space<vmem>>, vector<1x16xf32>,
      %get3A_790 = arith.index_cast %scan3A_90 : i32 to index
      %get3A_791 = arith.constant 688 : index
      %get3A_792 = tpu.vector_load %arg12[%get3A_790, %get3A_791] {strides = array<i32>} : memref<32x768xf32, #tpu.memory_space<vmem>>, vector<1x16xf32>,
      %get3A_793 = vector.shape_cast %get3A_792 : vector<1x16xf32> to vector<16xf32>
      %mul3A_794 = arith.mulf %get3A_793, %get3A_96 : vector<16xf32>
      %get3A_795 = arith.index_cast %scan3A_90 : i32 to index
      %get3A_796 = arith.constant 688 : index
      %get3A_797 = tpu.vector_load %arg13[%get3A_795, %get3A_796] {strides = array<i32>} : memref<32x768xf32, #tpu.memory_space<vmem>>, vector<1x16xf32>,
      %get3A_798 = vector.shape_cast %get3A_797 : vector<1x16xf32> to vector<16xf32>
      %mul3A_799 = arith.mulf %get3A_798, %get3A_102 : vector<16xf32>
      %add3A_800 = arith.addf %mul3A_794, %mul3A_799 : vector<16xf32>
      %swap3A_801 = arith.index_cast %scan3A_90 : i32 to index
      %swap3A_802 = arith.constant 688 : index
      %swap3A_803 = tpu.vector_load %arg12[%swap3A_801, %swap3A_802] {strides = array<i32>} : memref<32x768xf32, #tpu.memory_space<vmem>>, vector<1x16xf32>,
      %swap3A_804 = vector.shape_cast %swap3A_803 : vector<1x16xf32> to vector<16xf32>
      %swap3A_805 = vector.shape_cast %add3A_800 : vector<16xf32> to vector<1x16xf32>
      tpu.vector_store %arg12[%swap3A_801, %swap3A_802], %swap3A_805 {strides = array<i32>} : memref<32x768xf32, #tpu.memory_space<vmem>>, vector<1x16xf32>,
      %get3A_806 = arith.index_cast %scan3A_90 : i32 to index
      %get3A_807 = arith.constant 704 : index
      %get3A_808 = tpu.vector_load %arg12[%get3A_806, %get3A_807] {strides = array<i32>} : memref<32x768xf32, #tpu.memory_space<vmem>>, vector<1x16xf32>,
      %get3A_809 = vector.shape_cast %get3A_808 : vector<1x16xf32> to vector<16xf32>
      %mul3A_810 = arith.mulf %get3A_809, %get3A_96 : vector<16xf32>
      %get3A_811 = arith.index_cast %scan3A_90 : i32 to index
      %get3A_812 = arith.constant 704 : index
      %get3A_813 = tpu.vector_load %arg13[%get3A_811, %get3A_812] {strides = array<i32>} : memref<32x768xf32, #tpu.memory_space<vmem>>, vector<1x16xf32>,
      %get3A_814 = vector.shape_cast %get3A_813 : vector<1x16xf32> to vector<16xf32>
      %mul3A_815 = arith.mulf %get3A_814, %get3A_102 : vector<16xf32>
      %add3A_816 = arith.addf %mul3A_810, %mul3A_815 : vector<16xf32>
      %swap3A_817 = arith.index_cast %scan3A_90 : i32 to index
      %swap3A_818 = arith.constant 704 : index
      %swap3A_819 = tpu.vector_load %arg12[%swap3A_817, %swap3A_818] {strides = array<i32>} : memref<32x768xf32, #tpu.memory_space<vmem>>, vector<1x16xf32>,
      %swap3A_820 = vector.shape_cast %swap3A_819 : vector<1x16xf32> to vector<16xf32>
      %swap3A_821 = vector.shape_cast %add3A_816 : vector<16xf32> to vector<1x16xf32>
      tpu.vector_store %arg12[%swap3A_817, %swap3A_818], %swap3A_821 {strides = array<i32>} : memref<32x768xf32, #tpu.memory_space<vmem>>, vector<1x16xf32>,
      %get3A_822 = arith.index_cast %scan3A_90 : i32 to index
      %get3A_823 = arith.constant 720 : index
      %get3A_824 = tpu.vector_load %arg12[%get3A_822, %get3A_823] {strides = array<i32>} : memref<32x768xf32, #tpu.memory_space<vmem>>, vector<1x16xf32>,
      %get3A_825 = vector.shape_cast %get3A_824 : vector<1x16xf32> to vector<16xf32>
      %mul3A_826 = arith.mulf %get3A_825, %get3A_96 : vector<16xf32>
      %get3A_827 = arith.index_cast %scan3A_90 : i32 to index
      %get3A_828 = arith.constant 720 : index
      %get3A_829 = tpu.vector_load %arg13[%get3A_827, %get3A_828] {strides = array<i32>} : memref<32x768xf32, #tpu.memory_space<vmem>>, vector<1x16xf32>,
      %get3A_830 = vector.shape_cast %get3A_829 : vector<1x16xf32> to vector<16xf32>
      %mul3A_831 = arith.mulf %get3A_830, %get3A_102 : vector<16xf32>
      %add3A_832 = arith.addf %mul3A_826, %mul3A_831 : vector<16xf32>
      %swap3A_833 = arith.index_cast %scan3A_90 : i32 to index
      %swap3A_834 = arith.constant 720 : index
      %swap3A_835 = tpu.vector_load %arg12[%swap3A_833, %swap3A_834] {strides = array<i32>} : memref<32x768xf32, #tpu.memory_space<vmem>>, vector<1x16xf32>,
      %swap3A_836 = vector.shape_cast %swap3A_835 : vector<1x16xf32> to vector<16xf32>
      %swap3A_837 = vector.shape_cast %add3A_832 : vector<16xf32> to vector<1x16xf32>
      tpu.vector_store %arg12[%swap3A_833, %swap3A_834], %swap3A_837 {strides = array<i32>} : memref<32x768xf32, #tpu.memory_space<vmem>>, vector<1x16xf32>,
      %get3A_838 = arith.index_cast %scan3A_90 : i32 to index
      %get3A_839 = arith.constant 736 : index
      %get3A_840 = tpu.vector_load %arg12[%get3A_838, %get3A_839] {strides = array<i32>} : memref<32x768xf32, #tpu.memory_space<vmem>>, vector<1x16xf32>,
      %get3A_841 = vector.shape_cast %get3A_840 : vector<1x16xf32> to vector<16xf32>
      %mul3A_842 = arith.mulf %get3A_841, %get3A_96 : vector<16xf32>
      %get3A_843 = arith.index_cast %scan3A_90 : i32 to index
      %get3A_844 = arith.constant 736 : index
      %get3A_845 = tpu.vector_load %arg13[%get3A_843, %get3A_844] {strides = array<i32>} : memref<32x768xf32, #tpu.memory_space<vmem>>, vector<1x16xf32>,
      %get3A_846 = vector.shape_cast %get3A_845 : vector<1x16xf32> to vector<16xf32>
      %mul3A_847 = arith.mulf %get3A_846, %get3A_102 : vector<16xf32>
      %add3A_848 = arith.addf %mul3A_842, %mul3A_847 : vector<16xf32>
      %swap3A_849 = arith.index_cast %scan3A_90 : i32 to index
      %swap3A_850 = arith.constant 736 : index
      %swap3A_851 = tpu.vector_load %arg12[%swap3A_849, %swap3A_850] {strides = array<i32>} : memref<32x768xf32, #tpu.memory_space<vmem>>, vector<1x16xf32>,
      %swap3A_852 = vector.shape_cast %swap3A_851 : vector<1x16xf32> to vector<16xf32>
      %swap3A_853 = vector.shape_cast %add3A_848 : vector<16xf32> to vector<1x16xf32>
      tpu.vector_store %arg12[%swap3A_849, %swap3A_850], %swap3A_853 {strides = array<i32>} : memref<32x768xf32, #tpu.memory_space<vmem>>, vector<1x16xf32>,
      %get3A_854 = arith.index_cast %scan3A_90 : i32 to index
      %get3A_855 = arith.constant 752 : index
      %get3A_856 = tpu.vector_load %arg12[%get3A_854, %get3A_855] {strides = array<i32>} : memref<32x768xf32, #tpu.memory_space<vmem>>, vector<1x16xf32>,
      %get3A_857 = vector.shape_cast %get3A_856 : vector<1x16xf32> to vector<16xf32>
      %mul3A_858 = arith.mulf %get3A_857, %get3A_96 : vector<16xf32>
      %get3A_859 = arith.index_cast %scan3A_90 : i32 to index
      %get3A_860 = arith.constant 752 : index
      %get3A_861 = tpu.vector_load %arg13[%get3A_859, %get3A_860] {strides = array<i32>} : memref<32x768xf32, #tpu.memory_space<vmem>>, vector<1x16xf32>,
      %get3A_862 = vector.shape_cast %get3A_861 : vector<1x16xf32> to vector<16xf32>
      %mul3A_863 = arith.mulf %get3A_862, %get3A_102 : vector<16xf32>
      %add3A_864 = arith.addf %mul3A_858, %mul3A_863 : vector<16xf32>
      %swap3A_865 = arith.index_cast %scan3A_90 : i32 to index
      %swap3A_866 = arith.constant 752 : index
      %swap3A_867 = tpu.vector_load %arg12[%swap3A_865, %swap3A_866] {strides = array<i32>} : memref<32x768xf32, #tpu.memory_space<vmem>>, vector<1x16xf32>,
      %swap3A_868 = vector.shape_cast %swap3A_867 : vector<1x16xf32> to vector<16xf32>
      %swap3A_869 = vector.shape_cast %add3A_864 : vector<16xf32> to vector<1x16xf32>
      tpu.vector_store %arg12[%swap3A_865, %swap3A_866], %swap3A_869 {strides = array<i32>} : memref<32x768xf32, #tpu.memory_space<vmem>>, vector<1x16xf32>,
      %scan3A_870 = arith.constant 0 : i32
      scf.yield %scan3A_870 : i32
    }
    %scan3A_83 = arith.constant 32 : i32
    %dma_wait3A_84 = arith.constant 0 : i32
    %dma_wait3A_85 = tpu.memref_slice %arg5[%mul3A_2, %dma_wait3A_84] : memref<2048x768xf32, #tpu.memory_space<hbm>> -> memref<32x768xf32, #tpu.memory_space<hbm>>
    %dma_wait3A_86 = arith.constant 0 : i32
    %dma_wait3A_87 = tpu.memref_slice %arg5[%mul3A_2, %dma_wait3A_86] : memref<2048x768xf32, #tpu.memory_space<hbm>> -> memref<32x768xf32, #tpu.memory_space<hbm>>
    tpu.wait_dma2 semaphore(%arg18 : memref<!tpu.dma_semaphore, #tpu.memory_space<semaphore_mem>>) src(%arg10 : memref<32x768xf32, #tpu.memory_space<vmem>>) dst(%dma_wait3A_87 : memref<32x768xf32, #tpu.memory_space<hbm>>)
    %add3A_88 = arith.constant 32 : i32
    %add3A_89 = arith.addi %mul3A_2, %add3A_88 : i32
    "tpu.region"() ({
      %run_scoped3A = tpu.sem_alloc : memref<!tpu.dma_semaphore, #tpu.memory_space<semaphore_mem>>
      %dma_start3A_90 = arith.constant 0 : i32
      %dma_start3A_91 = tpu.memref_slice %arg5[%add3A_89, %dma_start3A_90] : memref<2048x768xf32, #tpu.memory_space<hbm>> -> memref<32x768xf32, #tpu.memory_space<hbm>>
      %dma_start3A_92 = arith.constant 0 : i32
      %dma_start3A_93 = tpu.memref_slice %arg5[%add3A_89, %dma_start3A_92] : memref<2048x768xf32, #tpu.memory_space<hbm>> -> memref<32x768xf32, #tpu.memory_space<hbm>>
      tpu.enqueue_dma source(%arg12 : memref<32x768xf32, #tpu.memory_space<vmem>>) target(%dma_start3A_93 : memref<32x768xf32, #tpu.memory_space<hbm>>) target_semaphore(%run_scoped3A : memref<!tpu.dma_semaphore, #tpu.memory_space<semaphore_mem>>)
      %dma_wait3A_94 = arith.constant 0 : i32
      %dma_wait3A_95 = tpu.memref_slice %arg5[%add3A_89, %dma_wait3A_94] : memref<2048x768xf32, #tpu.memory_space<hbm>> -> memref<32x768xf32, #tpu.memory_space<hbm>>
      %dma_wait3A_96 = arith.constant 0 : i32
      %dma_wait3A_97 = tpu.memref_slice %arg5[%add3A_89, %dma_wait3A_96] : memref<2048x768xf32, #tpu.memory_space<hbm>> -> memref<32x768xf32, #tpu.memory_space<hbm>>
      tpu.wait_dma2 semaphore(%run_scoped3A : memref<!tpu.dma_semaphore, #tpu.memory_space<semaphore_mem>>) src(%arg12 : memref<32x768xf32, #tpu.memory_space<vmem>>) dst(%dma_wait3A_97 : memref<32x768xf32, #tpu.memory_space<hbm>>)
      tpu.yield
    }) : () -> ()
    return
  }
}

module attributes {stable_mosaic.version = 14 : i64} {
  func.func @_router_meta_kernel(%arg0: memref<2048x768xf32, #tpu.memory_space<vmem>>, %arg1: memref<16x768xf32, #tpu.memory_space<vmem>>, %arg2: memref<16xf32, #tpu.memory_space<vmem>>, %arg3: memref<32x128xi32, #tpu.memory_space<vmem>>, %arg4: memref<4096x16xf32, #tpu.memory_space<vmem>>, %arg5: memref<29x1xi32, #tpu.memory_space<vmem>>, %arg6: memref<29x1xi32, #tpu.memory_space<vmem>>, %arg7: memref<1x1xf32, #tpu.memory_space<vmem>>, %arg8: memref<4096x16xf32, #tpu.memory_space<vmem>>, %arg9: memref<4096x16xf32, #tpu.memory_space<vmem>>) attributes {dimension_semantics = [], scalar_prefetch = 0 : i64, scratch_operands = 2 : i64, tpu.core_type = #tpu.core_type<tc>} {
    %get3A = arith.constant 0 : index
    %get3A_0 = arith.constant 0 : index
    %get3A_1 = vector.load %arg0[%get3A, %get3A_0] : memref<2048x768xf32, #tpu.memory_space<vmem>>, vector<2048x768xf32>
    %mul3A = arith.mulf %get3A_1, %get3A_1 : vector<2048x768xf32>
    %reduce_sum3A = arith.constant dense<0.000000e+00> : vector<2048xf32>
    %reduce_sum3A_2 = vector.multi_reduction <add>, %mul3A, %reduce_sum3A [1] : vector<2048x768xf32> to vector<2048xf32>
    %broadcast_in_dim3A = vector.shape_cast %reduce_sum3A_2 : vector<2048xf32> to vector<2048x1xf32>
    %sqrt3A = math.sqrt %broadcast_in_dim3A : vector<2048x1xf32>
    %reduce_sum3A_3 = vector.shape_cast %sqrt3A : vector<2048x1xf32> to vector<1x2048x1xf32>
    %reduce_sum3A_4 = arith.constant dense<0.000000e+00> : vector<1xf32>
    %reduce_sum3A_5 = vector.multi_reduction <add>, %reduce_sum3A_3, %reduce_sum3A_4 [1, 2] : vector<1x2048x1xf32> to vector<1xf32>
    %reduce_sum3A_6 = vector.shape_cast %reduce_sum3A_5 : vector<1xf32> to vector<1x1x1xf32>
    %reduce_sum3A_7 = vector.extract %reduce_sum3A_6[0, 0, 0] : f32 from vector<1x1x1xf32>
    %div3A = arith.constant 2.048000e+03 : f32
    %div3A_8 = arith.divf %reduce_sum3A_7, %div3A : f32
    %sub3A = vector.broadcast %div3A_8 : f32 to vector<2048x1xf32>
    %sub3A_9 = arith.subf %sqrt3A, %sub3A : vector<2048x1xf32>
    %integer_pow3A = arith.mulf %sub3A_9, %sub3A_9 : vector<2048x1xf32>
    %reduce_sum3A_10 = vector.shape_cast %integer_pow3A : vector<2048x1xf32> to vector<1x2048x1xf32>
    %reduce_sum3A_11 = arith.constant dense<0.000000e+00> : vector<1xf32>
    %reduce_sum3A_12 = vector.multi_reduction <add>, %reduce_sum3A_10, %reduce_sum3A_11 [1, 2] : vector<1x2048x1xf32> to vector<1xf32>
    %reduce_sum3A_13 = vector.shape_cast %reduce_sum3A_12 : vector<1xf32> to vector<1x1x1xf32>
    %reduce_sum3A_14 = vector.extract %reduce_sum3A_13[0, 0, 0] : f32 from vector<1x1x1xf32>
    %div3A_15 = arith.constant 2.047000e+03 : f32
    %div3A_16 = arith.divf %reduce_sum3A_14, %div3A_15 : f32
    %sqrt3A_17 = math.sqrt %div3A_16 : f32
    %get3A_18 = arith.constant 0 : index
    %get3A_19 = arith.constant 0 : index
    %get3A_20 = vector.load %arg1[%get3A_18, %get3A_19] : memref<16x768xf32, #tpu.memory_space<vmem>>, vector<16x768xf32>
    %dot_general3A = arith.constant dense<0.000000e+00> : vector<2048x16xf32>
    %dot_general3A_21 = tpu.matmul %get3A_1, %get3A_20, %dot_general3A {dimension_numbers = #tpu.dot_dimension_numbers<[1], [1], [0], [0], [0, 0, 1, 0], [], []>, transpose_lhs_hint = false} : vector<2048x768xf32>, vector<16x768xf32>, vector<2048x16xf32> -> vector<2048x16xf32>
    %get3A_22 = arith.constant 0 : index
    %get3A_23 = vector.load %arg2[%get3A_22] : memref<16xf32, #tpu.memory_space<vmem>>, vector<16xf32>
    %broadcast_in_dim3A_24 = vector.shape_cast %get3A_23 : vector<16xf32> to vector<1x16xf32>
    %add3A = vector.broadcast %broadcast_in_dim3A_24 : vector<1x16xf32> to vector<2048x16xf32>
    %add3A_25 = arith.addf %dot_general3A_21, %add3A : vector<2048x16xf32>
    %sub3A_26 = vector.broadcast %div3A_8 : f32 to vector<2048x1xf32>
    %sub3A_27 = arith.subf %sqrt3A, %sub3A_26 : vector<2048x1xf32>
    %mul3A_28 = arith.constant 1.000000e-01 : f32
    %mul3A_29 = vector.broadcast %mul3A_28 : f32 to vector<2048x1xf32>
    %mul3A_30 = arith.mulf %mul3A_29, %sub3A_27 : vector<2048x1xf32>
    %add3A_31 = arith.constant 9.99999997E-7 : f32
    %add3A_32 = arith.addf %sqrt3A_17, %add3A_31 : f32
    %div3A_33 = vector.broadcast %add3A_32 : f32 to vector<2048x1xf32>
    %div3A_34 = arith.divf %mul3A_30, %div3A_33 : vector<2048x1xf32>
    %add3A_35 = vector.broadcast %div3A_34 : vector<2048x1xf32> to vector<2048x16xf32>
    %add3A_36 = arith.addf %add3A_25, %add3A_35 : vector<2048x16xf32>
    %iota3A = tpu.iota {dimensions = array<i32: 1>} : vector<2048x16xi32>
    %reduce_max3A = arith.constant dense<0xFF800000> : vector<2048xf32>
    %reduce_max3A_37 = vector.multi_reduction <maximumf>, %add3A_36, %reduce_max3A [1] : vector<2048x16xf32> to vector<2048xf32>
    %broadcast_in_dim3A_38 = vector.shape_cast %reduce_max3A_37 : vector<2048xf32> to vector<2048x1xf32>
    %eq3A = vector.broadcast %broadcast_in_dim3A_38 : vector<2048x1xf32> to vector<2048x16xf32>
    %eq3A_39 = arith.cmpf oeq, %add3A_36, %eq3A : vector<2048x16xf32>
    %jit3A = arith.constant 16 : i32
    %broadcast_in_dim3A_40 = vector.broadcast %jit3A : i32 to vector<2048x16xi32>
    %select_n3A = arith.select %eq3A_39, %iota3A, %broadcast_in_dim3A_40 : vector<2048x16xi1>, vector<2048x16xi32>
    %reduce_min3A = arith.constant dense<2147483647> : vector<2048xi32>
    %reduce_min3A_41 = vector.multi_reduction <minsi>, %select_n3A, %reduce_min3A [1] : vector<2048x16xi32> to vector<2048xi32>
    %broadcast_in_dim3A_42 = vector.shape_cast %reduce_min3A_41 : vector<2048xi32> to vector<2048x1xi32>
    %eq3A_43 = vector.broadcast %broadcast_in_dim3A_42 : vector<2048x1xi32> to vector<2048x16xi32>
    %eq3A_44 = arith.cmpi eq, %iota3A, %eq3A_43 : vector<2048x16xi32>
    %jit3A_45 = arith.constant 0xFF800000 : f32
    %broadcast_in_dim3A_46 = vector.broadcast %jit3A_45 : f32 to vector<2048x16xf32>
    %select_n3A_47 = arith.select %eq3A_44, %broadcast_in_dim3A_46, %add3A_36 : vector<2048x16xi1>, vector<2048x16xf32>
    %reduce_max3A_48 = arith.constant dense<0xFF800000> : vector<2048xf32>
    %reduce_max3A_49 = vector.multi_reduction <maximumf>, %select_n3A_47, %reduce_max3A_48 [1] : vector<2048x16xf32> to vector<2048xf32>
    %broadcast_in_dim3A_50 = vector.shape_cast %reduce_max3A_49 : vector<2048xf32> to vector<2048x1xf32>
    %eq3A_51 = vector.broadcast %broadcast_in_dim3A_50 : vector<2048x1xf32> to vector<2048x16xf32>
    %eq3A_52 = arith.cmpf oeq, %select_n3A_47, %eq3A_51 : vector<2048x16xf32>
    %jit3A_53 = arith.constant 16 : i32
    %broadcast_in_dim3A_54 = vector.broadcast %jit3A_53 : i32 to vector<2048x16xi32>
    %select_n3A_55 = arith.select %eq3A_52, %iota3A, %broadcast_in_dim3A_54 : vector<2048x16xi1>, vector<2048x16xi32>
    %reduce_min3A_56 = arith.constant dense<2147483647> : vector<2048xi32>
    %reduce_min3A_57 = vector.multi_reduction <minsi>, %select_n3A_55, %reduce_min3A_56 [1] : vector<2048x16xi32> to vector<2048xi32>
    %broadcast_in_dim3A_58 = vector.shape_cast %reduce_min3A_57 : vector<2048xi32> to vector<2048x1xi32>
    %sub3A_59 = arith.subf %broadcast_in_dim3A_50, %broadcast_in_dim3A_38 : vector<2048x1xf32>
    %exp3A = math.exp %sub3A_59 : vector<2048x1xf32>
    %add3A_60 = arith.constant 1.000000e+00 : f32
    %add3A_61 = vector.broadcast %add3A_60 : f32 to vector<2048x1xf32>
    %add3A_62 = arith.addf %add3A_61, %exp3A : vector<2048x1xf32>
    %div3A_63 = arith.constant 1.000000e+00 : f32
    %div3A_64 = vector.broadcast %div3A_63 : f32 to vector<2048x1xf32>
    %div3A_65 = arith.divf %div3A_64, %add3A_62 : vector<2048x1xf32>
    %add3A_66 = arith.constant 1.000000e+00 : f32
    %add3A_67 = vector.broadcast %add3A_66 : f32 to vector<2048x1xf32>
    %add3A_68 = arith.addf %add3A_67, %exp3A : vector<2048x1xf32>
    %div3A_69 = arith.divf %exp3A, %add3A_68 : vector<2048x1xf32>
    %max3A = arith.constant 9.99999993E-9 : f32
    %max3A_70 = vector.broadcast %max3A : f32 to vector<2048x1xf32>
    %max3A_71 = arith.maximumf %div3A_65, %max3A_70 : vector<2048x1xf32>
    %log3A = math.log %max3A_71 : vector<2048x1xf32>
    %mul3A_72 = arith.mulf %div3A_65, %log3A : vector<2048x1xf32>
    %max3A_73 = arith.constant 9.99999993E-9 : f32
    %max3A_74 = vector.broadcast %max3A_73 : f32 to vector<2048x1xf32>
    %max3A_75 = arith.maximumf %div3A_69, %max3A_74 : vector<2048x1xf32>
    %log3A_76 = math.log %max3A_75 : vector<2048x1xf32>
    %mul3A_77 = arith.mulf %div3A_69, %log3A_76 : vector<2048x1xf32>
    %add3A_78 = arith.addf %mul3A_72, %mul3A_77 : vector<2048x1xf32>
    %neg3A = arith.constant 0.000000e+00 : f32
    %neg3A_79 = vector.broadcast %neg3A : f32 to vector<2048x1xf32>
    %neg3A_80 = arith.subf %neg3A_79, %add3A_78 : vector<2048x1xf32>
    %reduce_sum3A_81 = arith.constant dense<0.000000e+00> : vector<1xf32>
    %reduce_sum3A_82 = vector.multi_reduction <add>, %neg3A_80, %reduce_sum3A_81 [0] : vector<2048x1xf32> to vector<1xf32>
    %broadcast_in_dim3A_83 = vector.shape_cast %reduce_sum3A_82 : vector<1xf32> to vector<1x1xf32>
    %div3A_84 = arith.constant 2.048000e+03 : f32
    %div3A_85 = vector.broadcast %div3A_84 : f32 to vector<1x1xf32>
    %div3A_86 = arith.divf %broadcast_in_dim3A_83, %div3A_85 : vector<1x1xf32>
    %swap3A = arith.constant 0 : index
    %swap3A_87 = arith.constant 0 : index
    %swap3A_88 = vector.load %arg7[%swap3A, %swap3A_87] : memref<1x1xf32, #tpu.memory_space<vmem>>, vector<1x1xf32>
    tpu.vector_store %arg7[%swap3A, %swap3A_87], %div3A_86 {strides = array<i32>} : memref<1x1xf32, #tpu.memory_space<vmem>>, vector<1x1xf32>,
    %broadcast_in_dim3A_89 = vector.shape_cast %div3A_65 : vector<2048x1xf32> to vector<2048x1xf32>
    %broadcast_in_dim3A_90 = vector.broadcast %broadcast_in_dim3A_89 : vector<2048x1xf32> to vector<2048x16xf32>
    %broadcast_in_dim3A_91 = vector.shape_cast %div3A_69 : vector<2048x1xf32> to vector<2048x1xf32>
    %broadcast_in_dim3A_92 = vector.broadcast %broadcast_in_dim3A_91 : vector<2048x1xf32> to vector<2048x16xf32>
    %concatenate3A = tpu.concatenate %broadcast_in_dim3A_90, %broadcast_in_dim3A_92 in 0 : vector<2048x16xf32>, vector<2048x16xf32> -> vector<4096x16xf32>
    %swap3A_93 = arith.constant 0 : index
    %swap3A_94 = arith.constant 0 : index
    %swap3A_95 = vector.load %arg4[%swap3A_93, %swap3A_94] : memref<4096x16xf32, #tpu.memory_space<vmem>>, vector<4096x16xf32>
    tpu.vector_store %arg4[%swap3A_93, %swap3A_94], %concatenate3A {strides = array<i32>} : memref<4096x16xf32, #tpu.memory_space<vmem>>, vector<4096x16xf32>,
    %concatenate3A_96 = tpu.concatenate %broadcast_in_dim3A_42, %broadcast_in_dim3A_58 in 0 : vector<2048x1xi32>, vector<2048x1xi32> -> vector<4096x1xi32>
    %iota3A_97 = tpu.iota {dimensions = array<i32: 1>} : vector<4096x16xi32>
    %eq3A_98 = vector.broadcast %concatenate3A_96 : vector<4096x1xi32> to vector<4096x16xi32>
    %eq3A_99 = arith.cmpi eq, %iota3A_97, %eq3A_98 : vector<4096x16xi32>
    %convert_element_type3A = arith.extui %eq3A_99 : vector<4096x16xi1> to vector<4096x16xi32>
    %convert_element_type3A_100 = arith.sitofp %convert_element_type3A : vector<4096x16xi32> to vector<4096x16xf32>
    %swap3A_101 = arith.constant 0 : index
    %swap3A_102 = arith.constant 0 : index
    %swap3A_103 = vector.load %arg8[%swap3A_101, %swap3A_102] : memref<4096x16xf32, #tpu.memory_space<vmem>>, vector<4096x16xf32>
    tpu.vector_store %arg8[%swap3A_101, %swap3A_102], %convert_element_type3A_100 {strides = array<i32>} : memref<4096x16xf32, #tpu.memory_space<vmem>>, vector<4096x16xf32>,
    %iota3A_104 = tpu.iota {dimensions = array<i32: 0>} : vector<1024x1024xi32>
    %iota3A_105 = tpu.iota {dimensions = array<i32: 1>} : vector<1024x1024xi32>
    %ge3A = arith.cmpi sge, %iota3A_104, %iota3A_105 : vector<1024x1024xi32>
    %convert_element_type3A_106 = arith.extui %ge3A : vector<1024x1024xi1> to vector<1024x1024xi32>
    %convert_element_type3A_107 = arith.sitofp %convert_element_type3A_106 : vector<1024x1024xi32> to vector<1024x1024xf32>
    %convert_element_type3A_108 = arith.truncf %convert_element_type3A_107 : vector<1024x1024xf32> to vector<1024x1024xbf16>
    %broadcast_in_dim3A_109 = arith.constant 0.000000e+00 : f32
    %broadcast_in_dim3A_110 = vector.broadcast %broadcast_in_dim3A_109 : f32 to vector<1x16xf32>
    %scan3A = arith.constant 0 : i32
    %scan3A_111 = arith.constant 4 : i32
    %scan3A_112 = arith.addi %scan3A, %scan3A_111 : i32
    %scan3A_113 = arith.constant 1 : i32
    %scan3A_114 = scf.for %scan3A_172 = %scan3A to %scan3A_112 step %scan3A_113 iter_args(%scan3A_173 = %broadcast_in_dim3A_110) -> (vector<1x16xf32>)  : i32 {
      %mul3A_174 = arith.constant 1024 : i32
      %mul3A_175 = arith.muli %scan3A_172, %mul3A_174 : i32
      %get3A_176 = arith.index_cast %mul3A_175 : i32 to index
      %get3A_177 = arith.constant 0 : index
      %get3A_178 = vector.load %arg8[%get3A_176, %get3A_177] : memref<4096x16xf32, #tpu.memory_space<vmem>>, vector<1024x16xf32>
      %convert_element_type3A_179 = arith.truncf %get3A_178 : vector<1024x16xf32> to vector<1024x16xbf16>
      %dot_general3A_180 = arith.constant dense<0.000000e+00> : vector<1024x16xf32>
      %dot_general3A_181 = tpu.matmul %convert_element_type3A_108, %convert_element_type3A_179, %dot_general3A_180 {dimension_numbers = #tpu.dot_dimension_numbers<[1], [0], [0], [1], [0, 0, 1, 1], [], []>, transpose_lhs_hint = false} : vector<1024x1024xbf16>, vector<1024x16xbf16>, vector<1024x16xf32> -> vector<1024x16xf32>
      %add3A_182 = vector.broadcast %scan3A_173 : vector<1x16xf32> to vector<1024x16xf32>
      %add3A_183 = arith.addf %add3A_182, %dot_general3A_181 : vector<1024x16xf32>
      %mul3A_184 = arith.constant 1024 : i32
      %mul3A_185 = arith.muli %scan3A_172, %mul3A_184 : i32
      %swap3A_186 = arith.index_cast %mul3A_185 : i32 to index
      %swap3A_187 = arith.constant 0 : index
      %swap3A_188 = vector.load %arg9[%swap3A_186, %swap3A_187] : memref<4096x16xf32, #tpu.memory_space<vmem>>, vector<1024x16xf32>
      tpu.vector_store %arg9[%swap3A_186, %swap3A_187], %add3A_183 {strides = array<i32>} : memref<4096x16xf32, #tpu.memory_space<vmem>>, vector<1024x16xf32>,
      %reduce_sum3A_189 = arith.constant dense<0.000000e+00> : vector<16xf32>
      %reduce_sum3A_190 = vector.multi_reduction <add>, %get3A_178, %reduce_sum3A_189 [0] : vector<1024x16xf32> to vector<16xf32>
      %broadcast_in_dim3A_191 = vector.shape_cast %reduce_sum3A_190 : vector<16xf32> to vector<1x16xf32>
      %add3A_192 = arith.addf %scan3A_173, %broadcast_in_dim3A_191 : vector<1x16xf32>
      scf.yield %add3A_192 : vector<1x16xf32>
    }
    %scan3A_115 = arith.constant 4 : i32
    %add3A_116 = arith.constant 3.190000e+02 : f32
    %add3A_117 = vector.broadcast %add3A_116 : f32 to vector<1x16xf32>
    %add3A_118 = arith.addf %scan3A_114, %add3A_117 : vector<1x16xf32>
    %div3A_119 = arith.constant 3.200000e+02 : f32
    %div3A_120 = vector.broadcast %div3A_119 : f32 to vector<1x16xf32>
    %div3A_121 = arith.divf %add3A_118, %div3A_120 : vector<1x16xf32>
    %floor3A = math.floor %div3A_121 : vector<1x16xf32>
    %iota3A_122 = tpu.iota {dimensions = array<i32: 0>} : vector<16x16xi32>
    %iota3A_123 = tpu.iota {dimensions = array<i32: 1>} : vector<16x16xi32>
    %lt3A = arith.cmpi slt, %iota3A_122, %iota3A_123 : vector<16x16xi32>
    %convert_element_type3A_124 = arith.extui %lt3A : vector<16x16xi1> to vector<16x16xi32>
    %convert_element_type3A_125 = arith.sitofp %convert_element_type3A_124 : vector<16x16xi32> to vector<16x16xf32>
    %dot_general3A_126 = arith.constant dense<0.000000e+00> : vector<1x16xf32>
    %dot_general3A_127 = tpu.matmul %floor3A, %convert_element_type3A_125, %dot_general3A_126 {dimension_numbers = #tpu.dot_dimension_numbers<[1], [0], [0], [1], [0, 0, 1, 1], [], []>, transpose_lhs_hint = false} : vector<1x16xf32>, vector<16x16xf32>, vector<1x16xf32> -> vector<1x16xf32>
    %mul3A_128 = arith.constant 3.200000e+02 : f32
    %mul3A_129 = vector.broadcast %mul3A_128 : f32 to vector<1x16xf32>
    %mul3A_130 = arith.mulf %dot_general3A_127, %mul3A_129 : vector<1x16xf32>
    %get3A_131 = arith.constant 0 : index
    %get3A_132 = arith.constant 0 : index
    %get3A_133 = vector.load %arg8[%get3A_131, %get3A_132] : memref<4096x16xf32, #tpu.memory_space<vmem>>, vector<4096x16xf32>
    %get3A_134 = arith.constant 0 : index
    %get3A_135 = arith.constant 0 : index
    %get3A_136 = vector.load %arg9[%get3A_134, %get3A_135] : memref<4096x16xf32, #tpu.memory_space<vmem>>, vector<4096x16xf32>
    %mul3A_137 = arith.mulf %get3A_136, %get3A_133 : vector<4096x16xf32>
    %mul3A_138 = vector.broadcast %mul3A_130 : vector<1x16xf32> to vector<4096x16xf32>
    %mul3A_139 = arith.mulf %get3A_133, %mul3A_138 : vector<4096x16xf32>
    %add3A_140 = arith.addf %mul3A_137, %mul3A_139 : vector<4096x16xf32>
    %reshape3A = vector.shape_cast %add3A_140 : vector<4096x16xf32> to vector<32x128x16xf32>
    %reduce_sum3A_141 = arith.constant dense<0.000000e+00> : vector<32x128xf32>
    %reduce_sum3A_142 = vector.multi_reduction <add>, %reshape3A, %reduce_sum3A_141 [2] : vector<32x128x16xf32> to vector<32x128xf32>
    %sub3A_143 = arith.constant 1.000000e+00 : f32
    %sub3A_144 = vector.broadcast %sub3A_143 : f32 to vector<32x128xf32>
    %sub3A_145 = arith.subf %reduce_sum3A_142, %sub3A_144 : vector<32x128xf32>
    %convert_element_type3A_146 = arith.fptosi %sub3A_145 : vector<32x128xf32> to vector<32x128xi32>
    %swap3A_147 = arith.constant 0 : index
    %swap3A_148 = arith.constant 0 : index
    %swap3A_149 = vector.load %arg3[%swap3A_147, %swap3A_148] : memref<32x128xi32, #tpu.memory_space<vmem>>, vector<32x128xi32>
    tpu.vector_store %arg3[%swap3A_147, %swap3A_148], %convert_element_type3A_146 {strides = array<i32>} : memref<32x128xi32, #tpu.memory_space<vmem>>, vector<32x128xi32>,
    %add3A_150 = arith.addf %dot_general3A_127, %floor3A : vector<1x16xf32>
    %iota3A_151 = tpu.iota {dimensions = array<i32: 0>} : vector<29x16xi32>
    %convert_element_type3A_152 = arith.sitofp %iota3A_151 : vector<29x16xi32> to vector<29x16xf32>
    %le3A = vector.broadcast %add3A_150 : vector<1x16xf32> to vector<29x16xf32>
    %le3A_153 = arith.cmpf ole, %le3A, %convert_element_type3A_152 : vector<29x16xf32>
    %convert_element_type3A_154 = arith.extui %le3A_153 : vector<29x16xi1> to vector<29x16xi32>
    %reduce_sum3A_155 = arith.constant dense<0> : vector<29xi32>
    %reduce_sum3A_156 = vector.multi_reduction <add>, %convert_element_type3A_154, %reduce_sum3A_155 [1] : vector<29x16xi32> to vector<29xi32>
    %broadcast_in_dim3A_157 = vector.shape_cast %reduce_sum3A_156 : vector<29xi32> to vector<29x1xi32>
    %min3A = arith.constant 15 : i32
    %min3A_158 = vector.broadcast %min3A : i32 to vector<29x1xi32>
    %min3A_159 = arith.minsi %broadcast_in_dim3A_157, %min3A_158 : vector<29x1xi32>
    %swap3A_160 = arith.constant 0 : index
    %swap3A_161 = arith.constant 0 : index
    %swap3A_162 = vector.load %arg5[%swap3A_160, %swap3A_161] : memref<29x1xi32, #tpu.memory_space<vmem>>, vector<29x1xi32>
    tpu.vector_store %arg5[%swap3A_160, %swap3A_161], %min3A_159 {strides = array<i32>} : memref<29x1xi32, #tpu.memory_space<vmem>>, vector<29x1xi32>,
    %reduce_sum3A_163 = arith.constant dense<0.000000e+00> : vector<1xf32>
    %reduce_sum3A_164 = vector.multi_reduction <add>, %floor3A, %reduce_sum3A_163 [1] : vector<1x16xf32> to vector<1xf32>
    %broadcast_in_dim3A_165 = vector.shape_cast %reduce_sum3A_164 : vector<1xf32> to vector<1x1xf32>
    %slice3A = vector.extract_strided_slice %convert_element_type3A_152 {offsets = [0, 0], sizes = [29, 1], strides = [1, 1]} : vector<29x16xf32> to vector<29x1xf32>
    %lt3A_166 = vector.broadcast %broadcast_in_dim3A_165 : vector<1x1xf32> to vector<29x1xf32>
    %lt3A_167 = arith.cmpf olt, %slice3A, %lt3A_166 : vector<29x1xf32>
    %convert_element_type3A_168 = arith.extui %lt3A_167 : vector<29x1xi1> to vector<29x1xi32>
    %swap3A_169 = arith.constant 0 : index
    %swap3A_170 = arith.constant 0 : index
    %swap3A_171 = vector.load %arg6[%swap3A_169, %swap3A_170] : memref<29x1xi32, #tpu.memory_space<vmem>>, vector<29x1xi32>
    tpu.vector_store %arg6[%swap3A_169, %swap3A_170], %convert_element_type3A_168 {strides = array<i32>} : memref<29x1xi32, #tpu.memory_space<vmem>>, vector<29x1xi32>,
    return
  }
}

module attributes {stable_mosaic.version = 14 : i64} {
  func.func @_ffn_kernel(%arg0: i32, %arg1: i32, %arg2: memref<29xi32, #tpu.memory_space<smem>>, %arg3: memref<29xi32, #tpu.memory_space<smem>>, %arg4: memref<1x320x768xf32, #tpu.memory_space<vmem>>, %arg5: memref<1x1536x768xf32, #tpu.memory_space<vmem>>, %arg6: memref<1x1x1536xf32, #tpu.memory_space<vmem>>, %arg7: memref<1x768x1536xf32, #tpu.memory_space<vmem>>, %arg8: memref<1x1x768xf32, #tpu.memory_space<vmem>>, %arg9: memref<1x320x768xf32, #tpu.memory_space<vmem>>) attributes {dimension_semantics = [#tpu.dimension_semantics<arbitrary>, #tpu.dimension_semantics<arbitrary>], iteration_bounds = array<i64: 29, 1>, scalar_prefetch = 2 : i64, scratch_operands = 0 : i64, tpu.core_type = #tpu.core_type<tc>, window_params = [{transform_indices = @transform_0, window_bounds = array<i64: 1, 320, 768>}, {transform_indices = @transform_1, window_bounds = array<i64: 1, 1536, 768>}, {transform_indices = @transform_2, window_bounds = array<i64: 1, 1, 1536>}, {transform_indices = @transform_3, window_bounds = array<i64: 1, 768, 1536>}, {transform_indices = @transform_4, window_bounds = array<i64: 1, 1, 768>}, {transform_indices = @transform_5, window_bounds = array<i64: 1, 320, 768>}]} {
    %get3A = arith.index_cast %arg0 : i32 to index
    %get3A_0 = memref.load %arg3[%get3A] : memref<29xi32, #tpu.memory_space<smem>>
    %ne3A = arith.constant 0 : i32
    %ne3A_1 = arith.cmpi ne, %get3A_0, %ne3A : i32
    %convert_element_type3A = arith.extui %ne3A_1 : i1 to i32
    %cond3A = arith.constant 0 : i32
    %cond3A_2 = arith.cmpi ne, %convert_element_type3A, %cond3A : i32
    scf.if %cond3A_2 {
      %get3A_3 = arith.constant 0 : index
      %get3A_4 = arith.constant 0 : index
      %get3A_5 = arith.constant 0 : index
      %get3A_6 = vector.load %arg4[%get3A_3, %get3A_4, %get3A_5] : memref<1x320x768xf32, #tpu.memory_space<vmem>>, vector<1x320x768xf32>
      %get3A_7 = vector.shape_cast %get3A_6 : vector<1x320x768xf32> to vector<320x768xf32>
      %get3A_8 = arith.constant 0 : index
      %get3A_9 = arith.constant 0 : index
      %get3A_10 = arith.constant 0 : index
      %get3A_11 = vector.load %arg5[%get3A_8, %get3A_9, %get3A_10] : memref<1x1536x768xf32, #tpu.memory_space<vmem>>, vector<1x1536x768xf32>
      %get3A_12 = vector.shape_cast %get3A_11 : vector<1x1536x768xf32> to vector<1536x768xf32>
      %dot_general3A = arith.constant dense<0.000000e+00> : vector<320x1536xf32>
      %dot_general3A_13 = tpu.matmul %get3A_7, %get3A_12, %dot_general3A {dimension_numbers = #tpu.dot_dimension_numbers<[1], [1], [0], [0], [0, 0, 1, 0], [], []>, transpose_lhs_hint = false} : vector<320x768xf32>, vector<1536x768xf32>, vector<320x1536xf32> -> vector<320x1536xf32>
      %get3A_14 = arith.constant 0 : index
      %get3A_15 = arith.constant 0 : index
      %get3A_16 = arith.constant 0 : index
      %get3A_17 = vector.load %arg6[%get3A_14, %get3A_15, %get3A_16] : memref<1x1x1536xf32, #tpu.memory_space<vmem>>, vector<1x1x1536xf32>
      %get3A_18 = vector.shape_cast %get3A_17 : vector<1x1x1536xf32> to vector<1x1536xf32>
      %add3A = vector.broadcast %get3A_18 : vector<1x1536xf32> to vector<320x1536xf32>
      %add3A_19 = arith.addf %dot_general3A_13, %add3A : vector<320x1536xf32>
      %max3A = arith.constant 0.000000e+00 : f32
      %max3A_20 = vector.broadcast %max3A : f32 to vector<320x1536xf32>
      %max3A_21 = arith.maximumf %add3A_19, %max3A_20 : vector<320x1536xf32>
      %get3A_22 = arith.constant 0 : index
      %get3A_23 = arith.constant 0 : index
      %get3A_24 = arith.constant 0 : index
      %get3A_25 = vector.load %arg7[%get3A_22, %get3A_23, %get3A_24] : memref<1x768x1536xf32, #tpu.memory_space<vmem>>, vector<1x768x1536xf32>
      %get3A_26 = vector.shape_cast %get3A_25 : vector<1x768x1536xf32> to vector<768x1536xf32>
      %dot_general3A_27 = arith.constant dense<0.000000e+00> : vector<320x768xf32>
      %dot_general3A_28 = tpu.matmul %max3A_21, %get3A_26, %dot_general3A_27 {dimension_numbers = #tpu.dot_dimension_numbers<[1], [1], [0], [0], [0, 0, 1, 0], [], []>, transpose_lhs_hint = false} : vector<320x1536xf32>, vector<768x1536xf32>, vector<320x768xf32> -> vector<320x768xf32>
      %eq3A = arith.constant 0 : i32
      %eq3A_29 = arith.cmpi eq, %arg1, %eq3A : i32
      %convert_element_type3A_30 = arith.extui %eq3A_29 : i1 to i32
      %cond3A_31 = arith.constant 0 : i32
      %cond3A_32 = arith.cmpi ne, %convert_element_type3A_30, %cond3A_31 : i32
      scf.if %cond3A_32 {
        %get3A_38 = arith.constant 0 : index
        %get3A_39 = arith.constant 0 : index
        %get3A_40 = arith.constant 0 : index
        %get3A_41 = vector.load %arg8[%get3A_38, %get3A_39, %get3A_40] : memref<1x1x768xf32, #tpu.memory_space<vmem>>, vector<1x1x768xf32>
        %get3A_42 = vector.shape_cast %get3A_41 : vector<1x1x768xf32> to vector<1x768xf32>
        %add3A_43 = vector.broadcast %get3A_42 : vector<1x768xf32> to vector<320x768xf32>
        %add3A_44 = arith.addf %dot_general3A_28, %add3A_43 : vector<320x768xf32>
        %swap3A = arith.constant 0 : index
        %swap3A_45 = arith.constant 0 : index
        %swap3A_46 = arith.constant 0 : index
        %swap3A_47 = vector.load %arg9[%swap3A, %swap3A_45, %swap3A_46] : memref<1x320x768xf32, #tpu.memory_space<vmem>>, vector<1x320x768xf32>
        %swap3A_48 = vector.shape_cast %swap3A_47 : vector<1x320x768xf32> to vector<320x768xf32>
        %swap3A_49 = vector.shape_cast %add3A_44 : vector<320x768xf32> to vector<1x320x768xf32>
        tpu.vector_store %arg9[%swap3A, %swap3A_45, %swap3A_46], %swap3A_49 {strides = array<i32>} : memref<1x320x768xf32, #tpu.memory_space<vmem>>, vector<1x320x768xf32>,
      } else {
      }
      %ne3A_33 = arith.constant 0 : i32
      %ne3A_34 = arith.cmpi ne, %arg1, %ne3A_33 : i32
      %convert_element_type3A_35 = arith.extui %ne3A_34 : i1 to i32
      %cond3A_36 = arith.constant 0 : i32
      %cond3A_37 = arith.cmpi ne, %convert_element_type3A_35, %cond3A_36 : i32
      scf.if %cond3A_37 {
        %get3A_38 = arith.constant 0 : index
        %get3A_39 = arith.constant 0 : index
        %get3A_40 = arith.constant 0 : index
        %get3A_41 = vector.load %arg9[%get3A_38, %get3A_39, %get3A_40] : memref<1x320x768xf32, #tpu.memory_space<vmem>>, vector<1x320x768xf32>
        %get3A_42 = vector.shape_cast %get3A_41 : vector<1x320x768xf32> to vector<320x768xf32>
        %add3A_43 = arith.addf %get3A_42, %dot_general3A_28 : vector<320x768xf32>
        %swap3A = arith.constant 0 : index
        %swap3A_44 = arith.constant 0 : index
        %swap3A_45 = arith.constant 0 : index
        %swap3A_46 = vector.load %arg9[%swap3A, %swap3A_44, %swap3A_45] : memref<1x320x768xf32, #tpu.memory_space<vmem>>, vector<1x320x768xf32>
        %swap3A_47 = vector.shape_cast %swap3A_46 : vector<1x320x768xf32> to vector<320x768xf32>
        %swap3A_48 = vector.shape_cast %add3A_43 : vector<320x768xf32> to vector<1x320x768xf32>
        tpu.vector_store %arg9[%swap3A, %swap3A_44, %swap3A_45], %swap3A_48 {strides = array<i32>} : memref<1x320x768xf32, #tpu.memory_space<vmem>>, vector<1x320x768xf32>,
      } else {
      }
    } else {
    }
    return
  }
  func.func @transform_0(%arg0: i32, %arg1: i32, %arg2: memref<29xi32, #tpu.memory_space<smem>>, %arg3: memref<29xi32, #tpu.memory_space<smem>>) -> (i32, i32, i32) {
    %get3A = arith.index_cast %arg0 : i32 to index
    %get3A_0 = memref.load %arg3[%get3A] : memref<29xi32, #tpu.memory_space<smem>>
    %mul3A = arith.muli %get3A_0, %arg0 : i32
    %c0_i32 = arith.constant 0 : i32
    %c0_i32_1 = arith.constant 0 : i32
    %c0_i32_2 = arith.constant 0 : i32
    return %mul3A, %c0_i32, %c0_i32_1 : i32, i32, i32
  }
  func.func @transform_1(%arg0: i32, %arg1: i32, %arg2: memref<29xi32, #tpu.memory_space<smem>>, %arg3: memref<29xi32, #tpu.memory_space<smem>>) -> (i32, i32, i32) {
    %get3A = arith.index_cast %arg0 : i32 to index
    %get3A_0 = memref.load %arg2[%get3A] : memref<29xi32, #tpu.memory_space<smem>>
    %mul3A = arith.constant 1 : i32
    %mul3A_1 = arith.muli %get3A_0, %mul3A : i32
    %add3A = arith.addi %mul3A_1, %arg1 : i32
    %c0_i32 = arith.constant 0 : i32
    %c0_i32_2 = arith.constant 0 : i32
    %c0_i32_3 = arith.constant 0 : i32
    return %add3A, %c0_i32, %c0_i32_2 : i32, i32, i32
  }
  func.func @transform_2(%arg0: i32, %arg1: i32, %arg2: memref<29xi32, #tpu.memory_space<smem>>, %arg3: memref<29xi32, #tpu.memory_space<smem>>) -> (i32, i32, i32) {
    %get3A = arith.index_cast %arg0 : i32 to index
    %get3A_0 = memref.load %arg2[%get3A] : memref<29xi32, #tpu.memory_space<smem>>
    %c0_i32 = arith.constant 0 : i32
    %c0_i32_1 = arith.constant 0 : i32
    return %get3A_0, %c0_i32, %arg1 : i32, i32, i32
  }
  func.func @transform_3(%arg0: i32, %arg1: i32, %arg2: memref<29xi32, #tpu.memory_space<smem>>, %arg3: memref<29xi32, #tpu.memory_space<smem>>) -> (i32, i32, i32) {
    %get3A = arith.index_cast %arg0 : i32 to index
    %get3A_0 = memref.load %arg2[%get3A] : memref<29xi32, #tpu.memory_space<smem>>
    %c0_i32 = arith.constant 0 : i32
    %c0_i32_1 = arith.constant 0 : i32
    return %get3A_0, %c0_i32, %arg1 : i32, i32, i32
  }
  func.func @transform_4(%arg0: i32, %arg1: i32, %arg2: memref<29xi32, #tpu.memory_space<smem>>, %arg3: memref<29xi32, #tpu.memory_space<smem>>) -> (i32, i32, i32) {
    %get3A = arith.index_cast %arg0 : i32 to index
    %get3A_0 = memref.load %arg2[%get3A] : memref<29xi32, #tpu.memory_space<smem>>
    %c0_i32 = arith.constant 0 : i32
    %c0_i32_1 = arith.constant 0 : i32
    %c0_i32_2 = arith.constant 0 : i32
    return %get3A_0, %c0_i32, %c0_i32_1 : i32, i32, i32
  }
  func.func @transform_5(%arg0: i32, %arg1: i32, %arg2: memref<29xi32, #tpu.memory_space<smem>>, %arg3: memref<29xi32, #tpu.memory_space<smem>>) -> (i32, i32, i32) {
    %c0_i32 = arith.constant 0 : i32
    %c0_i32_0 = arith.constant 0 : i32
    %c0_i32_1 = arith.constant 0 : i32
    return %arg0, %c0_i32, %c0_i32_0 : i32, i32, i32
  }
}

</mosaic_0001>

<sc_bundles>
// kernel: kernel.6.cloned.1.call-start
scs
__scs_entry_jumppad:
0x0: {  	(pc) =	sbr.rel $0x88, $3  }
0x1: {  	(tag) =	ssettag $0x0;
	lr =	simm.s32 $0x1  }
0x2: {  	[smem:$0x3F9A] =	sst lr;
	_ =	strace $0xD0000000  }
0x3: {  	_ = 	snop  }
0x4: {  	_ = 	snop  }
0x5: {  	_ = 	snop  }
0x6: {  	_ = 	snop  }
0x7: {  	_ = 	snop  }
__scs_overlays_trampoline_lowered:
0x8: {  	[smem:$0x3FA9] =	sst s0  }
0x9: {  	[smem:$0x3FAA] =	sst s1  }
0xa: {  	[smem:$0x3FAB] =	sst s2  }
0xb: {  	[smem:$0x3FAC] =	sst s3  }
0xc: {  	[smem:$0x3FAD] =	sst s4  }
0xd: {  	[smem:$0x3FAE] =	sst s5  }
0xe: {  	[smem:$0x3FAF] =	sst s6  }
0xf: {  	[smem:$0x3FB0] =	sst s7  }
0x10: {  	[smem:$0x3FB1] =	sst s8  }
0x11: {  	[smem:$0x3FB2] =	sst s9;
	s0 =	simm.s32 @!p0 $0x0  }
0x12: {  	s1 =	sld [smem:$0x3F98];
	s0 =	simm.s32 @p0 $0x1  }
0x13: {  	[smem:$0x3FB3] =	sst s0;
	s0 =	simm.s32 @!p1 $0x0  }
0x14: {  	s2 =	sld [smem:$0x3F97];
	s0 =	simm.s32 @p1 $0x1  }
0x15: {  	[smem:$0x3FB4] =	sst s0;
	s0 =	simm.s32 @!p2 $0x0  }
0x16: {  	s3 =	sld [smem:$0x3FDB];
	s0 =	simm.s32 @p2 $0x1  }
0x17: {  	s4 =	simm.s32 $0x1BF5;
	[smem:$0x3FB6] =	sst s0  }
0x18: {  	s0 =	sld [smem:$0x3F99];
	_ =	swait.ge [sflag:s4], $0x0  }
0x19: {  	s7 =	sld [smem:$0x3F9A]  }
0x1a: {  	s8 =	sadd.s32 $0xFFFFE003, lr  }
0x1b: {  	s9 =	sadd.s32 $0xFFFFFEF7, lr;
	s5 =	simm.s32 $0xFFFFFFFF;
	p2 =	slt.u32 s8, $0xFFFFF086  }
0x1c: {  	p1 =	slt.u32 s9, $0xF7A;
	s5 =	simm.s32 @!p2 $0x0  }
0x1d: {  	s5 =	simm.s32 @p1 $0x1;
	p0 =	seq.s32 s7, s2  }
0x1e: {  	s7 =	smul.u32 @!p0 $0xF7A, s2;
	p2 =	seq.s32 @!p0 s5, $0x0  }
0x1f: {  	s9 =	smul.u32 $0xF7A, s1;
	s8 =	simm.s32 @!p0 $0x1BF5;
	p2 =	por !p2, p0  }
0x20: {  	[sflag:s8] =	ssyncset.s32 @!p0 $0xFFFFF086;
	s6 =	sadd.s32 @!p0 s3, s7;
	s7 =	simm.s32 @!p0 $0x108  }
0x21: {  	s3 =	sadd.s32 s3, s9;
	s6 =	sadd.s32 @!p0 $0x88, s6;
	s7 =	simm.s32 @p2 $0x1082  }
0x22: {  	[simem:s7], [sflag:s8] =	dma.local @!p0 [hbm:s6], $0xF7A  }
0x23: {  	s9 =	sor.u32 $0xD0000000, s2;
	s6 =	simm.s32 $0x108;
	_ =	swait.ge @!p0 [sflag:s8], $0x0  }
0x24: {  	s3 =	sadd.s32 $0x88, s3;
	s6 =	simm.s32 @!p1 $0x1082;
	[sflag:s4] =	ssyncset.s32 $0xFFFFF086  }
0x25: {  	[simem:s6], [sflag:s4] =	dma.local [hbm:s3], $0xF7A  }
0x26: {  	[smem:$0x3F9A] =	sst s1;
	(tag) =	ssettag s2;
	_ =	strace s9  }
0x27: {  	s1 =	sld [smem:$0x3FAA]  }
0x28: {  	s2 =	sld [smem:$0x3FAB]  }
0x29: {  	s4 =	sld [smem:$0x3FAD]  }
0x2a: {  	p0 =	seq.s32 s5, $0x0;
	s5 =	sld [smem:$0x3FAE]  }
0x2b: {  	s6 =	sld [smem:$0x3FAF]  }
0x2c: {  	s7 =	sld [smem:$0x3FB0]  }
0x2d: {  	s3 =	simm.s32 $0x108;
	s8 =	sld [smem:$0x3FB1]  }
0x2e: {  	s3 =	simm.s32 @!p0 $0x1082;
	s9 =	sld [smem:$0x3FB2]  }
0x2f: {  	lr =	sadd.s32 s0, s3;
	s0 =	sld [smem:$0x3FA9]  }
0x30: {  	s3 =	sld [smem:$0x3FAC]  }
0x31: {  	[smem:$0x3FB5] =	sst s10  }
0x32: {  	s10 =	sld [smem:$0x3FB3];
	_ =	sdelay $0x3  }
0x33: {  	p0 =	seq.s32 s10, $0x1;
	s10 =	sld [smem:$0x3FB5];
	_ =	sdelay $0x3  }
0x34: {  	[smem:$0x3FB5] =	sst s10  }
0x35: {  	s10 =	sld [smem:$0x3FB4];
	_ =	sdelay $0x3  }
0x36: {  	p1 =	seq.s32 s10, $0x1;
	s10 =	sld [smem:$0x3FB5];
	_ =	sdelay $0x3  }
0x37: {  	[smem:$0x3FB5] =	sst s10  }
0x38: {  	s10 =	sld [smem:$0x3FB6]  }
0x39: {  	_ = 	snop;
	(pc) =	sbr.ind lr, $3  }
0x3a: {  	_ = 	snop  }
0x3b: {  	_ = 	snop  }
0x3c: {  	p2 =	seq.s32 s10, $0x1;
	s10 =	sld [smem:$0x3FB5]  }
0x3d: {  	_ =	shalt  }
0x3e: {  	_ =	shalt  }
0x3f: {  	_ =	shalt  }
0x40: {  	_ =	shalt  }
0x41: {  	_ =	shalt  }
0x42: {  	_ =	shalt  }
0x43: {  	_ =	shalt  }
0x44: {  	_ =	shalt  }
0x45: {  	_ =	shalt  }
0x46: {  	_ =	shalt  }
0x47: {  	_ =	shalt  }
0x48: {  	_ =	shalt  }
0x49: {  	_ =	shalt  }
0x4a: {  	_ =	shalt  }
0x4b: {  	_ =	shalt  }
0x4c: {  	_ =	shalt  }
0x4d: {  	_ =	shalt  }
0x4e: {  	_ =	shalt  }
0x4f: {  	_ =	shalt  }
0x50: {  	_ =	shalt  }
0x51: {  	_ =	shalt  }
0x52: {  	_ =	shalt  }
0x53: {  	_ =	shalt  }
0x54: {  	_ =	shalt  }
0x55: {  	_ =	shalt  }
0x56: {  	_ =	shalt  }
0x57: {  	_ =	shalt  }
0x58: {  	_ =	shalt  }
0x59: {  	_ =	shalt  }
0x5a: {  	_ =	shalt  }
0x5b: {  	_ =	shalt  }
0x5c: {  	_ =	shalt  }
0x5d: {  	_ =	shalt  }
0x5e: {  	_ =	shalt  }
0x5f: {  	_ =	shalt  }
0x60: {  	_ =	shalt  }
0x61: {  	_ =	shalt  }
0x62: {  	_ =	shalt  }
0x63: {  	_ =	shalt  }
0x64: {  	_ =	shalt  }
0x65: {  	_ =	shalt  }
0x66: {  	_ =	shalt  }
0x67: {  	_ =	shalt  }
0x68: {  	_ =	shalt  }
0x69: {  	_ =	shalt  }
0x6a: {  	_ =	shalt  }
0x6b: {  	_ =	shalt  }
0x6c: {  	_ =	shalt  }
0x6d: {  	_ =	shalt  }
0x6e: {  	_ =	shalt  }
0x6f: {  	_ =	shalt  }
0x70: {  	_ =	shalt  }
0x71: {  	_ =	shalt  }
0x72: {  	_ =	shalt  }
0x73: {  	_ =	shalt  }
0x74: {  	_ =	shalt  }
0x75: {  	_ =	shalt  }
0x76: {  	_ =	shalt  }
0x77: {  	_ =	shalt  }
0x78: {  	_ =	shalt  }
0x79: {  	_ =	shalt  }
0x7a: {  	_ =	shalt  }
0x7b: {  	_ =	shalt  }
0x7c: {  	_ =	shalt  }
0x7d: {  	_ =	shalt  }
0x7e: {  	_ =	shalt  }
0x7f: {  	_ =	shalt  }
0x80: {  	_ =	shalt  }
0x81: {  	_ =	shalt  }
0x82: {  	_ =	shalt  }
0x83: {  	_ =	shalt  }
0x84: {  	_ =	shalt  }
0x85: {  	_ =	shalt  }
0x86: {  	_ =	shalt  }
0x87: {  	_ =	shalt  }
.Lfunc_end0:
.L_simem_size_0:
called_computation_lowered:
.L_overlay_start_0:
0x88: {  	s2 =	sld [smem:$0x3FD9]  }
0x89: {  	s3 =	sld [smem:$0x3FFE];
	_ =	sdelay $0x1  }
0x8a: {  	s1 =	srdreg.scid  }
0x8b: {  	s0 =	sand.u32 $0x1, s1  }
0x8c: {  	s17 =	sshll.u32 s0, $0xA;
	s2 =	sadd.s32 s3, s2  }
0x8d: {  	s2 =	sadd.s32 s2, s17  }
0x8e: {  	[smem:$0x3FC1] =	sst s2  }
0x8f: {  	_ = 	snop  }
0x90: {  	s2 =	sld [smem:$0x3FC9];
	(tm) =	ssettm $0x1  }
0x91: {  	s18 =	sld [smem:$0x3FFB];
	_ =	sdelay $0x3  }
0x92: {  	_ =	strace s18  }
0x93: {  	s3 =	sld [smem:$0x3FFC];
	_ =	sdelay $0x3  }
0x94: {  	_ =	strace s3  }
0x95: {  	s3 =	sld [smem:$0x3FFD];
	_ =	sdelay $0x3  }
0x96: {  	_ =	strace s3  }
0x97: {  	_ =	strace $0x8FFFFFFF  }
0x98: {  	s19 =	sld [smem:$0x3FDB];
	_ =	sdelay $0x1  }
0x99: {  	s4 =	simm.s32 $_scs_section_size  }
0x9a: {  	s5 =	simm.s32 $_size__tile_overlayer_lowered;
	s6 =	simm.s32 $_tile_overlayer_lowered  }
0x9b: {  	s22 =	simm.s32 $0x1BFF;
	s21 =	sshll.u32 s6, $0x1;
	s3 =	sadd.s32 s4, s19  }
0x9c: {  	s7 =	simm.s32 $0x0;
	s20 =	sshll.u32 s5, $0x1;
	s5 =	sadd.s32 s21, s3  }
0x9d: {  	[timem:s7], [sflag:s22] =	dma.local [hbm:s5], s20  }
0x9e: {  	_ =	swait.ge [sflag:s22], s20  }
0x9f: {  	s4 =	ssub.s32 $0x0, s20;
	[sflag:s22] =	ssyncset.done $0x0  }
0xa0: {  	[sflag:s22] =	ssyncadd.s32 s4;
	_ =	sdelay $0x1  }
0xa1: {  	s23 =	simm.s32 $0x1B8B  }
0xa2: {  	_ =	swait.ge [sflag:s23], $0x1  }
0xa3: {  	[sflag:s23] =	ssyncset.done $0x0  }
0xa4: {  	s25 =	simm.s32 $0x1B8E;
	s24 =	sld [smem:$0x3FFE];
	[sflag:s23] =	ssyncadd.s32 $0xFFFFFFFF  }
0xa5: {  	s26 =	simm.s32 $execute0_lowered;
	[smem:$0x3FD2] =	sst s25  }
0xa6: {  	s5 =	sshll.u32 s26, $0x1;
	_ =	strace $0x80000046;
	[dreg:$0x1] =	wrdreg $0xFFFFFFFF  }
0xa7: {  	s28 =	simm.s32 $_size_execute0_lowered;
	s3 =	sadd.s32 s3, s5;
	[dreg:$0x0] =	wrdreg $0x0  }
0xa8: {  	s5 =	sshll.u32 s28, $0x1;
	[dreg:$0x2] =	wrdreg s3  }
0xa9: {  	[dreg:$0x3] =	wrdreg s5  }
0xaa: {  	[dreg:$0x4] =	wrdreg $0xC0  }
0xab: {  	_ =	task [dreg:s7], $0x5FFFF  }
0xac: {  	[dreg:$0x1] =	wrdreg $0xFFFFFFFF  }
0xad: {  	[dreg:$0x0] =	wrdreg $0x60  }
0xae: {  	[dreg:$0x2] =	wrdreg s2  }
0xaf: {  	[dreg:$0x3] =	wrdreg s24  }
0xb0: {  	[dreg:$0x4] =	wrdreg $0x9  }
0xb1: {  	_ =	task.clear_ibuf [dreg:s7], $0x5FFFF;
	_ =	strace $0x90000046  }
0xb2: {  	s29 =	simm.s32 $0x9;
	_ =	strace $0x80000048  }
0xb3: {  	_ =	swait.ge [sflag:s29], $0x1  }
0xb4: {  	[sflag:s29] =	ssyncadd.s32 $0xFFFFFFFF  }
0xb5: {  	_ =	strace $0x90000048  }
0xb6: {  	_ =	sfence  }
0xb7: {  	s30 =	sld [smem:$0x0];
	_ =	sdelay $0x2  }
0xb8: {  	s31 =	sshll.u32 s1, $0xD;
	s1 =	sshrl.u32 s1, $0x2  }
0xb9: {  	s3 =	sand.u32 $0x4000, s31;
	s1 =	sadd.s32 s1, s30  }
0xba: {  	s0 =	sor.u32 s3, s0;
	s1 =	sshll.u32 s1, $0x11  }
0xbb: {  	s0 =	sor.u32 s1, s0  }
0xbc: {  	s0 =	sadd.s32 $0x8F2B, s0  }
0xbd: {  	[sflag:s0] =	ssyncadd.remote.s32 $0x1  }
0xbe: {  	_ =	sfence.sel $0xFFFF  }
0xbf: {  	[dreg:$0x0] =	wrdreg $0xFFFFFFFF;
	(pc) =	sbr.abs _section_cstart, $3  }
0xc0: {  	[dreg:$0x1] =	wrdreg $0xFFFFFFFF  }
0xc1: {  	_ =	task.clear_ibuf [dreg:s7], $0x2FFFF;
	_ =	strace $0x9FFFFFFF  }
0xc2: {  	(tm) =	ssettm $0x7FFFFFFF  }
0xc3: {  	_ =	shalt  }
tec
execute0_lowered:
.L_overlay_start_1:
0x0: {  	(tag) =	ssettag $0x1  }
0x1: {  	s1 =	srdreg.scid  }
0x2: {  	s0 =	stileid.u32;
	s1 =	sand.u32 $0x1, s1  }
0x3: {  	s3 =	rddreg [dreg:$0x0];
	s2 =	sshll.u32 s0, $0x5;
	s4 =	sshll.u32 s1, $0x4  }
0x4: {  	s5 =	rddreg [dreg:$0x1];
	s4 =	sor.u32 s4, s2;
	s2 =	simm.s32 $0x0  }
0x5: {  	s25 =	simm.s32 $0x880;
	[smem:$0x7FF] =	sst s2  }
0x6: {  	s26 =	simm.s32 $0x1080;
	_ =	strace $0x80000047;
	[dreg:$0x5] =	wrdreg s25  }
0x7: {  	s0 =	simm.s32 $0x1880;
	[dreg:$0x6] =	wrdreg s26  }
0x8: {  	s7 =	simm.s32 $0x3080;
	[dreg:$0x7] =	wrdreg s0  }
0x9: {  	s8 =	simm.s32 $0x3880;
	[dreg:$0xa] =	wrdreg s7  }
0xa: {  	s9 =	simm.s32 $0x4080;
	[dreg:$0xb] =	wrdreg s8  }
0xb: {  	s10 =	simm.s32 $0x4880;
	[dreg:$0xc] =	wrdreg s9  }
0xc: {  	s11 =	simm.s32 $0x5080;
	s12 =	simm.s32 $0x5880;
	[dreg:$0xd] =	wrdreg s10  }
0xd: {  	s13 =	simm.s32 $0x6080;
	s14 =	simm.s32 $0x6880;
	[dreg:$0xe] =	wrdreg s11  }
0xe: {  	s15 =	simm.s32 $0x7080;
	s16 =	simm.s32 $0x7880;
	[dreg:$0xf] =	wrdreg s12  }
0xf: {  	s17 =	simm.s32 $0x8080;
	s18 =	simm.s32 $0x8880;
	[dreg:$0x10] =	wrdreg s13  }
0x10: {  	s19 =	simm.s32 $0x9080;
	s21 =	simm.s32 $0x9880;
	[dreg:$0x11] =	wrdreg s14  }
0x11: {  	s22 =	simm.s32 $0xA080;
	s23 =	simm.s32 $0xA880;
	[dreg:$0x12] =	wrdreg s15  }
0x12: {  	s24 =	simm.s32 $0xB880;
	s28 =	simm.s32 $0x16080;
	[dreg:$0x13] =	wrdreg s16  }
0x13: {  	s29 =	simm.s32 $0x16880;
	s30 =	simm.s32 $0x17080;
	[dreg:$0x14] =	wrdreg s17  }
0x14: {  	s31 =	simm.s32 $0x17880;
	s1 =	ssub.s32 $0x2, s1;
	[dreg:$0x15] =	wrdreg s18  }
0x15: {  	s20 =	sshrl.u32 s1, $0x1;
	s6 =	sand.u32 $0xF0, s4;
	[dreg:$0x16] =	wrdreg s19  }
0x16: {  	s4 =	sadd.s32 s4, s5;
	s1 =	ssub.s32 s1, s20;
	[dreg:$0x17] =	wrdreg s21  }
0x17: {  	s20 =	simm.s32 $0x12880;
	s6 =	smul.u32 $0x300, s6;
	[dreg:$0x18] =	wrdreg s22  }
0x18: {  	s4 =	sadd.s32 $0xE00, s4;
	[dreg:$0x19] =	wrdreg s23;
	s7 =	simm.s32 $0xB080  }
0x19: {  	[dreg:$0x1b] =	wrdreg s24;
	s25 =	simm.s32 $0xC080;
	s8 =	simm.s32 $0x80  }
0x1a: {  	s26 =	simm.s32 $0xC880;
	s10 =	simm.s32 $0xD880;
	s11 =	simm.s32 $0xE080  }
0x1b: {  	s12 =	simm.s32 $0xE880;
	s13 =	simm.s32 $0xF080;
	s14 =	simm.s32 $0xF880  }
0x1c: {  	s15 =	simm.s32 $0x10080;
	s16 =	simm.s32 $0x10880;
	s17 =	simm.s32 $0x11080  }
0x1d: {  	s18 =	simm.s32 $0x11880;
	s19 =	simm.s32 $0x12080;
	[dreg:$0x3] =	wrdreg s4  }
0x1e: {  	s21 =	simm.s32 $0x13080;
	s22 =	simm.s32 $0x13880;
	[dreg:$0x1a] =	wrdreg s7  }
0x1f: {  	s23 =	simm.s32 $0x14080;
	s24 =	simm.s32 $0x14880;
	[dreg:$0x1c] =	wrdreg s25  }
0x20: {  	s4 =	simm.s32 $0x2080;
	s7 =	simm.s32 $0x2;
	[dreg:$0x1d] =	wrdreg s26  }
0x21: {  	s25 =	simm.s32 $0x15080;
	s3 =	sadd.s32 s3, s6;
	[dreg:$0x8] =	wrdreg s4  }
0x22: {  	v2 =	vlaneseq.u32;
	s26 =	simm.s32 $0x15880;
	s6 =	simm.s32 $0x2880;
	[dreg:$0x4] =	wrdreg s3  }
0x23: {  	vm0 =	vmmov $0xffff;
	v1 =	vshrl.u32 v2, $0x3;
	s4 =	sadd.s32 $0x11100, s5;
	[dreg:$0x9] =	wrdreg s6;
	s3 =	sadd.s32 $0x11000, s5  }
0x24: {  	v0 =	vand.u32 $0x7, v2;
	v2 =	vor.u32 $0x8, v2;
	v1 =	vmul.u32 $0x8, v1;
	s5 =	sadd.s32 $0x11200, s5;
	s6 =	smax.u32 s1, $0x1;
	s1 =	simm.s32 $0x1  }
.LBB2_1:
0x25: {  	s0 =	rddreg [dreg:$0x3]  }
0x26: {  	[tilespmem:s2], [sflag:$0x2] =	stream.linear.gather [hbm4b:s0+s2], $0x80, $0x38;
	[tilespmem:$0x18080] =	vst v63  }
0x27: {  	_ =	swait.ge [sflag:s7], $0x80  }
0x28: {  	[sflag:s7] =	ssyncset.done $0x0  }
0x29: {  	s9 =	rddreg [dreg:$0x4];
	[sflag:s7] =	ssyncadd.s32 $0xFFFFFF80  }
0x2a: {  	[tilespmem:s8], [sflag:$0x2] =	stream.linear.gather [hbm4b:s9+s2], $0x18000, $0x38;
	[tilespmem:$0x18080] =	vst v63  }
0x2b: {  	_ =	swait.ge [sflag:s7], $0x18000  }
0x2c: {  	[sflag:s7] =	ssyncset.done $0x0  }
0x2d: {  	[sflag:s7] =	ssyncadd.s32 $0xFFFE8000  }
0x2e: {  	v3 =	vld [tilespmem:$0x0];
	_ =	sdelay $0x4  }
0x2f: {  	v4 =	vshrl.u32 v3, $0x3  }
0x30: {  	v4 =	vmul.u32 $0x30, v4  }
0x31: {  	v3 =	vand.u32 $0x7, v3  }
0x32: {  	v3 =	vor.u32 v3, v4  }
0x33: {  	v4 =	vperm.xlane v3, v0;
	_ =	sdelay $0x1  }
0x34: {  	v4 =	vadd.s32 v1, v4;
	_ =	sdelay $0x3  }
0x35: {  	v3 =	vperm.xlane v3, v2  }
0x36: {  	[hbm4b:s3+s2] =	stream.indirect_vreg.scatter [tilespmem:s8], [sflag:$0x1], $0x80, v4, vm0, $0xb8;
	[tilespmem:$0x18080] =	vst v63  }
0x37: {  	s0 =	rddreg [dreg:$0x5];
	v3 =	vadd.s32 v1, v3  }
0x38: {  	[hbm4b:s4+s2] =	stream.indirect_vreg.scatter [tilespmem:s0], [sflag:$0x1], $0x80, v4, vm0, $0xb8;
	[tilespmem:$0x18080] =	vst v63  }
0x39: {  	s9 =	rddreg [dreg:$0x6]  }
0x3a: {  	[hbm4b:s5+s2] =	stream.indirect_vreg.scatter [tilespmem:s9], [sflag:$0x1], $0x80, v4, vm0, $0xb8;
	[tilespmem:$0x18080] =	vst v63  }
0x3b: {  	s0 =	rddreg [dreg:$0x7]  }
0x3c: {  	[hbm4b:s3+s2] =	stream.indirect_vreg.scatter [tilespmem:s0], [sflag:$0x1], $0x80, v3, vm0, $0xb8;
	[tilespmem:$0x18080] =	vst v63  }
0x3d: {  	s9 =	rddreg [dreg:$0x8]  }
0x3e: {  	[hbm4b:s4+s2] =	stream.indirect_vreg.scatter [tilespmem:s9], [sflag:$0x1], $0x80, v3, vm0, $0xb8;
	[tilespmem:$0x18080] =	vst v63  }
0x3f: {  	s0 =	rddreg [dreg:$0x9]  }
0x40: {  	[hbm4b:s5+s2] =	stream.indirect_vreg.scatter [tilespmem:s0], [sflag:$0x1], $0x80, v3, vm0, $0xb8;
	[tilespmem:$0x18080] =	vst v63  }
0x41: {  	v3 =	vld [tilespmem:$0x10];
	_ =	sdelay $0x4  }
0x42: {  	v57 =	vshrl.u32 v3, $0x3  }
0x43: {  	v4 =	vmul.u32 $0x30, v57  }
0x44: {  	v3 =	vand.u32 $0x7, v3  }
0x45: {  	v3 =	vor.u32 v3, v4  }
0x46: {  	v4 =	vperm.xlane v3, v0;
	_ =	sdelay $0x1  }
0x47: {  	v4 =	vadd.s32 v1, v4;
	_ =	sdelay $0x3  }
0x48: {  	s0 =	rddreg [dreg:$0xa];
	v3 =	vperm.xlane v3, v2  }
0x49: {  	[hbm4b:s3+s2] =	stream.indirect_vreg.scatter [tilespmem:s0], [sflag:$0x1], $0x80, v4, vm0, $0xb8;
	[tilespmem:$0x18080] =	vst v63  }
0x4a: {  	s9 =	rddreg [dreg:$0xb];
	v3 =	vadd.s32 v1, v3  }
0x4b: {  	[hbm4b:s4+s2] =	stream.indirect_vreg.scatter [tilespmem:s9], [sflag:$0x1], $0x80, v4, vm0, $0xb8;
	[tilespmem:$0x18080] =	vst v63  }
0x4c: {  	s0 =	rddreg [dreg:$0xc]  }
0x4d: {  	[hbm4b:s5+s2] =	stream.indirect_vreg.scatter [tilespmem:s0], [sflag:$0x1], $0x80, v4, vm0, $0xb8;
	[tilespmem:$0x18080] =	vst v63  }
0x4e: {  	s9 =	rddreg [dreg:$0xd]  }
0x4f: {  	[hbm4b:s3+s2] =	stream.indirect_vreg.scatter [tilespmem:s9], [sflag:$0x1], $0x80, v3, vm0, $0xb8;
	[tilespmem:$0x18080] =	vst v63  }
0x50: {  	s0 =	rddreg [dreg:$0xe]  }
0x51: {  	[hbm4b:s4+s2] =	stream.indirect_vreg.scatter [tilespmem:s0], [sflag:$0x1], $0x80, v3, vm0, $0xb8;
	[tilespmem:$0x18080] =	vst v63  }
0x52: {  	s9 =	rddreg [dreg:$0xf]  }
0x53: {  	[hbm4b:s5+s2] =	stream.indirect_vreg.scatter [tilespmem:s9], [sflag:$0x1], $0x80, v3, vm0, $0xb8;
	[tilespmem:$0x18080] =	vst v63  }
0x54: {  	v3 =	vld [tilespmem:$0x20];
	_ =	sdelay $0x4  }
0x55: {  	v58 =	vshrl.u32 v3, $0x3  }
0x56: {  	v4 =	vmul.u32 $0x30, v58  }
0x57: {  	v3 =	vand.u32 $0x7, v3  }
0x58: {  	v3 =	vor.u32 v3, v4  }
0x59: {  	v4 =	vperm.xlane v3, v0;
	_ =	sdelay $0x1  }
0x5a: {  	v4 =	vadd.s32 v1, v4;
	_ =	sdelay $0x3  }
0x5b: {  	s0 =	rddreg [dreg:$0x10];
	v3 =	vperm.xlane v3, v2  }
0x5c: {  	[hbm4b:s3+s2] =	stream.indirect_vreg.scatter [tilespmem:s0], [sflag:$0x1], $0x80, v4, vm0, $0xb8;
	[tilespmem:$0x18080] =	vst v63  }
0x5d: {  	s9 =	rddreg [dreg:$0x11];
	v3 =	vadd.s32 v1, v3  }
0x5e: {  	[hbm4b:s4+s2] =	stream.indirect_vreg.scatter [tilespmem:s9], [sflag:$0x1], $0x80, v4, vm0, $0xb8;
	[tilespmem:$0x18080] =	vst v63  }
0x5f: {  	s0 =	rddreg [dreg:$0x12]  }
0x60: {  	[hbm4b:s5+s2] =	stream.indirect_vreg.scatter [tilespmem:s0], [sflag:$0x1], $0x80, v4, vm0, $0xb8;
	[tilespmem:$0x18080] =	vst v63  }
0x61: {  	s9 =	rddreg [dreg:$0x13]  }
0x62: {  	[hbm4b:s3+s2] =	stream.indirect_vreg.scatter [tilespmem:s9], [sflag:$0x1], $0x80, v3, vm0, $0xb8;
	[tilespmem:$0x18080] =	vst v63  }
0x63: {  	s0 =	rddreg [dreg:$0x14]  }
0x64: {  	[hbm4b:s4+s2] =	stream.indirect_vreg.scatter [tilespmem:s0], [sflag:$0x1], $0x80, v3, vm0, $0xb8;
	[tilespmem:$0x18080] =	vst v63  }
0x65: {  	s9 =	rddreg [dreg:$0x15]  }
0x66: {  	[hbm4b:s5+s2] =	stream.indirect_vreg.scatter [tilespmem:s9], [sflag:$0x1], $0x80, v3, vm0, $0xb8;
	[tilespmem:$0x18080] =	vst v63  }
0x67: {  	v3 =	vld [tilespmem:$0x30];
	_ =	sdelay $0x4  }
0x68: {  	v59 =	vshrl.u32 v3, $0x3  }
0x69: {  	v4 =	vmul.u32 $0x30, v59  }
0x6a: {  	v3 =	vand.u32 $0x7, v3  }
0x6b: {  	v3 =	vor.u32 v3, v4  }
0x6c: {  	v4 =	vperm.xlane v3, v0;
	_ =	sdelay $0x1  }
0x6d: {  	v4 =	vadd.s32 v1, v4;
	_ =	sdelay $0x3  }
0x6e: {  	s0 =	rddreg [dreg:$0x16];
	v3 =	vperm.xlane v3, v2  }
0x6f: {  	[hbm4b:s3+s2] =	stream.indirect_vreg.scatter [tilespmem:s0], [sflag:$0x1], $0x80, v4, vm0, $0xb8;
	[tilespmem:$0x18080] =	vst v63  }
0x70: {  	s9 =	rddreg [dreg:$0x17];
	v3 =	vadd.s32 v1, v3  }
0x71: {  	[hbm4b:s4+s2] =	stream.indirect_vreg.scatter [tilespmem:s9], [sflag:$0x1], $0x80, v4, vm0, $0xb8;
	[tilespmem:$0x18080] =	vst v63  }
0x72: {  	s0 =	rddreg [dreg:$0x18]  }
0x73: {  	[hbm4b:s5+s2] =	stream.indirect_vreg.scatter [tilespmem:s0], [sflag:$0x1], $0x80, v4, vm0, $0xb8;
	[tilespmem:$0x18080] =	vst v63  }
0x74: {  	s9 =	rddreg [dreg:$0x19]  }
0x75: {  	[hbm4b:s3+s2] =	stream.indirect_vreg.scatter [tilespmem:s9], [sflag:$0x1], $0x80, v3, vm0, $0xb8;
	[tilespmem:$0x18080] =	vst v63  }
0x76: {  	s0 =	rddreg [dreg:$0x1a]  }
0x77: {  	[hbm4b:s4+s2] =	stream.indirect_vreg.scatter [tilespmem:s0], [sflag:$0x1], $0x80, v3, vm0, $0xb8;
	[tilespmem:$0x18080] =	vst v63  }
0x78: {  	s9 =	rddreg [dreg:$0x1b]  }
0x79: {  	[hbm4b:s5+s2] =	stream.indirect_vreg.scatter [tilespmem:s9], [sflag:$0x1], $0x80, v3, vm0, $0xb8;
	[tilespmem:$0x18080] =	vst v63  }
0x7a: {  	v3 =	vld [tilespmem:$0x40];
	_ =	sdelay $0x4  }
0x7b: {  	v60 =	vshrl.u32 v3, $0x3  }
0x7c: {  	v4 =	vmul.u32 $0x30, v60  }
0x7d: {  	v3 =	vand.u32 $0x7, v3  }
0x7e: {  	v3 =	vor.u32 v3, v4  }
0x7f: {  	v4 =	vperm.xlane v3, v0;
	_ =	sdelay $0x1  }
0x80: {  	v4 =	vadd.s32 v1, v4;
	_ =	sdelay $0x3  }
0x81: {  	s0 =	rddreg [dreg:$0x1c];
	v3 =	vperm.xlane v3, v2  }
0x82: {  	[hbm4b:s3+s2] =	stream.indirect_vreg.scatter [tilespmem:s0], [sflag:$0x1], $0x80, v4, vm0, $0xb8;
	[tilespmem:$0x18080] =	vst v63  }
0x83: {  	s9 =	rddreg [dreg:$0x1d];
	v3 =	vadd.s32 v1, v3  }
0x84: {  	[hbm4b:s4+s2] =	stream.indirect_vreg.scatter [tilespmem:s9], [sflag:$0x1], $0x80, v4, vm0, $0xb8;
	[tilespmem:$0x18080] =	vst v63  }
0x85: {  	s9 =	simm.s32 $0xD080  }
0x86: {  	[hbm4b:s5+s2] =	stream.indirect_vreg.scatter [tilespmem:s9], [sflag:$0x1], $0x80, v4, vm0, $0xb8;
	[tilespmem:$0x18080] =	vst v63  }
0x87: {  	_ = 	snop  }
0x88: {  	[hbm4b:s3+s2] =	stream.indirect_vreg.scatter [tilespmem:s10], [sflag:$0x1], $0x80, v3, vm0, $0xb8;
	[tilespmem:$0x18080] =	vst v63  }
0x89: {  	_ = 	snop  }
0x8a: {  	[hbm4b:s4+s2] =	stream.indirect_vreg.scatter [tilespmem:s11], [sflag:$0x1], $0x80, v3, vm0, $0xb8;
	[tilespmem:$0x18080] =	vst v63  }
0x8b: {  	_ = 	snop  }
0x8c: {  	[hbm4b:s5+s2] =	stream.indirect_vreg.scatter [tilespmem:s12], [sflag:$0x1], $0x80, v3, vm0, $0xb8;
	[tilespmem:$0x18080] =	vst v63  }
0x8d: {  	v3 =	vld [tilespmem:$0x50];
	_ =	sdelay $0x4  }
0x8e: {  	v61 =	vshrl.u32 v3, $0x3  }
0x8f: {  	v4 =	vmul.u32 $0x30, v61  }
0x90: {  	v3 =	vand.u32 $0x7, v3  }
0x91: {  	v3 =	vor.u32 v3, v4  }
0x92: {  	v4 =	vperm.xlane v3, v0;
	_ =	sdelay $0x1  }
0x93: {  	v4 =	vadd.s32 v1, v4;
	_ =	sdelay $0x3  }
0x94: {  	v3 =	vperm.xlane v3, v2  }
0x95: {  	[hbm4b:s3+s2] =	stream.indirect_vreg.scatter [tilespmem:s13], [sflag:$0x1], $0x80, v4, vm0, $0xb8;
	[tilespmem:$0x18080] =	vst v63  }
0x96: {  	v3 =	vadd.s32 v1, v3  }
0x97: {  	[hbm4b:s4+s2] =	stream.indirect_vreg.scatter [tilespmem:s14], [sflag:$0x1], $0x80, v4, vm0, $0xb8;
	[tilespmem:$0x18080] =	vst v63  }
0x98: {  	_ = 	snop  }
0x99: {  	[hbm4b:s5+s2] =	stream.indirect_vreg.scatter [tilespmem:s15], [sflag:$0x1], $0x80, v4, vm0, $0xb8;
	[tilespmem:$0x18080] =	vst v63  }
0x9a: {  	_ = 	snop  }
0x9b: {  	[hbm4b:s3+s2] =	stream.indirect_vreg.scatter [tilespmem:s16], [sflag:$0x1], $0x80, v3, vm0, $0xb8;
	[tilespmem:$0x18080] =	vst v63  }
0x9c: {  	_ = 	snop  }
0x9d: {  	[hbm4b:s4+s2] =	stream.indirect_vreg.scatter [tilespmem:s17], [sflag:$0x1], $0x80, v3, vm0, $0xb8;
	[tilespmem:$0x18080] =	vst v63  }
0x9e: {  	_ = 	snop  }
0x9f: {  	[hbm4b:s5+s2] =	stream.indirect_vreg.scatter [tilespmem:s18], [sflag:$0x1], $0x80, v3, vm0, $0xb8;
	[tilespmem:$0x18080] =	vst v63  }
0xa0: {  	v3 =	vld [tilespmem:$0x60];
	_ =	sdelay $0x4  }
0xa1: {  	v62 =	vshrl.u32 v3, $0x3  }
0xa2: {  	v4 =	vmul.u32 $0x30, v62  }
0xa3: {  	v3 =	vand.u32 $0x7, v3  }
0xa4: {  	v3 =	vor.u32 v3, v4  }
0xa5: {  	v4 =	vperm.xlane v3, v0;
	_ =	sdelay $0x1  }
0xa6: {  	v4 =	vadd.s32 v1, v4;
	_ =	sdelay $0x3  }
0xa7: {  	v3 =	vperm.xlane v3, v2  }
0xa8: {  	[hbm4b:s3+s2] =	stream.indirect_vreg.scatter [tilespmem:s19], [sflag:$0x1], $0x80, v4, vm0, $0xb8;
	[tilespmem:$0x18080] =	vst v63  }
0xa9: {  	v3 =	vadd.s32 v1, v3  }
0xaa: {  	[hbm4b:s4+s2] =	stream.indirect_vreg.scatter [tilespmem:s20], [sflag:$0x1], $0x80, v4, vm0, $0xb8;
	[tilespmem:$0x18080] =	vst v63  }
0xab: {  	_ = 	snop  }
0xac: {  	[hbm4b:s5+s2] =	stream.indirect_vreg.scatter [tilespmem:s21], [sflag:$0x1], $0x80, v4, vm0, $0xb8;
	[tilespmem:$0x18080] =	vst v63  }
0xad: {  	_ = 	snop  }
0xae: {  	[hbm4b:s3+s2] =	stream.indirect_vreg.scatter [tilespmem:s22], [sflag:$0x1], $0x80, v3, vm0, $0xb8;
	[tilespmem:$0x18080] =	vst v63  }
0xaf: {  	_ = 	snop  }
0xb0: {  	[hbm4b:s4+s2] =	stream.indirect_vreg.scatter [tilespmem:s23], [sflag:$0x1], $0x80, v3, vm0, $0xb8;
	[tilespmem:$0x18080] =	vst v63  }
0xb1: {  	_ = 	snop  }
0xb2: {  	[hbm4b:s5+s2] =	stream.indirect_vreg.scatter [tilespmem:s24], [sflag:$0x1], $0x80, v3, vm0, $0xb8;
	[tilespmem:$0x18080] =	vst v63  }
0xb3: {  	v3 =	vld [tilespmem:$0x70];
	_ =	sdelay $0x4  }
0xb4: {  	v63 =	vshrl.u32 v3, $0x3  }
0xb5: {  	v4 =	vmul.u32 $0x30, v63  }
0xb6: {  	v3 =	vand.u32 $0x7, v3  }
0xb7: {  	v3 =	vor.u32 v3, v4  }
0xb8: {  	v4 =	vperm.xlane v3, v0;
	_ =	sdelay $0x1  }
0xb9: {  	v4 =	vadd.s32 v1, v4;
	_ =	sdelay $0x3  }
0xba: {  	v3 =	vperm.xlane v3, v2  }
0xbb: {  	[hbm4b:s3+s2] =	stream.indirect_vreg.scatter [tilespmem:s25], [sflag:$0x1], $0x80, v4, vm0, $0xb8;
	[tilespmem:$0x18080] =	vst v63  }
0xbc: {  	v3 =	vadd.s32 v1, v3  }
0xbd: {  	[hbm4b:s4+s2] =	stream.indirect_vreg.scatter [tilespmem:s26], [sflag:$0x1], $0x80, v4, vm0, $0xb8;
	[tilespmem:$0x18080] =	vst v63  }
0xbe: {  	_ = 	snop  }
0xbf: {  	[hbm4b:s5+s2] =	stream.indirect_vreg.scatter [tilespmem:s28], [sflag:$0x1], $0x80, v4, vm0, $0xb8;
	[tilespmem:$0x18080] =	vst v63  }
0xc0: {  	_ = 	snop  }
0xc1: {  	[hbm4b:s3+s2] =	stream.indirect_vreg.scatter [tilespmem:s29], [sflag:$0x1], $0x80, v3, vm0, $0xb8;
	[tilespmem:$0x18080] =	vst v63  }
0xc2: {  	p0 =	sne.s32 s6, $0x1  }
0xc3: {  	[hbm4b:s4+s2] =	stream.indirect_vreg.scatter [tilespmem:s30], [sflag:$0x1], $0x80, v3, vm0, $0xb8;
	[tilespmem:$0x18080] =	vst v63  }
.Ltmp0:
0xc4: {  	_ = 	snop;
	(pc) =	sbr.rel @p0 .LBB2_1-.Ltmp0, $4  }
0xc5: {  	[hbm4b:s5+s2] =	stream.indirect_vreg.scatter [tilespmem:s31], [sflag:$0x1], $0x80, v3, vm0, $0xb8;
	[tilespmem:$0x18080] =	vst v63  }
0xc6: {  	_ =	swait.ge [sflag:s1], $0x18000  }
0xc7: {  	[sflag:s1] =	ssyncset.done $0x0  }
0xc8: {  	s6 =	sadd.s32 $0xFFFFFFFF, s6;
	[sflag:s1] =	ssyncadd.s32 $0xFFFE8000  }
0xc9: {  	_ =	sfence.sel $0x180000  }
0xca: {  	[bflag:$0x0] =	sbarrier.arrive $0xFFFF  }
0xcb: {  	_ =	strace $0x90000047  }
0xcc: {  	s0 =	stileid.u32;
	[bflag:$0x2] =	sbarrier.arrive $0xFFFF  }
0xcd: {  	p0 =	sne.s32 s0, $0x0;
	s0 =	rddreg [dreg:$0x2]  }
0xce: {  	s0 =	sadd.s32 @!p0 $0x100000, s0  }
0xcf: {  	[sflag:s0] =	ssyncadd.tile.s32 @!p0 $0x1;
	_ =	shalt  }
.Lfunc_end2:
_tile_overlayer_lowered:
.L_overlay_start_2:
0xd0: {  	(tag) =	ssettag $0x2  }
0xd1: {  	s0 =	rddreg [dreg:$0x0];
	s2 =	stileid.u32  }
0xd2: {  	s1 =	rddreg [dreg:$0x1];
	p0 =	sne.s32 s2, $0x0  }
0xd3: {  	s3 =	rddreg [dreg:$0x2];
	[bflag:$0x3] =	sbarrier.arrive $0xFFFF;
	s2 =	simm.s32 @!p0 $0x1C02  }
0xd4: {  	[timem:s3], [sflag:s2] =	dma.local @!p0 [hbm:s0], s1  }
0xd5: {  	s0 =	simm.s32 @!p0 $0x2  }
0xd6: {  	_ =	swait.ge @!p0 [sflag:s0], s1  }
0xd7: {  	s1 =	ssub.s32 @!p0 $0x0, s1;
	[sflag:s0] =	ssyncset.done @!p0 $0x0  }
0xd8: {  	[sflag:s0] =	ssyncadd.s32 @!p0 s1  }
0xd9: {  	[bflag:$0x3] =	sbarrier.arrive $0xFFFF  }
0xda: {  	_ =	shalt  }

// kernel: kernel.9.cloned.1.call-start
scs
__scs_entry_jumppad:
0x0: {  	(pc) =	sbr.rel $0x88, $3  }
0x1: {  	(tag) =	ssettag $0x0;
	lr =	simm.s32 $0x1  }
0x2: {  	[smem:$0x3F9A] =	sst lr;
	_ =	strace $0xD0000000  }
0x3: {  	_ = 	snop  }
0x4: {  	_ = 	snop  }
0x5: {  	_ = 	snop  }
0x6: {  	_ = 	snop  }
0x7: {  	_ = 	snop  }
__scs_overlays_trampoline_lowered:
0x8: {  	[smem:$0x3FA9] =	sst s0  }
0x9: {  	[smem:$0x3FAA] =	sst s1  }
0xa: {  	[smem:$0x3FAB] =	sst s2  }
0xb: {  	[smem:$0x3FAC] =	sst s3  }
0xc: {  	[smem:$0x3FAD] =	sst s4  }
0xd: {  	[smem:$0x3FAE] =	sst s5  }
0xe: {  	[smem:$0x3FAF] =	sst s6  }
0xf: {  	[smem:$0x3FB0] =	sst s7  }
0x10: {  	[smem:$0x3FB1] =	sst s8  }
0x11: {  	[smem:$0x3FB2] =	sst s9;
	s0 =	simm.s32 @!p0 $0x0  }
0x12: {  	s1 =	sld [smem:$0x3F98];
	s0 =	simm.s32 @p0 $0x1  }
0x13: {  	[smem:$0x3FB3] =	sst s0;
	s0 =	simm.s32 @!p1 $0x0  }
0x14: {  	s2 =	sld [smem:$0x3F97];
	s0 =	simm.s32 @p1 $0x1  }
0x15: {  	[smem:$0x3FB4] =	sst s0;
	s0 =	simm.s32 @!p2 $0x0  }
0x16: {  	s3 =	sld [smem:$0x3FDB];
	s0 =	simm.s32 @p2 $0x1  }
0x17: {  	s4 =	simm.s32 $0x1BF5;
	[smem:$0x3FB6] =	sst s0  }
0x18: {  	s0 =	sld [smem:$0x3F99];
	_ =	swait.ge [sflag:s4], $0x0  }
0x19: {  	s7 =	sld [smem:$0x3F9A]  }
0x1a: {  	s8 =	sadd.s32 $0xFFFFE003, lr  }
0x1b: {  	s9 =	sadd.s32 $0xFFFFFEF7, lr;
	s5 =	simm.s32 $0xFFFFFFFF;
	p2 =	slt.u32 s8, $0xFFFFF086  }
0x1c: {  	p1 =	slt.u32 s9, $0xF7A;
	s5 =	simm.s32 @!p2 $0x0  }
0x1d: {  	s5 =	simm.s32 @p1 $0x1;
	p0 =	seq.s32 s7, s2  }
0x1e: {  	s7 =	smul.u32 @!p0 $0xF7A, s2;
	p2 =	seq.s32 @!p0 s5, $0x0  }
0x1f: {  	s9 =	smul.u32 $0xF7A, s1;
	s8 =	simm.s32 @!p0 $0x1BF5;
	p2 =	por !p2, p0  }
0x20: {  	[sflag:s8] =	ssyncset.s32 @!p0 $0xFFFFF086;
	s6 =	sadd.s32 @!p0 s3, s7;
	s7 =	simm.s32 @!p0 $0x108  }
0x21: {  	s3 =	sadd.s32 s3, s9;
	s6 =	sadd.s32 @!p0 $0x88, s6;
	s7 =	simm.s32 @p2 $0x1082  }
0x22: {  	[simem:s7], [sflag:s8] =	dma.local @!p0 [hbm:s6], $0xF7A  }
0x23: {  	s9 =	sor.u32 $0xD0000000, s2;
	s6 =	simm.s32 $0x108;
	_ =	swait.ge @!p0 [sflag:s8], $0x0  }
0x24: {  	s3 =	sadd.s32 $0x88, s3;
	s6 =	simm.s32 @!p1 $0x1082;
	[sflag:s4] =	ssyncset.s32 $0xFFFFF086  }
0x25: {  	[simem:s6], [sflag:s4] =	dma.local [hbm:s3], $0xF7A  }
0x26: {  	[smem:$0x3F9A] =	sst s1;
	(tag) =	ssettag s2;
	_ =	strace s9  }
0x27: {  	s1 =	sld [smem:$0x3FAA]  }
0x28: {  	s2 =	sld [smem:$0x3FAB]  }
0x29: {  	s4 =	sld [smem:$0x3FAD]  }
0x2a: {  	p0 =	seq.s32 s5, $0x0;
	s5 =	sld [smem:$0x3FAE]  }
0x2b: {  	s6 =	sld [smem:$0x3FAF]  }
0x2c: {  	s7 =	sld [smem:$0x3FB0]  }
0x2d: {  	s3 =	simm.s32 $0x108;
	s8 =	sld [smem:$0x3FB1]  }
0x2e: {  	s3 =	simm.s32 @!p0 $0x1082;
	s9 =	sld [smem:$0x3FB2]  }
0x2f: {  	lr =	sadd.s32 s0, s3;
	s0 =	sld [smem:$0x3FA9]  }
0x30: {  	s3 =	sld [smem:$0x3FAC]  }
0x31: {  	[smem:$0x3FB5] =	sst s10  }
0x32: {  	s10 =	sld [smem:$0x3FB3];
	_ =	sdelay $0x3  }
0x33: {  	p0 =	seq.s32 s10, $0x1;
	s10 =	sld [smem:$0x3FB5];
	_ =	sdelay $0x3  }
0x34: {  	[smem:$0x3FB5] =	sst s10  }
0x35: {  	s10 =	sld [smem:$0x3FB4];
	_ =	sdelay $0x3  }
0x36: {  	p1 =	seq.s32 s10, $0x1;
	s10 =	sld [smem:$0x3FB5];
	_ =	sdelay $0x3  }
0x37: {  	[smem:$0x3FB5] =	sst s10  }
0x38: {  	s10 =	sld [smem:$0x3FB6]  }
0x39: {  	_ = 	snop;
	(pc) =	sbr.ind lr, $3  }
0x3a: {  	_ = 	snop  }
0x3b: {  	_ = 	snop  }
0x3c: {  	p2 =	seq.s32 s10, $0x1;
	s10 =	sld [smem:$0x3FB5]  }
0x3d: {  	_ =	shalt  }
0x3e: {  	_ =	shalt  }
0x3f: {  	_ =	shalt  }
0x40: {  	_ =	shalt  }
0x41: {  	_ =	shalt  }
0x42: {  	_ =	shalt  }
0x43: {  	_ =	shalt  }
0x44: {  	_ =	shalt  }
0x45: {  	_ =	shalt  }
0x46: {  	_ =	shalt  }
0x47: {  	_ =	shalt  }
0x48: {  	_ =	shalt  }
0x49: {  	_ =	shalt  }
0x4a: {  	_ =	shalt  }
0x4b: {  	_ =	shalt  }
0x4c: {  	_ =	shalt  }
0x4d: {  	_ =	shalt  }
0x4e: {  	_ =	shalt  }
0x4f: {  	_ =	shalt  }
0x50: {  	_ =	shalt  }
0x51: {  	_ =	shalt  }
0x52: {  	_ =	shalt  }
0x53: {  	_ =	shalt  }
0x54: {  	_ =	shalt  }
0x55: {  	_ =	shalt  }
0x56: {  	_ =	shalt  }
0x57: {  	_ =	shalt  }
0x58: {  	_ =	shalt  }
0x59: {  	_ =	shalt  }
0x5a: {  	_ =	shalt  }
0x5b: {  	_ =	shalt  }
0x5c: {  	_ =	shalt  }
0x5d: {  	_ =	shalt  }
0x5e: {  	_ =	shalt  }
0x5f: {  	_ =	shalt  }
0x60: {  	_ =	shalt  }
0x61: {  	_ =	shalt  }
0x62: {  	_ =	shalt  }
0x63: {  	_ =	shalt  }
0x64: {  	_ =	shalt  }
0x65: {  	_ =	shalt  }
0x66: {  	_ =	shalt  }
0x67: {  	_ =	shalt  }
0x68: {  	_ =	shalt  }
0x69: {  	_ =	shalt  }
0x6a: {  	_ =	shalt  }
0x6b: {  	_ =	shalt  }
0x6c: {  	_ =	shalt  }
0x6d: {  	_ =	shalt  }
0x6e: {  	_ =	shalt  }
0x6f: {  	_ =	shalt  }
0x70: {  	_ =	shalt  }
0x71: {  	_ =	shalt  }
0x72: {  	_ =	shalt  }
0x73: {  	_ =	shalt  }
0x74: {  	_ =	shalt  }
0x75: {  	_ =	shalt  }
0x76: {  	_ =	shalt  }
0x77: {  	_ =	shalt  }
0x78: {  	_ =	shalt  }
0x79: {  	_ =	shalt  }
0x7a: {  	_ =	shalt  }
0x7b: {  	_ =	shalt  }
0x7c: {  	_ =	shalt  }
0x7d: {  	_ =	shalt  }
0x7e: {  	_ =	shalt  }
0x7f: {  	_ =	shalt  }
0x80: {  	_ =	shalt  }
0x81: {  	_ =	shalt  }
0x82: {  	_ =	shalt  }
0x83: {  	_ =	shalt  }
0x84: {  	_ =	shalt  }
0x85: {  	_ =	shalt  }
0x86: {  	_ =	shalt  }
0x87: {  	_ =	shalt  }
.Lfunc_end0:
.L_simem_size_0:
called_computation.1_lowered:
.L_overlay_start_0:
0x88: {  	s2 =	sld [smem:$0x3FD9]  }
0x89: {  	s3 =	sld [smem:$0x3FFE];
	_ =	sdelay $0x1  }
0x8a: {  	s1 =	srdreg.scid  }
0x8b: {  	s0 =	sand.u32 $0x1, s1  }
0x8c: {  	s14 =	sshll.u32 s0, $0xA;
	s2 =	sadd.s32 s3, s2  }
0x8d: {  	s2 =	sadd.s32 s2, s14  }
0x8e: {  	[smem:$0x3FC1] =	sst s2  }
0x8f: {  	_ = 	snop  }
0x90: {  	s2 =	sld [smem:$0x3FD0];
	_ =	sdelay $0x2  }
0x91: {  	s15 =	simm.s32 $0xA;
	s4 =	simm.s32 $0x10  }
0x92: {  	[smem:s4], [sflag:s15] =	dma.local [hbm:s2], $0x1  }
0x93: {  	_ =	swait.eq [sflag:s15], $0x1  }
0x94: {  	[sflag:s15] =	ssyncset.done $0x0  }
0x95: {  	[sflag:s15] =	ssyncadd.s32 $0xFFFFFFFF  }
0x96: {  	s16 =	sld [smem:$0x10];
	(tm) =	ssettm $0x1  }
0x97: {  	s17 =	sld [smem:$0x3FFB];
	_ =	sdelay $0x3  }
0x98: {  	_ =	strace s17  }
0x99: {  	s3 =	sld [smem:$0x3FFC];
	_ =	sdelay $0x3  }
0x9a: {  	_ =	strace s3  }
0x9b: {  	s3 =	sld [smem:$0x3FFD];
	_ =	sdelay $0x3  }
0x9c: {  	_ =	strace s3  }
0x9d: {  	_ =	strace $0x8FFFFFFF  }
0x9e: {  	s18 =	sld [smem:$0x3FDB];
	_ =	sdelay $0x1  }
0x9f: {  	s19 =	simm.s32 $_scs_section_size  }
0xa0: {  	s5 =	simm.s32 $_size__tile_overlayer_lowered;
	s6 =	simm.s32 $_tile_overlayer_lowered  }
0xa1: {  	s22 =	simm.s32 $0x1BFF;
	s21 =	sshll.u32 s6, $0x1;
	s3 =	sadd.s32 s19, s18  }
0xa2: {  	s7 =	simm.s32 $0x0;
	s20 =	sshll.u32 s5, $0x1;
	s5 =	sadd.s32 s21, s3  }
0xa3: {  	[timem:s7], [sflag:s22] =	dma.local [hbm:s5], s20  }
0xa4: {  	_ =	swait.ge [sflag:s22], s20  }
0xa5: {  	s4 =	ssub.s32 $0x0, s20;
	[sflag:s22] =	ssyncset.done $0x0  }
0xa6: {  	[sflag:s22] =	ssyncadd.s32 s4;
	_ =	sdelay $0x1  }
0xa7: {  	s23 =	simm.s32 $0x1B8B  }
0xa8: {  	_ =	swait.ge [sflag:s23], $0x1  }
0xa9: {  	[sflag:s23] =	ssyncset.done $0x0  }
0xaa: {  	s25 =	simm.s32 $0x1B8E;
	s24 =	sld [smem:$0x3FFE];
	[sflag:s23] =	ssyncadd.s32 $0xFFFFFFFF  }
0xab: {  	s26 =	simm.s32 $execute0_lowered;
	[smem:$0x3FD2] =	sst s25  }
0xac: {  	s5 =	sshll.u32 s26, $0x1;
	_ =	strace $0x80000049;
	[dreg:$0x1] =	wrdreg $0xFFFFFFFF  }
0xad: {  	s28 =	simm.s32 $_size_execute0_lowered;
	s3 =	sadd.s32 s3, s5;
	[dreg:$0x0] =	wrdreg $0x0  }
0xae: {  	s5 =	sshll.u32 s28, $0x1;
	[dreg:$0x2] =	wrdreg s3  }
0xaf: {  	[dreg:$0x3] =	wrdreg s5  }
0xb0: {  	[dreg:$0x4] =	wrdreg $0xC0  }
0xb1: {  	_ =	task [dreg:s7], $0x5FFFF  }
0xb2: {  	[dreg:$0x1] =	wrdreg $0xFFFFFFFF  }
0xb3: {  	[dreg:$0x0] =	wrdreg $0x60  }
0xb4: {  	[dreg:$0x2] =	wrdreg s24  }
0xb5: {  	[dreg:$0x3] =	wrdreg s16  }
0xb6: {  	[dreg:$0x4] =	wrdreg $0x9  }
0xb7: {  	_ =	task.clear_ibuf [dreg:s7], $0x5FFFF;
	_ =	strace $0x90000049  }
0xb8: {  	s29 =	simm.s32 $0x9;
	_ =	strace $0x8000004B  }
0xb9: {  	_ =	swait.ge [sflag:s29], $0x1  }
0xba: {  	[sflag:s29] =	ssyncadd.s32 $0xFFFFFFFF  }
0xbb: {  	_ =	strace $0x9000004B  }
0xbc: {  	_ =	sfence  }
0xbd: {  	s30 =	sld [smem:$0x0];
	_ =	sdelay $0x2  }
0xbe: {  	s31 =	sshll.u32 s1, $0xD;
	s1 =	sshrl.u32 s1, $0x2  }
0xbf: {  	s3 =	sand.u32 $0x4000, s31;
	s1 =	sadd.s32 s1, s30  }
0xc0: {  	s0 =	sor.u32 s3, s0;
	s1 =	sshll.u32 s1, $0x11  }
0xc1: {  	s0 =	sor.u32 s1, s0  }
0xc2: {  	s0 =	sadd.s32 $0x8F2B, s0  }
0xc3: {  	[sflag:s0] =	ssyncadd.remote.s32 $0x1  }
0xc4: {  	_ =	sfence.sel $0xFFFF  }
0xc5: {  	[dreg:$0x0] =	wrdreg $0xFFFFFFFF;
	(pc) =	sbr.abs _section_cstart, $3  }
0xc6: {  	[dreg:$0x1] =	wrdreg $0xFFFFFFFF  }
0xc7: {  	_ =	task.clear_ibuf [dreg:s7], $0x2FFFF;
	_ =	strace $0x9FFFFFFF  }
0xc8: {  	(tm) =	ssettm $0x7FFFFFFF  }
0xc9: {  	_ =	shalt  }
tec
execute0_lowered:
.L_overlay_start_1:
0x0: {  	(tag) =	ssettag $0x1  }
0x1: {  	s0 =	rddreg [dreg:$0x0];
	s1 =	srdreg.scid  }
0x2: {  	s7 =	stileid.u32;
	s14 =	rddreg [dreg:$0x1];
	s2 =	simm.s32 $0x0  }
0x3: {  	s4 =	simm.s32 $0x1;
	s16 =	simm.s32 $0x4;
	s20 =	simm.s32 $0x200  }
0x4: {  	s30 =	simm.s32 $0xC200;
	s19 =	simm.s32 $0x16200;
	s21 =	simm.s32 $0x16A00  }
0x5: {  	s22 =	simm.s32 $0x17200;
	s1 =	sand.u32 $0x1, s1;
	s3 =	sshll.u32 s7, $0x1  }
0x6: {  	[smem:$0x7FF] =	sst s2;
	s8 =	sadd.s32 $0xE00, s0;
	s10 =	sor.u32 s1, s3  }
0x7: {  	p1 =	seq.s32 s1, $0x1;
	_ =	strace $0x8000004A;
	s3 =	sadd.s32 $0xEA800, s0  }
0x8: {  	s6 =	ssub.s32 $0x2, s1;
	s1 =	sshll.u32 s1, $0x6;
	p0 =	seq.s32 s10, $0x0  }
0x9: {  	s5 =	sshll.u32 s10, $0xA;
	s13 =	smul.u32 $0xC000, s10;
	p0 =	por !p0, !p1  }
0xa: {  	s23 =	sshrl.u32 s6, $0x1;
	s29 =	smul.u32 $0x1800, s10;
	p0 =	por !p0, !p0  }
0xb: {  	s10 =	sadd.s32 $0xEAA00, s0;
	s12 =	sadd.s32 s5, s0;
	s4 =	simm.s32 @!p0 $0x0  }
0xc: {  	s15 =	ssub.s32 s6, s23;
	s23 =	simm.s32 $0x17A00;
	s4 =	ssub.s32 s7, s4  }
0xd: {  	s31 =	sshrl.u32 s13, $0x3;
	s13 =	sadd.s32 s14, s29;
	s24 =	sshll.u32 s4, $0x7  }
0xe: {  	s15 =	smax.u32 s15, $0x1;
	s25 =	sor.u32 s1, s24;
	s26 =	sadd.s32 $0x800, s24  }
0xf: {  	s4 =	simm.s32 $0x1;
	s5 =	sshrl.u32 s25, $0x3;
	s9 =	sor.u32 s1, s26  }
0x10: {  	s1 =	sor.u32 $0x20, s1;
	s25 =	simm.s32 $0x3;
	s5 =	sadd.s32 s8, s5  }
0x11: {  	s9 =	sshrl.u32 s9, $0x3;
	s11 =	sor.u32 s1, s24;
	s1 =	sor.u32 s1, s26  }
0x12: {  	s24 =	simm.s32 $0x2;
	s26 =	simm.s32 $0x0;
	s6 =	sadd.s32 s8, s9  }
0x13: {  	v2 =	vlaneseq.u32;
	s28 =	sshrl.u32 s11, $0x3;
	s1 =	sshrl.u32 s1, $0x3;
	s9 =	sadd.s32 $0xEA900, s0  }
0x14: {  	vm0 =	vmmov $0xffff;
	v1 =	vshrl.u32 v2, $0x3;
	s11 =	sadd.s32 $0x1000, s12;
	s12 =	sadd.s32 $0x9000, s12;
	s0 =	sadd.s32 s14, s31  }
0x15: {  	v0 =	vand.u32 $0x7, v2;
	v2 =	vor.u32 $0x8, v2;
	v1 =	vmul.u32 $0x8, v1;
	s7 =	sadd.s32 s8, s28;
	s8 =	sadd.s32 s8, s1;
	s14 =	sadd.s32 $0xC00, s0  }
.LBB2_1:
0x16: {  	[tilespmem:s2], [sflag:$0x4] =	stream.linear.gather [hbm4b:s5+s2], $0x20, $0x38;
	[tilespmem:$0x1C200] =	vst v63  }
0x17: {  	_ =	swait.ge [sflag:s16], $0x20  }
0x18: {  	[sflag:s16] =	ssyncset.done $0x0  }
0x19: {  	s0 =	simm.s32 $0x80;
	[sflag:s16] =	ssyncadd.s32 $0xFFFFFFE0  }
0x1a: {  	[tilespmem:s0], [sflag:$0x4] =	stream.linear.gather [hbm4b:s6+s2], $0x20, $0x38;
	[tilespmem:$0x1C200] =	vst v63  }
0x1b: {  	_ =	swait.ge [sflag:s16], $0x20  }
0x1c: {  	[sflag:s16] =	ssyncset.done $0x0  }
0x1d: {  	s18 =	simm.s32 $0x100;
	[sflag:s16] =	ssyncadd.s32 $0xFFFFFFE0  }
0x1e: {  	[tilespmem:s18], [sflag:$0x4] =	stream.linear.gather [hbm4b:s7+s2], $0x20, $0x38;
	[tilespmem:$0x1C200] =	vst v63  }
0x1f: {  	_ =	swait.ge [sflag:s16], $0x20  }
0x20: {  	[sflag:s16] =	ssyncset.done $0x0  }
0x21: {  	s1 =	simm.s32 $0x180;
	[sflag:s16] =	ssyncadd.s32 $0xFFFFFFE0  }
0x22: {  	[tilespmem:s1], [sflag:$0x4] =	stream.linear.gather [hbm4b:s8+s2], $0x20, $0x38;
	[tilespmem:$0x1C200] =	vst v63  }
0x23: {  	_ =	swait.ge [sflag:s16], $0x20  }
0x24: {  	[sflag:s16] =	ssyncset.done $0x0  }
0x25: {  	[sflag:s16] =	ssyncadd.s32 $0xFFFFFFE0  }
0x26: {  	v3 =	vld [tilespmem:$0x0];
	_ =	sdelay $0x4  }
0x27: {  	v4 =	vshrl.u32 v3, $0x3  }
0x28: {  	v4 =	vmul.u32 $0x30, v4  }
0x29: {  	v3 =	vand.u32 $0x7, v3  }
0x2a: {  	v3 =	vor.u32 v3, v4  }
0x2b: {  	v4 =	vperm.xlane v3, v0;
	_ =	sdelay $0x1  }
0x2c: {  	v4 =	vadd.s32 v1, v4;
	_ =	sdelay $0x3  }
0x2d: {  	v3 =	vperm.xlane v3, v2  }
0x2e: {  	[tilespmem:s20], [sflag:$0x1] =	stream.indirect_vreg.gather [hbm4b:s3+s2], $0x80, v4, vm0, $0xb8;
	[tilespmem:$0x1C200] =	vst v63  }
0x2f: {  	s17 =	simm.s32 $0xA00;
	v3 =	vadd.s32 v1, v3  }
0x30: {  	[tilespmem:s17], [sflag:$0x1] =	stream.indirect_vreg.gather [hbm4b:s9+s2], $0x80, v4, vm0, $0xb8;
	[tilespmem:$0x1C200] =	vst v63  }
0x31: {  	s18 =	simm.s32 $0x1200  }
0x32: {  	[tilespmem:s18], [sflag:$0x1] =	stream.indirect_vreg.gather [hbm4b:s10+s2], $0x80, v4, vm0, $0xb8;
	[tilespmem:$0x1C200] =	vst v63  }
0x33: {  	s1 =	simm.s32 $0x1A00  }
0x34: {  	[tilespmem:s1], [sflag:$0x1] =	stream.indirect_vreg.gather [hbm4b:s3+s2], $0x80, v3, vm0, $0xb8;
	[tilespmem:$0x1C200] =	vst v63  }
0x35: {  	s17 =	simm.s32 $0x2200  }
0x36: {  	[tilespmem:s17], [sflag:$0x1] =	stream.indirect_vreg.gather [hbm4b:s9+s2], $0x80, v3, vm0, $0xb8;
	[tilespmem:$0x1C200] =	vst v63  }
0x37: {  	s18 =	simm.s32 $0x2A00  }
0x38: {  	[tilespmem:s18], [sflag:$0x1] =	stream.indirect_vreg.gather [hbm4b:s10+s2], $0x80, v3, vm0, $0xb8;
	[tilespmem:$0x1C200] =	vst v63  }
0x39: {  	v3 =	vld [tilespmem:$0x10];
	_ =	sdelay $0x4  }
0x3a: {  	v4 =	vshrl.u32 v3, $0x3  }
0x3b: {  	v4 =	vmul.u32 $0x30, v4  }
0x3c: {  	v3 =	vand.u32 $0x7, v3  }
0x3d: {  	v3 =	vor.u32 v3, v4  }
0x3e: {  	v4 =	vperm.xlane v3, v0;
	_ =	sdelay $0x1  }
0x3f: {  	v4 =	vadd.s32 v1, v4;
	_ =	sdelay $0x3  }
0x40: {  	s1 =	simm.s32 $0x3200;
	v3 =	vperm.xlane v3, v2  }
0x41: {  	[tilespmem:s1], [sflag:$0x1] =	stream.indirect_vreg.gather [hbm4b:s3+s2], $0x80, v4, vm0, $0xb8;
	[tilespmem:$0x1C200] =	vst v63  }
0x42: {  	s17 =	simm.s32 $0x3A00;
	v3 =	vadd.s32 v1, v3  }
0x43: {  	[tilespmem:s17], [sflag:$0x1] =	stream.indirect_vreg.gather [hbm4b:s9+s2], $0x80, v4, vm0, $0xb8;
	[tilespmem:$0x1C200] =	vst v63  }
0x44: {  	s18 =	simm.s32 $0x4200  }
0x45: {  	[tilespmem:s18], [sflag:$0x1] =	stream.indirect_vreg.gather [hbm4b:s10+s2], $0x80, v4, vm0, $0xb8;
	[tilespmem:$0x1C200] =	vst v63  }
0x46: {  	s1 =	simm.s32 $0x4A00  }
0x47: {  	[tilespmem:s1], [sflag:$0x1] =	stream.indirect_vreg.gather [hbm4b:s3+s2], $0x80, v3, vm0, $0xb8;
	[tilespmem:$0x1C200] =	vst v63  }
0x48: {  	s17 =	simm.s32 $0x5200  }
0x49: {  	[tilespmem:s17], [sflag:$0x1] =	stream.indirect_vreg.gather [hbm4b:s9+s2], $0x80, v3, vm0, $0xb8;
	[tilespmem:$0x1C200] =	vst v63  }
0x4a: {  	s18 =	simm.s32 $0x5A00  }
0x4b: {  	[tilespmem:s18], [sflag:$0x1] =	stream.indirect_vreg.gather [hbm4b:s10+s2], $0x80, v3, vm0, $0xb8;
	[tilespmem:$0x1C200] =	vst v63  }
0x4c: {  	v3 =	vld [tilespmem:$0x80];
	_ =	sdelay $0x4  }
0x4d: {  	v4 =	vshrl.u32 v3, $0x3  }
0x4e: {  	v4 =	vmul.u32 $0x30, v4  }
0x4f: {  	v3 =	vand.u32 $0x7, v3  }
0x50: {  	v3 =	vor.u32 v3, v4  }
0x51: {  	v4 =	vperm.xlane v3, v0;
	_ =	sdelay $0x1  }
0x52: {  	v4 =	vadd.s32 v1, v4;
	_ =	sdelay $0x3  }
0x53: {  	s1 =	simm.s32 $0x6200;
	v3 =	vperm.xlane v3, v2  }
0x54: {  	[tilespmem:s1], [sflag:$0x1] =	stream.indirect_vreg.gather [hbm4b:s3+s2], $0x80, v4, vm0, $0xb8;
	[tilespmem:$0x1C200] =	vst v63  }
0x55: {  	s17 =	simm.s32 $0x6A00;
	v3 =	vadd.s32 v1, v3  }
0x56: {  	[tilespmem:s17], [sflag:$0x1] =	stream.indirect_vreg.gather [hbm4b:s9+s2], $0x80, v4, vm0, $0xb8;
	[tilespmem:$0x1C200] =	vst v63  }
0x57: {  	s18 =	simm.s32 $0x7200  }
0x58: {  	[tilespmem:s18], [sflag:$0x1] =	stream.indirect_vreg.gather [hbm4b:s10+s2], $0x80, v4, vm0, $0xb8;
	[tilespmem:$0x1C200] =	vst v63  }
0x59: {  	s1 =	simm.s32 $0x7A00  }
0x5a: {  	[tilespmem:s1], [sflag:$0x1] =	stream.indirect_vreg.gather [hbm4b:s3+s2], $0x80, v3, vm0, $0xb8;
	[tilespmem:$0x1C200] =	vst v63  }
0x5b: {  	s17 =	simm.s32 $0x8200  }
0x5c: {  	[tilespmem:s17], [sflag:$0x1] =	stream.indirect_vreg.gather [hbm4b:s9+s2], $0x80, v3, vm0, $0xb8;
	[tilespmem:$0x1C200] =	vst v63  }
0x5d: {  	s18 =	simm.s32 $0x8A00  }
0x5e: {  	[tilespmem:s18], [sflag:$0x1] =	stream.indirect_vreg.gather [hbm4b:s10+s2], $0x80, v3, vm0, $0xb8;
	[tilespmem:$0x1C200] =	vst v63  }
0x5f: {  	v3 =	vld [tilespmem:$0x90];
	_ =	sdelay $0x4  }
0x60: {  	v4 =	vshrl.u32 v3, $0x3  }
0x61: {  	v4 =	vmul.u32 $0x30, v4  }
0x62: {  	v3 =	vand.u32 $0x7, v3  }
0x63: {  	v3 =	vor.u32 v3, v4  }
0x64: {  	v4 =	vperm.xlane v3, v0;
	_ =	sdelay $0x1  }
0x65: {  	v4 =	vadd.s32 v1, v4;
	_ =	sdelay $0x3  }
0x66: {  	s1 =	simm.s32 $0x9200;
	v3 =	vperm.xlane v3, v2  }
0x67: {  	[tilespmem:s1], [sflag:$0x1] =	stream.indirect_vreg.gather [hbm4b:s3+s2], $0x80, v4, vm0, $0xb8;
	[tilespmem:$0x1C200] =	vst v63  }
0x68: {  	s17 =	simm.s32 $0x9A00;
	v3 =	vadd.s32 v1, v3  }
0x69: {  	[tilespmem:s17], [sflag:$0x1] =	stream.indirect_vreg.gather [hbm4b:s9+s2], $0x80, v4, vm0, $0xb8;
	[tilespmem:$0x1C200] =	vst v63  }
0x6a: {  	s18 =	simm.s32 $0xA200  }
0x6b: {  	[tilespmem:s18], [sflag:$0x1] =	stream.indirect_vreg.gather [hbm4b:s10+s2], $0x80, v4, vm0, $0xb8;
	[tilespmem:$0x1C200] =	vst v63  }
0x6c: {  	s1 =	simm.s32 $0xAA00  }
0x6d: {  	[tilespmem:s1], [sflag:$0x1] =	stream.indirect_vreg.gather [hbm4b:s3+s2], $0x80, v3, vm0, $0xb8;
	[tilespmem:$0x1C200] =	vst v63  }
0x6e: {  	s17 =	simm.s32 $0xB200  }
0x6f: {  	[tilespmem:s17], [sflag:$0x1] =	stream.indirect_vreg.gather [hbm4b:s9+s2], $0x80, v3, vm0, $0xb8;
	[tilespmem:$0x1C200] =	vst v63  }
0x70: {  	s18 =	simm.s32 $0xBA00  }
0x71: {  	[tilespmem:s18], [sflag:$0x1] =	stream.indirect_vreg.gather [hbm4b:s10+s2], $0x80, v3, vm0, $0xb8;
	[tilespmem:$0x1C200] =	vst v63  }
0x72: {  	v3 =	vld [tilespmem:$0x100];
	_ =	sdelay $0x4  }
0x73: {  	v4 =	vshrl.u32 v3, $0x3  }
0x74: {  	v4 =	vmul.u32 $0x30, v4  }
0x75: {  	v3 =	vand.u32 $0x7, v3  }
0x76: {  	v3 =	vor.u32 v3, v4  }
0x77: {  	v4 =	vperm.xlane v3, v0;
	_ =	sdelay $0x1  }
0x78: {  	v4 =	vadd.s32 v1, v4;
	_ =	sdelay $0x3  }
0x79: {  	v3 =	vperm.xlane v3, v2  }
0x7a: {  	[tilespmem:s30], [sflag:$0x2] =	stream.indirect_vreg.gather [hbm4b:s3+s2], $0x80, v4, vm0, $0xb8;
	[tilespmem:$0x1C200] =	vst v63  }
0x7b: {  	s1 =	simm.s32 $0xCA00;
	v3 =	vadd.s32 v1, v3  }
0x7c: {  	[tilespmem:s1], [sflag:$0x2] =	stream.indirect_vreg.gather [hbm4b:s9+s2], $0x80, v4, vm0, $0xb8;
	[tilespmem:$0x1C200] =	vst v63  }
0x7d: {  	s17 =	simm.s32 $0xD200  }
0x7e: {  	[tilespmem:s17], [sflag:$0x2] =	stream.indirect_vreg.gather [hbm4b:s10+s2], $0x80, v4, vm0, $0xb8;
	[tilespmem:$0x1C200] =	vst v63  }
0x7f: {  	s18 =	simm.s32 $0xDA00  }
0x80: {  	[tilespmem:s18], [sflag:$0x2] =	stream.indirect_vreg.gather [hbm4b:s3+s2], $0x80, v3, vm0, $0xb8;
	[tilespmem:$0x1C200] =	vst v63  }
0x81: {  	s1 =	simm.s32 $0xE200  }
0x82: {  	[tilespmem:s1], [sflag:$0x2] =	stream.indirect_vreg.gather [hbm4b:s9+s2], $0x80, v3, vm0, $0xb8;
	[tilespmem:$0x1C200] =	vst v63  }
0x83: {  	s17 =	simm.s32 $0xEA00  }
0x84: {  	[tilespmem:s17], [sflag:$0x2] =	stream.indirect_vreg.gather [hbm4b:s10+s2], $0x80, v3, vm0, $0xb8;
	[tilespmem:$0x1C200] =	vst v63  }
0x85: {  	v3 =	vld [tilespmem:$0x110];
	_ =	sdelay $0x4  }
0x86: {  	v4 =	vshrl.u32 v3, $0x3  }
0x87: {  	v4 =	vmul.u32 $0x30, v4  }
0x88: {  	v3 =	vand.u32 $0x7, v3  }
0x89: {  	v3 =	vor.u32 v3, v4  }
0x8a: {  	v4 =	vperm.xlane v3, v0;
	_ =	sdelay $0x1  }
0x8b: {  	v4 =	vadd.s32 v1, v4;
	_ =	sdelay $0x3  }
0x8c: {  	s18 =	simm.s32 $0xF200;
	v3 =	vperm.xlane v3, v2  }
0x8d: {  	[tilespmem:s18], [sflag:$0x2] =	stream.indirect_vreg.gather [hbm4b:s3+s2], $0x80, v4, vm0, $0xb8;
	[tilespmem:$0x1C200] =	vst v63  }
0x8e: {  	s1 =	simm.s32 $0xFA00;
	v3 =	vadd.s32 v1, v3  }
0x8f: {  	[tilespmem:s1], [sflag:$0x2] =	stream.indirect_vreg.gather [hbm4b:s9+s2], $0x80, v4, vm0, $0xb8;
	[tilespmem:$0x1C200] =	vst v63  }
0x90: {  	s17 =	simm.s32 $0x10200  }
0x91: {  	[tilespmem:s17], [sflag:$0x2] =	stream.indirect_vreg.gather [hbm4b:s10+s2], $0x80, v4, vm0, $0xb8;
	[tilespmem:$0x1C200] =	vst v63  }
0x92: {  	s18 =	simm.s32 $0x10A00  }
0x93: {  	[tilespmem:s18], [sflag:$0x2] =	stream.indirect_vreg.gather [hbm4b:s3+s2], $0x80, v3, vm0, $0xb8;
	[tilespmem:$0x1C200] =	vst v63  }
0x94: {  	s1 =	simm.s32 $0x11200  }
0x95: {  	[tilespmem:s1], [sflag:$0x2] =	stream.indirect_vreg.gather [hbm4b:s9+s2], $0x80, v3, vm0, $0xb8;
	[tilespmem:$0x1C200] =	vst v63  }
0x96: {  	s17 =	simm.s32 $0x11A00  }
0x97: {  	[tilespmem:s17], [sflag:$0x2] =	stream.indirect_vreg.gather [hbm4b:s10+s2], $0x80, v3, vm0, $0xb8;
	[tilespmem:$0x1C200] =	vst v63  }
0x98: {  	v3 =	vld [tilespmem:$0x180];
	_ =	sdelay $0x4  }
0x99: {  	v4 =	vshrl.u32 v3, $0x3  }
0x9a: {  	v4 =	vmul.u32 $0x30, v4  }
0x9b: {  	v3 =	vand.u32 $0x7, v3  }
0x9c: {  	v3 =	vor.u32 v3, v4  }
0x9d: {  	v4 =	vperm.xlane v3, v0;
	_ =	sdelay $0x1  }
0x9e: {  	v4 =	vadd.s32 v1, v4;
	_ =	sdelay $0x3  }
0x9f: {  	s18 =	simm.s32 $0x12200;
	v3 =	vperm.xlane v3, v2  }
0xa0: {  	[tilespmem:s18], [sflag:$0x2] =	stream.indirect_vreg.gather [hbm4b:s3+s2], $0x80, v4, vm0, $0xb8;
	[tilespmem:$0x1C200] =	vst v63  }
0xa1: {  	s1 =	simm.s32 $0x12A00;
	v3 =	vadd.s32 v1, v3  }
0xa2: {  	[tilespmem:s1], [sflag:$0x2] =	stream.indirect_vreg.gather [hbm4b:s9+s2], $0x80, v4, vm0, $0xb8;
	[tilespmem:$0x1C200] =	vst v63  }
0xa3: {  	s17 =	simm.s32 $0x13200  }
0xa4: {  	[tilespmem:s17], [sflag:$0x2] =	stream.indirect_vreg.gather [hbm4b:s10+s2], $0x80, v4, vm0, $0xb8;
	[tilespmem:$0x1C200] =	vst v63  }
0xa5: {  	s18 =	simm.s32 $0x13A00  }
0xa6: {  	[tilespmem:s18], [sflag:$0x2] =	stream.indirect_vreg.gather [hbm4b:s3+s2], $0x80, v3, vm0, $0xb8;
	[tilespmem:$0x1C200] =	vst v63  }
0xa7: {  	s1 =	simm.s32 $0x14200  }
0xa8: {  	[tilespmem:s1], [sflag:$0x2] =	stream.indirect_vreg.gather [hbm4b:s9+s2], $0x80, v3, vm0, $0xb8;
	[tilespmem:$0x1C200] =	vst v63  }
0xa9: {  	s17 =	simm.s32 $0x14A00  }
0xaa: {  	[tilespmem:s17], [sflag:$0x2] =	stream.indirect_vreg.gather [hbm4b:s10+s2], $0x80, v3, vm0, $0xb8;
	[tilespmem:$0x1C200] =	vst v63  }
0xab: {  	v3 =	vld [tilespmem:$0x190];
	_ =	sdelay $0x4  }
0xac: {  	v4 =	vshrl.u32 v3, $0x3  }
0xad: {  	v4 =	vmul.u32 $0x30, v4  }
0xae: {  	v3 =	vand.u32 $0x7, v3  }
0xaf: {  	v3 =	vor.u32 v3, v4  }
0xb0: {  	v4 =	vperm.xlane v3, v0;
	_ =	sdelay $0x1  }
0xb1: {  	v4 =	vadd.s32 v1, v4;
	_ =	sdelay $0x3  }
0xb2: {  	s18 =	simm.s32 $0x15200;
	v3 =	vperm.xlane v3, v2  }
0xb3: {  	[tilespmem:s18], [sflag:$0x2] =	stream.indirect_vreg.gather [hbm4b:s3+s2], $0x80, v4, vm0, $0xb8;
	[tilespmem:$0x1C200] =	vst v63  }
0xb4: {  	s1 =	simm.s32 $0x15A00;
	v3 =	vadd.s32 v1, v3  }
0xb5: {  	[tilespmem:s1], [sflag:$0x2] =	stream.indirect_vreg.gather [hbm4b:s9+s2], $0x80, v4, vm0, $0xb8;
	[tilespmem:$0x1C200] =	vst v63  }
0xb6: {  	_ = 	snop  }
0xb7: {  	[tilespmem:s19], [sflag:$0x2] =	stream.indirect_vreg.gather [hbm4b:s10+s2], $0x80, v4, vm0, $0xb8;
	[tilespmem:$0x1C200] =	vst v63  }
0xb8: {  	_ = 	snop  }
0xb9: {  	[tilespmem:s21], [sflag:$0x2] =	stream.indirect_vreg.gather [hbm4b:s3+s2], $0x80, v3, vm0, $0xb8;
	[tilespmem:$0x1C200] =	vst v63  }
0xba: {  	_ = 	snop  }
0xbb: {  	[tilespmem:s22], [sflag:$0x2] =	stream.indirect_vreg.gather [hbm4b:s9+s2], $0x80, v3, vm0, $0xb8;
	[tilespmem:$0x1C200] =	vst v63  }
0xbc: {  	_ = 	snop  }
0xbd: {  	[tilespmem:s23], [sflag:$0x2] =	stream.indirect_vreg.gather [hbm4b:s10+s2], $0x80, v3, vm0, $0xb8;
	[tilespmem:$0x1C200] =	vst v63  }
0xbe: {  	s28 =	simm.s32 $0x18200  }
0xbf: {  	[tilespmem:s28], [sflag:$0x4] =	stream.linear.gather [hbm4b:s11+s2], $0x2000, $0x38;
	[tilespmem:$0x1C200] =	vst v63  }
0xc0: {  	_ =	swait.ge [sflag:s16], $0x2000  }
0xc1: {  	[sflag:s16] =	ssyncset.done $0x0  }
0xc2: {  	s29 =	simm.s32 $0x1A200;
	[sflag:s16] =	ssyncadd.s32 $0xFFFFE000  }
0xc3: {  	[tilespmem:s29], [sflag:$0x4] =	stream.linear.gather [hbm4b:s12+s2], $0x2000, $0x38;
	[tilespmem:$0x1C200] =	vst v63  }
0xc4: {  	_ =	swait.ge [sflag:s16], $0x2000  }
0xc5: {  	[sflag:s16] =	ssyncset.done $0x0  }
0xc6: {  	[sflag:s16] =	ssyncadd.s32 $0xFFFFE000  }
0xc7: {  	_ =	swait.ge [sflag:s4], $0x6000  }
0xc8: {  	[sflag:s4] =	ssyncset.done $0x0  }
0xc9: {  	s17 =	simm.s32 $0x0;
	[sflag:s4] =	ssyncadd.s32 $0xFFFFA000  }
0xca: {  	s0 =	smul.u32 $0x1800, s17;
	_ =	swait.ge [sflag:s4], $0x6000  }
0xcb: {  	s1 =	sand.u32 $0x380, s2;
	[sflag:s4] =	ssyncset.done $0x0  }
0xcc: {  	s0 =	sor.u32 s1, s0;
	[sflag:s4] =	ssyncadd.s32 $0xFFFFA000  }
0xcd: {  	v4 =	vld [tilespmem:s0+$0x210]  }
0xce: {  	v3 =	vld [tilespmem:s0+$0x6210]  }
0xcf: {  	v6 =	vld [tilespmem:s0+$0x220]  }
0xd0: {  	v5 =	vld [tilespmem:s0+$0x6220]  }
0xd1: {  	v10 =	vld [tilespmem:s0+$0x230]  }
0xd2: {  	v9 =	vld [tilespmem:s0+$0x6230]  }
0xd3: {  	v12 =	vld [tilespmem:s0+$0x240]  }
0xd4: {  	v11 =	vld [tilespmem:s0+$0x6240]  }
0xd5: {  	v13 =	vld [tilespmem:s0+$0x260]  }
0xd6: {  	v14 =	vld [tilespmem:s0+$0x270]  }
0xd7: {  	v15 =	vld [tilespmem:s0+$0x600]  }
0xd8: {  	v16 =	vld [tilespmem:s0+$0x610]  }
0xd9: {  	v17 =	vld [tilespmem:s0+$0x620]  }
0xda: {  	v18 =	vld [tilespmem:s0+$0x630]  }
0xdb: {  	v19 =	vld [tilespmem:s0+$0x640]  }
0xdc: {  	v20 =	vld [tilespmem:s0+$0x650]  }
0xdd: {  	v21 =	vld [tilespmem:s0+$0x660]  }
0xde: {  	v22 =	vld [tilespmem:s0+$0x670]  }
0xdf: {  	v23 =	vld [tilespmem:s0+$0xA00]  }
0xe0: {  	v24 =	vld [tilespmem:s0+$0xA10]  }
0xe1: {  	v25 =	vld [tilespmem:s0+$0xA20]  }
0xe2: {  	v26 =	vld [tilespmem:s0+$0xA30]  }
0xe3: {  	v27 =	vld [tilespmem:s0+$0xA40]  }
0xe4: {  	v28 =	vld [tilespmem:s0+$0xA50]  }
0xe5: {  	v29 =	vld [tilespmem:s0+$0xA60]  }
0xe6: {  	v30 =	vld [tilespmem:s0+$0xA70]  }
0xe7: {  	v31 =	vld [tilespmem:s0+$0xE00]  }
0xe8: {  	v32 =	vld [tilespmem:s0+$0xE10]  }
0xe9: {  	v33 =	vld [tilespmem:s0+$0xE20]  }
0xea: {  	v34 =	vld [tilespmem:s0+$0xE30]  }
0xeb: {  	v35 =	vld [tilespmem:s0+$0xE40]  }
0xec: {  	v36 =	vld [tilespmem:s0+$0xE50]  }
0xed: {  	v37 =	vld [tilespmem:s0+$0xE60]  }
0xee: {  	v38 =	vld [tilespmem:s0+$0xE70]  }
0xef: {  	v39 =	vld [tilespmem:s0+$0x1200]  }
0xf0: {  	v40 =	vld [tilespmem:s0+$0x1210]  }
0xf1: {  	v41 =	vld [tilespmem:s0+$0x1220]  }
0xf2: {  	v42 =	vld [tilespmem:s0+$0x1230]  }
0xf3: {  	v43 =	vld [tilespmem:s0+$0x1240]  }
0xf4: {  	v44 =	vld [tilespmem:s0+$0x1250]  }
0xf5: {  	v45 =	vld [tilespmem:s0+$0x1260]  }
0xf6: {  	v46 =	vld [tilespmem:s0+$0x1600]  }
0xf7: {  	v47 =	vld [tilespmem:s0+$0x1610]  }
0xf8: {  	v48 =	vld [tilespmem:s0+$0x7610]  }
0xf9: {  	v49 =	vld [tilespmem:s0+$0x7630]  }
0xfa: {  	v50 =	vld [tilespmem:s0+$0x1630]  }
0xfb: {  	v51 =	vld [tilespmem:s0+$0x1620]  }
0xfc: {  	v7 =	vld [tilespmem:s28+$0x0]  }
0xfd: {  	v8 =	vld [tilespmem:s29+$0x0]  }
0xfe: {  	v52 =	vld [tilespmem:s0+$0x7620]  }
0xff: {  	v53 =	vld [tilespmem:s0+$0x7600]  }
0x100: {  	v54 =	vld [tilespmem:s0+$0x1270]  }
0x101: {  	v55 =	vld [tilespmem:s0+$0x7270];
	v50 =	vmul.f32 v50, v7  }
0x102: {  	v56 =	vld [tilespmem:s0+$0x7260];
	v49 =	vmul.f32 v49, v8;
	v51 =	vmul.f32 v51, v7  }
0x103: {  	v57 =	vld [tilespmem:s0+$0x7250];
	v52 =	vmul.f32 v52, v8;
	v47 =	vmul.f32 v47, v7  }
0x104: {  	v61 =	vld [tilespmem:s0+$0x7200];
	v48 =	vmul.f32 v48, v8;
	v46 =	vmul.f32 v46, v7  }
0x105: {  	v58 =	vld [tilespmem:s0+$0x7240];
	v62 =	vmul.f32 v53, v8;
	v63 =	vmul.f32 v54, v7;
	v49 =	vadd.f32 v49, v50  }
0x106: {  	v53 =	vld [tilespmem:s0+$0x7230];
	v59 =	vmul.f32 v55, v8;
	v45 =	vmul.f32 v45, v7;
	v51 =	vadd.f32 v52, v51  }
0x107: {  	v60 =	vmul.f32 v56, v8;
	v44 =	vmul.f32 v44, v7;
	v56 =	vld [tilespmem:s0+$0x6E60];
	v47 =	vadd.f32 v48, v47;
	[tilespmem:s0+$0x1630] =	vst v49  }
0x108: {  	v43 =	vmul.f32 v43, v7;
	v39 =	vmul.f32 v39, v7;
	v55 =	vld [tilespmem:s0+$0x6A70];
	v46 =	vadd.f32 v62, v46;
	[tilespmem:s0+$0x1620] =	vst v51  }
0x109: {  	v61 =	vmul.f32 v61, v8;
	v12 =	vmul.f32 v12, v7;
	v48 =	vld [tilespmem:s0+$0x7220];
	v52 =	vadd.f32 v59, v63;
	[tilespmem:s0+$0x1610] =	vst v47  }
0x10a: {  	v11 =	vmul.f32 v11, v8;
	v63 =	vmul.f32 v58, v8;
	v45 =	vadd.f32 v60, v45;
	v58 =	vld [tilespmem:s0+$0x6E50];
	[tilespmem:s0+$0x1600] =	vst v46  }
0x10b: {  	v42 =	vmul.f32 v42, v7;
	v62 =	vmul.f32 v57, v8;
	v59 =	vld [tilespmem:s0+$0x6E40];
	v39 =	vadd.f32 v61, v39;
	[tilespmem:s0+$0x1270] =	vst v52  }
0x10c: {  	v41 =	vmul.f32 v41, v7;
	v40 =	vmul.f32 v40, v7;
	v60 =	vld [tilespmem:s0+$0x6E30];
	v11 =	vadd.f32 v11, v12;
	[tilespmem:s0+$0x1260] =	vst v45  }
0x10d: {  	v38 =	vmul.f32 v38, v7;
	v61 =	vld [tilespmem:s0+$0x6A10];
	v44 =	vadd.f32 v62, v44;
	[tilespmem:s0+$0x1200] =	vst v39;
	v57 =	vmul.f32 v53, v8  }
0x10e: {  	v37 =	vmul.f32 v37, v7;
	v49 =	vld [tilespmem:s0+$0x7210];
	v43 =	vadd.f32 v63, v43;
	[tilespmem:s0+$0x240] =	vst v11;
	v46 =	vmul.f32 v56, v8  }
0x10f: {  	v36 =	vmul.f32 v36, v7;
	v47 =	vld [tilespmem:s0+$0x6E70];
	[tilespmem:s0+$0x1250] =	vst v44;
	v48 =	vmul.f32 v48, v8;
	v42 =	vadd.f32 v57, v42  }
0x110: {  	v35 =	vmul.f32 v35, v7;
	v62 =	vld [tilespmem:s0+$0x6E20];
	[tilespmem:s0+$0x1240] =	vst v43;
	v54 =	vmul.f32 v58, v8;
	v37 =	vadd.f32 v46, v37  }
0x111: {  	v34 =	vmul.f32 v34, v7;
	v63 =	vld [tilespmem:s0+$0x6E10];
	v45 =	vmul.f32 v59, v8;
	v41 =	vadd.f32 v48, v41;
	[tilespmem:s0+$0x1230] =	vst v42  }
0x112: {  	v33 =	vmul.f32 v33, v7;
	v56 =	vld [tilespmem:s0+$0x6A60];
	v44 =	vmul.f32 v60, v8;
	v36 =	vadd.f32 v54, v36;
	[tilespmem:s0+$0xE60] =	vst v37  }
0x113: {  	v32 =	vmul.f32 v32, v7;
	v53 =	vld [tilespmem:s0+$0x6E00];
	v49 =	vmul.f32 v49, v8;
	v35 =	vadd.f32 v45, v35;
	[tilespmem:s0+$0x1220] =	vst v41  }
0x114: {  	v6 =	vmul.f32 v6, v7;
	v12 =	vld [tilespmem:s0+$0x1660];
	v47 =	vmul.f32 v47, v8;
	v34 =	vadd.f32 v44, v34;
	[tilespmem:s0+$0xE50] =	vst v36  }
0x115: {  	v5 =	vmul.f32 v5, v8;
	v58 =	vld [tilespmem:s0+$0x6A40];
	v43 =	vmul.f32 v62, v8;
	v40 =	vadd.f32 v49, v40;
	[tilespmem:s0+$0xE40] =	vst v35  }
0x116: {  	v29 =	vmul.f32 v29, v7;
	v59 =	vld [tilespmem:s0+$0x6A30];
	v42 =	vmul.f32 v63, v8;
	v38 =	vadd.f32 v47, v38;
	[tilespmem:s0+$0xE30] =	vst v34  }
0x117: {  	v5 =	vadd.f32 v5, v6;
	v6 =	vld [tilespmem:s0+$0x200];
	v39 =	vmul.f32 v56, v8;
	v33 =	vadd.f32 v43, v33;
	[tilespmem:s0+$0x1210] =	vst v40  }
0x118: {  	v31 =	vmul.f32 v31, v7;
	v60 =	vld [tilespmem:s0+$0x6A20];
	v41 =	vmul.f32 v53, v8;
	v32 =	vadd.f32 v42, v32;
	[tilespmem:s0+$0xE70] =	vst v38  }
0x119: {  	v24 =	vmul.f32 v24, v7;
	v57 =	vld [tilespmem:s0+$0x6A50];
	v34 =	vmul.f32 v61, v8;
	v29 =	vadd.f32 v39, v29;
	[tilespmem:s0+$0xE20] =	vst v33  }
0x11a: {  	v27 =	vmul.f32 v27, v7;
	v62 =	vld [tilespmem:s0+$0x6A00];
	v37 =	vmul.f32 v58, v8;
	v31 =	vadd.f32 v41, v31;
	[tilespmem:s0+$0xE10] =	vst v32  }
0x11b: {  	v26 =	vmul.f32 v26, v7;
	v63 =	vld [tilespmem:s0+$0x6670];
	v36 =	vmul.f32 v59, v8;
	v24 =	vadd.f32 v34, v24;
	[tilespmem:s0+$0xA60] =	vst v29  }
0x11c: {  	v30 =	vmul.f32 v30, v7;
	v40 =	vmul.f32 v55, v8;
	v27 =	vadd.f32 v37, v27;
	v29 =	vld [tilespmem:s0+$0x6640];
	[tilespmem:s0+$0xE00] =	vst v31  }
0x11d: {  	v25 =	vmul.f32 v25, v7;
	v35 =	vmul.f32 v60, v8;
	v26 =	vadd.f32 v36, v26;
	v31 =	vld [tilespmem:s0+$0x6660];
	[tilespmem:s0+$0xA10] =	vst v24  }
0x11e: {  	v28 =	vmul.f32 v28, v7;
	v38 =	vmul.f32 v57, v8;
	v30 =	vadd.f32 v40, v30;
	v24 =	vld [tilespmem:s0+$0x6270];
	[tilespmem:s0+$0xA40] =	vst v27  }
0x11f: {  	v23 =	vmul.f32 v23, v7;
	v33 =	vmul.f32 v62, v8;
	v25 =	vadd.f32 v35, v25;
	v27 =	vld [tilespmem:s0+$0x6620];
	[tilespmem:s0+$0xA30] =	vst v26  }
0x120: {  	v22 =	vmul.f32 v22, v7;
	v32 =	vmul.f32 v63, v8;
	v28 =	vadd.f32 v38, v28;
	[tilespmem:s0+$0xA70] =	vst v30;
	v30 =	vld [tilespmem:s0+$0x6650]  }
0x121: {  	v19 =	vmul.f32 v19, v7;
	v23 =	vadd.f32 v33, v23;
	[tilespmem:s0+$0xA20] =	vst v25;
	v25 =	vld [tilespmem:s0+$0x6600];
	v29 =	vmul.f32 v29, v8  }
0x122: {  	v21 =	vmul.f32 v21, v7;
	v22 =	vadd.f32 v32, v22;
	[tilespmem:s0+$0xA50] =	vst v28;
	v28 =	vld [tilespmem:s0+$0x6630];
	v31 =	vmul.f32 v31, v8  }
0x123: {  	v14 =	vmul.f32 v14, v7;
	[tilespmem:s0+$0xA00] =	vst v23;
	v23 =	vld [tilespmem:s0+$0x6260];
	v24 =	vmul.f32 v24, v8;
	v19 =	vadd.f32 v29, v19  }
0x124: {  	v17 =	vmul.f32 v17, v7;
	v26 =	vld [tilespmem:s0+$0x6610];
	[tilespmem:s0+$0x670] =	vst v22;
	v27 =	vmul.f32 v27, v8;
	v21 =	vadd.f32 v31, v21  }
0x125: {  	v20 =	vmul.f32 v20, v7;
	v22 =	vld [tilespmem:s0+$0x250];
	v30 =	vmul.f32 v30, v8;
	v14 =	vadd.f32 v24, v14;
	[tilespmem:s0+$0x640] =	vst v19  }
0x126: {  	v15 =	vmul.f32 v15, v7;
	v25 =	vmul.f32 v25, v8;
	v17 =	vadd.f32 v27, v17;
	v19 =	vld [tilespmem:s0+$0x7650];
	[tilespmem:s0+$0x660] =	vst v21  }
0x127: {  	v18 =	vmul.f32 v18, v7;
	v28 =	vmul.f32 v28, v8;
	v20 =	vadd.f32 v30, v20;
	v21 =	vld [tilespmem:s0+$0x6250];
	[tilespmem:s0+$0x270] =	vst v14  }
0x128: {  	v13 =	vmul.f32 v13, v7;
	v23 =	vmul.f32 v23, v8;
	v15 =	vadd.f32 v25, v15;
	[tilespmem:s0+$0x620] =	vst v17;
	v17 =	vld [tilespmem:s0+$0x1640]  }
0x129: {  	v16 =	vmul.f32 v16, v7;
	v26 =	vmul.f32 v26, v8;
	v18 =	vadd.f32 v28, v18;
	[tilespmem:s0+$0x650] =	vst v20;
	v20 =	vld [tilespmem:s0+$0x7640]  }
0x12a: {  	v10 =	vmul.f32 v10, v7;
	v9 =	vmul.f32 v9, v8;
	v13 =	vadd.f32 v23, v13;
	[tilespmem:s0+$0x600] =	vst v15;
	v15 =	vld [tilespmem:s0+$0x1650]  }
0x12b: {  	v4 =	vmul.f32 v4, v7;
	v3 =	vmul.f32 v3, v8;
	v16 =	vadd.f32 v26, v16;
	[tilespmem:s0+$0x630] =	vst v18;
	v18 =	vld [tilespmem:s0+$0x7660]  }
0x12c: {  	v9 =	vadd.f32 v9, v10;
	v10 =	vmul.f32 v22, v7;
	v14 =	vld [tilespmem:s0+$0x1670];
	[tilespmem:s0+$0x260] =	vst v13;
	v13 =	vmul.f32 v21, v8  }
0x12d: {  	v3 =	vadd.f32 v3, v4;
	[tilespmem:s0+$0x610] =	vst v16;
	v16 =	vld [tilespmem:s0+$0x7670]  }
0x12e: {  	s18 =	simm.s32 $0x0;
	[tilespmem:s0+$0x230] =	vst v9;
	v9 =	vld [tilespmem:s0+$0x6200];
	v11 =	vmul.f32 v17, v7;
	v17 =	vmul.f32 v20, v8;
	v4 =	vadd.f32 v13, v10  }
0x12f: {  	s31 =	smul.u32 $0x1800, s18;
	s1 =	simm.s32 $0x80;
	[tilespmem:s0+$0x220] =	vst v5;
	v5 =	vmul.f32 v15, v7;
	v10 =	vmul.f32 v19, v8  }
0x130: {  	s17 =	sand.u32 $0x380, s1;
	v11 =	vadd.f32 v17, v11;
	[tilespmem:s0+$0x250] =	vst v4;
	v4 =	vmul.f32 v12, v7;
	v12 =	vmul.f32 v18, v8  }
0x131: {  	s31 =	sor.u32 s17, s31;
	[tilespmem:s0+$0x210] =	vst v3;
	v5 =	vadd.f32 v10, v5  }
0x132: {  	v3 =	vld [tilespmem:s31+$0x210];
	v10 =	vmul.f32 v14, v7;
	[tilespmem:s0+$0x1640] =	vst v11;
	v11 =	vmul.f32 v16, v8;
	v12 =	vadd.f32 v12, v4  }
0x133: {  	v7 =	vmul.f32 v6, v7;
	v8 =	vmul.f32 v9, v8;
	v4 =	vld [tilespmem:s31+$0x6210];
	[tilespmem:s0+$0x1650] =	vst v5  }
0x134: {  	v9 =	vadd.f32 v11, v10;
	v6 =	vld [tilespmem:s31+$0x220];
	[tilespmem:s0+$0x1660] =	vst v12  }
0x135: {  	v7 =	vadd.f32 v8, v7;
	v5 =	vld [tilespmem:s31+$0x6220]  }
0x136: {  	v8 =	vld [tilespmem:s31+$0x230];
	[tilespmem:s0+$0x1670] =	vst v9  }
0x137: {  	v18 =	vld [tilespmem:s31+$0x630];
	[tilespmem:s0+$0x200] =	vst v7  }
0x138: {  	v7 =	vld [tilespmem:s31+$0x6230]  }
0x139: {  	v10 =	vld [tilespmem:s31+$0x240]  }
0x13a: {  	v9 =	vld [tilespmem:s31+$0x6240]  }
0x13b: {  	v12 =	vld [tilespmem:s31+$0x250]  }
0x13c: {  	v11 =	vld [tilespmem:s31+$0x6250]  }
0x13d: {  	v13 =	vld [tilespmem:s31+$0x260]  }
0x13e: {  	v14 =	vld [tilespmem:s31+$0x270]  }
0x13f: {  	v15 =	vld [tilespmem:s31+$0x600]  }
0x140: {  	v16 =	vld [tilespmem:s31+$0x610]  }
0x141: {  	v17 =	vld [tilespmem:s31+$0x620]  }
0x142: {  	v19 =	vld [tilespmem:s31+$0x640]  }
0x143: {  	v20 =	vld [tilespmem:s31+$0x650]  }
0x144: {  	v21 =	vld [tilespmem:s31+$0x660]  }
0x145: {  	v22 =	vld [tilespmem:s31+$0x670]  }
0x146: {  	v23 =	vld [tilespmem:s31+$0xA00]  }
0x147: {  	v24 =	vld [tilespmem:s31+$0xA10]  }
0x148: {  	v25 =	vld [tilespmem:s31+$0xA20]  }
0x149: {  	v26 =	vld [tilespmem:s31+$0xA30]  }
0x14a: {  	v27 =	vld [tilespmem:s31+$0xA40]  }
0x14b: {  	v28 =	vld [tilespmem:s31+$0xA50]  }
0x14c: {  	v29 =	vld [tilespmem:s31+$0xA60]  }
0x14d: {  	v30 =	vld [tilespmem:s31+$0xA70]  }
0x14e: {  	v31 =	vld [tilespmem:s31+$0xE00]  }
0x14f: {  	v34 =	vld [tilespmem:s31+$0xE10]  }
0x150: {  	v35 =	vld [tilespmem:s31+$0xE20]  }
0x151: {  	v36 =	vld [tilespmem:s31+$0xE30]  }
0x152: {  	v37 =	vld [tilespmem:s31+$0xE40]  }
0x153: {  	v38 =	vld [tilespmem:s31+$0xE50]  }
0x154: {  	v39 =	vld [tilespmem:s31+$0xE60]  }
0x155: {  	v40 =	vld [tilespmem:s31+$0xE70]  }
0x156: {  	v41 =	vld [tilespmem:s31+$0x1200]  }
0x157: {  	v42 =	vld [tilespmem:s31+$0x1210]  }
0x158: {  	v43 =	vld [tilespmem:s31+$0x1220]  }
0x159: {  	v44 =	vld [tilespmem:s31+$0x1230]  }
0x15a: {  	v45 =	vld [tilespmem:s31+$0x1240]  }
0x15b: {  	v46 =	vld [tilespmem:s31+$0x1250]  }
0x15c: {  	v47 =	vld [tilespmem:s31+$0x1260]  }
0x15d: {  	v48 =	vld [tilespmem:s31+$0x1600]  }
0x15e: {  	v50 =	vld [tilespmem:s31+$0x1610]  }
0x15f: {  	v49 =	vld [tilespmem:s31+$0x7610]  }
0x160: {  	s0 =	simm.s32 $0x2;
	v51 =	vld [tilespmem:s31+$0x7630]  }
.LBB2_2:
0x161: {  	p0 =	sne.s32 s0, $0x1F;
	v52 =	vld [tilespmem:s31+$0x1630]  }
0x162: {  	s28 =	sadd.s32 $0x80, s28;
	v53 =	vld [tilespmem:s31+$0x1620]  }
0x163: {  	s29 =	sadd.s32 $0x80, s29;
	v33 =	vld [tilespmem:s28+$0x0]  }
0x164: {  	v32 =	vld [tilespmem:s29+$0x0]  }
0x165: {  	v54 =	vld [tilespmem:s31+$0x7620]  }
0x166: {  	v55 =	vld [tilespmem:s31+$0x7600]  }
0x167: {  	v56 =	vld [tilespmem:s31+$0x1270]  }
0x168: {  	v57 =	vld [tilespmem:s31+$0x7270];
	v50 =	vmul.f32 v50, v33;
	v53 =	vmul.f32 v53, v33  }
0x169: {  	v52 =	vmul.f32 v52, v33;
	v58 =	vld [tilespmem:s31+$0x7260];
	v51 =	vmul.f32 v51, v32  }
0x16a: {  	v49 =	vmul.f32 v49, v32;
	v59 =	vld [tilespmem:s31+$0x7250];
	v54 =	vmul.f32 v54, v32  }
0x16b: {  	v48 =	vmul.f32 v48, v33;
	v60 =	vld [tilespmem:s31+$0x7240];
	v55 =	vmul.f32 v55, v32;
	v51 =	vadd.f32 v51, v52  }
0x16c: {  	v49 =	vadd.f32 v49, v50;
	v52 =	vld [tilespmem:s31+$0x7230];
	v56 =	vmul.f32 v56, v33;
	v50 =	vadd.f32 v54, v53  }
0x16d: {  	v47 =	vmul.f32 v47, v33;
	v53 =	vld [tilespmem:s31+$0x7220];
	v54 =	vmul.f32 v57, v32;
	v48 =	vadd.f32 v55, v48;
	[tilespmem:s31+$0x1630] =	vst v51  }
0x16e: {  	v46 =	vmul.f32 v46, v33;
	v51 =	vld [tilespmem:s31+$0x7210];
	v55 =	vmul.f32 v58, v32;
	[tilespmem:s31+$0x1620] =	vst v50  }
0x16f: {  	v45 =	vmul.f32 v45, v33;
	v50 =	vld [tilespmem:s31+$0x7200];
	v57 =	vmul.f32 v59, v32;
	v54 =	vadd.f32 v54, v56;
	[tilespmem:s31+$0x1610] =	vst v49  }
0x170: {  	v44 =	vmul.f32 v44, v33;
	v49 =	vld [tilespmem:s31+$0x6E70];
	v56 =	vmul.f32 v60, v32;
	v47 =	vadd.f32 v55, v47;
	[tilespmem:s31+$0x1600] =	vst v48  }
0x171: {  	v43 =	vmul.f32 v43, v33;
	v48 =	vld [tilespmem:s31+$0x6E60];
	v52 =	vmul.f32 v52, v32;
	v46 =	vadd.f32 v57, v46;
	[tilespmem:s31+$0x1270] =	vst v54  }
0x172: {  	v42 =	vmul.f32 v42, v33;
	v54 =	vld [tilespmem:s31+$0x6E50];
	v53 =	vmul.f32 v53, v32;
	v45 =	vadd.f32 v56, v45;
	[tilespmem:s31+$0x1260] =	vst v47  }
0x173: {  	v41 =	vmul.f32 v41, v33;
	v47 =	vld [tilespmem:s31+$0x6E40];
	v51 =	vmul.f32 v51, v32;
	v44 =	vadd.f32 v52, v44;
	[tilespmem:s31+$0x1250] =	vst v46  }
0x174: {  	v40 =	vmul.f32 v40, v33;
	v46 =	vld [tilespmem:s31+$0x6E30];
	v50 =	vmul.f32 v50, v32;
	v43 =	vadd.f32 v53, v43;
	[tilespmem:s31+$0x1240] =	vst v45  }
0x175: {  	v39 =	vmul.f32 v39, v33;
	v45 =	vld [tilespmem:s31+$0x6E20];
	v49 =	vmul.f32 v49, v32;
	v42 =	vadd.f32 v51, v42;
	[tilespmem:s31+$0x1230] =	vst v44  }
0x176: {  	v38 =	vmul.f32 v38, v33;
	v44 =	vld [tilespmem:s31+$0x6E10];
	v48 =	vmul.f32 v48, v32;
	v41 =	vadd.f32 v50, v41;
	[tilespmem:s31+$0x1220] =	vst v43  }
0x177: {  	v37 =	vmul.f32 v37, v33;
	v43 =	vld [tilespmem:s31+$0x6E00];
	v50 =	vmul.f32 v54, v32;
	v40 =	vadd.f32 v49, v40;
	[tilespmem:s31+$0x1210] =	vst v42  }
0x178: {  	v36 =	vmul.f32 v36, v33;
	v42 =	vld [tilespmem:s31+$0x6A70];
	v47 =	vmul.f32 v47, v32;
	v39 =	vadd.f32 v48, v39;
	[tilespmem:s31+$0x1200] =	vst v41  }
0x179: {  	v35 =	vmul.f32 v35, v33;
	v41 =	vld [tilespmem:s31+$0x6A60];
	v46 =	vmul.f32 v46, v32;
	v38 =	vadd.f32 v50, v38;
	[tilespmem:s31+$0xE70] =	vst v40  }
0x17a: {  	v34 =	vmul.f32 v34, v33;
	v40 =	vld [tilespmem:s31+$0x6A50];
	v45 =	vmul.f32 v45, v32;
	v37 =	vadd.f32 v47, v37;
	[tilespmem:s31+$0xE60] =	vst v39  }
0x17b: {  	v31 =	vmul.f32 v31, v33;
	v39 =	vld [tilespmem:s31+$0x6A40];
	v44 =	vmul.f32 v44, v32;
	v36 =	vadd.f32 v46, v36;
	[tilespmem:s31+$0xE50] =	vst v38  }
0x17c: {  	v30 =	vmul.f32 v30, v33;
	v38 =	vld [tilespmem:s31+$0x6A30];
	v43 =	vmul.f32 v43, v32;
	v35 =	vadd.f32 v45, v35;
	[tilespmem:s31+$0xE40] =	vst v37  }
0x17d: {  	v29 =	vmul.f32 v29, v33;
	v37 =	vld [tilespmem:s31+$0x6A20];
	v42 =	vmul.f32 v42, v32;
	v34 =	vadd.f32 v44, v34;
	[tilespmem:s31+$0xE30] =	vst v36  }
0x17e: {  	v28 =	vmul.f32 v28, v33;
	v36 =	vld [tilespmem:s31+$0x6A10];
	v41 =	vmul.f32 v41, v32;
	v31 =	vadd.f32 v43, v31;
	[tilespmem:s31+$0xE20] =	vst v35  }
0x17f: {  	v27 =	vmul.f32 v27, v33;
	v35 =	vld [tilespmem:s31+$0x6A00];
	v40 =	vmul.f32 v40, v32;
	v30 =	vadd.f32 v42, v30;
	[tilespmem:s31+$0xE10] =	vst v34  }
0x180: {  	v26 =	vmul.f32 v26, v33;
	v34 =	vld [tilespmem:s31+$0x6670];
	v39 =	vmul.f32 v39, v32;
	v29 =	vadd.f32 v41, v29;
	[tilespmem:s31+$0xE00] =	vst v31  }
0x181: {  	v25 =	vmul.f32 v25, v33;
	v31 =	vld [tilespmem:s31+$0x6660];
	v38 =	vmul.f32 v38, v32;
	v28 =	vadd.f32 v40, v28;
	[tilespmem:s31+$0xA70] =	vst v30  }
0x182: {  	v24 =	vmul.f32 v24, v33;
	v30 =	vld [tilespmem:s31+$0x6650];
	v37 =	vmul.f32 v37, v32;
	v27 =	vadd.f32 v39, v27;
	[tilespmem:s31+$0xA60] =	vst v29  }
0x183: {  	v23 =	vmul.f32 v23, v33;
	v29 =	vld [tilespmem:s31+$0x6640];
	v36 =	vmul.f32 v36, v32;
	v26 =	vadd.f32 v38, v26;
	[tilespmem:s31+$0xA50] =	vst v28  }
0x184: {  	v22 =	vmul.f32 v22, v33;
	v28 =	vld [tilespmem:s31+$0x6630];
	v35 =	vmul.f32 v35, v32;
	v25 =	vadd.f32 v37, v25;
	[tilespmem:s31+$0xA40] =	vst v27  }
0x185: {  	v21 =	vmul.f32 v21, v33;
	v27 =	vld [tilespmem:s31+$0x6620];
	v34 =	vmul.f32 v34, v32;
	v24 =	vadd.f32 v36, v24;
	[tilespmem:s31+$0xA30] =	vst v26  }
0x186: {  	v20 =	vmul.f32 v20, v33;
	v26 =	vld [tilespmem:s31+$0x6610];
	v31 =	vmul.f32 v31, v32;
	v23 =	vadd.f32 v35, v23;
	[tilespmem:s31+$0xA20] =	vst v25  }
0x187: {  	v19 =	vmul.f32 v19, v33;
	v25 =	vld [tilespmem:s31+$0x6600];
	v30 =	vmul.f32 v30, v32;
	v22 =	vadd.f32 v34, v22;
	[tilespmem:s31+$0xA10] =	vst v24  }
0x188: {  	v18 =	vmul.f32 v18, v33;
	v24 =	vld [tilespmem:s31+$0x6270];
	v29 =	vmul.f32 v29, v32;
	v21 =	vadd.f32 v31, v21;
	[tilespmem:s31+$0xA00] =	vst v23  }
0x189: {  	v17 =	vmul.f32 v17, v33;
	v23 =	vld [tilespmem:s31+$0x6260];
	v28 =	vmul.f32 v28, v32;
	v20 =	vadd.f32 v30, v20;
	[tilespmem:s31+$0x670] =	vst v22  }
0x18a: {  	v16 =	vmul.f32 v16, v33;
	v22 =	vmul.f32 v27, v32;
	v19 =	vadd.f32 v29, v19;
	[tilespmem:s31+$0x660] =	vst v21;
	v21 =	vld [tilespmem:s31+$0x7640]  }
0x18b: {  	v15 =	vmul.f32 v15, v33;
	v26 =	vmul.f32 v26, v32;
	v18 =	vadd.f32 v28, v18;
	[tilespmem:s31+$0x650] =	vst v20;
	v20 =	vld [tilespmem:s31+$0x7650]  }
0x18c: {  	v14 =	vmul.f32 v14, v33;
	v25 =	vmul.f32 v25, v32;
	v17 =	vadd.f32 v22, v17;
	[tilespmem:s31+$0x640] =	vst v19;
	v19 =	vld [tilespmem:s31+$0x7660]  }
0x18d: {  	v13 =	vmul.f32 v13, v33;
	v22 =	vmul.f32 v24, v32;
	v16 =	vadd.f32 v26, v16;
	[tilespmem:s31+$0x630] =	vst v18;
	v18 =	vld [tilespmem:s31+$0x7670]  }
0x18e: {  	v12 =	vmul.f32 v12, v33;
	v23 =	vmul.f32 v23, v32;
	v15 =	vadd.f32 v25, v15;
	[tilespmem:s31+$0x620] =	vst v17;
	v17 =	vld [tilespmem:s31+$0x1640]  }
0x18f: {  	v10 =	vmul.f32 v10, v33;
	v11 =	vmul.f32 v11, v32;
	v14 =	vadd.f32 v22, v14;
	[tilespmem:s31+$0x610] =	vst v16;
	v16 =	vld [tilespmem:s31+$0x1650]  }
0x190: {  	v8 =	vmul.f32 v8, v33;
	v9 =	vmul.f32 v9, v32;
	v13 =	vadd.f32 v23, v13;
	[tilespmem:s31+$0x600] =	vst v15;
	v15 =	vld [tilespmem:s31+$0x1660]  }
0x191: {  	v6 =	vmul.f32 v6, v33;
	v7 =	vmul.f32 v7, v32;
	v11 =	vadd.f32 v11, v12;
	[tilespmem:s31+$0x270] =	vst v14;
	v12 =	vld [tilespmem:s31+$0x1670]  }
0x192: {  	v3 =	vmul.f32 v3, v33;
	v5 =	vmul.f32 v5, v32;
	v9 =	vadd.f32 v9, v10;
	v14 =	vld [tilespmem:s31+$0x200];
	[tilespmem:s31+$0x260] =	vst v13  }
0x193: {  	v4 =	vmul.f32 v4, v32;
	v7 =	vadd.f32 v7, v8;
	v10 =	vld [tilespmem:s31+$0x6200];
	[tilespmem:s31+$0x250] =	vst v11;
	v8 =	vmul.f32 v17, v33  }
0x194: {  	s17 =	sshrl.u32 s0, $0x3;
	v5 =	vadd.f32 v5, v6;
	v6 =	vmul.f32 v21, v32;
	[tilespmem:s31+$0x240] =	vst v9;
	v9 =	vmul.f32 v16, v33  }
0x195: {  	s1 =	sadd.s32 $0x80, s1;
	s17 =	smul.u32 $0x1800, s17;
	v3 =	vadd.f32 v4, v3;
	v4 =	vmul.f32 v20, v32;
	[tilespmem:s31+$0x230] =	vst v7;
	v7 =	vmul.f32 v15, v33  }
0x196: {  	s18 =	sand.u32 $0x380, s1;
	[tilespmem:s31+$0x220] =	vst v5;
	v5 =	vadd.f32 v6, v8;
	v6 =	vmul.f32 v19, v32;
	v8 =	vmul.f32 v12, v33  }
0x197: {  	s17 =	sor.u32 s18, s17;
	v9 =	vadd.f32 v4, v9;
	v12 =	vmul.f32 v18, v32;
	v11 =	vmul.f32 v14, v33;
	[tilespmem:s31+$0x210] =	vst v3  }
0x198: {  	v3 =	vld [tilespmem:s17+$0x210];
	v10 =	vmul.f32 v10, v32;
	[tilespmem:s31+$0x1640] =	vst v5;
	v5 =	vadd.f32 v6, v7  }
0x199: {  	v7 =	vadd.f32 v12, v8;
	v4 =	vld [tilespmem:s17+$0x6210];
	[tilespmem:s31+$0x1650] =	vst v9  }
0x19a: {  	v6 =	vld [tilespmem:s17+$0x220];
	v9 =	vadd.f32 v10, v11;
	[tilespmem:s31+$0x1660] =	vst v5  }
0x19b: {  	v5 =	vld [tilespmem:s17+$0x6220];
	[tilespmem:s31+$0x1670] =	vst v7  }
0x19c: {  	v8 =	vld [tilespmem:s17+$0x230];
	[tilespmem:s31+$0x200] =	vst v9;
	s31 =	smov.u32 s17  }
0x19d: {  	v7 =	vld [tilespmem:s31+$0x6230]  }
0x19e: {  	v10 =	vld [tilespmem:s31+$0x240]  }
0x19f: {  	v9 =	vld [tilespmem:s31+$0x6240]  }
0x1a0: {  	v12 =	vld [tilespmem:s31+$0x250]  }
0x1a1: {  	v11 =	vld [tilespmem:s31+$0x6250]  }
0x1a2: {  	v13 =	vld [tilespmem:s31+$0x260]  }
0x1a3: {  	v14 =	vld [tilespmem:s31+$0x270]  }
0x1a4: {  	v15 =	vld [tilespmem:s31+$0x600]  }
0x1a5: {  	v16 =	vld [tilespmem:s31+$0x610]  }
0x1a6: {  	v17 =	vld [tilespmem:s31+$0x620]  }
0x1a7: {  	v18 =	vld [tilespmem:s31+$0x630]  }
0x1a8: {  	v19 =	vld [tilespmem:s31+$0x640]  }
0x1a9: {  	v20 =	vld [tilespmem:s31+$0x650]  }
0x1aa: {  	v21 =	vld [tilespmem:s31+$0x660]  }
0x1ab: {  	v22 =	vld [tilespmem:s31+$0x670]  }
0x1ac: {  	v23 =	vld [tilespmem:s31+$0xA00]  }
0x1ad: {  	v24 =	vld [tilespmem:s31+$0xA10]  }
0x1ae: {  	v25 =	vld [tilespmem:s31+$0xA20]  }
0x1af: {  	v26 =	vld [tilespmem:s31+$0xA30]  }
0x1b0: {  	v27 =	vld [tilespmem:s31+$0xA40]  }
0x1b1: {  	v28 =	vld [tilespmem:s31+$0xA50]  }
0x1b2: {  	v29 =	vld [tilespmem:s31+$0xA60]  }
0x1b3: {  	v30 =	vld [tilespmem:s31+$0xA70]  }
0x1b4: {  	v31 =	vld [tilespmem:s31+$0xE00]  }
0x1b5: {  	v34 =	vld [tilespmem:s31+$0xE10]  }
0x1b6: {  	v35 =	vld [tilespmem:s31+$0xE20]  }
0x1b7: {  	v36 =	vld [tilespmem:s31+$0xE30]  }
0x1b8: {  	v37 =	vld [tilespmem:s31+$0xE40]  }
0x1b9: {  	v38 =	vld [tilespmem:s31+$0xE50]  }
0x1ba: {  	v39 =	vld [tilespmem:s31+$0xE60]  }
0x1bb: {  	v40 =	vld [tilespmem:s31+$0xE70]  }
0x1bc: {  	v41 =	vld [tilespmem:s31+$0x1200]  }
0x1bd: {  	v42 =	vld [tilespmem:s31+$0x1210]  }
0x1be: {  	v43 =	vld [tilespmem:s31+$0x1220]  }
0x1bf: {  	v44 =	vld [tilespmem:s31+$0x1230]  }
0x1c0: {  	v45 =	vld [tilespmem:s31+$0x1240]  }
0x1c1: {  	v46 =	vld [tilespmem:s31+$0x1250]  }
.Ltmp0:
0x1c2: {  	v47 =	vld [tilespmem:s31+$0x1260];
	(pc) =	sbr.rel @p0 .LBB2_2-.Ltmp0, $4  }
0x1c3: {  	v48 =	vld [tilespmem:s31+$0x1600]  }
0x1c4: {  	v50 =	vld [tilespmem:s31+$0x1610]  }
0x1c5: {  	v49 =	vld [tilespmem:s31+$0x7610]  }
0x1c6: {  	s0 =	sadd.s32 $0x1, s0;
	v51 =	vld [tilespmem:s31+$0x7630]  }
0x1c7: {  	v52 =	vld [tilespmem:s31+$0x1630]  }
0x1c8: {  	v53 =	vld [tilespmem:s31+$0x1620];
	s0 =	sadd.s32 $0x80, s28  }
0x1c9: {  	s1 =	sadd.s32 $0x80, s29;
	v32 =	vld [tilespmem:s0+$0x0]  }
0x1ca: {  	v33 =	vld [tilespmem:s1+$0x0]  }
0x1cb: {  	v54 =	vld [tilespmem:s31+$0x7620]  }
0x1cc: {  	v55 =	vld [tilespmem:s31+$0x7600]  }
0x1cd: {  	v56 =	vld [tilespmem:s31+$0x1270]  }
0x1ce: {  	v57 =	vld [tilespmem:s31+$0x7270]  }
0x1cf: {  	v58 =	vld [tilespmem:s31+$0x7260];
	v52 =	vmul.f32 v52, v32;
	v51 =	vmul.f32 v51, v33  }
0x1d0: {  	v53 =	vmul.f32 v53, v32;
	v54 =	vmul.f32 v54, v33  }
0x1d1: {  	v59 =	vld [tilespmem:s31+$0x7250];
	v50 =	vmul.f32 v50, v32;
	v49 =	vmul.f32 v49, v33  }
0x1d2: {  	v61 =	vld [tilespmem:s31+$0x7220];
	v48 =	vmul.f32 v48, v32;
	v62 =	vmul.f32 v55, v33;
	v51 =	vadd.f32 v51, v52  }
0x1d3: {  	v60 =	vld [tilespmem:s31+$0x7240];
	v63 =	vmul.f32 v56, v32;
	v57 =	vmul.f32 v57, v33;
	v53 =	vadd.f32 v54, v53  }
0x1d4: {  	v47 =	vmul.f32 v47, v32;
	v58 =	vmul.f32 v58, v33;
	v52 =	vld [tilespmem:s31+$0x7230];
	v49 =	vadd.f32 v49, v50;
	[tilespmem:s31+$0x1630] =	vst v51  }
0x1d5: {  	v46 =	vmul.f32 v46, v32;
	v45 =	vmul.f32 v45, v32;
	v50 =	vld [tilespmem:s31+$0x7200];
	v48 =	vadd.f32 v62, v48;
	[tilespmem:s31+$0x1620] =	vst v53  }
0x1d6: {  	v44 =	vmul.f32 v44, v32;
	v62 =	vmul.f32 v59, v33;
	v47 =	vadd.f32 v58, v47;
	v58 =	vld [tilespmem:s31+$0x6E30];
	[tilespmem:s31+$0x1610] =	vst v49  }
0x1d7: {  	v43 =	vmul.f32 v43, v32;
	v59 =	vmul.f32 v61, v33;
	v51 =	vld [tilespmem:s31+$0x7210];
	v53 =	vadd.f32 v57, v63;
	[tilespmem:s31+$0x1600] =	vst v48  }
0x1d8: {  	v42 =	vmul.f32 v42, v32;
	v49 =	vld [tilespmem:s31+$0x6E70];
	v63 =	vmul.f32 v60, v33;
	v46 =	vadd.f32 v62, v46;
	[tilespmem:s31+$0x1260] =	vst v47  }
0x1d9: {  	v41 =	vmul.f32 v41, v32;
	v48 =	vld [tilespmem:s31+$0x6E60];
	v43 =	vadd.f32 v59, v43;
	[tilespmem:s31+$0x1270] =	vst v53;
	v52 =	vmul.f32 v52, v33  }
0x1da: {  	v40 =	vmul.f32 v40, v32;
	v57 =	vld [tilespmem:s31+$0x6E40];
	v45 =	vadd.f32 v63, v45;
	[tilespmem:s31+$0x1250] =	vst v46;
	v50 =	vmul.f32 v50, v33  }
0x1db: {  	v36 =	vmul.f32 v36, v32;
	v60 =	vld [tilespmem:s31+$0x6E20];
	[tilespmem:s31+$0x1220] =	vst v43;
	v46 =	vmul.f32 v58, v33;
	v44 =	vadd.f32 v52, v44  }
0x1dc: {  	v39 =	vmul.f32 v39, v32;
	v62 =	vld [tilespmem:s31+$0x6E00];
	[tilespmem:s31+$0x1240] =	vst v45;
	v51 =	vmul.f32 v51, v33;
	v41 =	vadd.f32 v50, v41  }
0x1dd: {  	v38 =	vmul.f32 v38, v32;
	v53 =	vld [tilespmem:s31+$0x6E50];
	v49 =	vmul.f32 v49, v33;
	v36 =	vadd.f32 v46, v36;
	[tilespmem:s31+$0x1230] =	vst v44  }
0x1de: {  	v37 =	vmul.f32 v37, v32;
	v61 =	vld [tilespmem:s31+$0x6E10];
	v48 =	vmul.f32 v48, v33;
	v42 =	vadd.f32 v51, v42;
	[tilespmem:s31+$0x1200] =	vst v41  }
0x1df: {  	v35 =	vmul.f32 v35, v32;
	v59 =	vld [tilespmem:s31+$0x6A10];
	v47 =	vmul.f32 v57, v33;
	v40 =	vadd.f32 v49, v40;
	[tilespmem:s31+$0xE30] =	vst v36  }
0x1e0: {  	v34 =	vmul.f32 v34, v32;
	v63 =	vld [tilespmem:s31+$0x6A70];
	v45 =	vmul.f32 v60, v33;
	v39 =	vadd.f32 v48, v39;
	[tilespmem:s31+$0x1210] =	vst v42  }
0x1e1: {  	v55 =	vld [tilespmem:s31+$0x6A50];
	v31 =	vmul.f32 v31, v32;
	v43 =	vmul.f32 v62, v33;
	v37 =	vadd.f32 v47, v37;
	[tilespmem:s31+$0xE70] =	vst v40  }
0x1e2: {  	v30 =	vmul.f32 v30, v32;
	v52 =	vld [tilespmem:s31+$0x6A60];
	v54 =	vmul.f32 v53, v33;
	v35 =	vadd.f32 v45, v35;
	[tilespmem:s31+$0xE60] =	vst v39  }
0x1e3: {  	v56 =	vld [tilespmem:s31+$0x6A40];
	v29 =	vmul.f32 v29, v32;
	v44 =	vmul.f32 v61, v33;
	v31 =	vadd.f32 v43, v31;
	[tilespmem:s31+$0xE40] =	vst v37  }
0x1e4: {  	v24 =	vmul.f32 v24, v32;
	v58 =	vld [tilespmem:s31+$0x6A20];
	v36 =	vmul.f32 v59, v33;
	v38 =	vadd.f32 v54, v38;
	[tilespmem:s31+$0xE20] =	vst v35  }
0x1e5: {  	v28 =	vmul.f32 v28, v32;
	v60 =	vld [tilespmem:s31+$0x6A00];
	v34 =	vadd.f32 v44, v34;
	v42 =	vmul.f32 v63, v33;
	[tilespmem:s31+$0xE00] =	vst v31  }
0x1e6: {  	v27 =	vmul.f32 v27, v32;
	v57 =	vld [tilespmem:s31+$0x6A30];
	v40 =	vmul.f32 v55, v33;
	v24 =	vadd.f32 v36, v24;
	[tilespmem:s31+$0xE50] =	vst v38  }
0x1e7: {  	v26 =	vmul.f32 v26, v32;
	v61 =	vld [tilespmem:s31+$0x6670];
	v41 =	vmul.f32 v52, v33;
	[tilespmem:s31+$0xE10] =	vst v34;
	v30 =	vadd.f32 v42, v30  }
0x1e8: {  	v25 =	vmul.f32 v25, v32;
	v39 =	vmul.f32 v56, v33;
	v28 =	vadd.f32 v40, v28;
	[tilespmem:s31+$0xA10] =	vst v24  }
0x1e9: {  	v23 =	vmul.f32 v23, v32;
	v31 =	vld [tilespmem:s31+$0x6660];
	v37 =	vmul.f32 v58, v33;
	v29 =	vadd.f32 v41, v29;
	[tilespmem:s31+$0xA70] =	vst v30  }
0x1ea: {  	v22 =	vmul.f32 v22, v32;
	v35 =	vmul.f32 v60, v33;
	v27 =	vadd.f32 v39, v27;
	v30 =	vld [tilespmem:s31+$0x6650];
	[tilespmem:s31+$0xA50] =	vst v28  }
0x1eb: {  	v10 =	vmul.f32 v10, v32;
	v38 =	vmul.f32 v57, v33;
	v25 =	vadd.f32 v37, v25;
	[tilespmem:s31+$0xA60] =	vst v29;
	v29 =	vld [tilespmem:s31+$0x6640]  }
0x1ec: {  	v9 =	vmul.f32 v9, v33;
	v34 =	vmul.f32 v61, v33;
	v23 =	vadd.f32 v35, v23;
	v28 =	vld [tilespmem:s31+$0x6630];
	[tilespmem:s31+$0xA40] =	vst v27  }
0x1ed: {  	v21 =	vmul.f32 v21, v32;
	v26 =	vadd.f32 v38, v26;
	v27 =	vld [tilespmem:s31+$0x6620];
	[tilespmem:s31+$0xA20] =	vst v25  }
0x1ee: {  	v9 =	vadd.f32 v9, v10;
	v10 =	vld [tilespmem:s31+$0x6200];
	v24 =	vmul.f32 v31, v33;
	v22 =	vadd.f32 v34, v22;
	[tilespmem:s31+$0xA00] =	vst v23  }
0x1ef: {  	v20 =	vmul.f32 v20, v32;
	[tilespmem:s31+$0xA30] =	vst v26;
	v26 =	vld [tilespmem:s31+$0x6610];
	v23 =	vmul.f32 v30, v33  }
0x1f0: {  	v19 =	vmul.f32 v19, v32;
	v25 =	vld [tilespmem:s31+$0x6600];
	v21 =	vadd.f32 v24, v21;
	[tilespmem:s31+$0x670] =	vst v22;
	v22 =	vmul.f32 v29, v33  }
0x1f1: {  	v18 =	vmul.f32 v18, v32;
	v31 =	vld [tilespmem:s31+$0x6270];
	v20 =	vadd.f32 v23, v20;
	v23 =	vmul.f32 v28, v33  }
0x1f2: {  	v17 =	vmul.f32 v17, v32;
	v24 =	vld [tilespmem:s31+$0x6260];
	[tilespmem:s31+$0x660] =	vst v21;
	v19 =	vadd.f32 v22, v19;
	v22 =	vmul.f32 v27, v33  }
0x1f3: {  	v12 =	vmul.f32 v12, v32;
	v11 =	vmul.f32 v11, v33;
	v21 =	vld [tilespmem:s31+$0x7640];
	[tilespmem:s31+$0x650] =	vst v20;
	v18 =	vadd.f32 v23, v18  }
0x1f4: {  	v16 =	vmul.f32 v16, v32;
	v20 =	vld [tilespmem:s31+$0x7650];
	v23 =	vmul.f32 v26, v33;
	[tilespmem:s31+$0x640] =	vst v19;
	v17 =	vadd.f32 v22, v17  }
0x1f5: {  	v15 =	vmul.f32 v15, v32;
	v11 =	vadd.f32 v11, v12;
	v19 =	vld [tilespmem:s31+$0x7660];
	[tilespmem:s31+$0x630] =	vst v18;
	v18 =	vmul.f32 v25, v33  }
0x1f6: {  	v14 =	vmul.f32 v14, v32;
	v22 =	vld [tilespmem:s31+$0x7670];
	v16 =	vadd.f32 v23, v16;
	[tilespmem:s31+$0x620] =	vst v17;
	v17 =	vmul.f32 v31, v33  }
0x1f7: {  	[tilespmem:s31+$0x250] =	vst v11;
	v15 =	vadd.f32 v18, v15;
	v18 =	vld [tilespmem:s31+$0x1640]  }
0x1f8: {  	v8 =	vmul.f32 v8, v32;
	v7 =	vmul.f32 v7, v33;
	[tilespmem:s31+$0x610] =	vst v16;
	v16 =	vld [tilespmem:s31+$0x1650];
	v14 =	vadd.f32 v17, v14  }
0x1f9: {  	v6 =	vmul.f32 v6, v32;
	v5 =	vmul.f32 v5, v33;
	[tilespmem:s31+$0x600] =	vst v15;
	v15 =	vld [tilespmem:s31+$0x1660]  }
0x1fa: {  	v3 =	vmul.f32 v3, v32;
	v4 =	vmul.f32 v4, v33;
	v7 =	vadd.f32 v7, v8;
	[tilespmem:s31+$0x270] =	vst v14;
	v14 =	vld [tilespmem:s31+$0x1670]  }
0x1fb: {  	v13 =	vmul.f32 v13, v32;
	v12 =	vld [tilespmem:s31+$0x200];
	v5 =	vadd.f32 v5, v6;
	[tilespmem:s31+$0x240] =	vst v9;
	v23 =	vmul.f32 v24, v33  }
0x1fc: {  	v3 =	vadd.f32 v4, v3;
	[tilespmem:s31+$0x230] =	vst v7;
	v6 =	vmul.f32 v21, v33;
	v8 =	vmul.f32 v18, v32  }
0x1fd: {  	[tilespmem:s31+$0x220] =	vst v5;
	v13 =	vadd.f32 v23, v13;
	v4 =	vmul.f32 v20, v33;
	v9 =	vmul.f32 v16, v32  }
0x1fe: {  	[tilespmem:s31+$0x210] =	vst v3;
	v7 =	vmul.f32 v15, v32;
	v5 =	vadd.f32 v6, v8;
	v6 =	vmul.f32 v19, v33  }
0x1ff: {  	[tilespmem:s31+$0x260] =	vst v13;
	v3 =	vadd.f32 v4, v9;
	v4 =	vmul.f32 v22, v33;
	v8 =	vmul.f32 v14, v32  }
0x200: {  	v10 =	vmul.f32 v10, v33;
	v9 =	vmul.f32 v12, v32;
	[tilespmem:s31+$0x1640] =	vst v5;
	v5 =	vadd.f32 v6, v7  }
0x201: {  	[tilespmem:s31+$0x1650] =	vst v3;
	v3 =	vadd.f32 v4, v8  }
0x202: {  	v4 =	vadd.f32 v10, v9;
	[tilespmem:s31+$0x1660] =	vst v5  }
0x203: {  	[tilespmem:s31+$0x1670] =	vst v3  }
0x204: {  	s17 =	simm.s32 $0x0;
	[tilespmem:s31+$0x200] =	vst v4  }
0x205: {  	[hbm4b:s13+s17] =	stream.linear.scatter [tilespmem:s20], [sflag:$0x3], $0x6000, $0x38;
	[tilespmem:$0x1C200] =	vst v63  }
0x206: {  	_ =	swait.ge [sflag:s24], $0x6000  }
0x207: {  	[sflag:s24] =	ssyncset.done $0x0  }
0x208: {  	s1 =	simm.s32 $0x0;
	[sflag:s24] =	ssyncadd.s32 $0xFFFFA000  }
0x209: {  	s1 =	smul.u32 $0x1800, s1;
	_ =	swait.ge [sflag:s24], $0x6000  }
0x20a: {  	s0 =	sand.u32 $0x380, s17;
	[sflag:s24] =	ssyncset.done $0x0  }
0x20b: {  	s0 =	sor.u32 s0, s1;
	[sflag:s24] =	ssyncadd.s32 $0xFFFFA000  }
0x20c: {  	v4 =	vld [tilespmem:s0+$0xC210]  }
0x20d: {  	v3 =	vld [tilespmem:s0+$0x12210]  }
0x20e: {  	v6 =	vld [tilespmem:s0+$0xC220]  }
0x20f: {  	v5 =	vld [tilespmem:s0+$0x12220]  }
0x210: {  	v10 =	vld [tilespmem:s0+$0xC230]  }
0x211: {  	v7 =	vld [tilespmem:s0+$0x12230]  }
0x212: {  	v12 =	vld [tilespmem:s0+$0xC240]  }
0x213: {  	v11 =	vld [tilespmem:s0+$0x12240]  }
0x214: {  	v13 =	vld [tilespmem:s0+$0xC260]  }
0x215: {  	v14 =	vld [tilespmem:s0+$0xC270]  }
0x216: {  	v15 =	vld [tilespmem:s0+$0xC600]  }
0x217: {  	v16 =	vld [tilespmem:s0+$0xC610]  }
0x218: {  	v17 =	vld [tilespmem:s0+$0xC620]  }
0x219: {  	v18 =	vld [tilespmem:s0+$0xC630]  }
0x21a: {  	v19 =	vld [tilespmem:s0+$0xC640]  }
0x21b: {  	v20 =	vld [tilespmem:s0+$0xC650]  }
0x21c: {  	v21 =	vld [tilespmem:s0+$0xC660]  }
0x21d: {  	v22 =	vld [tilespmem:s0+$0xC670]  }
0x21e: {  	v23 =	vld [tilespmem:s0+$0xCA00]  }
0x21f: {  	v24 =	vld [tilespmem:s0+$0xCA10]  }
0x220: {  	v25 =	vld [tilespmem:s0+$0xCA20]  }
0x221: {  	v26 =	vld [tilespmem:s0+$0xCA30]  }
0x222: {  	v27 =	vld [tilespmem:s0+$0xCA40]  }
0x223: {  	v28 =	vld [tilespmem:s0+$0xCA50]  }
0x224: {  	v29 =	vld [tilespmem:s0+$0xCA60]  }
0x225: {  	v30 =	vld [tilespmem:s0+$0xCA70]  }
0x226: {  	v31 =	vld [tilespmem:s0+$0xCE00]  }
0x227: {  	v32 =	vld [tilespmem:s0+$0xCE10]  }
0x228: {  	v33 =	vld [tilespmem:s0+$0xCE20]  }
0x229: {  	v34 =	vld [tilespmem:s0+$0xCE30]  }
0x22a: {  	v35 =	vld [tilespmem:s0+$0xCE40]  }
0x22b: {  	v36 =	vld [tilespmem:s0+$0xCE50]  }
0x22c: {  	v37 =	vld [tilespmem:s0+$0xCE60]  }
0x22d: {  	v38 =	vld [tilespmem:s0+$0xCE70]  }
0x22e: {  	v39 =	vld [tilespmem:s0+$0xD200]  }
0x22f: {  	v40 =	vld [tilespmem:s0+$0xD210]  }
0x230: {  	v41 =	vld [tilespmem:s0+$0xD220]  }
0x231: {  	v42 =	vld [tilespmem:s0+$0xD230]  }
0x232: {  	v43 =	vld [tilespmem:s0+$0xD240]  }
0x233: {  	v44 =	vld [tilespmem:s0+$0xD250]  }
0x234: {  	v45 =	vld [tilespmem:s0+$0xD260]  }
0x235: {  	v46 =	vld [tilespmem:s0+$0xD600]  }
0x236: {  	v47 =	vld [tilespmem:s0+$0xD610]  }
0x237: {  	v48 =	vld [tilespmem:s0+$0x13610]  }
0x238: {  	v49 =	vld [tilespmem:s0+$0x13630]  }
0x239: {  	v50 =	vld [tilespmem:s0+$0xD630]  }
0x23a: {  	s29 =	simm.s32 $0x19200;
	v51 =	vld [tilespmem:s0+$0xD620]  }
0x23b: {  	s31 =	simm.s32 $0x1B200;
	v8 =	vld [tilespmem:s29+$0x0]  }
0x23c: {  	v9 =	vld [tilespmem:s31+$0x0]  }
0x23d: {  	v52 =	vld [tilespmem:s0+$0x13620]  }
0x23e: {  	v62 =	vld [tilespmem:s0+$0x13600]  }
0x23f: {  	v63 =	vld [tilespmem:s0+$0xD270]  }
0x240: {  	v60 =	vld [tilespmem:s0+$0x13270];
	v50 =	vmul.f32 v50, v8  }
0x241: {  	v61 =	vld [tilespmem:s0+$0x13260];
	v49 =	vmul.f32 v49, v9;
	v51 =	vmul.f32 v51, v8  }
0x242: {  	v57 =	vld [tilespmem:s0+$0x13250];
	v52 =	vmul.f32 v52, v9;
	v47 =	vmul.f32 v47, v8  }
0x243: {  	v58 =	vld [tilespmem:s0+$0x13240];
	v48 =	vmul.f32 v48, v9;
	v46 =	vmul.f32 v46, v8;
	v49 =	vadd.f32 v49, v50  }
0x244: {  	v53 =	vld [tilespmem:s0+$0x13230];
	v62 =	vmul.f32 v62, v9;
	v63 =	vmul.f32 v63, v8;
	v51 =	vadd.f32 v52, v51  }
0x245: {  	v56 =	vld [tilespmem:s0+$0x12E60];
	v59 =	vmul.f32 v60, v9;
	v45 =	vmul.f32 v45, v8;
	v47 =	vadd.f32 v48, v47;
	[tilespmem:s0+$0xD630] =	vst v49  }
0x246: {  	v55 =	vld [tilespmem:s0+$0x12A70];
	v60 =	vmul.f32 v61, v9;
	v44 =	vmul.f32 v44, v8;
	v46 =	vadd.f32 v62, v46;
	[tilespmem:s0+$0xD620] =	vst v51  }
0x247: {  	v61 =	vld [tilespmem:s0+$0x13200];
	v12 =	vmul.f32 v12, v8;
	v11 =	vmul.f32 v11, v9;
	v52 =	vadd.f32 v59, v63;
	[tilespmem:s0+$0xD610] =	vst v47  }
0x248: {  	v10 =	vmul.f32 v10, v8;
	v7 =	vmul.f32 v7, v9;
	v48 =	vld [tilespmem:s0+$0x13220];
	v45 =	vadd.f32 v60, v45;
	[tilespmem:s0+$0xD600] =	vst v46  }
0x249: {  	v62 =	vmul.f32 v57, v9;
	v63 =	vmul.f32 v58, v9;
	v58 =	vld [tilespmem:s0+$0x12E50];
	v11 =	vadd.f32 v11, v12;
	[tilespmem:s0+$0xD270] =	vst v52  }
0x24a: {  	v43 =	vmul.f32 v43, v8;
	v59 =	vld [tilespmem:s0+$0x12E40];
	v7 =	vadd.f32 v7, v10;
	[tilespmem:s0+$0xD260] =	vst v45  }
0x24b: {  	v42 =	vmul.f32 v42, v8;
	v57 =	vmul.f32 v53, v9;
	v60 =	vld [tilespmem:s0+$0x12E30];
	v44 =	vadd.f32 v62, v44;
	[tilespmem:s0+$0xC240] =	vst v11  }
0x24c: {  	v37 =	vmul.f32 v37, v8;
	v53 =	vld [tilespmem:s0+$0x12E00];
	v43 =	vadd.f32 v63, v43;
	v46 =	vmul.f32 v56, v9;
	[tilespmem:s0+$0xC230] =	vst v7  }
0x24d: {  	v39 =	vmul.f32 v39, v8;
	v49 =	vld [tilespmem:s0+$0x13210];
	v42 =	vadd.f32 v57, v42;
	v61 =	vmul.f32 v61, v9;
	[tilespmem:s0+$0xD250] =	vst v44  }
0x24e: {  	v41 =	vmul.f32 v41, v8;
	v47 =	vld [tilespmem:s0+$0x12E70];
	[tilespmem:s0+$0xD240] =	vst v43;
	v37 =	vadd.f32 v46, v37;
	v48 =	vmul.f32 v48, v9  }
0x24f: {  	v36 =	vmul.f32 v36, v8;
	v62 =	vld [tilespmem:s0+$0x12E20];
	[tilespmem:s0+$0xD230] =	vst v42;
	v39 =	vadd.f32 v61, v39;
	v54 =	vmul.f32 v58, v9  }
0x250: {  	v35 =	vmul.f32 v35, v8;
	v63 =	vld [tilespmem:s0+$0x12E10];
	v45 =	vmul.f32 v59, v9;
	[tilespmem:s0+$0xCE60] =	vst v37;
	v41 =	vadd.f32 v48, v41  }
0x251: {  	v34 =	vmul.f32 v34, v8;
	v56 =	vld [tilespmem:s0+$0x12A60];
	v44 =	vmul.f32 v60, v9;
	[tilespmem:s0+$0xD200] =	vst v39;
	v36 =	vadd.f32 v54, v36  }
0x252: {  	v40 =	vmul.f32 v40, v8;
	v12 =	vld [tilespmem:s0+$0xD660];
	v49 =	vmul.f32 v49, v9;
	v35 =	vadd.f32 v45, v35;
	[tilespmem:s0+$0xD220] =	vst v41  }
0x253: {  	v38 =	vmul.f32 v38, v8;
	v58 =	vld [tilespmem:s0+$0x12A40];
	v47 =	vmul.f32 v47, v9;
	v34 =	vadd.f32 v44, v34;
	[tilespmem:s0+$0xCE50] =	vst v36  }
0x254: {  	v33 =	vmul.f32 v33, v8;
	v59 =	vld [tilespmem:s0+$0x12A30];
	v43 =	vmul.f32 v62, v9;
	v40 =	vadd.f32 v49, v40;
	[tilespmem:s0+$0xCE40] =	vst v35  }
0x255: {  	v32 =	vmul.f32 v32, v8;
	v57 =	vld [tilespmem:s0+$0x12A50];
	v42 =	vmul.f32 v63, v9;
	v38 =	vadd.f32 v47, v38;
	[tilespmem:s0+$0xCE30] =	vst v34  }
0x256: {  	v29 =	vmul.f32 v29, v8;
	v60 =	vld [tilespmem:s0+$0x12A20];
	v39 =	vmul.f32 v56, v9;
	v33 =	vadd.f32 v43, v33;
	[tilespmem:s0+$0xD210] =	vst v40  }
0x257: {  	v31 =	vmul.f32 v31, v8;
	v61 =	vld [tilespmem:s0+$0x12A10];
	v41 =	vmul.f32 v53, v9;
	v32 =	vadd.f32 v42, v32;
	[tilespmem:s0+$0xCE70] =	vst v38  }
0x258: {  	v27 =	vmul.f32 v27, v8;
	v62 =	vld [tilespmem:s0+$0x12A00];
	v29 =	vadd.f32 v39, v29;
	v37 =	vmul.f32 v58, v9;
	[tilespmem:s0+$0xCE20] =	vst v33  }
0x259: {  	v26 =	vmul.f32 v26, v8;
	v63 =	vld [tilespmem:s0+$0x12670];
	v36 =	vmul.f32 v59, v9;
	v31 =	vadd.f32 v41, v31;
	[tilespmem:s0+$0xCE10] =	vst v32  }
0x25a: {  	v30 =	vmul.f32 v30, v8;
	v40 =	vmul.f32 v55, v9;
	[tilespmem:s0+$0xCA60] =	vst v29;
	v29 =	vld [tilespmem:s0+$0x12640];
	v27 =	vadd.f32 v37, v27  }
0x25b: {  	v25 =	vmul.f32 v25, v8;
	v35 =	vmul.f32 v60, v9;
	v26 =	vadd.f32 v36, v26;
	[tilespmem:s0+$0xCE00] =	vst v31;
	v31 =	vld [tilespmem:s0+$0x12660]  }
0x25c: {  	v28 =	vmul.f32 v28, v8;
	v38 =	vmul.f32 v57, v9;
	v30 =	vadd.f32 v40, v30;
	[tilespmem:s0+$0xCA40] =	vst v27;
	v27 =	vld [tilespmem:s0+$0x12620]  }
0x25d: {  	v23 =	vmul.f32 v23, v8;
	v33 =	vmul.f32 v62, v9;
	v25 =	vadd.f32 v35, v25;
	[tilespmem:s0+$0xCA30] =	vst v26;
	v26 =	vld [tilespmem:s0+$0x12610]  }
0x25e: {  	v24 =	vmul.f32 v24, v8;
	v34 =	vmul.f32 v61, v9;
	v28 =	vadd.f32 v38, v28;
	[tilespmem:s0+$0xCA70] =	vst v30;
	v30 =	vld [tilespmem:s0+$0x12650]  }
0x25f: {  	v22 =	vmul.f32 v22, v8;
	v32 =	vmul.f32 v63, v9;
	v23 =	vadd.f32 v33, v23;
	[tilespmem:s0+$0xCA20] =	vst v25;
	v25 =	vld [tilespmem:s0+$0x12600]  }
0x260: {  	v19 =	vmul.f32 v19, v8;
	v24 =	vadd.f32 v34, v24;
	[tilespmem:s0+$0xCA50] =	vst v28;
	v28 =	vld [tilespmem:s0+$0x12630];
	v29 =	vmul.f32 v29, v9  }
0x261: {  	v21 =	vmul.f32 v21, v8;
	v22 =	vadd.f32 v32, v22;
	[tilespmem:s0+$0xCA00] =	vst v23;
	v23 =	vld [tilespmem:s0+$0x12260];
	v31 =	vmul.f32 v31, v9  }
0x262: {  	v17 =	vmul.f32 v17, v8;
	[tilespmem:s0+$0xCA10] =	vst v24;
	v24 =	vld [tilespmem:s0+$0x12270];
	v19 =	vadd.f32 v29, v19;
	v27 =	vmul.f32 v27, v9  }
0x263: {  	v20 =	vmul.f32 v20, v8;
	[tilespmem:s0+$0xC670] =	vst v22;
	v22 =	vld [tilespmem:s0+$0xC250];
	v30 =	vmul.f32 v30, v9;
	v21 =	vadd.f32 v31, v21  }
0x264: {  	v15 =	vmul.f32 v15, v8;
	v25 =	vmul.f32 v25, v9;
	[tilespmem:s0+$0xC640] =	vst v19;
	v19 =	vld [tilespmem:s0+$0x13650];
	v17 =	vadd.f32 v27, v17  }
0x265: {  	v18 =	vmul.f32 v18, v8;
	v28 =	vmul.f32 v28, v9;
	v20 =	vadd.f32 v30, v20;
	[tilespmem:s0+$0xC660] =	vst v21;
	v21 =	vld [tilespmem:s0+$0x12250]  }
0x266: {  	v13 =	vmul.f32 v13, v8;
	v23 =	vmul.f32 v23, v9;
	v15 =	vadd.f32 v25, v15;
	[tilespmem:s0+$0xC620] =	vst v17;
	v17 =	vld [tilespmem:s0+$0xD640]  }
0x267: {  	v6 =	vmul.f32 v6, v8;
	v5 =	vmul.f32 v5, v9;
	v18 =	vadd.f32 v28, v18;
	[tilespmem:s0+$0xC650] =	vst v20;
	v20 =	vld [tilespmem:s0+$0x13640]  }
0x268: {  	v14 =	vmul.f32 v14, v8;
	v24 =	vmul.f32 v24, v9;
	v13 =	vadd.f32 v23, v13;
	[tilespmem:s0+$0xC600] =	vst v15;
	v15 =	vld [tilespmem:s0+$0xD650]  }
0x269: {  	v4 =	vmul.f32 v4, v8;
	v3 =	vmul.f32 v3, v9;
	v5 =	vadd.f32 v5, v6;
	[tilespmem:s0+$0xC630] =	vst v18;
	v18 =	vld [tilespmem:s0+$0x13660]  }
0x26a: {  	v6 =	vld [tilespmem:s0+$0xC200];
	v14 =	vadd.f32 v24, v14;
	v10 =	vmul.f32 v22, v8;
	[tilespmem:s0+$0xC260] =	vst v13;
	v13 =	vmul.f32 v21, v9  }
0x26b: {  	s18 =	simm.s32 $0x0;
	v16 =	vmul.f32 v16, v8;
	v3 =	vadd.f32 v3, v4;
	v7 =	vld [tilespmem:s0+$0x12200];
	[tilespmem:s0+$0xC220] =	vst v5;
	v26 =	vmul.f32 v26, v9  }
0x26c: {  	s1 =	simm.s32 $0x80;
	s17 =	smul.u32 $0x1800, s18;
	[tilespmem:s0+$0xC270] =	vst v14;
	v14 =	vld [tilespmem:s0+$0xD670];
	v11 =	vmul.f32 v17, v8;
	v17 =	vmul.f32 v20, v9;
	v4 =	vadd.f32 v13, v10  }
0x26d: {  	s18 =	sand.u32 $0x380, s1;
	[tilespmem:s0+$0xC210] =	vst v3;
	v16 =	vadd.f32 v26, v16;
	v5 =	vmul.f32 v15, v8;
	v10 =	vmul.f32 v19, v9  }
0x26e: {  	s28 =	sor.u32 s18, s17;
	v11 =	vadd.f32 v17, v11;
	[tilespmem:s0+$0xC250] =	vst v4;
	v4 =	vmul.f32 v12, v8;
	v12 =	vmul.f32 v18, v9  }
0x26f: {  	v3 =	vld [tilespmem:s28+$0xC210];
	[tilespmem:s0+$0xC610] =	vst v16;
	v5 =	vadd.f32 v10, v5  }
0x270: {  	v7 =	vmul.f32 v7, v9;
	v16 =	vld [tilespmem:s0+$0x13670];
	[tilespmem:s0+$0xD640] =	vst v11;
	v12 =	vadd.f32 v12, v4  }
0x271: {  	v10 =	vmul.f32 v14, v8;
	v8 =	vmul.f32 v6, v8;
	v4 =	vld [tilespmem:s28+$0x12210];
	[tilespmem:s0+$0xD650] =	vst v5  }
0x272: {  	v6 =	vld [tilespmem:s28+$0xC220];
	[tilespmem:s0+$0xD660] =	vst v12  }
0x273: {  	v7 =	vadd.f32 v7, v8;
	v5 =	vld [tilespmem:s28+$0x12220]  }
0x274: {  	v8 =	vld [tilespmem:s28+$0xC230]  }
0x275: {  	[tilespmem:s0+$0xC200] =	vst v7;
	v18 =	vld [tilespmem:s28+$0xC630]  }
0x276: {  	v11 =	vmul.f32 v16, v9;
	v26 =	vld [tilespmem:s28+$0xCA30]  }
0x277: {  	v36 =	vld [tilespmem:s28+$0xCE30]  }
0x278: {  	v9 =	vadd.f32 v11, v10;
	v44 =	vld [tilespmem:s28+$0xD230]  }
0x279: {  	v48 =	vld [tilespmem:s28+$0xD600]  }
0x27a: {  	[tilespmem:s0+$0xD670] =	vst v9;
	v50 =	vld [tilespmem:s28+$0xD610]  }
0x27b: {  	v7 =	vld [tilespmem:s28+$0x12230]  }
0x27c: {  	v10 =	vld [tilespmem:s28+$0xC240]  }
0x27d: {  	v9 =	vld [tilespmem:s28+$0x12240]  }
0x27e: {  	v12 =	vld [tilespmem:s28+$0xC250]  }
0x27f: {  	v11 =	vld [tilespmem:s28+$0x12250]  }
0x280: {  	v13 =	vld [tilespmem:s28+$0xC260]  }
0x281: {  	v14 =	vld [tilespmem:s28+$0xC270]  }
0x282: {  	v15 =	vld [tilespmem:s28+$0xC600]  }
0x283: {  	v16 =	vld [tilespmem:s28+$0xC610]  }
0x284: {  	v17 =	vld [tilespmem:s28+$0xC620]  }
0x285: {  	v19 =	vld [tilespmem:s28+$0xC640]  }
0x286: {  	v20 =	vld [tilespmem:s28+$0xC650]  }
0x287: {  	v21 =	vld [tilespmem:s28+$0xC660]  }
0x288: {  	v22 =	vld [tilespmem:s28+$0xC670]  }
0x289: {  	v23 =	vld [tilespmem:s28+$0xCA00]  }
0x28a: {  	v24 =	vld [tilespmem:s28+$0xCA10]  }
0x28b: {  	v25 =	vld [tilespmem:s28+$0xCA20]  }
0x28c: {  	v27 =	vld [tilespmem:s28+$0xCA40]  }
0x28d: {  	v28 =	vld [tilespmem:s28+$0xCA50]  }
0x28e: {  	v29 =	vld [tilespmem:s28+$0xCA60]  }
0x28f: {  	v30 =	vld [tilespmem:s28+$0xCA70]  }
0x290: {  	v31 =	vld [tilespmem:s28+$0xCE00]  }
0x291: {  	v34 =	vld [tilespmem:s28+$0xCE10]  }
0x292: {  	v35 =	vld [tilespmem:s28+$0xCE20]  }
0x293: {  	v37 =	vld [tilespmem:s28+$0xCE40]  }
0x294: {  	v38 =	vld [tilespmem:s28+$0xCE50]  }
0x295: {  	v39 =	vld [tilespmem:s28+$0xCE60]  }
0x296: {  	v40 =	vld [tilespmem:s28+$0xCE70]  }
0x297: {  	v41 =	vld [tilespmem:s28+$0xD200]  }
0x298: {  	v42 =	vld [tilespmem:s28+$0xD210]  }
0x299: {  	v43 =	vld [tilespmem:s28+$0xD220]  }
0x29a: {  	v45 =	vld [tilespmem:s28+$0xD240]  }
0x29b: {  	v46 =	vld [tilespmem:s28+$0xD250]  }
0x29c: {  	v47 =	vld [tilespmem:s28+$0xD260]  }
0x29d: {  	v49 =	vld [tilespmem:s28+$0x13610]  }
0x29e: {  	s0 =	simm.s32 $0x2;
	v51 =	vld [tilespmem:s28+$0x13630]  }
.LBB2_4:
0x29f: {  	p0 =	sne.s32 s0, $0x1F;
	v52 =	vld [tilespmem:s28+$0xD630]  }
0x2a0: {  	s29 =	sadd.s32 $0x80, s29;
	v53 =	vld [tilespmem:s28+$0xD620]  }
0x2a1: {  	s31 =	sadd.s32 $0x80, s31;
	v33 =	vld [tilespmem:s29+$0x0]  }
0x2a2: {  	v32 =	vld [tilespmem:s31+$0x0]  }
0x2a3: {  	v54 =	vld [tilespmem:s28+$0x13620]  }
0x2a4: {  	v55 =	vld [tilespmem:s28+$0x13600]  }
0x2a5: {  	v56 =	vld [tilespmem:s28+$0xD270]  }
0x2a6: {  	v57 =	vld [tilespmem:s28+$0x13270];
	v50 =	vmul.f32 v50, v33;
	v53 =	vmul.f32 v53, v33  }
0x2a7: {  	v52 =	vmul.f32 v52, v33;
	v58 =	vld [tilespmem:s28+$0x13260];
	v51 =	vmul.f32 v51, v32  }
0x2a8: {  	v49 =	vmul.f32 v49, v32;
	v59 =	vld [tilespmem:s28+$0x13250];
	v54 =	vmul.f32 v54, v32  }
0x2a9: {  	v48 =	vmul.f32 v48, v33;
	v60 =	vld [tilespmem:s28+$0x13240];
	v55 =	vmul.f32 v55, v32;
	v51 =	vadd.f32 v51, v52  }
0x2aa: {  	v49 =	vadd.f32 v49, v50;
	v52 =	vld [tilespmem:s28+$0x13230];
	v56 =	vmul.f32 v56, v33;
	v50 =	vadd.f32 v54, v53  }
0x2ab: {  	v47 =	vmul.f32 v47, v33;
	v53 =	vld [tilespmem:s28+$0x13220];
	v54 =	vmul.f32 v57, v32;
	v48 =	vadd.f32 v55, v48;
	[tilespmem:s28+$0xD630] =	vst v51  }
0x2ac: {  	v46 =	vmul.f32 v46, v33;
	v51 =	vld [tilespmem:s28+$0x13210];
	v55 =	vmul.f32 v58, v32;
	[tilespmem:s28+$0xD620] =	vst v50  }
0x2ad: {  	v45 =	vmul.f32 v45, v33;
	v50 =	vld [tilespmem:s28+$0x13200];
	v57 =	vmul.f32 v59, v32;
	v54 =	vadd.f32 v54, v56;
	[tilespmem:s28+$0xD610] =	vst v49  }
0x2ae: {  	v44 =	vmul.f32 v44, v33;
	v49 =	vld [tilespmem:s28+$0x12E70];
	v56 =	vmul.f32 v60, v32;
	v47 =	vadd.f32 v55, v47;
	[tilespmem:s28+$0xD600] =	vst v48  }
0x2af: {  	v43 =	vmul.f32 v43, v33;
	v48 =	vld [tilespmem:s28+$0x12E60];
	v52 =	vmul.f32 v52, v32;
	v46 =	vadd.f32 v57, v46;
	[tilespmem:s28+$0xD270] =	vst v54  }
0x2b0: {  	v42 =	vmul.f32 v42, v33;
	v54 =	vld [tilespmem:s28+$0x12E50];
	v53 =	vmul.f32 v53, v32;
	v45 =	vadd.f32 v56, v45;
	[tilespmem:s28+$0xD260] =	vst v47  }
0x2b1: {  	v41 =	vmul.f32 v41, v33;
	v47 =	vld [tilespmem:s28+$0x12E40];
	v51 =	vmul.f32 v51, v32;
	v44 =	vadd.f32 v52, v44;
	[tilespmem:s28+$0xD250] =	vst v46  }
0x2b2: {  	v40 =	vmul.f32 v40, v33;
	v46 =	vld [tilespmem:s28+$0x12E30];
	v50 =	vmul.f32 v50, v32;
	v43 =	vadd.f32 v53, v43;
	[tilespmem:s28+$0xD240] =	vst v45  }
0x2b3: {  	v39 =	vmul.f32 v39, v33;
	v45 =	vld [tilespmem:s28+$0x12E20];
	v49 =	vmul.f32 v49, v32;
	v42 =	vadd.f32 v51, v42;
	[tilespmem:s28+$0xD230] =	vst v44  }
0x2b4: {  	v38 =	vmul.f32 v38, v33;
	v44 =	vld [tilespmem:s28+$0x12E10];
	v48 =	vmul.f32 v48, v32;
	v41 =	vadd.f32 v50, v41;
	[tilespmem:s28+$0xD220] =	vst v43  }
0x2b5: {  	v37 =	vmul.f32 v37, v33;
	v43 =	vld [tilespmem:s28+$0x12E00];
	v50 =	vmul.f32 v54, v32;
	v40 =	vadd.f32 v49, v40;
	[tilespmem:s28+$0xD210] =	vst v42  }
0x2b6: {  	v36 =	vmul.f32 v36, v33;
	v42 =	vld [tilespmem:s28+$0x12A70];
	v47 =	vmul.f32 v47, v32;
	v39 =	vadd.f32 v48, v39;
	[tilespmem:s28+$0xD200] =	vst v41  }
0x2b7: {  	v35 =	vmul.f32 v35, v33;
	v41 =	vld [tilespmem:s28+$0x12A60];
	v46 =	vmul.f32 v46, v32;
	v38 =	vadd.f32 v50, v38;
	[tilespmem:s28+$0xCE70] =	vst v40  }
0x2b8: {  	v34 =	vmul.f32 v34, v33;
	v40 =	vld [tilespmem:s28+$0x12A50];
	v45 =	vmul.f32 v45, v32;
	v37 =	vadd.f32 v47, v37;
	[tilespmem:s28+$0xCE60] =	vst v39  }
0x2b9: {  	v31 =	vmul.f32 v31, v33;
	v39 =	vld [tilespmem:s28+$0x12A40];
	v44 =	vmul.f32 v44, v32;
	v36 =	vadd.f32 v46, v36;
	[tilespmem:s28+$0xCE50] =	vst v38  }
0x2ba: {  	v30 =	vmul.f32 v30, v33;
	v38 =	vld [tilespmem:s28+$0x12A30];
	v43 =	vmul.f32 v43, v32;
	v35 =	vadd.f32 v45, v35;
	[tilespmem:s28+$0xCE40] =	vst v37  }
0x2bb: {  	v29 =	vmul.f32 v29, v33;
	v37 =	vld [tilespmem:s28+$0x12A20];
	v42 =	vmul.f32 v42, v32;
	v34 =	vadd.f32 v44, v34;
	[tilespmem:s28+$0xCE30] =	vst v36  }
0x2bc: {  	v28 =	vmul.f32 v28, v33;
	v36 =	vld [tilespmem:s28+$0x12A10];
	v41 =	vmul.f32 v41, v32;
	v31 =	vadd.f32 v43, v31;
	[tilespmem:s28+$0xCE20] =	vst v35  }
0x2bd: {  	v27 =	vmul.f32 v27, v33;
	v35 =	vld [tilespmem:s28+$0x12A00];
	v40 =	vmul.f32 v40, v32;
	v30 =	vadd.f32 v42, v30;
	[tilespmem:s28+$0xCE10] =	vst v34  }
0x2be: {  	v26 =	vmul.f32 v26, v33;
	v34 =	vld [tilespmem:s28+$0x12670];
	v39 =	vmul.f32 v39, v32;
	v29 =	vadd.f32 v41, v29;
	[tilespmem:s28+$0xCE00] =	vst v31  }
0x2bf: {  	v25 =	vmul.f32 v25, v33;
	v31 =	vld [tilespmem:s28+$0x12660];
	v38 =	vmul.f32 v38, v32;
	v28 =	vadd.f32 v40, v28;
	[tilespmem:s28+$0xCA70] =	vst v30  }
0x2c0: {  	v24 =	vmul.f32 v24, v33;
	v30 =	vld [tilespmem:s28+$0x12650];
	v37 =	vmul.f32 v37, v32;
	v27 =	vadd.f32 v39, v27;
	[tilespmem:s28+$0xCA60] =	vst v29  }
0x2c1: {  	v23 =	vmul.f32 v23, v33;
	v29 =	vld [tilespmem:s28+$0x12640];
	v36 =	vmul.f32 v36, v32;
	v26 =	vadd.f32 v38, v26;
	[tilespmem:s28+$0xCA50] =	vst v28  }
0x2c2: {  	v22 =	vmul.f32 v22, v33;
	v28 =	vld [tilespmem:s28+$0x12630];
	v35 =	vmul.f32 v35, v32;
	v25 =	vadd.f32 v37, v25;
	[tilespmem:s28+$0xCA40] =	vst v27  }
0x2c3: {  	v21 =	vmul.f32 v21, v33;
	v27 =	vld [tilespmem:s28+$0x12620];
	v34 =	vmul.f32 v34, v32;
	v24 =	vadd.f32 v36, v24;
	[tilespmem:s28+$0xCA30] =	vst v26  }
0x2c4: {  	v20 =	vmul.f32 v20, v33;
	v26 =	vld [tilespmem:s28+$0x12610];
	v31 =	vmul.f32 v31, v32;
	v23 =	vadd.f32 v35, v23;
	[tilespmem:s28+$0xCA20] =	vst v25  }
0x2c5: {  	v19 =	vmul.f32 v19, v33;
	v25 =	vld [tilespmem:s28+$0x12600];
	v30 =	vmul.f32 v30, v32;
	v22 =	vadd.f32 v34, v22;
	[tilespmem:s28+$0xCA10] =	vst v24  }
0x2c6: {  	v18 =	vmul.f32 v18, v33;
	v24 =	vld [tilespmem:s28+$0x12270];
	v29 =	vmul.f32 v29, v32;
	v21 =	vadd.f32 v31, v21;
	[tilespmem:s28+$0xCA00] =	vst v23  }
0x2c7: {  	v17 =	vmul.f32 v17, v33;
	v23 =	vld [tilespmem:s28+$0x12260];
	v28 =	vmul.f32 v28, v32;
	v20 =	vadd.f32 v30, v20;
	[tilespmem:s28+$0xC670] =	vst v22  }
0x2c8: {  	v16 =	vmul.f32 v16, v33;
	v22 =	vmul.f32 v27, v32;
	v19 =	vadd.f32 v29, v19;
	[tilespmem:s28+$0xC660] =	vst v21;
	v21 =	vld [tilespmem:s28+$0x13640]  }
0x2c9: {  	v15 =	vmul.f32 v15, v33;
	v26 =	vmul.f32 v26, v32;
	v18 =	vadd.f32 v28, v18;
	[tilespmem:s28+$0xC650] =	vst v20;
	v20 =	vld [tilespmem:s28+$0x13650]  }
0x2ca: {  	v14 =	vmul.f32 v14, v33;
	v25 =	vmul.f32 v25, v32;
	v17 =	vadd.f32 v22, v17;
	[tilespmem:s28+$0xC640] =	vst v19;
	v19 =	vld [tilespmem:s28+$0x13660]  }
0x2cb: {  	v13 =	vmul.f32 v13, v33;
	v22 =	vmul.f32 v24, v32;
	v16 =	vadd.f32 v26, v16;
	[tilespmem:s28+$0xC630] =	vst v18;
	v18 =	vld [tilespmem:s28+$0x13670]  }
0x2cc: {  	v12 =	vmul.f32 v12, v33;
	v23 =	vmul.f32 v23, v32;
	v15 =	vadd.f32 v25, v15;
	[tilespmem:s28+$0xC620] =	vst v17;
	v17 =	vld [tilespmem:s28+$0xD640]  }
0x2cd: {  	v10 =	vmul.f32 v10, v33;
	v11 =	vmul.f32 v11, v32;
	v14 =	vadd.f32 v22, v14;
	[tilespmem:s28+$0xC610] =	vst v16;
	v16 =	vld [tilespmem:s28+$0xD650]  }
0x2ce: {  	v8 =	vmul.f32 v8, v33;
	v9 =	vmul.f32 v9, v32;
	v13 =	vadd.f32 v23, v13;
	[tilespmem:s28+$0xC600] =	vst v15;
	v15 =	vld [tilespmem:s28+$0xD660]  }
0x2cf: {  	v6 =	vmul.f32 v6, v33;
	v7 =	vmul.f32 v7, v32;
	v11 =	vadd.f32 v11, v12;
	[tilespmem:s28+$0xC270] =	vst v14;
	v12 =	vld [tilespmem:s28+$0xD670]  }
0x2d0: {  	v3 =	vmul.f32 v3, v33;
	v5 =	vmul.f32 v5, v32;
	v9 =	vadd.f32 v9, v10;
	v14 =	vld [tilespmem:s28+$0xC200];
	[tilespmem:s28+$0xC260] =	vst v13  }
0x2d1: {  	v4 =	vmul.f32 v4, v32;
	v7 =	vadd.f32 v7, v8;
	v10 =	vld [tilespmem:s28+$0x12200];
	[tilespmem:s28+$0xC250] =	vst v11;
	v8 =	vmul.f32 v17, v33  }
0x2d2: {  	s17 =	sshrl.u32 s0, $0x3;
	v5 =	vadd.f32 v5, v6;
	v6 =	vmul.f32 v21, v32;
	[tilespmem:s28+$0xC240] =	vst v9;
	v9 =	vmul.f32 v16, v33  }
0x2d3: {  	s1 =	sadd.s32 $0x80, s1;
	s17 =	smul.u32 $0x1800, s17;
	v3 =	vadd.f32 v4, v3;
	v4 =	vmul.f32 v20, v32;
	[tilespmem:s28+$0xC230] =	vst v7;
	v7 =	vmul.f32 v15, v33  }
0x2d4: {  	s18 =	sand.u32 $0x380, s1;
	[tilespmem:s28+$0xC220] =	vst v5;
	v5 =	vadd.f32 v6, v8;
	v6 =	vmul.f32 v19, v32;
	v8 =	vmul.f32 v12, v33  }
0x2d5: {  	s17 =	sor.u32 s18, s17;
	v9 =	vadd.f32 v4, v9;
	v12 =	vmul.f32 v18, v32;
	v11 =	vmul.f32 v14, v33;
	[tilespmem:s28+$0xC210] =	vst v3  }
0x2d6: {  	v3 =	vld [tilespmem:s17+$0xC210];
	v10 =	vmul.f32 v10, v32;
	[tilespmem:s28+$0xD640] =	vst v5;
	v5 =	vadd.f32 v6, v7  }
0x2d7: {  	v7 =	vadd.f32 v12, v8;
	v4 =	vld [tilespmem:s17+$0x12210];
	[tilespmem:s28+$0xD650] =	vst v9  }
0x2d8: {  	v6 =	vld [tilespmem:s17+$0xC220];
	v9 =	vadd.f32 v10, v11;
	[tilespmem:s28+$0xD660] =	vst v5  }
0x2d9: {  	v5 =	vld [tilespmem:s17+$0x12220];
	[tilespmem:s28+$0xD670] =	vst v7  }
0x2da: {  	v8 =	vld [tilespmem:s17+$0xC230];
	[tilespmem:s28+$0xC200] =	vst v9;
	s28 =	smov.u32 s17  }
0x2db: {  	v7 =	vld [tilespmem:s28+$0x12230]  }
0x2dc: {  	v10 =	vld [tilespmem:s28+$0xC240]  }
0x2dd: {  	v9 =	vld [tilespmem:s28+$0x12240]  }
0x2de: {  	v12 =	vld [tilespmem:s28+$0xC250]  }
0x2df: {  	v11 =	vld [tilespmem:s28+$0x12250]  }
0x2e0: {  	v13 =	vld [tilespmem:s28+$0xC260]  }
0x2e1: {  	v14 =	vld [tilespmem:s28+$0xC270]  }
0x2e2: {  	v15 =	vld [tilespmem:s28+$0xC600]  }
0x2e3: {  	v16 =	vld [tilespmem:s28+$0xC610]  }
0x2e4: {  	v17 =	vld [tilespmem:s28+$0xC620]  }
0x2e5: {  	v18 =	vld [tilespmem:s28+$0xC630]  }
0x2e6: {  	v19 =	vld [tilespmem:s28+$0xC640]  }
0x2e7: {  	v20 =	vld [tilespmem:s28+$0xC650]  }
0x2e8: {  	v21 =	vld [tilespmem:s28+$0xC660]  }
0x2e9: {  	v22 =	vld [tilespmem:s28+$0xC670]  }
0x2ea: {  	v23 =	vld [tilespmem:s28+$0xCA00]  }
0x2eb: {  	v24 =	vld [tilespmem:s28+$0xCA10]  }
0x2ec: {  	v25 =	vld [tilespmem:s28+$0xCA20]  }
0x2ed: {  	v26 =	vld [tilespmem:s28+$0xCA30]  }
0x2ee: {  	v27 =	vld [tilespmem:s28+$0xCA40]  }
0x2ef: {  	v28 =	vld [tilespmem:s28+$0xCA50]  }
0x2f0: {  	v29 =	vld [tilespmem:s28+$0xCA60]  }
0x2f1: {  	v30 =	vld [tilespmem:s28+$0xCA70]  }
0x2f2: {  	v31 =	vld [tilespmem:s28+$0xCE00]  }
0x2f3: {  	v34 =	vld [tilespmem:s28+$0xCE10]  }
0x2f4: {  	v35 =	vld [tilespmem:s28+$0xCE20]  }
0x2f5: {  	v36 =	vld [tilespmem:s28+$0xCE30]  }
0x2f6: {  	v37 =	vld [tilespmem:s28+$0xCE40]  }
0x2f7: {  	v38 =	vld [tilespmem:s28+$0xCE50]  }
0x2f8: {  	v39 =	vld [tilespmem:s28+$0xCE60]  }
0x2f9: {  	v40 =	vld [tilespmem:s28+$0xCE70]  }
0x2fa: {  	v41 =	vld [tilespmem:s28+$0xD200]  }
0x2fb: {  	v42 =	vld [tilespmem:s28+$0xD210]  }
0x2fc: {  	v43 =	vld [tilespmem:s28+$0xD220]  }
0x2fd: {  	v44 =	vld [tilespmem:s28+$0xD230]  }
0x2fe: {  	v45 =	vld [tilespmem:s28+$0xD240]  }
0x2ff: {  	v46 =	vld [tilespmem:s28+$0xD250]  }
.Ltmp1:
0x300: {  	v47 =	vld [tilespmem:s28+$0xD260];
	(pc) =	sbr.rel @p0 .LBB2_4-.Ltmp1, $4  }
0x301: {  	v48 =	vld [tilespmem:s28+$0xD600]  }
0x302: {  	v50 =	vld [tilespmem:s28+$0xD610]  }
0x303: {  	v49 =	vld [tilespmem:s28+$0x13610]  }
0x304: {  	s0 =	sadd.s32 $0x1, s0;
	v51 =	vld [tilespmem:s28+$0x13630]  }
0x305: {  	v52 =	vld [tilespmem:s28+$0xD630]  }
0x306: {  	v53 =	vld [tilespmem:s28+$0xD620];
	s0 =	sadd.s32 $0x80, s29  }
0x307: {  	s31 =	sadd.s32 $0x80, s31;
	v32 =	vld [tilespmem:s0+$0x0]  }
0x308: {  	v33 =	vld [tilespmem:s31+$0x0]  }
0x309: {  	v54 =	vld [tilespmem:s28+$0x13620];
	_ =	sdelay $0x1  }
0x30a: {  	v55 =	vld [tilespmem:s28+$0x13600]  }
0x30b: {  	v56 =	vld [tilespmem:s28+$0xD270]  }
0x30c: {  	v58 =	vld [tilespmem:s28+$0x13260];
	v52 =	vmul.f32 v52, v32;
	v51 =	vmul.f32 v51, v33  }
0x30d: {  	v57 =	vld [tilespmem:s28+$0x13270];
	v53 =	vmul.f32 v53, v32;
	v54 =	vmul.f32 v54, v33  }
0x30e: {  	v59 =	vld [tilespmem:s28+$0x13250];
	v50 =	vmul.f32 v50, v32;
	v49 =	vmul.f32 v49, v33  }
0x30f: {  	v60 =	vld [tilespmem:s28+$0x13240];
	v48 =	vmul.f32 v48, v32;
	v62 =	vmul.f32 v55, v33;
	v51 =	vadd.f32 v51, v52  }
0x310: {  	v61 =	vld [tilespmem:s28+$0x13220];
	v63 =	vmul.f32 v56, v32;
	v47 =	vmul.f32 v47, v32;
	v53 =	vadd.f32 v54, v53  }
0x311: {  	v58 =	vmul.f32 v58, v33;
	v55 =	vld [tilespmem:s28+$0x12660];
	v12 =	vmul.f32 v12, v32;
	v49 =	vadd.f32 v49, v50;
	[tilespmem:s28+$0xD630] =	vst v51  }
0x312: {  	v56 =	vld [tilespmem:s28+$0x12650];
	v11 =	vmul.f32 v11, v33;
	v10 =	vmul.f32 v10, v32;
	v48 =	vadd.f32 v62, v48;
	[tilespmem:s28+$0xD620] =	vst v53  }
0x313: {  	v9 =	vmul.f32 v9, v33;
	v8 =	vmul.f32 v8, v32;
	v52 =	vld [tilespmem:s28+$0x13230];
	v47 =	vadd.f32 v58, v47;
	[tilespmem:s28+$0xD610] =	vst v49  }
0x314: {  	v7 =	vmul.f32 v7, v33;
	v6 =	vmul.f32 v6, v32;
	v50 =	vld [tilespmem:s28+$0x13200];
	v11 =	vadd.f32 v11, v12;
	[tilespmem:s28+$0xD600] =	vst v48  }
0x315: {  	v5 =	vmul.f32 v5, v33;
	v3 =	vmul.f32 v3, v32;
	v58 =	vld [tilespmem:s28+$0x12E20];
	v9 =	vadd.f32 v9, v10;
	[tilespmem:s28+$0xD260] =	vst v47  }
0x316: {  	v4 =	vmul.f32 v4, v33;
	v62 =	vmul.f32 v59, v33;
	v59 =	vld [tilespmem:s28+$0x12E10];
	v7 =	vadd.f32 v7, v8;
	[tilespmem:s28+$0xC250] =	vst v11  }
0x317: {  	v57 =	vmul.f32 v57, v33;
	v54 =	vld [tilespmem:s28+$0x12670];
	v5 =	vadd.f32 v5, v6;
	[tilespmem:s28+$0xC240] =	vst v9  }
0x318: {  	v46 =	vmul.f32 v46, v32;
	v3 =	vadd.f32 v4, v3;
	v51 =	vld [tilespmem:s28+$0x13210];
	[tilespmem:s28+$0xC230] =	vst v7  }
0x319: {  	v45 =	vmul.f32 v45, v32;
	v49 =	vld [tilespmem:s28+$0x12E70];
	v53 =	vadd.f32 v57, v63;
	v63 =	vmul.f32 v60, v33;
	[tilespmem:s28+$0xC220] =	vst v5  }
0x31a: {  	v43 =	vmul.f32 v43, v32;
	v48 =	vld [tilespmem:s28+$0x12E60];
	v46 =	vadd.f32 v62, v46;
	v57 =	vmul.f32 v61, v33;
	[tilespmem:s28+$0xC210] =	vst v3  }
0x31b: {  	v44 =	vmul.f32 v44, v32;
	v47 =	vld [tilespmem:s28+$0x12E40];
	[tilespmem:s28+$0xD270] =	vst v53;
	v45 =	vadd.f32 v63, v45;
	v52 =	vmul.f32 v52, v33  }
0x31c: {  	v41 =	vmul.f32 v41, v32;
	v60 =	vld [tilespmem:s28+$0x12E00];
	[tilespmem:s28+$0xD250] =	vst v46;
	v43 =	vadd.f32 v57, v43;
	v50 =	vmul.f32 v50, v33  }
0x31d: {  	v35 =	vmul.f32 v35, v32;
	v61 =	vld [tilespmem:s28+$0x12A70];
	[tilespmem:s28+$0xD240] =	vst v45;
	v45 =	vmul.f32 v58, v33;
	v44 =	vadd.f32 v52, v44  }
0x31e: {  	v42 =	vmul.f32 v42, v32;
	v53 =	vld [tilespmem:s28+$0x12E50];
	[tilespmem:s28+$0xD220] =	vst v43;
	v51 =	vmul.f32 v51, v33;
	v41 =	vadd.f32 v50, v41  }
0x31f: {  	v40 =	vmul.f32 v40, v32;
	v46 =	vld [tilespmem:s28+$0x12E30];
	v49 =	vmul.f32 v49, v33;
	v35 =	vadd.f32 v45, v35;
	[tilespmem:s28+$0xD230] =	vst v44  }
0x320: {  	v39 =	vmul.f32 v39, v32;
	v62 =	vld [tilespmem:s28+$0x12A60];
	v48 =	vmul.f32 v48, v33;
	v42 =	vadd.f32 v51, v42;
	[tilespmem:s28+$0xD200] =	vst v41  }
0x321: {  	v37 =	vmul.f32 v37, v32;
	v57 =	vld [tilespmem:s28+$0x12640];
	v47 =	vmul.f32 v47, v33;
	v40 =	vadd.f32 v49, v40;
	[tilespmem:s28+$0xCE20] =	vst v35  }
0x322: {  	v31 =	vmul.f32 v31, v32;
	v58 =	vld [tilespmem:s28+$0x12630];
	v43 =	vmul.f32 v60, v33;
	v39 =	vadd.f32 v48, v39;
	[tilespmem:s28+$0xD210] =	vst v42  }
0x323: {  	v38 =	vmul.f32 v38, v32;
	v50 =	vld [tilespmem:s28+$0x12A30];
	v63 =	vmul.f32 v53, v33;
	v37 =	vadd.f32 v47, v37;
	[tilespmem:s28+$0xCE70] =	vst v40  }
0x324: {  	v36 =	vmul.f32 v36, v32;
	v60 =	vld [tilespmem:s28+$0x12610];
	v46 =	vmul.f32 v46, v33;
	v31 =	vadd.f32 v43, v31;
	[tilespmem:s28+$0xCE60] =	vst v39  }
0x325: {  	v34 =	vmul.f32 v34, v32;
	v52 =	vld [tilespmem:s28+$0x12A10];
	v44 =	vmul.f32 v59, v33;
	v38 =	vadd.f32 v63, v38;
	[tilespmem:s28+$0xCE40] =	vst v37  }
0x326: {  	v29 =	vmul.f32 v29, v32;
	v45 =	vld [tilespmem:s28+$0xD640];
	v41 =	vmul.f32 v62, v33;
	v36 =	vadd.f32 v46, v36;
	[tilespmem:s28+$0xCE00] =	vst v31  }
0x327: {  	v21 =	vmul.f32 v21, v32;
	v48 =	vld [tilespmem:s28+$0x12A50];
	v62 =	vmul.f32 v55, v33;
	v34 =	vadd.f32 v44, v34;
	[tilespmem:s28+$0xCE50] =	vst v38  }
0x328: {  	v30 =	vmul.f32 v30, v32;
	v49 =	vld [tilespmem:s28+$0x12A40];
	v42 =	vmul.f32 v61, v33;
	v29 =	vadd.f32 v41, v29;
	[tilespmem:s28+$0xCE30] =	vst v36  }
0x329: {  	v16 =	vmul.f32 v16, v32;
	v51 =	vld [tilespmem:s28+$0x12A20];
	v21 =	vadd.f32 v62, v21;
	v41 =	vmul.f32 v60, v33;
	[tilespmem:s28+$0xCE10] =	vst v34  }
0x32a: {  	v26 =	vmul.f32 v26, v32;
	v53 =	vld [tilespmem:s28+$0x12A00];
	v30 =	vadd.f32 v42, v30;
	[tilespmem:s28+$0xCA60] =	vst v29;
	v38 =	vmul.f32 v50, v33  }
0x32b: {  	v24 =	vmul.f32 v24, v32;
	v59 =	vld [tilespmem:s28+$0x12620];
	v36 =	vmul.f32 v52, v33;
	[tilespmem:s28+$0xC660] =	vst v21;
	v16 =	vadd.f32 v41, v16  }
0x32c: {  	v22 =	vmul.f32 v22, v32;
	v43 =	vld [tilespmem:s28+$0x13670];
	v34 =	vmul.f32 v54, v33;
	[tilespmem:s28+$0xCA70] =	vst v30;
	v26 =	vadd.f32 v38, v26  }
0x32d: {  	v28 =	vmul.f32 v28, v32;
	v61 =	vld [tilespmem:s28+$0x12600];
	v40 =	vmul.f32 v48, v33;
	v24 =	vadd.f32 v36, v24;
	[tilespmem:s28+$0xC610] =	vst v16  }
0x32e: {  	v27 =	vmul.f32 v27, v32;
	v63 =	vld [tilespmem:s28+$0x12270];
	v39 =	vmul.f32 v49, v33;
	v22 =	vadd.f32 v34, v22;
	[tilespmem:s28+$0xCA30] =	vst v26  }
0x32f: {  	v25 =	vmul.f32 v25, v32;
	v46 =	vld [tilespmem:s28+$0xD650];
	v37 =	vmul.f32 v51, v33;
	v28 =	vadd.f32 v40, v28;
	[tilespmem:s28+$0xCA10] =	vst v24  }
0x330: {  	v23 =	vmul.f32 v23, v32;
	v50 =	vld [tilespmem:s28+$0x12200];
	v35 =	vmul.f32 v53, v33;
	v27 =	vadd.f32 v39, v27;
	[tilespmem:s28+$0xC670] =	vst v22  }
0x331: {  	v20 =	vmul.f32 v20, v32;
	v48 =	vld [tilespmem:s28+$0xD660];
	v30 =	vmul.f32 v56, v33;
	v25 =	vadd.f32 v37, v25;
	[tilespmem:s28+$0xCA50] =	vst v28  }
0x332: {  	v19 =	vmul.f32 v19, v32;
	v51 =	vld [tilespmem:s28+$0xC200];
	v23 =	vadd.f32 v35, v23;
	v35 =	vmul.f32 v57, v33;
	[tilespmem:s28+$0xCA40] =	vst v27  }
0x333: {  	v18 =	vmul.f32 v18, v32;
	v34 =	vld [tilespmem:s28+$0x12260];
	v37 =	vmul.f32 v58, v33;
	v20 =	vadd.f32 v30, v20;
	[tilespmem:s28+$0xCA20] =	vst v25  }
0x334: {  	v17 =	vmul.f32 v17, v32;
	v36 =	vld [tilespmem:s28+$0x13640];
	v39 =	vmul.f32 v59, v33;
	[tilespmem:s28+$0xCA00] =	vst v23;
	v19 =	vadd.f32 v35, v19  }
0x335: {  	v15 =	vmul.f32 v15, v32;
	v38 =	vld [tilespmem:s28+$0x13650];
	v42 =	vmul.f32 v61, v33;
	v18 =	vadd.f32 v37, v18;
	[tilespmem:s28+$0xC650] =	vst v20  }
0x336: {  	v14 =	vmul.f32 v14, v32;
	v40 =	vld [tilespmem:s28+$0x13660];
	v44 =	vmul.f32 v63, v33;
	v17 =	vadd.f32 v39, v17;
	[tilespmem:s28+$0xC640] =	vst v19  }
0x337: {  	v49 =	vld [tilespmem:s28+$0xD670];
	v15 =	vadd.f32 v42, v15;
	v10 =	vmul.f32 v50, v33;
	v61 =	vmul.f32 v51, v32;
	[tilespmem:s28+$0xC630] =	vst v18  }
0x338: {  	v13 =	vmul.f32 v13, v32;
	v14 =	vadd.f32 v44, v14;
	[tilespmem:s28+$0xC620] =	vst v17;
	v47 =	vmul.f32 v34, v33  }
0x339: {  	v52 =	vmul.f32 v45, v32;
	[tilespmem:s28+$0xC600] =	vst v15;
	v53 =	vmul.f32 v36, v33;
	v63 =	vadd.f32 v10, v61  }
0x33a: {  	v54 =	vmul.f32 v46, v32;
	[tilespmem:s28+$0xC270] =	vst v14;
	v55 =	vmul.f32 v38, v33;
	v13 =	vadd.f32 v47, v13  }
0x33b: {  	v56 =	vmul.f32 v48, v32;
	v58 =	vmul.f32 v40, v33;
	v57 =	vadd.f32 v53, v52;
	[tilespmem:s28+$0xC200] =	vst v63  }
0x33c: {  	v60 =	vmul.f32 v43, v33;
	v59 =	vmul.f32 v49, v32;
	v3 =	vadd.f32 v55, v54;
	[tilespmem:s28+$0xC260] =	vst v13  }
0x33d: {  	v62 =	vadd.f32 v58, v56;
	[tilespmem:s28+$0xD640] =	vst v57  }
0x33e: {  	[tilespmem:s28+$0xD650] =	vst v3;
	v3 =	vadd.f32 v60, v59  }
0x33f: {  	[tilespmem:s28+$0xD660] =	vst v62  }
0x340: {  	[tilespmem:s28+$0xD670] =	vst v3  }
0x341: {  	s26 =	sadd.s32 $0x1, s26;
	_ =	swait.ge [sflag:s25], $0x6000  }
0x342: {  	p0 =	sne.s32 s26, s15;
	[sflag:s25] =	ssyncset.done $0x0  }
.Ltmp2:
0x343: {  	[sflag:s25] =	ssyncadd.s32 $0xFFFFA000;
	(pc) =	sbr.rel @p0 .LBB2_1-.Ltmp2, $4  }
0x344: {  	[hbm4b:s14+s2] =	stream.linear.scatter [tilespmem:s30], [sflag:$0x4], $0x6000, $0x38;
	[tilespmem:$0x1C200] =	vst v63  }
0x345: {  	_ =	swait.ge [sflag:s16], $0x6000  }
0x346: {  	[sflag:s16] =	ssyncset.done $0x0  }
0x347: {  	[sflag:s16] =	ssyncadd.s32 $0xFFFFA000  }
0x348: {  	_ =	sfence.sel $0x180000  }
0x349: {  	[bflag:$0x0] =	sbarrier.arrive $0xFFFF  }
0x34a: {  	_ =	strace $0x9000004A  }
0x34b: {  	s0 =	stileid.u32;
	[bflag:$0x2] =	sbarrier.arrive $0xFFFF  }
0x34c: {  	p0 =	sne.s32 s0, $0x0;
	s0 =	rddreg [dreg:$0x2]  }
0x34d: {  	s0 =	sadd.s32 @!p0 $0x100000, s0  }
0x34e: {  	[sflag:s0] =	ssyncadd.tile.s32 @!p0 $0x1;
	_ =	shalt  }
.Lfunc_end2:
_tile_overlayer_lowered:
.L_overlay_start_2:
0x34f: {  	(tag) =	ssettag $0x2  }
0x350: {  	s0 =	rddreg [dreg:$0x0];
	s2 =	stileid.u32  }
0x351: {  	s1 =	rddreg [dreg:$0x1];
	p0 =	sne.s32 s2, $0x0  }
0x352: {  	s3 =	rddreg [dreg:$0x2];
	[bflag:$0x3] =	sbarrier.arrive $0xFFFF;
	s2 =	simm.s32 @!p0 $0x1C04  }
0x353: {  	[timem:s3], [sflag:s2] =	dma.local @!p0 [hbm:s0], s1  }
0x354: {  	s0 =	simm.s32 @!p0 $0x4  }
0x355: {  	_ =	swait.ge @!p0 [sflag:s0], s1  }
0x356: {  	s1 =	ssub.s32 @!p0 $0x0, s1;
	[sflag:s0] =	ssyncset.done @!p0 $0x0  }
0x357: {  	[sflag:s0] =	ssyncadd.s32 @!p0 s1  }
0x358: {  	[bflag:$0x3] =	sbarrier.arrive $0xFFFF  }
0x359: {  	_ =	shalt  }

</sc_bundles>
